<compile_context>
chip_gen: v7x
topology: tpu7x:2x2x1
jax: 0.10.2.dev20260603
libtpu: 0.0.44.dev20260713+nightly
codegen_flags: <defaults>
</compile_context>

<pallas_src>
import functools

import jax
import jax.numpy as jnp
from jax import lax
from jax.experimental import pallas as pl
from jax.experimental.pallas import tpu as pltpu
from jax.experimental.pallas import tpu_sc as plsc


_SCALE = 32.0

_NC = 2
_NS = 16
_NW = _NC * _NS

_B = 4
_SEQ = 8192
_D = 1024
_ROWS_W = _SEQ // _NW
_R = 4
_NCHUNK = _ROWS_W // _R
_VPR = _D // 16
_NSET = 4


def _fma_chunk4(x4, pebuf):
    @plsc.parallel_loop(0, _R * _VPR, step=1, unroll=2)
    def body(k):
        i = k >> 6
        sl = pl.ds((k & (_VPR - 1)) * 16, 16)
        pe = pebuf[i, sl]
        for xb in x4:
            xb[i, sl] = xb[i, sl] * _SCALE + pe


def _sc_body(x_hbm, pe_hbm, out_hbm, *scratch):
    xbufs = scratch[0:_NSET * _B]
    pebufs = scratch[_NSET * _B:_NSET * _B + 2]
    lsems = scratch[_NSET * _B + 2:_NSET * _B + 2 + _NSET]
    ssems = scratch[_NSET * _B + 2 + _NSET:_NSET * _B + 2 + 2 * _NSET]
    spe = scratch[-1]

    wid = lax.axis_index("s") * _NC + lax.axis_index("c")
    row0 = wid * _ROWS_W

    def xset(k):
        return xbufs[_B * k:_B * (k + 1)]

    def issue_loads(c, k):
        for b in range(_B):
            pltpu.async_copy(
                x_hbm.at[b, pl.ds(row0 + c * _R, _R), :],
                xset(k)[b], lsems[k])

    def wait_loads(k):
        for b in range(_B):
            pltpu.make_async_copy(
                x_hbm.at[b, pl.ds(row0, _R), :], xset(k)[b],
                lsems[k]).wait()

    def issue_stores(c, k):
        for b in range(_B):
            pltpu.async_copy(
                xset(k)[b], out_hbm.at[b, pl.ds(row0 + c * _R, _R), :],
                ssems[k])

    def wait_stores(k):
        for b in range(_B):
            pltpu.make_async_copy(
                xset(k)[b], out_hbm.at[b, pl.ds(row0, _R), :],
                ssems[k]).wait()

    def issue_pe_kb(c, kb):
        pltpu.async_copy(
            pe_hbm.at[pl.ds(row0 + c * _R, _R), :], pebufs[kb], spe)

    def wait_pe(kb):
        pltpu.make_async_copy(
            pe_hbm.at[pl.ds(row0, _R), :], pebufs[kb], spe).wait()

    def slot(c, k, kb, *, pe_wait, pe_next, st_wait, ld_next):
        if pe_next:
            issue_pe_kb(c + 1, 1 - kb)
        if pe_wait:
            wait_pe(kb)
        wait_loads(k)
        _fma_chunk4(xset(k), pebufs[kb])
        issue_stores(c, k)
        if st_wait:
            wait_stores((k + 2) % _NSET)
        if ld_next:
            issue_loads(c + 2, (k + 2) % _NSET)

    pltpu.sync_copy(pe_hbm.at[pl.ds(row0, _R), :], pebufs[0])
    issue_loads(0, 0)
    issue_loads(1, 1)
    for c in range(_NSET - 2):
        slot(c, c, c % 2, pe_wait=(c > 0), pe_next=True, st_wait=False,
             ld_next=True)

    first = _NSET - 2
    n_groups = (_NCHUNK - first - 2) // _NSET

    def group(g, carry):
        c0 = first + g * _NSET
        for i in range(_NSET):
            slot(c0 + i, (first + i) % _NSET, i % 2,
                 pe_wait=True, pe_next=True, st_wait=True, ld_next=True)
        return carry
    lax.fori_loop(0, n_groups, group, 0)

    for c in range(_NCHUNK - 2, _NCHUNK):
        slot(c, c % _NSET, c % 2,
             pe_wait=True, pe_next=(c + 1 < _NCHUNK), st_wait=True,
             ld_next=(c + 2 < _NCHUNK))
    for c in range(_NCHUNK - 2, _NCHUNK):
        wait_stores(c % _NSET)


def _sc_call(x, pos_emb):
    mesh = plsc.VectorSubcoreMesh(core_axis_name="c", subcore_axis_name="s")
    run = functools.partial(
        pl.kernel,
        mesh=mesh,
        out_type=jax.ShapeDtypeStruct((_B, _SEQ, _D), jnp.float32),
        scratch_types=(
            [pltpu.VMEM((_R, _D), jnp.float32)] * (_NSET * _B + 2)
            + [pltpu.SemaphoreType.DMA] * (2 * _NSET + 1)
        ),
    )(_sc_body)
    return run(x, pos_emb)


def kernel(x, pos_emb):
    b, s, d = x.shape
    assert (b, s, d) == (_B, _SEQ, _D), (b, s, d)
    return _sc_call(x, pos_emb[:s])

# --- scband reference (transcript-rebuilt; emitter-appended) ---
"""Pipeline reference for scband-position-encoding-1039382085947 (READ-ONLY COPY).

The authoritative reference and input builder live on the scoring server;
editing this copy changes nothing except your own understanding.
"""

import jax, jax.numpy as jnp
import numpy as np

N_POSITION = 8192
N_HIDDENS = 1024
BATCH = 4
SEQ = 8192

def setup_inputs(seed: int = 0) -> dict:
    key = jax.random.key(seed)
    k1, k2 = jax.random.split(key)
    x = jax.random.normal(k1, (BATCH, SEQ, N_HIDDENS), dtype=jnp.float32)
    pos_emb = jax.random.normal(k2, (N_POSITION, N_HIDDENS), dtype=jnp.float32) * 0.02
    return {"x": x, "pos_emb": pos_emb}

def reference(x, pos_emb):
    bs, ls, d = x.shape
    scale = jnp.sqrt(jnp.asarray(N_HIDDENS, dtype=jnp.float32))
    # p = arange(ls) repeated over batch; embedding lookup -> gather rows
    p = jnp.arange(ls)
    p = jnp.broadcast_to(p[None, :], (bs, ls))
    pe = jnp.take(pos_emb, p, axis=0)  # [bs, ls, d]
    return x * scale + pe

if __name__ == "__main__":
    import jax
    _d = setup_inputs()
    print(jax.jit(kernel)(*tuple(_d.values())))

</pallas_src>

<mosaic_0001>
#map = affine_map<(d0, d1) -> (0, 0, 0)>
#map1 = affine_map<(d0, d1) -> (0, 0)>
module attributes {stable_mosaic.version = 14 : i64} {
  func.func @_sc_body(%arg0: i32, %arg1: i32, %arg2: memref<4x8192x1024xf32, #tpu.memory_space<hbm>>, %arg3: memref<8192x1024xf32, #tpu.memory_space<hbm>>, %arg4: memref<4x8192x1024xf32, #tpu.memory_space<hbm>>, %arg5: memref<4x1024xf32, #tpu.memory_space<vmem>>, %arg6: memref<4x1024xf32, #tpu.memory_space<vmem>>, %arg7: memref<4x1024xf32, #tpu.memory_space<vmem>>, %arg8: memref<4x1024xf32, #tpu.memory_space<vmem>>, %arg9: memref<4x1024xf32, #tpu.memory_space<vmem>>, %arg10: memref<4x1024xf32, #tpu.memory_space<vmem>>, %arg11: memref<4x1024xf32, #tpu.memory_space<vmem>>, %arg12: memref<4x1024xf32, #tpu.memory_space<vmem>>, %arg13: memref<4x1024xf32, #tpu.memory_space<vmem>>, %arg14: memref<4x1024xf32, #tpu.memory_space<vmem>>, %arg15: memref<4x1024xf32, #tpu.memory_space<vmem>>, %arg16: memref<4x1024xf32, #tpu.memory_space<vmem>>, %arg17: memref<4x1024xf32, #tpu.memory_space<vmem>>, %arg18: memref<4x1024xf32, #tpu.memory_space<vmem>>, %arg19: memref<4x1024xf32, #tpu.memory_space<vmem>>, %arg20: memref<4x1024xf32, #tpu.memory_space<vmem>>, %arg21: memref<4x1024xf32, #tpu.memory_space<vmem>>, %arg22: memref<4x1024xf32, #tpu.memory_space<vmem>>, %arg23: memref<!tpu.dma_semaphore, #tpu.memory_space<semaphore_mem>>, %arg24: memref<!tpu.dma_semaphore, #tpu.memory_space<semaphore_mem>>, %arg25: memref<!tpu.dma_semaphore, #tpu.memory_space<semaphore_mem>>, %arg26: memref<!tpu.dma_semaphore, #tpu.memory_space<semaphore_mem>>, %arg27: memref<!tpu.dma_semaphore, #tpu.memory_space<semaphore_mem>>, %arg28: memref<!tpu.dma_semaphore, #tpu.memory_space<semaphore_mem>>, %arg29: memref<!tpu.dma_semaphore, #tpu.memory_space<semaphore_mem>>, %arg30: memref<!tpu.dma_semaphore, #tpu.memory_space<semaphore_mem>>, %arg31: memref<!tpu.dma_semaphore, #tpu.memory_space<semaphore_mem>>) attributes {dimension_semantics = [#tpu.dimension_semantics<core_parallel>, #tpu.dimension_semantics<subcore_parallel>], iteration_bounds = array<i64: 2, 16>, scalar_prefetch = 0 : i64, scratch_operands = 27 : i64, tpu.core_type = #tpu.core_type<sc_vector_subcore>, window_params = [{transform_indices = #map}, {transform_indices = #map1}, {transform_indices = #map}]} {
    %mul3A = arith.constant 2 : i32
    %mul3A_0 = arith.muli %arg1, %mul3A : i32
    %add3A = arith.addi %mul3A_0, %arg0 : i32
    %mul3A_1 = arith.constant 256 : i32
    %mul3A_2 = arith.muli %add3A, %mul3A_1 : i32
    "tpu.region"() ({
      %run_scoped3A = tpu.sem_alloc : memref<!tpu.dma_semaphore, #tpu.memory_space<semaphore_mem>>
      %dma_start3A_559 = arith.constant 0 : i32
      %dma_start3A_560 = tpu.memref_slice %arg3[%mul3A_2, %dma_start3A_559] : memref<8192x1024xf32, #tpu.memory_space<hbm>> -> memref<4x1024xf32, #tpu.memory_space<hbm>>
      %dma_start3A_561 = arith.constant 0 : i32
      %dma_start3A_562 = tpu.memref_slice %arg3[%mul3A_2, %dma_start3A_561] : memref<8192x1024xf32, #tpu.memory_space<hbm>> -> memref<4x1024xf32, #tpu.memory_space<hbm>>
      tpu.enqueue_dma source(%dma_start3A_562 : memref<4x1024xf32, #tpu.memory_space<hbm>>) target(%arg21 : memref<4x1024xf32, #tpu.memory_space<vmem>>) target_semaphore(%run_scoped3A : memref<!tpu.dma_semaphore, #tpu.memory_space<semaphore_mem>>)
      %dma_wait3A_563 = arith.constant 0 : i32
      %dma_wait3A_564 = tpu.memref_slice %arg3[%mul3A_2, %dma_wait3A_563] : memref<8192x1024xf32, #tpu.memory_space<hbm>> -> memref<4x1024xf32, #tpu.memory_space<hbm>>
      %dma_wait3A_565 = arith.constant 0 : i32
      %dma_wait3A_566 = tpu.memref_slice %arg3[%mul3A_2, %dma_wait3A_565] : memref<8192x1024xf32, #tpu.memory_space<hbm>> -> memref<4x1024xf32, #tpu.memory_space<hbm>>
      tpu.wait_dma2 semaphore(%run_scoped3A : memref<!tpu.dma_semaphore, #tpu.memory_space<semaphore_mem>>) src(%dma_wait3A_566 : memref<4x1024xf32, #tpu.memory_space<hbm>>) dst(%arg21 : memref<4x1024xf32, #tpu.memory_space<vmem>>)
      tpu.yield
    }) : () -> ()
    %add3A_3 = arith.constant 0 : i32
    %add3A_4 = arith.addi %mul3A_2, %add3A_3 : i32
    %dma_start3A = arith.constant 0 : i32
    %dma_start3A_5 = arith.constant 0 : i32
    %dma_start3A_6 = tpu.memref_slice %arg2[%dma_start3A, %add3A_4, %dma_start3A_5] : memref<4x8192x1024xf32, #tpu.memory_space<hbm>> -> memref<1x4x1024xf32, #tpu.memory_space<hbm>>
    %dma_start3A_7 = tpu.memref_squeeze %dma_start3A_6 : memref<1x4x1024xf32, #tpu.memory_space<hbm>> -> memref<4x1024xf32, #tpu.memory_space<hbm>>
    %dma_start3A_8 = arith.constant 0 : i32
    %dma_start3A_9 = tpu.memref_slice %arg2[%dma_start3A, %add3A_4, %dma_start3A_8] : memref<4x8192x1024xf32, #tpu.memory_space<hbm>> -> memref<1x4x1024xf32, #tpu.memory_space<hbm>>
    %dma_start3A_10 = tpu.memref_squeeze %dma_start3A_9 : memref<1x4x1024xf32, #tpu.memory_space<hbm>> -> memref<4x1024xf32, #tpu.memory_space<hbm>>
    tpu.enqueue_dma source(%dma_start3A_10 : memref<4x1024xf32, #tpu.memory_space<hbm>>) target(%arg5 : memref<4x1024xf32, #tpu.memory_space<vmem>>) target_semaphore(%arg23 : memref<!tpu.dma_semaphore, #tpu.memory_space<semaphore_mem>>)
    %add3A_11 = arith.constant 0 : i32
    %add3A_12 = arith.addi %mul3A_2, %add3A_11 : i32
    %dma_start3A_13 = arith.constant 1 : i32
    %dma_start3A_14 = arith.constant 0 : i32
    %dma_start3A_15 = tpu.memref_slice %arg2[%dma_start3A_13, %add3A_12, %dma_start3A_14] : memref<4x8192x1024xf32, #tpu.memory_space<hbm>> -> memref<1x4x1024xf32, #tpu.memory_space<hbm>>
    %dma_start3A_16 = tpu.memref_squeeze %dma_start3A_15 : memref<1x4x1024xf32, #tpu.memory_space<hbm>> -> memref<4x1024xf32, #tpu.memory_space<hbm>>
    %dma_start3A_17 = arith.constant 0 : i32
    %dma_start3A_18 = tpu.memref_slice %arg2[%dma_start3A_13, %add3A_12, %dma_start3A_17] : memref<4x8192x1024xf32, #tpu.memory_space<hbm>> -> memref<1x4x1024xf32, #tpu.memory_space<hbm>>
    %dma_start3A_19 = tpu.memref_squeeze %dma_start3A_18 : memref<1x4x1024xf32, #tpu.memory_space<hbm>> -> memref<4x1024xf32, #tpu.memory_space<hbm>>
    tpu.enqueue_dma source(%dma_start3A_19 : memref<4x1024xf32, #tpu.memory_space<hbm>>) target(%arg6 : memref<4x1024xf32, #tpu.memory_space<vmem>>) target_semaphore(%arg23 : memref<!tpu.dma_semaphore, #tpu.memory_space<semaphore_mem>>)
    %add3A_20 = arith.constant 0 : i32
    %add3A_21 = arith.addi %mul3A_2, %add3A_20 : i32
    %dma_start3A_22 = arith.constant 2 : i32
    %dma_start3A_23 = arith.constant 0 : i32
    %dma_start3A_24 = tpu.memref_slice %arg2[%dma_start3A_22, %add3A_21, %dma_start3A_23] : memref<4x8192x1024xf32, #tpu.memory_space<hbm>> -> memref<1x4x1024xf32, #tpu.memory_space<hbm>>
    %dma_start3A_25 = tpu.memref_squeeze %dma_start3A_24 : memref<1x4x1024xf32, #tpu.memory_space<hbm>> -> memref<4x1024xf32, #tpu.memory_space<hbm>>
    %dma_start3A_26 = arith.constant 0 : i32
    %dma_start3A_27 = tpu.memref_slice %arg2[%dma_start3A_22, %add3A_21, %dma_start3A_26] : memref<4x8192x1024xf32, #tpu.memory_space<hbm>> -> memref<1x4x1024xf32, #tpu.memory_space<hbm>>
    %dma_start3A_28 = tpu.memref_squeeze %dma_start3A_27 : memref<1x4x1024xf32, #tpu.memory_space<hbm>> -> memref<4x1024xf32, #tpu.memory_space<hbm>>
    tpu.enqueue_dma source(%dma_start3A_28 : memref<4x1024xf32, #tpu.memory_space<hbm>>) target(%arg7 : memref<4x1024xf32, #tpu.memory_space<vmem>>) target_semaphore(%arg23 : memref<!tpu.dma_semaphore, #tpu.memory_space<semaphore_mem>>)
    %add3A_29 = arith.constant 0 : i32
    %add3A_30 = arith.addi %mul3A_2, %add3A_29 : i32
    %dma_start3A_31 = arith.constant 3 : i32
    %dma_start3A_32 = arith.constant 0 : i32
    %dma_start3A_33 = tpu.memref_slice %arg2[%dma_start3A_31, %add3A_30, %dma_start3A_32] : memref<4x8192x1024xf32, #tpu.memory_space<hbm>> -> memref<1x4x1024xf32, #tpu.memory_space<hbm>>
    %dma_start3A_34 = tpu.memref_squeeze %dma_start3A_33 : memref<1x4x1024xf32, #tpu.memory_space<hbm>> -> memref<4x1024xf32, #tpu.memory_space<hbm>>
    %dma_start3A_35 = arith.constant 0 : i32
    %dma_start3A_36 = tpu.memref_slice %arg2[%dma_start3A_31, %add3A_30, %dma_start3A_35] : memref<4x8192x1024xf32, #tpu.memory_space<hbm>> -> memref<1x4x1024xf32, #tpu.memory_space<hbm>>
    %dma_start3A_37 = tpu.memref_squeeze %dma_start3A_36 : memref<1x4x1024xf32, #tpu.memory_space<hbm>> -> memref<4x1024xf32, #tpu.memory_space<hbm>>
    tpu.enqueue_dma source(%dma_start3A_37 : memref<4x1024xf32, #tpu.memory_space<hbm>>) target(%arg8 : memref<4x1024xf32, #tpu.memory_space<vmem>>) target_semaphore(%arg23 : memref<!tpu.dma_semaphore, #tpu.memory_space<semaphore_mem>>)
    %add3A_38 = arith.constant 4 : i32
    %add3A_39 = arith.addi %mul3A_2, %add3A_38 : i32
    %dma_start3A_40 = arith.constant 0 : i32
    %dma_start3A_41 = arith.constant 0 : i32
    %dma_start3A_42 = tpu.memref_slice %arg2[%dma_start3A_40, %add3A_39, %dma_start3A_41] : memref<4x8192x1024xf32, #tpu.memory_space<hbm>> -> memref<1x4x1024xf32, #tpu.memory_space<hbm>>
    %dma_start3A_43 = tpu.memref_squeeze %dma_start3A_42 : memref<1x4x1024xf32, #tpu.memory_space<hbm>> -> memref<4x1024xf32, #tpu.memory_space<hbm>>
    %dma_start3A_44 = arith.constant 0 : i32
    %dma_start3A_45 = tpu.memref_slice %arg2[%dma_start3A_40, %add3A_39, %dma_start3A_44] : memref<4x8192x1024xf32, #tpu.memory_space<hbm>> -> memref<1x4x1024xf32, #tpu.memory_space<hbm>>
    %dma_start3A_46 = tpu.memref_squeeze %dma_start3A_45 : memref<1x4x1024xf32, #tpu.memory_space<hbm>> -> memref<4x1024xf32, #tpu.memory_space<hbm>>
    tpu.enqueue_dma source(%dma_start3A_46 : memref<4x1024xf32, #tpu.memory_space<hbm>>) target(%arg9 : memref<4x1024xf32, #tpu.memory_space<vmem>>) target_semaphore(%arg24 : memref<!tpu.dma_semaphore, #tpu.memory_space<semaphore_mem>>)
    %add3A_47 = arith.constant 4 : i32
    %add3A_48 = arith.addi %mul3A_2, %add3A_47 : i32
    %dma_start3A_49 = arith.constant 1 : i32
    %dma_start3A_50 = arith.constant 0 : i32
    %dma_start3A_51 = tpu.memref_slice %arg2[%dma_start3A_49, %add3A_48, %dma_start3A_50] : memref<4x8192x1024xf32, #tpu.memory_space<hbm>> -> memref<1x4x1024xf32, #tpu.memory_space<hbm>>
    %dma_start3A_52 = tpu.memref_squeeze %dma_start3A_51 : memref<1x4x1024xf32, #tpu.memory_space<hbm>> -> memref<4x1024xf32, #tpu.memory_space<hbm>>
    %dma_start3A_53 = arith.constant 0 : i32
    %dma_start3A_54 = tpu.memref_slice %arg2[%dma_start3A_49, %add3A_48, %dma_start3A_53] : memref<4x8192x1024xf32, #tpu.memory_space<hbm>> -> memref<1x4x1024xf32, #tpu.memory_space<hbm>>
    %dma_start3A_55 = tpu.memref_squeeze %dma_start3A_54 : memref<1x4x1024xf32, #tpu.memory_space<hbm>> -> memref<4x1024xf32, #tpu.memory_space<hbm>>
    tpu.enqueue_dma source(%dma_start3A_55 : memref<4x1024xf32, #tpu.memory_space<hbm>>) target(%arg10 : memref<4x1024xf32, #tpu.memory_space<vmem>>) target_semaphore(%arg24 : memref<!tpu.dma_semaphore, #tpu.memory_space<semaphore_mem>>)
    %add3A_56 = arith.constant 4 : i32
    %add3A_57 = arith.addi %mul3A_2, %add3A_56 : i32
    %dma_start3A_58 = arith.constant 2 : i32
    %dma_start3A_59 = arith.constant 0 : i32
    %dma_start3A_60 = tpu.memref_slice %arg2[%dma_start3A_58, %add3A_57, %dma_start3A_59] : memref<4x8192x1024xf32, #tpu.memory_space<hbm>> -> memref<1x4x1024xf32, #tpu.memory_space<hbm>>
    %dma_start3A_61 = tpu.memref_squeeze %dma_start3A_60 : memref<1x4x1024xf32, #tpu.memory_space<hbm>> -> memref<4x1024xf32, #tpu.memory_space<hbm>>
    %dma_start3A_62 = arith.constant 0 : i32
    %dma_start3A_63 = tpu.memref_slice %arg2[%dma_start3A_58, %add3A_57, %dma_start3A_62] : memref<4x8192x1024xf32, #tpu.memory_space<hbm>> -> memref<1x4x1024xf32, #tpu.memory_space<hbm>>
    %dma_start3A_64 = tpu.memref_squeeze %dma_start3A_63 : memref<1x4x1024xf32, #tpu.memory_space<hbm>> -> memref<4x1024xf32, #tpu.memory_space<hbm>>
    tpu.enqueue_dma source(%dma_start3A_64 : memref<4x1024xf32, #tpu.memory_space<hbm>>) target(%arg11 : memref<4x1024xf32, #tpu.memory_space<vmem>>) target_semaphore(%arg24 : memref<!tpu.dma_semaphore, #tpu.memory_space<semaphore_mem>>)
    %add3A_65 = arith.constant 4 : i32
    %add3A_66 = arith.addi %mul3A_2, %add3A_65 : i32
    %dma_start3A_67 = arith.constant 3 : i32
    %dma_start3A_68 = arith.constant 0 : i32
    %dma_start3A_69 = tpu.memref_slice %arg2[%dma_start3A_67, %add3A_66, %dma_start3A_68] : memref<4x8192x1024xf32, #tpu.memory_space<hbm>> -> memref<1x4x1024xf32, #tpu.memory_space<hbm>>
    %dma_start3A_70 = tpu.memref_squeeze %dma_start3A_69 : memref<1x4x1024xf32, #tpu.memory_space<hbm>> -> memref<4x1024xf32, #tpu.memory_space<hbm>>
    %dma_start3A_71 = arith.constant 0 : i32
    %dma_start3A_72 = tpu.memref_slice %arg2[%dma_start3A_67, %add3A_66, %dma_start3A_71] : memref<4x8192x1024xf32, #tpu.memory_space<hbm>> -> memref<1x4x1024xf32, #tpu.memory_space<hbm>>
    %dma_start3A_73 = tpu.memref_squeeze %dma_start3A_72 : memref<1x4x1024xf32, #tpu.memory_space<hbm>> -> memref<4x1024xf32, #tpu.memory_space<hbm>>
    tpu.enqueue_dma source(%dma_start3A_73 : memref<4x1024xf32, #tpu.memory_space<hbm>>) target(%arg12 : memref<4x1024xf32, #tpu.memory_space<vmem>>) target_semaphore(%arg24 : memref<!tpu.dma_semaphore, #tpu.memory_space<semaphore_mem>>)
    %add3A_74 = arith.constant 4 : i32
    %add3A_75 = arith.addi %mul3A_2, %add3A_74 : i32
    %dma_start3A_76 = arith.constant 0 : i32
    %dma_start3A_77 = tpu.memref_slice %arg3[%add3A_75, %dma_start3A_76] : memref<8192x1024xf32, #tpu.memory_space<hbm>> -> memref<4x1024xf32, #tpu.memory_space<hbm>>
    %dma_start3A_78 = arith.constant 0 : i32
    %dma_start3A_79 = tpu.memref_slice %arg3[%add3A_75, %dma_start3A_78] : memref<8192x1024xf32, #tpu.memory_space<hbm>> -> memref<4x1024xf32, #tpu.memory_space<hbm>>
    tpu.enqueue_dma source(%dma_start3A_79 : memref<4x1024xf32, #tpu.memory_space<hbm>>) target(%arg22 : memref<4x1024xf32, #tpu.memory_space<vmem>>) target_semaphore(%arg31 : memref<!tpu.dma_semaphore, #tpu.memory_space<semaphore_mem>>)
    %dma_wait3A = arith.constant 0 : i32
    %dma_wait3A_80 = arith.constant 0 : i32
    %dma_wait3A_81 = tpu.memref_slice %arg2[%dma_wait3A, %mul3A_2, %dma_wait3A_80] : memref<4x8192x1024xf32, #tpu.memory_space<hbm>> -> memref<1x4x1024xf32, #tpu.memory_space<hbm>>
    %dma_wait3A_82 = tpu.memref_squeeze %dma_wait3A_81 : memref<1x4x1024xf32, #tpu.memory_space<hbm>> -> memref<4x1024xf32, #tpu.memory_space<hbm>>
    %dma_wait3A_83 = arith.constant 0 : i32
    %dma_wait3A_84 = tpu.memref_slice %arg2[%dma_wait3A, %mul3A_2, %dma_wait3A_83] : memref<4x8192x1024xf32, #tpu.memory_space<hbm>> -> memref<1x4x1024xf32, #tpu.memory_space<hbm>>
    %dma_wait3A_85 = tpu.memref_squeeze %dma_wait3A_84 : memref<1x4x1024xf32, #tpu.memory_space<hbm>> -> memref<4x1024xf32, #tpu.memory_space<hbm>>
    tpu.wait_dma2 semaphore(%arg23 : memref<!tpu.dma_semaphore, #tpu.memory_space<semaphore_mem>>) src(%dma_wait3A_85 : memref<4x1024xf32, #tpu.memory_space<hbm>>) dst(%arg5 : memref<4x1024xf32, #tpu.memory_space<vmem>>)
    %dma_wait3A_86 = arith.constant 1 : i32
    %dma_wait3A_87 = arith.constant 0 : i32
    %dma_wait3A_88 = tpu.memref_slice %arg2[%dma_wait3A_86, %mul3A_2, %dma_wait3A_87] : memref<4x8192x1024xf32, #tpu.memory_space<hbm>> -> memref<1x4x1024xf32, #tpu.memory_space<hbm>>
    %dma_wait3A_89 = tpu.memref_squeeze %dma_wait3A_88 : memref<1x4x1024xf32, #tpu.memory_space<hbm>> -> memref<4x1024xf32, #tpu.memory_space<hbm>>
    %dma_wait3A_90 = arith.constant 0 : i32
    %dma_wait3A_91 = tpu.memref_slice %arg2[%dma_wait3A_86, %mul3A_2, %dma_wait3A_90] : memref<4x8192x1024xf32, #tpu.memory_space<hbm>> -> memref<1x4x1024xf32, #tpu.memory_space<hbm>>
    %dma_wait3A_92 = tpu.memref_squeeze %dma_wait3A_91 : memref<1x4x1024xf32, #tpu.memory_space<hbm>> -> memref<4x1024xf32, #tpu.memory_space<hbm>>
    tpu.wait_dma2 semaphore(%arg23 : memref<!tpu.dma_semaphore, #tpu.memory_space<semaphore_mem>>) src(%dma_wait3A_92 : memref<4x1024xf32, #tpu.memory_space<hbm>>) dst(%arg6 : memref<4x1024xf32, #tpu.memory_space<vmem>>)
    %dma_wait3A_93 = arith.constant 2 : i32
    %dma_wait3A_94 = arith.constant 0 : i32
    %dma_wait3A_95 = tpu.memref_slice %arg2[%dma_wait3A_93, %mul3A_2, %dma_wait3A_94] : memref<4x8192x1024xf32, #tpu.memory_space<hbm>> -> memref<1x4x1024xf32, #tpu.memory_space<hbm>>
    %dma_wait3A_96 = tpu.memref_squeeze %dma_wait3A_95 : memref<1x4x1024xf32, #tpu.memory_space<hbm>> -> memref<4x1024xf32, #tpu.memory_space<hbm>>
    %dma_wait3A_97 = arith.constant 0 : i32
    %dma_wait3A_98 = tpu.memref_slice %arg2[%dma_wait3A_93, %mul3A_2, %dma_wait3A_97] : memref<4x8192x1024xf32, #tpu.memory_space<hbm>> -> memref<1x4x1024xf32, #tpu.memory_space<hbm>>
    %dma_wait3A_99 = tpu.memref_squeeze %dma_wait3A_98 : memref<1x4x1024xf32, #tpu.memory_space<hbm>> -> memref<4x1024xf32, #tpu.memory_space<hbm>>
    tpu.wait_dma2 semaphore(%arg23 : memref<!tpu.dma_semaphore, #tpu.memory_space<semaphore_mem>>) src(%dma_wait3A_99 : memref<4x1024xf32, #tpu.memory_space<hbm>>) dst(%arg7 : memref<4x1024xf32, #tpu.memory_space<vmem>>)
    %dma_wait3A_100 = arith.constant 3 : i32
    %dma_wait3A_101 = arith.constant 0 : i32
    %dma_wait3A_102 = tpu.memref_slice %arg2[%dma_wait3A_100, %mul3A_2, %dma_wait3A_101] : memref<4x8192x1024xf32, #tpu.memory_space<hbm>> -> memref<1x4x1024xf32, #tpu.memory_space<hbm>>
    %dma_wait3A_103 = tpu.memref_squeeze %dma_wait3A_102 : memref<1x4x1024xf32, #tpu.memory_space<hbm>> -> memref<4x1024xf32, #tpu.memory_space<hbm>>
    %dma_wait3A_104 = arith.constant 0 : i32
    %dma_wait3A_105 = tpu.memref_slice %arg2[%dma_wait3A_100, %mul3A_2, %dma_wait3A_104] : memref<4x8192x1024xf32, #tpu.memory_space<hbm>> -> memref<1x4x1024xf32, #tpu.memory_space<hbm>>
    %dma_wait3A_106 = tpu.memref_squeeze %dma_wait3A_105 : memref<1x4x1024xf32, #tpu.memory_space<hbm>> -> memref<4x1024xf32, #tpu.memory_space<hbm>>
    tpu.wait_dma2 semaphore(%arg23 : memref<!tpu.dma_semaphore, #tpu.memory_space<semaphore_mem>>) src(%dma_wait3A_106 : memref<4x1024xf32, #tpu.memory_space<hbm>>) dst(%arg8 : memref<4x1024xf32, #tpu.memory_space<vmem>>)
    %parallel_loop3A = arith.constant 0 : i32
    %parallel_loop3A_107 = arith.constant 256 : i32
    %parallel_loop3A_108 = arith.constant 1 : i32
    scf.for %parallel_loop3A_559 = %parallel_loop3A to %parallel_loop3A_107 step %parallel_loop3A_108  : i32 {
      %parallel_loop3A_560 = arith.constant 6 : i32
      %parallel_loop3A_561 = arith.shrsi %parallel_loop3A_559, %parallel_loop3A_560 : i32
      %parallel_loop3A_562 = arith.constant 63 : i32
      %parallel_loop3A_563 = arith.andi %parallel_loop3A_559, %parallel_loop3A_562 : i32
      %parallel_loop3A_564 = arith.constant 16 : i32
      %parallel_loop3A_565 = arith.muli %parallel_loop3A_563, %parallel_loop3A_564 : i32
      %parallel_loop3A_566 = arith.index_cast %parallel_loop3A_561 : i32 to index
      %parallel_loop3A_567 = arith.index_cast %parallel_loop3A_565 : i32 to index
      %parallel_loop3A_568 = tpu.vector_load %arg21[%parallel_loop3A_566, %parallel_loop3A_567] {strides = array<i32>} : memref<4x1024xf32, #tpu.memory_space<vmem>>, vector<1x16xf32>,
      %parallel_loop3A_569 = vector.shape_cast %parallel_loop3A_568 : vector<1x16xf32> to vector<16xf32>
      %parallel_loop3A_570 = arith.index_cast %parallel_loop3A_561 : i32 to index
      %parallel_loop3A_571 = arith.index_cast %parallel_loop3A_565 : i32 to index
      %parallel_loop3A_572 = tpu.vector_load %arg5[%parallel_loop3A_570, %parallel_loop3A_571] {strides = array<i32>} : memref<4x1024xf32, #tpu.memory_space<vmem>>, vector<1x16xf32>,
      %parallel_loop3A_573 = vector.shape_cast %parallel_loop3A_572 : vector<1x16xf32> to vector<16xf32>
      %parallel_loop3A_574 = arith.constant 3.200000e+01 : f32
      %parallel_loop3A_575 = vector.broadcast %parallel_loop3A_574 : f32 to vector<16xf32>
      %parallel_loop3A_576 = arith.mulf %parallel_loop3A_573, %parallel_loop3A_575 : vector<16xf32>
      %parallel_loop3A_577 = arith.addf %parallel_loop3A_576, %parallel_loop3A_569 : vector<16xf32>
      %parallel_loop3A_578 = arith.index_cast %parallel_loop3A_561 : i32 to index
      %parallel_loop3A_579 = arith.index_cast %parallel_loop3A_565 : i32 to index
      %parallel_loop3A_580 = tpu.vector_load %arg5[%parallel_loop3A_578, %parallel_loop3A_579] {strides = array<i32>} : memref<4x1024xf32, #tpu.memory_space<vmem>>, vector<1x16xf32>,
      %parallel_loop3A_581 = vector.shape_cast %parallel_loop3A_580 : vector<1x16xf32> to vector<16xf32>
      %parallel_loop3A_582 = vector.shape_cast %parallel_loop3A_577 : vector<16xf32> to vector<1x16xf32>
      tpu.vector_store %arg5[%parallel_loop3A_578, %parallel_loop3A_579], %parallel_loop3A_582 {strides = array<i32>} : memref<4x1024xf32, #tpu.memory_space<vmem>>, vector<1x16xf32>,
      %parallel_loop3A_583 = arith.index_cast %parallel_loop3A_561 : i32 to index
      %parallel_loop3A_584 = arith.index_cast %parallel_loop3A_565 : i32 to index
      %parallel_loop3A_585 = tpu.vector_load %arg6[%parallel_loop3A_583, %parallel_loop3A_584] {strides = array<i32>} : memref<4x1024xf32, #tpu.memory_space<vmem>>, vector<1x16xf32>,
      %parallel_loop3A_586 = vector.shape_cast %parallel_loop3A_585 : vector<1x16xf32> to vector<16xf32>
      %parallel_loop3A_587 = arith.constant 3.200000e+01 : f32
      %parallel_loop3A_588 = vector.broadcast %parallel_loop3A_587 : f32 to vector<16xf32>
      %parallel_loop3A_589 = arith.mulf %parallel_loop3A_586, %parallel_loop3A_588 : vector<16xf32>
      %parallel_loop3A_590 = arith.addf %parallel_loop3A_589, %parallel_loop3A_569 : vector<16xf32>
      %parallel_loop3A_591 = arith.index_cast %parallel_loop3A_561 : i32 to index
      %parallel_loop3A_592 = arith.index_cast %parallel_loop3A_565 : i32 to index
      %parallel_loop3A_593 = tpu.vector_load %arg6[%parallel_loop3A_591, %parallel_loop3A_592] {strides = array<i32>} : memref<4x1024xf32, #tpu.memory_space<vmem>>, vector<1x16xf32>,
      %parallel_loop3A_594 = vector.shape_cast %parallel_loop3A_593 : vector<1x16xf32> to vector<16xf32>
      %parallel_loop3A_595 = vector.shape_cast %parallel_loop3A_590 : vector<16xf32> to vector<1x16xf32>
      tpu.vector_store %arg6[%parallel_loop3A_591, %parallel_loop3A_592], %parallel_loop3A_595 {strides = array<i32>} : memref<4x1024xf32, #tpu.memory_space<vmem>>, vector<1x16xf32>,
      %parallel_loop3A_596 = arith.index_cast %parallel_loop3A_561 : i32 to index
      %parallel_loop3A_597 = arith.index_cast %parallel_loop3A_565 : i32 to index
      %parallel_loop3A_598 = tpu.vector_load %arg7[%parallel_loop3A_596, %parallel_loop3A_597] {strides = array<i32>} : memref<4x1024xf32, #tpu.memory_space<vmem>>, vector<1x16xf32>,
      %parallel_loop3A_599 = vector.shape_cast %parallel_loop3A_598 : vector<1x16xf32> to vector<16xf32>
      %parallel_loop3A_600 = arith.constant 3.200000e+01 : f32
      %parallel_loop3A_601 = vector.broadcast %parallel_loop3A_600 : f32 to vector<16xf32>
      %parallel_loop3A_602 = arith.mulf %parallel_loop3A_599, %parallel_loop3A_601 : vector<16xf32>
      %parallel_loop3A_603 = arith.addf %parallel_loop3A_602, %parallel_loop3A_569 : vector<16xf32>
      %parallel_loop3A_604 = arith.index_cast %parallel_loop3A_561 : i32 to index
      %parallel_loop3A_605 = arith.index_cast %parallel_loop3A_565 : i32 to index
      %parallel_loop3A_606 = tpu.vector_load %arg7[%parallel_loop3A_604, %parallel_loop3A_605] {strides = array<i32>} : memref<4x1024xf32, #tpu.memory_space<vmem>>, vector<1x16xf32>,
      %parallel_loop3A_607 = vector.shape_cast %parallel_loop3A_606 : vector<1x16xf32> to vector<16xf32>
      %parallel_loop3A_608 = vector.shape_cast %parallel_loop3A_603 : vector<16xf32> to vector<1x16xf32>
      tpu.vector_store %arg7[%parallel_loop3A_604, %parallel_loop3A_605], %parallel_loop3A_608 {strides = array<i32>} : memref<4x1024xf32, #tpu.memory_space<vmem>>, vector<1x16xf32>,
      %parallel_loop3A_609 = arith.index_cast %parallel_loop3A_561 : i32 to index
      %parallel_loop3A_610 = arith.index_cast %parallel_loop3A_565 : i32 to index
      %parallel_loop3A_611 = tpu.vector_load %arg8[%parallel_loop3A_609, %parallel_loop3A_610] {strides = array<i32>} : memref<4x1024xf32, #tpu.memory_space<vmem>>, vector<1x16xf32>,
      %parallel_loop3A_612 = vector.shape_cast %parallel_loop3A_611 : vector<1x16xf32> to vector<16xf32>
      %parallel_loop3A_613 = arith.constant 3.200000e+01 : f32
      %parallel_loop3A_614 = vector.broadcast %parallel_loop3A_613 : f32 to vector<16xf32>
      %parallel_loop3A_615 = arith.mulf %parallel_loop3A_612, %parallel_loop3A_614 : vector<16xf32>
      %parallel_loop3A_616 = arith.addf %parallel_loop3A_615, %parallel_loop3A_569 : vector<16xf32>
      %parallel_loop3A_617 = arith.index_cast %parallel_loop3A_561 : i32 to index
      %parallel_loop3A_618 = arith.index_cast %parallel_loop3A_565 : i32 to index
      %parallel_loop3A_619 = tpu.vector_load %arg8[%parallel_loop3A_617, %parallel_loop3A_618] {strides = array<i32>} : memref<4x1024xf32, #tpu.memory_space<vmem>>, vector<1x16xf32>,
      %parallel_loop3A_620 = vector.shape_cast %parallel_loop3A_619 : vector<1x16xf32> to vector<16xf32>
      %parallel_loop3A_621 = vector.shape_cast %parallel_loop3A_616 : vector<16xf32> to vector<1x16xf32>
      tpu.vector_store %arg8[%parallel_loop3A_617, %parallel_loop3A_618], %parallel_loop3A_621 {strides = array<i32>} : memref<4x1024xf32, #tpu.memory_space<vmem>>, vector<1x16xf32>,
    } {sc.loop_unroll_factor = 2 : i64, sc.parallel_access}
    %add3A_109 = arith.constant 0 : i32
    %add3A_110 = arith.addi %mul3A_2, %add3A_109 : i32
    %dma_start3A_111 = arith.constant 0 : i32
    %dma_start3A_112 = arith.constant 0 : i32
    %dma_start3A_113 = tpu.memref_slice %arg4[%dma_start3A_111, %add3A_110, %dma_start3A_112] : memref<4x8192x1024xf32, #tpu.memory_space<hbm>> -> memref<1x4x1024xf32, #tpu.memory_space<hbm>>
    %dma_start3A_114 = tpu.memref_squeeze %dma_start3A_113 : memref<1x4x1024xf32, #tpu.memory_space<hbm>> -> memref<4x1024xf32, #tpu.memory_space<hbm>>
    %dma_start3A_115 = arith.constant 0 : i32
    %dma_start3A_116 = tpu.memref_slice %arg4[%dma_start3A_111, %add3A_110, %dma_start3A_115] : memref<4x8192x1024xf32, #tpu.memory_space<hbm>> -> memref<1x4x1024xf32, #tpu.memory_space<hbm>>
    %dma_start3A_117 = tpu.memref_squeeze %dma_start3A_116 : memref<1x4x1024xf32, #tpu.memory_space<hbm>> -> memref<4x1024xf32, #tpu.memory_space<hbm>>
    tpu.enqueue_dma source(%arg5 : memref<4x1024xf32, #tpu.memory_space<vmem>>) target(%dma_start3A_117 : memref<4x1024xf32, #tpu.memory_space<hbm>>) target_semaphore(%arg27 : memref<!tpu.dma_semaphore, #tpu.memory_space<semaphore_mem>>)
    %add3A_118 = arith.constant 0 : i32
    %add3A_119 = arith.addi %mul3A_2, %add3A_118 : i32
    %dma_start3A_120 = arith.constant 1 : i32
    %dma_start3A_121 = arith.constant 0 : i32
    %dma_start3A_122 = tpu.memref_slice %arg4[%dma_start3A_120, %add3A_119, %dma_start3A_121] : memref<4x8192x1024xf32, #tpu.memory_space<hbm>> -> memref<1x4x1024xf32, #tpu.memory_space<hbm>>
    %dma_start3A_123 = tpu.memref_squeeze %dma_start3A_122 : memref<1x4x1024xf32, #tpu.memory_space<hbm>> -> memref<4x1024xf32, #tpu.memory_space<hbm>>
    %dma_start3A_124 = arith.constant 0 : i32
    %dma_start3A_125 = tpu.memref_slice %arg4[%dma_start3A_120, %add3A_119, %dma_start3A_124] : memref<4x8192x1024xf32, #tpu.memory_space<hbm>> -> memref<1x4x1024xf32, #tpu.memory_space<hbm>>
    %dma_start3A_126 = tpu.memref_squeeze %dma_start3A_125 : memref<1x4x1024xf32, #tpu.memory_space<hbm>> -> memref<4x1024xf32, #tpu.memory_space<hbm>>
    tpu.enqueue_dma source(%arg6 : memref<4x1024xf32, #tpu.memory_space<vmem>>) target(%dma_start3A_126 : memref<4x1024xf32, #tpu.memory_space<hbm>>) target_semaphore(%arg27 : memref<!tpu.dma_semaphore, #tpu.memory_space<semaphore_mem>>)
    %add3A_127 = arith.constant 0 : i32
    %add3A_128 = arith.addi %mul3A_2, %add3A_127 : i32
    %dma_start3A_129 = arith.constant 2 : i32
    %dma_start3A_130 = arith.constant 0 : i32
    %dma_start3A_131 = tpu.memref_slice %arg4[%dma_start3A_129, %add3A_128, %dma_start3A_130] : memref<4x8192x1024xf32, #tpu.memory_space<hbm>> -> memref<1x4x1024xf32, #tpu.memory_space<hbm>>
    %dma_start3A_132 = tpu.memref_squeeze %dma_start3A_131 : memref<1x4x1024xf32, #tpu.memory_space<hbm>> -> memref<4x1024xf32, #tpu.memory_space<hbm>>
    %dma_start3A_133 = arith.constant 0 : i32
    %dma_start3A_134 = tpu.memref_slice %arg4[%dma_start3A_129, %add3A_128, %dma_start3A_133] : memref<4x8192x1024xf32, #tpu.memory_space<hbm>> -> memref<1x4x1024xf32, #tpu.memory_space<hbm>>
    %dma_start3A_135 = tpu.memref_squeeze %dma_start3A_134 : memref<1x4x1024xf32, #tpu.memory_space<hbm>> -> memref<4x1024xf32, #tpu.memory_space<hbm>>
    tpu.enqueue_dma source(%arg7 : memref<4x1024xf32, #tpu.memory_space<vmem>>) target(%dma_start3A_135 : memref<4x1024xf32, #tpu.memory_space<hbm>>) target_semaphore(%arg27 : memref<!tpu.dma_semaphore, #tpu.memory_space<semaphore_mem>>)
    %add3A_136 = arith.constant 0 : i32
    %add3A_137 = arith.addi %mul3A_2, %add3A_136 : i32
    %dma_start3A_138 = arith.constant 3 : i32
    %dma_start3A_139 = arith.constant 0 : i32
    %dma_start3A_140 = tpu.memref_slice %arg4[%dma_start3A_138, %add3A_137, %dma_start3A_139] : memref<4x8192x1024xf32, #tpu.memory_space<hbm>> -> memref<1x4x1024xf32, #tpu.memory_space<hbm>>
    %dma_start3A_141 = tpu.memref_squeeze %dma_start3A_140 : memref<1x4x1024xf32, #tpu.memory_space<hbm>> -> memref<4x1024xf32, #tpu.memory_space<hbm>>
    %dma_start3A_142 = arith.constant 0 : i32
    %dma_start3A_143 = tpu.memref_slice %arg4[%dma_start3A_138, %add3A_137, %dma_start3A_142] : memref<4x8192x1024xf32, #tpu.memory_space<hbm>> -> memref<1x4x1024xf32, #tpu.memory_space<hbm>>
    %dma_start3A_144 = tpu.memref_squeeze %dma_start3A_143 : memref<1x4x1024xf32, #tpu.memory_space<hbm>> -> memref<4x1024xf32, #tpu.memory_space<hbm>>
    tpu.enqueue_dma source(%arg8 : memref<4x1024xf32, #tpu.memory_space<vmem>>) target(%dma_start3A_144 : memref<4x1024xf32, #tpu.memory_space<hbm>>) target_semaphore(%arg27 : memref<!tpu.dma_semaphore, #tpu.memory_space<semaphore_mem>>)
    %add3A_145 = arith.constant 8 : i32
    %add3A_146 = arith.addi %mul3A_2, %add3A_145 : i32
    %dma_start3A_147 = arith.constant 0 : i32
    %dma_start3A_148 = arith.constant 0 : i32
    %dma_start3A_149 = tpu.memref_slice %arg2[%dma_start3A_147, %add3A_146, %dma_start3A_148] : memref<4x8192x1024xf32, #tpu.memory_space<hbm>> -> memref<1x4x1024xf32, #tpu.memory_space<hbm>>
    %dma_start3A_150 = tpu.memref_squeeze %dma_start3A_149 : memref<1x4x1024xf32, #tpu.memory_space<hbm>> -> memref<4x1024xf32, #tpu.memory_space<hbm>>
    %dma_start3A_151 = arith.constant 0 : i32
    %dma_start3A_152 = tpu.memref_slice %arg2[%dma_start3A_147, %add3A_146, %dma_start3A_151] : memref<4x8192x1024xf32, #tpu.memory_space<hbm>> -> memref<1x4x1024xf32, #tpu.memory_space<hbm>>
    %dma_start3A_153 = tpu.memref_squeeze %dma_start3A_152 : memref<1x4x1024xf32, #tpu.memory_space<hbm>> -> memref<4x1024xf32, #tpu.memory_space<hbm>>
    tpu.enqueue_dma source(%dma_start3A_153 : memref<4x1024xf32, #tpu.memory_space<hbm>>) target(%arg13 : memref<4x1024xf32, #tpu.memory_space<vmem>>) target_semaphore(%arg25 : memref<!tpu.dma_semaphore, #tpu.memory_space<semaphore_mem>>)
    %add3A_154 = arith.constant 8 : i32
    %add3A_155 = arith.addi %mul3A_2, %add3A_154 : i32
    %dma_start3A_156 = arith.constant 1 : i32
    %dma_start3A_157 = arith.constant 0 : i32
    %dma_start3A_158 = tpu.memref_slice %arg2[%dma_start3A_156, %add3A_155, %dma_start3A_157] : memref<4x8192x1024xf32, #tpu.memory_space<hbm>> -> memref<1x4x1024xf32, #tpu.memory_space<hbm>>
    %dma_start3A_159 = tpu.memref_squeeze %dma_start3A_158 : memref<1x4x1024xf32, #tpu.memory_space<hbm>> -> memref<4x1024xf32, #tpu.memory_space<hbm>>
    %dma_start3A_160 = arith.constant 0 : i32
    %dma_start3A_161 = tpu.memref_slice %arg2[%dma_start3A_156, %add3A_155, %dma_start3A_160] : memref<4x8192x1024xf32, #tpu.memory_space<hbm>> -> memref<1x4x1024xf32, #tpu.memory_space<hbm>>
    %dma_start3A_162 = tpu.memref_squeeze %dma_start3A_161 : memref<1x4x1024xf32, #tpu.memory_space<hbm>> -> memref<4x1024xf32, #tpu.memory_space<hbm>>
    tpu.enqueue_dma source(%dma_start3A_162 : memref<4x1024xf32, #tpu.memory_space<hbm>>) target(%arg14 : memref<4x1024xf32, #tpu.memory_space<vmem>>) target_semaphore(%arg25 : memref<!tpu.dma_semaphore, #tpu.memory_space<semaphore_mem>>)
    %add3A_163 = arith.constant 8 : i32
    %add3A_164 = arith.addi %mul3A_2, %add3A_163 : i32
    %dma_start3A_165 = arith.constant 2 : i32
    %dma_start3A_166 = arith.constant 0 : i32
    %dma_start3A_167 = tpu.memref_slice %arg2[%dma_start3A_165, %add3A_164, %dma_start3A_166] : memref<4x8192x1024xf32, #tpu.memory_space<hbm>> -> memref<1x4x1024xf32, #tpu.memory_space<hbm>>
    %dma_start3A_168 = tpu.memref_squeeze %dma_start3A_167 : memref<1x4x1024xf32, #tpu.memory_space<hbm>> -> memref<4x1024xf32, #tpu.memory_space<hbm>>
    %dma_start3A_169 = arith.constant 0 : i32
    %dma_start3A_170 = tpu.memref_slice %arg2[%dma_start3A_165, %add3A_164, %dma_start3A_169] : memref<4x8192x1024xf32, #tpu.memory_space<hbm>> -> memref<1x4x1024xf32, #tpu.memory_space<hbm>>
    %dma_start3A_171 = tpu.memref_squeeze %dma_start3A_170 : memref<1x4x1024xf32, #tpu.memory_space<hbm>> -> memref<4x1024xf32, #tpu.memory_space<hbm>>
    tpu.enqueue_dma source(%dma_start3A_171 : memref<4x1024xf32, #tpu.memory_space<hbm>>) target(%arg15 : memref<4x1024xf32, #tpu.memory_space<vmem>>) target_semaphore(%arg25 : memref<!tpu.dma_semaphore, #tpu.memory_space<semaphore_mem>>)
    %add3A_172 = arith.constant 8 : i32
    %add3A_173 = arith.addi %mul3A_2, %add3A_172 : i32
    %dma_start3A_174 = arith.constant 3 : i32
    %dma_start3A_175 = arith.constant 0 : i32
    %dma_start3A_176 = tpu.memref_slice %arg2[%dma_start3A_174, %add3A_173, %dma_start3A_175] : memref<4x8192x1024xf32, #tpu.memory_space<hbm>> -> memref<1x4x1024xf32, #tpu.memory_space<hbm>>
    %dma_start3A_177 = tpu.memref_squeeze %dma_start3A_176 : memref<1x4x1024xf32, #tpu.memory_space<hbm>> -> memref<4x1024xf32, #tpu.memory_space<hbm>>
    %dma_start3A_178 = arith.constant 0 : i32
    %dma_start3A_179 = tpu.memref_slice %arg2[%dma_start3A_174, %add3A_173, %dma_start3A_178] : memref<4x8192x1024xf32, #tpu.memory_space<hbm>> -> memref<1x4x1024xf32, #tpu.memory_space<hbm>>
    %dma_start3A_180 = tpu.memref_squeeze %dma_start3A_179 : memref<1x4x1024xf32, #tpu.memory_space<hbm>> -> memref<4x1024xf32, #tpu.memory_space<hbm>>
    tpu.enqueue_dma source(%dma_start3A_180 : memref<4x1024xf32, #tpu.memory_space<hbm>>) target(%arg16 : memref<4x1024xf32, #tpu.memory_space<vmem>>) target_semaphore(%arg25 : memref<!tpu.dma_semaphore, #tpu.memory_space<semaphore_mem>>)
    %add3A_181 = arith.constant 8 : i32
    %add3A_182 = arith.addi %mul3A_2, %add3A_181 : i32
    %dma_start3A_183 = arith.constant 0 : i32
    %dma_start3A_184 = tpu.memref_slice %arg3[%add3A_182, %dma_start3A_183] : memref<8192x1024xf32, #tpu.memory_space<hbm>> -> memref<4x1024xf32, #tpu.memory_space<hbm>>
    %dma_start3A_185 = arith.constant 0 : i32
    %dma_start3A_186 = tpu.memref_slice %arg3[%add3A_182, %dma_start3A_185] : memref<8192x1024xf32, #tpu.memory_space<hbm>> -> memref<4x1024xf32, #tpu.memory_space<hbm>>
    tpu.enqueue_dma source(%dma_start3A_186 : memref<4x1024xf32, #tpu.memory_space<hbm>>) target(%arg21 : memref<4x1024xf32, #tpu.memory_space<vmem>>) target_semaphore(%arg31 : memref<!tpu.dma_semaphore, #tpu.memory_space<semaphore_mem>>)
    %dma_wait3A_187 = arith.constant 0 : i32
    %dma_wait3A_188 = tpu.memref_slice %arg3[%mul3A_2, %dma_wait3A_187] : memref<8192x1024xf32, #tpu.memory_space<hbm>> -> memref<4x1024xf32, #tpu.memory_space<hbm>>
    %dma_wait3A_189 = arith.constant 0 : i32
    %dma_wait3A_190 = tpu.memref_slice %arg3[%mul3A_2, %dma_wait3A_189] : memref<8192x1024xf32, #tpu.memory_space<hbm>> -> memref<4x1024xf32, #tpu.memory_space<hbm>>
    tpu.wait_dma2 semaphore(%arg31 : memref<!tpu.dma_semaphore, #tpu.memory_space<semaphore_mem>>) src(%dma_wait3A_190 : memref<4x1024xf32, #tpu.memory_space<hbm>>) dst(%arg22 : memref<4x1024xf32, #tpu.memory_space<vmem>>)
    %dma_wait3A_191 = arith.constant 0 : i32
    %dma_wait3A_192 = arith.constant 0 : i32
    %dma_wait3A_193 = tpu.memref_slice %arg2[%dma_wait3A_191, %mul3A_2, %dma_wait3A_192] : memref<4x8192x1024xf32, #tpu.memory_space<hbm>> -> memref<1x4x1024xf32, #tpu.memory_space<hbm>>
    %dma_wait3A_194 = tpu.memref_squeeze %dma_wait3A_193 : memref<1x4x1024xf32, #tpu.memory_space<hbm>> -> memref<4x1024xf32, #tpu.memory_space<hbm>>
    %dma_wait3A_195 = arith.constant 0 : i32
    %dma_wait3A_196 = tpu.memref_slice %arg2[%dma_wait3A_191, %mul3A_2, %dma_wait3A_195] : memref<4x8192x1024xf32, #tpu.memory_space<hbm>> -> memref<1x4x1024xf32, #tpu.memory_space<hbm>>
    %dma_wait3A_197 = tpu.memref_squeeze %dma_wait3A_196 : memref<1x4x1024xf32, #tpu.memory_space<hbm>> -> memref<4x1024xf32, #tpu.memory_space<hbm>>
    tpu.wait_dma2 semaphore(%arg24 : memref<!tpu.dma_semaphore, #tpu.memory_space<semaphore_mem>>) src(%dma_wait3A_197 : memref<4x1024xf32, #tpu.memory_space<hbm>>) dst(%arg9 : memref<4x1024xf32, #tpu.memory_space<vmem>>)
    %dma_wait3A_198 = arith.constant 1 : i32
    %dma_wait3A_199 = arith.constant 0 : i32
    %dma_wait3A_200 = tpu.memref_slice %arg2[%dma_wait3A_198, %mul3A_2, %dma_wait3A_199] : memref<4x8192x1024xf32, #tpu.memory_space<hbm>> -> memref<1x4x1024xf32, #tpu.memory_space<hbm>>
    %dma_wait3A_201 = tpu.memref_squeeze %dma_wait3A_200 : memref<1x4x1024xf32, #tpu.memory_space<hbm>> -> memref<4x1024xf32, #tpu.memory_space<hbm>>
    %dma_wait3A_202 = arith.constant 0 : i32
    %dma_wait3A_203 = tpu.memref_slice %arg2[%dma_wait3A_198, %mul3A_2, %dma_wait3A_202] : memref<4x8192x1024xf32, #tpu.memory_space<hbm>> -> memref<1x4x1024xf32, #tpu.memory_space<hbm>>
    %dma_wait3A_204 = tpu.memref_squeeze %dma_wait3A_203 : memref<1x4x1024xf32, #tpu.memory_space<hbm>> -> memref<4x1024xf32, #tpu.memory_space<hbm>>
    tpu.wait_dma2 semaphore(%arg24 : memref<!tpu.dma_semaphore, #tpu.memory_space<semaphore_mem>>) src(%dma_wait3A_204 : memref<4x1024xf32, #tpu.memory_space<hbm>>) dst(%arg10 : memref<4x1024xf32, #tpu.memory_space<vmem>>)
    %dma_wait3A_205 = arith.constant 2 : i32
    %dma_wait3A_206 = arith.constant 0 : i32
    %dma_wait3A_207 = tpu.memref_slice %arg2[%dma_wait3A_205, %mul3A_2, %dma_wait3A_206] : memref<4x8192x1024xf32, #tpu.memory_space<hbm>> -> memref<1x4x1024xf32, #tpu.memory_space<hbm>>
    %dma_wait3A_208 = tpu.memref_squeeze %dma_wait3A_207 : memref<1x4x1024xf32, #tpu.memory_space<hbm>> -> memref<4x1024xf32, #tpu.memory_space<hbm>>
    %dma_wait3A_209 = arith.constant 0 : i32
    %dma_wait3A_210 = tpu.memref_slice %arg2[%dma_wait3A_205, %mul3A_2, %dma_wait3A_209] : memref<4x8192x1024xf32, #tpu.memory_space<hbm>> -> memref<1x4x1024xf32, #tpu.memory_space<hbm>>
    %dma_wait3A_211 = tpu.memref_squeeze %dma_wait3A_210 : memref<1x4x1024xf32, #tpu.memory_space<hbm>> -> memref<4x1024xf32, #tpu.memory_space<hbm>>
    tpu.wait_dma2 semaphore(%arg24 : memref<!tpu.dma_semaphore, #tpu.memory_space<semaphore_mem>>) src(%dma_wait3A_211 : memref<4x1024xf32, #tpu.memory_space<hbm>>) dst(%arg11 : memref<4x1024xf32, #tpu.memory_space<vmem>>)
    %dma_wait3A_212 = arith.constant 3 : i32
    %dma_wait3A_213 = arith.constant 0 : i32
    %dma_wait3A_214 = tpu.memref_slice %arg2[%dma_wait3A_212, %mul3A_2, %dma_wait3A_213] : memref<4x8192x1024xf32, #tpu.memory_space<hbm>> -> memref<1x4x1024xf32, #tpu.memory_space<hbm>>
    %dma_wait3A_215 = tpu.memref_squeeze %dma_wait3A_214 : memref<1x4x1024xf32, #tpu.memory_space<hbm>> -> memref<4x1024xf32, #tpu.memory_space<hbm>>
    %dma_wait3A_216 = arith.constant 0 : i32
    %dma_wait3A_217 = tpu.memref_slice %arg2[%dma_wait3A_212, %mul3A_2, %dma_wait3A_216] : memref<4x8192x1024xf32, #tpu.memory_space<hbm>> -> memref<1x4x1024xf32, #tpu.memory_space<hbm>>
    %dma_wait3A_218 = tpu.memref_squeeze %dma_wait3A_217 : memref<1x4x1024xf32, #tpu.memory_space<hbm>> -> memref<4x1024xf32, #tpu.memory_space<hbm>>
    tpu.wait_dma2 semaphore(%arg24 : memref<!tpu.dma_semaphore, #tpu.memory_space<semaphore_mem>>) src(%dma_wait3A_218 : memref<4x1024xf32, #tpu.memory_space<hbm>>) dst(%arg12 : memref<4x1024xf32, #tpu.memory_space<vmem>>)
    %parallel_loop3A_219 = arith.constant 0 : i32
    %parallel_loop3A_220 = arith.constant 256 : i32
    %parallel_loop3A_221 = arith.constant 1 : i32
    scf.for %parallel_loop3A_559 = %parallel_loop3A_219 to %parallel_loop3A_220 step %parallel_loop3A_221  : i32 {
      %parallel_loop3A_560 = arith.constant 6 : i32
      %parallel_loop3A_561 = arith.shrsi %parallel_loop3A_559, %parallel_loop3A_560 : i32
      %parallel_loop3A_562 = arith.constant 63 : i32
      %parallel_loop3A_563 = arith.andi %parallel_loop3A_559, %parallel_loop3A_562 : i32
      %parallel_loop3A_564 = arith.constant 16 : i32
      %parallel_loop3A_565 = arith.muli %parallel_loop3A_563, %parallel_loop3A_564 : i32
      %parallel_loop3A_566 = arith.index_cast %parallel_loop3A_561 : i32 to index
      %parallel_loop3A_567 = arith.index_cast %parallel_loop3A_565 : i32 to index
      %parallel_loop3A_568 = tpu.vector_load %arg22[%parallel_loop3A_566, %parallel_loop3A_567] {strides = array<i32>} : memref<4x1024xf32, #tpu.memory_space<vmem>>, vector<1x16xf32>,
      %parallel_loop3A_569 = vector.shape_cast %parallel_loop3A_568 : vector<1x16xf32> to vector<16xf32>
      %parallel_loop3A_570 = arith.index_cast %parallel_loop3A_561 : i32 to index
      %parallel_loop3A_571 = arith.index_cast %parallel_loop3A_565 : i32 to index
      %parallel_loop3A_572 = tpu.vector_load %arg9[%parallel_loop3A_570, %parallel_loop3A_571] {strides = array<i32>} : memref<4x1024xf32, #tpu.memory_space<vmem>>, vector<1x16xf32>,
      %parallel_loop3A_573 = vector.shape_cast %parallel_loop3A_572 : vector<1x16xf32> to vector<16xf32>
      %parallel_loop3A_574 = arith.constant 3.200000e+01 : f32
      %parallel_loop3A_575 = vector.broadcast %parallel_loop3A_574 : f32 to vector<16xf32>
      %parallel_loop3A_576 = arith.mulf %parallel_loop3A_573, %parallel_loop3A_575 : vector<16xf32>
      %parallel_loop3A_577 = arith.addf %parallel_loop3A_576, %parallel_loop3A_569 : vector<16xf32>
      %parallel_loop3A_578 = arith.index_cast %parallel_loop3A_561 : i32 to index
      %parallel_loop3A_579 = arith.index_cast %parallel_loop3A_565 : i32 to index
      %parallel_loop3A_580 = tpu.vector_load %arg9[%parallel_loop3A_578, %parallel_loop3A_579] {strides = array<i32>} : memref<4x1024xf32, #tpu.memory_space<vmem>>, vector<1x16xf32>,
      %parallel_loop3A_581 = vector.shape_cast %parallel_loop3A_580 : vector<1x16xf32> to vector<16xf32>
      %parallel_loop3A_582 = vector.shape_cast %parallel_loop3A_577 : vector<16xf32> to vector<1x16xf32>
      tpu.vector_store %arg9[%parallel_loop3A_578, %parallel_loop3A_579], %parallel_loop3A_582 {strides = array<i32>} : memref<4x1024xf32, #tpu.memory_space<vmem>>, vector<1x16xf32>,
      %parallel_loop3A_583 = arith.index_cast %parallel_loop3A_561 : i32 to index
      %parallel_loop3A_584 = arith.index_cast %parallel_loop3A_565 : i32 to index
      %parallel_loop3A_585 = tpu.vector_load %arg10[%parallel_loop3A_583, %parallel_loop3A_584] {strides = array<i32>} : memref<4x1024xf32, #tpu.memory_space<vmem>>, vector<1x16xf32>,
      %parallel_loop3A_586 = vector.shape_cast %parallel_loop3A_585 : vector<1x16xf32> to vector<16xf32>
      %parallel_loop3A_587 = arith.constant 3.200000e+01 : f32
      %parallel_loop3A_588 = vector.broadcast %parallel_loop3A_587 : f32 to vector<16xf32>
      %parallel_loop3A_589 = arith.mulf %parallel_loop3A_586, %parallel_loop3A_588 : vector<16xf32>
      %parallel_loop3A_590 = arith.addf %parallel_loop3A_589, %parallel_loop3A_569 : vector<16xf32>
      %parallel_loop3A_591 = arith.index_cast %parallel_loop3A_561 : i32 to index
      %parallel_loop3A_592 = arith.index_cast %parallel_loop3A_565 : i32 to index
      %parallel_loop3A_593 = tpu.vector_load %arg10[%parallel_loop3A_591, %parallel_loop3A_592] {strides = array<i32>} : memref<4x1024xf32, #tpu.memory_space<vmem>>, vector<1x16xf32>,
      %parallel_loop3A_594 = vector.shape_cast %parallel_loop3A_593 : vector<1x16xf32> to vector<16xf32>
      %parallel_loop3A_595 = vector.shape_cast %parallel_loop3A_590 : vector<16xf32> to vector<1x16xf32>
      tpu.vector_store %arg10[%parallel_loop3A_591, %parallel_loop3A_592], %parallel_loop3A_595 {strides = array<i32>} : memref<4x1024xf32, #tpu.memory_space<vmem>>, vector<1x16xf32>,
      %parallel_loop3A_596 = arith.index_cast %parallel_loop3A_561 : i32 to index
      %parallel_loop3A_597 = arith.index_cast %parallel_loop3A_565 : i32 to index
      %parallel_loop3A_598 = tpu.vector_load %arg11[%parallel_loop3A_596, %parallel_loop3A_597] {strides = array<i32>} : memref<4x1024xf32, #tpu.memory_space<vmem>>, vector<1x16xf32>,
      %parallel_loop3A_599 = vector.shape_cast %parallel_loop3A_598 : vector<1x16xf32> to vector<16xf32>
      %parallel_loop3A_600 = arith.constant 3.200000e+01 : f32
      %parallel_loop3A_601 = vector.broadcast %parallel_loop3A_600 : f32 to vector<16xf32>
      %parallel_loop3A_602 = arith.mulf %parallel_loop3A_599, %parallel_loop3A_601 : vector<16xf32>
      %parallel_loop3A_603 = arith.addf %parallel_loop3A_602, %parallel_loop3A_569 : vector<16xf32>
      %parallel_loop3A_604 = arith.index_cast %parallel_loop3A_561 : i32 to index
      %parallel_loop3A_605 = arith.index_cast %parallel_loop3A_565 : i32 to index
      %parallel_loop3A_606 = tpu.vector_load %arg11[%parallel_loop3A_604, %parallel_loop3A_605] {strides = array<i32>} : memref<4x1024xf32, #tpu.memory_space<vmem>>, vector<1x16xf32>,
      %parallel_loop3A_607 = vector.shape_cast %parallel_loop3A_606 : vector<1x16xf32> to vector<16xf32>
      %parallel_loop3A_608 = vector.shape_cast %parallel_loop3A_603 : vector<16xf32> to vector<1x16xf32>
      tpu.vector_store %arg11[%parallel_loop3A_604, %parallel_loop3A_605], %parallel_loop3A_608 {strides = array<i32>} : memref<4x1024xf32, #tpu.memory_space<vmem>>, vector<1x16xf32>,
      %parallel_loop3A_609 = arith.index_cast %parallel_loop3A_561 : i32 to index
      %parallel_loop3A_610 = arith.index_cast %parallel_loop3A_565 : i32 to index
      %parallel_loop3A_611 = tpu.vector_load %arg12[%parallel_loop3A_609, %parallel_loop3A_610] {strides = array<i32>} : memref<4x1024xf32, #tpu.memory_space<vmem>>, vector<1x16xf32>,
      %parallel_loop3A_612 = vector.shape_cast %parallel_loop3A_611 : vector<1x16xf32> to vector<16xf32>
      %parallel_loop3A_613 = arith.constant 3.200000e+01 : f32
      %parallel_loop3A_614 = vector.broadcast %parallel_loop3A_613 : f32 to vector<16xf32>
      %parallel_loop3A_615 = arith.mulf %parallel_loop3A_612, %parallel_loop3A_614 : vector<16xf32>
      %parallel_loop3A_616 = arith.addf %parallel_loop3A_615, %parallel_loop3A_569 : vector<16xf32>
      %parallel_loop3A_617 = arith.index_cast %parallel_loop3A_561 : i32 to index
      %parallel_loop3A_618 = arith.index_cast %parallel_loop3A_565 : i32 to index
      %parallel_loop3A_619 = tpu.vector_load %arg12[%parallel_loop3A_617, %parallel_loop3A_618] {strides = array<i32>} : memref<4x1024xf32, #tpu.memory_space<vmem>>, vector<1x16xf32>,
      %parallel_loop3A_620 = vector.shape_cast %parallel_loop3A_619 : vector<1x16xf32> to vector<16xf32>
      %parallel_loop3A_621 = vector.shape_cast %parallel_loop3A_616 : vector<16xf32> to vector<1x16xf32>
      tpu.vector_store %arg12[%parallel_loop3A_617, %parallel_loop3A_618], %parallel_loop3A_621 {strides = array<i32>} : memref<4x1024xf32, #tpu.memory_space<vmem>>, vector<1x16xf32>,
    } {sc.loop_unroll_factor = 2 : i64, sc.parallel_access}
    %add3A_222 = arith.constant 4 : i32
    %add3A_223 = arith.addi %mul3A_2, %add3A_222 : i32
    %dma_start3A_224 = arith.constant 0 : i32
    %dma_start3A_225 = arith.constant 0 : i32
    %dma_start3A_226 = tpu.memref_slice %arg4[%dma_start3A_224, %add3A_223, %dma_start3A_225] : memref<4x8192x1024xf32, #tpu.memory_space<hbm>> -> memref<1x4x1024xf32, #tpu.memory_space<hbm>>
    %dma_start3A_227 = tpu.memref_squeeze %dma_start3A_226 : memref<1x4x1024xf32, #tpu.memory_space<hbm>> -> memref<4x1024xf32, #tpu.memory_space<hbm>>
    %dma_start3A_228 = arith.constant 0 : i32
    %dma_start3A_229 = tpu.memref_slice %arg4[%dma_start3A_224, %add3A_223, %dma_start3A_228] : memref<4x8192x1024xf32, #tpu.memory_space<hbm>> -> memref<1x4x1024xf32, #tpu.memory_space<hbm>>
    %dma_start3A_230 = tpu.memref_squeeze %dma_start3A_229 : memref<1x4x1024xf32, #tpu.memory_space<hbm>> -> memref<4x1024xf32, #tpu.memory_space<hbm>>
    tpu.enqueue_dma source(%arg9 : memref<4x1024xf32, #tpu.memory_space<vmem>>) target(%dma_start3A_230 : memref<4x1024xf32, #tpu.memory_space<hbm>>) target_semaphore(%arg28 : memref<!tpu.dma_semaphore, #tpu.memory_space<semaphore_mem>>)
    %add3A_231 = arith.constant 4 : i32
    %add3A_232 = arith.addi %mul3A_2, %add3A_231 : i32
    %dma_start3A_233 = arith.constant 1 : i32
    %dma_start3A_234 = arith.constant 0 : i32
    %dma_start3A_235 = tpu.memref_slice %arg4[%dma_start3A_233, %add3A_232, %dma_start3A_234] : memref<4x8192x1024xf32, #tpu.memory_space<hbm>> -> memref<1x4x1024xf32, #tpu.memory_space<hbm>>
    %dma_start3A_236 = tpu.memref_squeeze %dma_start3A_235 : memref<1x4x1024xf32, #tpu.memory_space<hbm>> -> memref<4x1024xf32, #tpu.memory_space<hbm>>
    %dma_start3A_237 = arith.constant 0 : i32
    %dma_start3A_238 = tpu.memref_slice %arg4[%dma_start3A_233, %add3A_232, %dma_start3A_237] : memref<4x8192x1024xf32, #tpu.memory_space<hbm>> -> memref<1x4x1024xf32, #tpu.memory_space<hbm>>
    %dma_start3A_239 = tpu.memref_squeeze %dma_start3A_238 : memref<1x4x1024xf32, #tpu.memory_space<hbm>> -> memref<4x1024xf32, #tpu.memory_space<hbm>>
    tpu.enqueue_dma source(%arg10 : memref<4x1024xf32, #tpu.memory_space<vmem>>) target(%dma_start3A_239 : memref<4x1024xf32, #tpu.memory_space<hbm>>) target_semaphore(%arg28 : memref<!tpu.dma_semaphore, #tpu.memory_space<semaphore_mem>>)
    %add3A_240 = arith.constant 4 : i32
    %add3A_241 = arith.addi %mul3A_2, %add3A_240 : i32
    %dma_start3A_242 = arith.constant 2 : i32
    %dma_start3A_243 = arith.constant 0 : i32
    %dma_start3A_244 = tpu.memref_slice %arg4[%dma_start3A_242, %add3A_241, %dma_start3A_243] : memref<4x8192x1024xf32, #tpu.memory_space<hbm>> -> memref<1x4x1024xf32, #tpu.memory_space<hbm>>
    %dma_start3A_245 = tpu.memref_squeeze %dma_start3A_244 : memref<1x4x1024xf32, #tpu.memory_space<hbm>> -> memref<4x1024xf32, #tpu.memory_space<hbm>>
    %dma_start3A_246 = arith.constant 0 : i32
    %dma_start3A_247 = tpu.memref_slice %arg4[%dma_start3A_242, %add3A_241, %dma_start3A_246] : memref<4x8192x1024xf32, #tpu.memory_space<hbm>> -> memref<1x4x1024xf32, #tpu.memory_space<hbm>>
    %dma_start3A_248 = tpu.memref_squeeze %dma_start3A_247 : memref<1x4x1024xf32, #tpu.memory_space<hbm>> -> memref<4x1024xf32, #tpu.memory_space<hbm>>
    tpu.enqueue_dma source(%arg11 : memref<4x1024xf32, #tpu.memory_space<vmem>>) target(%dma_start3A_248 : memref<4x1024xf32, #tpu.memory_space<hbm>>) target_semaphore(%arg28 : memref<!tpu.dma_semaphore, #tpu.memory_space<semaphore_mem>>)
    %add3A_249 = arith.constant 4 : i32
    %add3A_250 = arith.addi %mul3A_2, %add3A_249 : i32
    %dma_start3A_251 = arith.constant 3 : i32
    %dma_start3A_252 = arith.constant 0 : i32
    %dma_start3A_253 = tpu.memref_slice %arg4[%dma_start3A_251, %add3A_250, %dma_start3A_252] : memref<4x8192x1024xf32, #tpu.memory_space<hbm>> -> memref<1x4x1024xf32, #tpu.memory_space<hbm>>
    %dma_start3A_254 = tpu.memref_squeeze %dma_start3A_253 : memref<1x4x1024xf32, #tpu.memory_space<hbm>> -> memref<4x1024xf32, #tpu.memory_space<hbm>>
    %dma_start3A_255 = arith.constant 0 : i32
    %dma_start3A_256 = tpu.memref_slice %arg4[%dma_start3A_251, %add3A_250, %dma_start3A_255] : memref<4x8192x1024xf32, #tpu.memory_space<hbm>> -> memref<1x4x1024xf32, #tpu.memory_space<hbm>>
    %dma_start3A_257 = tpu.memref_squeeze %dma_start3A_256 : memref<1x4x1024xf32, #tpu.memory_space<hbm>> -> memref<4x1024xf32, #tpu.memory_space<hbm>>
    tpu.enqueue_dma source(%arg12 : memref<4x1024xf32, #tpu.memory_space<vmem>>) target(%dma_start3A_257 : memref<4x1024xf32, #tpu.memory_space<hbm>>) target_semaphore(%arg28 : memref<!tpu.dma_semaphore, #tpu.memory_space<semaphore_mem>>)
    %add3A_258 = arith.constant 12 : i32
    %add3A_259 = arith.addi %mul3A_2, %add3A_258 : i32
    %dma_start3A_260 = arith.constant 0 : i32
    %dma_start3A_261 = arith.constant 0 : i32
    %dma_start3A_262 = tpu.memref_slice %arg2[%dma_start3A_260, %add3A_259, %dma_start3A_261] : memref<4x8192x1024xf32, #tpu.memory_space<hbm>> -> memref<1x4x1024xf32, #tpu.memory_space<hbm>>
    %dma_start3A_263 = tpu.memref_squeeze %dma_start3A_262 : memref<1x4x1024xf32, #tpu.memory_space<hbm>> -> memref<4x1024xf32, #tpu.memory_space<hbm>>
    %dma_start3A_264 = arith.constant 0 : i32
    %dma_start3A_265 = tpu.memref_slice %arg2[%dma_start3A_260, %add3A_259, %dma_start3A_264] : memref<4x8192x1024xf32, #tpu.memory_space<hbm>> -> memref<1x4x1024xf32, #tpu.memory_space<hbm>>
    %dma_start3A_266 = tpu.memref_squeeze %dma_start3A_265 : memref<1x4x1024xf32, #tpu.memory_space<hbm>> -> memref<4x1024xf32, #tpu.memory_space<hbm>>
    tpu.enqueue_dma source(%dma_start3A_266 : memref<4x1024xf32, #tpu.memory_space<hbm>>) target(%arg17 : memref<4x1024xf32, #tpu.memory_space<vmem>>) target_semaphore(%arg26 : memref<!tpu.dma_semaphore, #tpu.memory_space<semaphore_mem>>)
    %add3A_267 = arith.constant 12 : i32
    %add3A_268 = arith.addi %mul3A_2, %add3A_267 : i32
    %dma_start3A_269 = arith.constant 1 : i32
    %dma_start3A_270 = arith.constant 0 : i32
    %dma_start3A_271 = tpu.memref_slice %arg2[%dma_start3A_269, %add3A_268, %dma_start3A_270] : memref<4x8192x1024xf32, #tpu.memory_space<hbm>> -> memref<1x4x1024xf32, #tpu.memory_space<hbm>>
    %dma_start3A_272 = tpu.memref_squeeze %dma_start3A_271 : memref<1x4x1024xf32, #tpu.memory_space<hbm>> -> memref<4x1024xf32, #tpu.memory_space<hbm>>
    %dma_start3A_273 = arith.constant 0 : i32
    %dma_start3A_274 = tpu.memref_slice %arg2[%dma_start3A_269, %add3A_268, %dma_start3A_273] : memref<4x8192x1024xf32, #tpu.memory_space<hbm>> -> memref<1x4x1024xf32, #tpu.memory_space<hbm>>
    %dma_start3A_275 = tpu.memref_squeeze %dma_start3A_274 : memref<1x4x1024xf32, #tpu.memory_space<hbm>> -> memref<4x1024xf32, #tpu.memory_space<hbm>>
    tpu.enqueue_dma source(%dma_start3A_275 : memref<4x1024xf32, #tpu.memory_space<hbm>>) target(%arg18 : memref<4x1024xf32, #tpu.memory_space<vmem>>) target_semaphore(%arg26 : memref<!tpu.dma_semaphore, #tpu.memory_space<semaphore_mem>>)
    %add3A_276 = arith.constant 12 : i32
    %add3A_277 = arith.addi %mul3A_2, %add3A_276 : i32
    %dma_start3A_278 = arith.constant 2 : i32
    %dma_start3A_279 = arith.constant 0 : i32
    %dma_start3A_280 = tpu.memref_slice %arg2[%dma_start3A_278, %add3A_277, %dma_start3A_279] : memref<4x8192x1024xf32, #tpu.memory_space<hbm>> -> memref<1x4x1024xf32, #tpu.memory_space<hbm>>
    %dma_start3A_281 = tpu.memref_squeeze %dma_start3A_280 : memref<1x4x1024xf32, #tpu.memory_space<hbm>> -> memref<4x1024xf32, #tpu.memory_space<hbm>>
    %dma_start3A_282 = arith.constant 0 : i32
    %dma_start3A_283 = tpu.memref_slice %arg2[%dma_start3A_278, %add3A_277, %dma_start3A_282] : memref<4x8192x1024xf32, #tpu.memory_space<hbm>> -> memref<1x4x1024xf32, #tpu.memory_space<hbm>>
    %dma_start3A_284 = tpu.memref_squeeze %dma_start3A_283 : memref<1x4x1024xf32, #tpu.memory_space<hbm>> -> memref<4x1024xf32, #tpu.memory_space<hbm>>
    tpu.enqueue_dma source(%dma_start3A_284 : memref<4x1024xf32, #tpu.memory_space<hbm>>) target(%arg19 : memref<4x1024xf32, #tpu.memory_space<vmem>>) target_semaphore(%arg26 : memref<!tpu.dma_semaphore, #tpu.memory_space<semaphore_mem>>)
    %add3A_285 = arith.constant 12 : i32
    %add3A_286 = arith.addi %mul3A_2, %add3A_285 : i32
    %dma_start3A_287 = arith.constant 3 : i32
    %dma_start3A_288 = arith.constant 0 : i32
    %dma_start3A_289 = tpu.memref_slice %arg2[%dma_start3A_287, %add3A_286, %dma_start3A_288] : memref<4x8192x1024xf32, #tpu.memory_space<hbm>> -> memref<1x4x1024xf32, #tpu.memory_space<hbm>>
    %dma_start3A_290 = tpu.memref_squeeze %dma_start3A_289 : memref<1x4x1024xf32, #tpu.memory_space<hbm>> -> memref<4x1024xf32, #tpu.memory_space<hbm>>
    %dma_start3A_291 = arith.constant 0 : i32
    %dma_start3A_292 = tpu.memref_slice %arg2[%dma_start3A_287, %add3A_286, %dma_start3A_291] : memref<4x8192x1024xf32, #tpu.memory_space<hbm>> -> memref<1x4x1024xf32, #tpu.memory_space<hbm>>
    %dma_start3A_293 = tpu.memref_squeeze %dma_start3A_292 : memref<1x4x1024xf32, #tpu.memory_space<hbm>> -> memref<4x1024xf32, #tpu.memory_space<hbm>>
    tpu.enqueue_dma source(%dma_start3A_293 : memref<4x1024xf32, #tpu.memory_space<hbm>>) target(%arg20 : memref<4x1024xf32, #tpu.memory_space<vmem>>) target_semaphore(%arg26 : memref<!tpu.dma_semaphore, #tpu.memory_space<semaphore_mem>>)
    %scan3A = arith.constant 0 : i32
    %scan3A_294 = arith.constant 0 : i32
    %scan3A_295 = arith.constant 15 : i32
    %scan3A_296 = arith.addi %scan3A_294, %scan3A_295 : i32
    %scan3A_297 = arith.constant 1 : i32
    scf.for %scan3A_559 = %scan3A_294 to %scan3A_296 step %scan3A_297  : i32 {
      %mul3A_560 = arith.constant 4 : i32
      %mul3A_561 = arith.muli %scan3A_559, %mul3A_560 : i32
      %add3A_562 = arith.constant 2 : i32
      %add3A_563 = arith.addi %add3A_562, %mul3A_561 : i32
      %add3A_564 = arith.constant 0 : i32
      %add3A_565 = arith.addi %add3A_563, %add3A_564 : i32
      %add3A_566 = arith.constant 1 : i32
      %add3A_567 = arith.addi %add3A_565, %add3A_566 : i32
      %mul3A_568 = arith.constant 4 : i32
      %mul3A_569 = arith.muli %add3A_567, %mul3A_568 : i32
      %add3A_570 = arith.addi %mul3A_2, %mul3A_569 : i32
      %dma_start3A_571 = arith.constant 0 : i32
      %dma_start3A_572 = tpu.memref_slice %arg3[%add3A_570, %dma_start3A_571] : memref<8192x1024xf32, #tpu.memory_space<hbm>> -> memref<4x1024xf32, #tpu.memory_space<hbm>>
      %dma_start3A_573 = arith.constant 0 : i32
      %dma_start3A_574 = tpu.memref_slice %arg3[%add3A_570, %dma_start3A_573] : memref<8192x1024xf32, #tpu.memory_space<hbm>> -> memref<4x1024xf32, #tpu.memory_space<hbm>>
      tpu.enqueue_dma source(%dma_start3A_574 : memref<4x1024xf32, #tpu.memory_space<hbm>>) target(%arg22 : memref<4x1024xf32, #tpu.memory_space<vmem>>) target_semaphore(%arg31 : memref<!tpu.dma_semaphore, #tpu.memory_space<semaphore_mem>>)
      %dma_wait3A_575 = arith.constant 0 : i32
      %dma_wait3A_576 = tpu.memref_slice %arg3[%mul3A_2, %dma_wait3A_575] : memref<8192x1024xf32, #tpu.memory_space<hbm>> -> memref<4x1024xf32, #tpu.memory_space<hbm>>
      %dma_wait3A_577 = arith.constant 0 : i32
      %dma_wait3A_578 = tpu.memref_slice %arg3[%mul3A_2, %dma_wait3A_577] : memref<8192x1024xf32, #tpu.memory_space<hbm>> -> memref<4x1024xf32, #tpu.memory_space<hbm>>
      tpu.wait_dma2 semaphore(%arg31 : memref<!tpu.dma_semaphore, #tpu.memory_space<semaphore_mem>>) src(%dma_wait3A_578 : memref<4x1024xf32, #tpu.memory_space<hbm>>) dst(%arg21 : memref<4x1024xf32, #tpu.memory_space<vmem>>)
      %dma_wait3A_579 = arith.constant 0 : i32
      %dma_wait3A_580 = arith.constant 0 : i32
      %dma_wait3A_581 = tpu.memref_slice %arg2[%dma_wait3A_579, %mul3A_2, %dma_wait3A_580] : memref<4x8192x1024xf32, #tpu.memory_space<hbm>> -> memref<1x4x1024xf32, #tpu.memory_space<hbm>>
      %dma_wait3A_582 = tpu.memref_squeeze %dma_wait3A_581 : memref<1x4x1024xf32, #tpu.memory_space<hbm>> -> memref<4x1024xf32, #tpu.memory_space<hbm>>
      %dma_wait3A_583 = arith.constant 0 : i32
      %dma_wait3A_584 = tpu.memref_slice %arg2[%dma_wait3A_579, %mul3A_2, %dma_wait3A_583] : memref<4x8192x1024xf32, #tpu.memory_space<hbm>> -> memref<1x4x1024xf32, #tpu.memory_space<hbm>>
      %dma_wait3A_585 = tpu.memref_squeeze %dma_wait3A_584 : memref<1x4x1024xf32, #tpu.memory_space<hbm>> -> memref<4x1024xf32, #tpu.memory_space<hbm>>
      tpu.wait_dma2 semaphore(%arg25 : memref<!tpu.dma_semaphore, #tpu.memory_space<semaphore_mem>>) src(%dma_wait3A_585 : memref<4x1024xf32, #tpu.memory_space<hbm>>) dst(%arg13 : memref<4x1024xf32, #tpu.memory_space<vmem>>)
      %dma_wait3A_586 = arith.constant 1 : i32
      %dma_wait3A_587 = arith.constant 0 : i32
      %dma_wait3A_588 = tpu.memref_slice %arg2[%dma_wait3A_586, %mul3A_2, %dma_wait3A_587] : memref<4x8192x1024xf32, #tpu.memory_space<hbm>> -> memref<1x4x1024xf32, #tpu.memory_space<hbm>>
      %dma_wait3A_589 = tpu.memref_squeeze %dma_wait3A_588 : memref<1x4x1024xf32, #tpu.memory_space<hbm>> -> memref<4x1024xf32, #tpu.memory_space<hbm>>
      %dma_wait3A_590 = arith.constant 0 : i32
      %dma_wait3A_591 = tpu.memref_slice %arg2[%dma_wait3A_586, %mul3A_2, %dma_wait3A_590] : memref<4x8192x1024xf32, #tpu.memory_space<hbm>> -> memref<1x4x1024xf32, #tpu.memory_space<hbm>>
      %dma_wait3A_592 = tpu.memref_squeeze %dma_wait3A_591 : memref<1x4x1024xf32, #tpu.memory_space<hbm>> -> memref<4x1024xf32, #tpu.memory_space<hbm>>
      tpu.wait_dma2 semaphore(%arg25 : memref<!tpu.dma_semaphore, #tpu.memory_space<semaphore_mem>>) src(%dma_wait3A_592 : memref<4x1024xf32, #tpu.memory_space<hbm>>) dst(%arg14 : memref<4x1024xf32, #tpu.memory_space<vmem>>)
      %dma_wait3A_593 = arith.constant 2 : i32
      %dma_wait3A_594 = arith.constant 0 : i32
      %dma_wait3A_595 = tpu.memref_slice %arg2[%dma_wait3A_593, %mul3A_2, %dma_wait3A_594] : memref<4x8192x1024xf32, #tpu.memory_space<hbm>> -> memref<1x4x1024xf32, #tpu.memory_space<hbm>>
      %dma_wait3A_596 = tpu.memref_squeeze %dma_wait3A_595 : memref<1x4x1024xf32, #tpu.memory_space<hbm>> -> memref<4x1024xf32, #tpu.memory_space<hbm>>
      %dma_wait3A_597 = arith.constant 0 : i32
      %dma_wait3A_598 = tpu.memref_slice %arg2[%dma_wait3A_593, %mul3A_2, %dma_wait3A_597] : memref<4x8192x1024xf32, #tpu.memory_space<hbm>> -> memref<1x4x1024xf32, #tpu.memory_space<hbm>>
      %dma_wait3A_599 = tpu.memref_squeeze %dma_wait3A_598 : memref<1x4x1024xf32, #tpu.memory_space<hbm>> -> memref<4x1024xf32, #tpu.memory_space<hbm>>
      tpu.wait_dma2 semaphore(%arg25 : memref<!tpu.dma_semaphore, #tpu.memory_space<semaphore_mem>>) src(%dma_wait3A_599 : memref<4x1024xf32, #tpu.memory_space<hbm>>) dst(%arg15 : memref<4x1024xf32, #tpu.memory_space<vmem>>)
      %dma_wait3A_600 = arith.constant 3 : i32
      %dma_wait3A_601 = arith.constant 0 : i32
      %dma_wait3A_602 = tpu.memref_slice %arg2[%dma_wait3A_600, %mul3A_2, %dma_wait3A_601] : memref<4x8192x1024xf32, #tpu.memory_space<hbm>> -> memref<1x4x1024xf32, #tpu.memory_space<hbm>>
      %dma_wait3A_603 = tpu.memref_squeeze %dma_wait3A_602 : memref<1x4x1024xf32, #tpu.memory_space<hbm>> -> memref<4x1024xf32, #tpu.memory_space<hbm>>
      %dma_wait3A_604 = arith.constant 0 : i32
      %dma_wait3A_605 = tpu.memref_slice %arg2[%dma_wait3A_600, %mul3A_2, %dma_wait3A_604] : memref<4x8192x1024xf32, #tpu.memory_space<hbm>> -> memref<1x4x1024xf32, #tpu.memory_space<hbm>>
      %dma_wait3A_606 = tpu.memref_squeeze %dma_wait3A_605 : memref<1x4x1024xf32, #tpu.memory_space<hbm>> -> memref<4x1024xf32, #tpu.memory_space<hbm>>
      tpu.wait_dma2 semaphore(%arg25 : memref<!tpu.dma_semaphore, #tpu.memory_space<semaphore_mem>>) src(%dma_wait3A_606 : memref<4x1024xf32, #tpu.memory_space<hbm>>) dst(%arg16 : memref<4x1024xf32, #tpu.memory_space<vmem>>)
      %parallel_loop3A_607 = arith.constant 0 : i32
      %parallel_loop3A_608 = arith.constant 256 : i32
      %parallel_loop3A_609 = arith.constant 1 : i32
      scf.for %parallel_loop3A_1188 = %parallel_loop3A_607 to %parallel_loop3A_608 step %parallel_loop3A_609  : i32 {
        %parallel_loop3A_1189 = arith.constant 6 : i32
        %parallel_loop3A_1190 = arith.shrsi %parallel_loop3A_1188, %parallel_loop3A_1189 : i32
        %parallel_loop3A_1191 = arith.constant 63 : i32
        %parallel_loop3A_1192 = arith.andi %parallel_loop3A_1188, %parallel_loop3A_1191 : i32
        %parallel_loop3A_1193 = arith.constant 16 : i32
        %parallel_loop3A_1194 = arith.muli %parallel_loop3A_1192, %parallel_loop3A_1193 : i32
        %parallel_loop3A_1195 = arith.index_cast %parallel_loop3A_1190 : i32 to index
        %parallel_loop3A_1196 = arith.index_cast %parallel_loop3A_1194 : i32 to index
        %parallel_loop3A_1197 = tpu.vector_load %arg21[%parallel_loop3A_1195, %parallel_loop3A_1196] {strides = array<i32>} : memref<4x1024xf32, #tpu.memory_space<vmem>>, vector<1x16xf32>,
        %parallel_loop3A_1198 = vector.shape_cast %parallel_loop3A_1197 : vector<1x16xf32> to vector<16xf32>
        %parallel_loop3A_1199 = arith.index_cast %parallel_loop3A_1190 : i32 to index
        %parallel_loop3A_1200 = arith.index_cast %parallel_loop3A_1194 : i32 to index
        %parallel_loop3A_1201 = tpu.vector_load %arg13[%parallel_loop3A_1199, %parallel_loop3A_1200] {strides = array<i32>} : memref<4x1024xf32, #tpu.memory_space<vmem>>, vector<1x16xf32>,
        %parallel_loop3A_1202 = vector.shape_cast %parallel_loop3A_1201 : vector<1x16xf32> to vector<16xf32>
        %parallel_loop3A_1203 = arith.constant 3.200000e+01 : f32
        %parallel_loop3A_1204 = vector.broadcast %parallel_loop3A_1203 : f32 to vector<16xf32>
        %parallel_loop3A_1205 = arith.mulf %parallel_loop3A_1202, %parallel_loop3A_1204 : vector<16xf32>
        %parallel_loop3A_1206 = arith.addf %parallel_loop3A_1205, %parallel_loop3A_1198 : vector<16xf32>
        %parallel_loop3A_1207 = arith.index_cast %parallel_loop3A_1190 : i32 to index
        %parallel_loop3A_1208 = arith.index_cast %parallel_loop3A_1194 : i32 to index
        %parallel_loop3A_1209 = tpu.vector_load %arg13[%parallel_loop3A_1207, %parallel_loop3A_1208] {strides = array<i32>} : memref<4x1024xf32, #tpu.memory_space<vmem>>, vector<1x16xf32>,
        %parallel_loop3A_1210 = vector.shape_cast %parallel_loop3A_1209 : vector<1x16xf32> to vector<16xf32>
        %parallel_loop3A_1211 = vector.shape_cast %parallel_loop3A_1206 : vector<16xf32> to vector<1x16xf32>
        tpu.vector_store %arg13[%parallel_loop3A_1207, %parallel_loop3A_1208], %parallel_loop3A_1211 {strides = array<i32>} : memref<4x1024xf32, #tpu.memory_space<vmem>>, vector<1x16xf32>,
        %parallel_loop3A_1212 = arith.index_cast %parallel_loop3A_1190 : i32 to index
        %parallel_loop3A_1213 = arith.index_cast %parallel_loop3A_1194 : i32 to index
        %parallel_loop3A_1214 = tpu.vector_load %arg14[%parallel_loop3A_1212, %parallel_loop3A_1213] {strides = array<i32>} : memref<4x1024xf32, #tpu.memory_space<vmem>>, vector<1x16xf32>,
        %parallel_loop3A_1215 = vector.shape_cast %parallel_loop3A_1214 : vector<1x16xf32> to vector<16xf32>
        %parallel_loop3A_1216 = arith.constant 3.200000e+01 : f32
        %parallel_loop3A_1217 = vector.broadcast %parallel_loop3A_1216 : f32 to vector<16xf32>
        %parallel_loop3A_1218 = arith.mulf %parallel_loop3A_1215, %parallel_loop3A_1217 : vector<16xf32>
        %parallel_loop3A_1219 = arith.addf %parallel_loop3A_1218, %parallel_loop3A_1198 : vector<16xf32>
        %parallel_loop3A_1220 = arith.index_cast %parallel_loop3A_1190 : i32 to index
        %parallel_loop3A_1221 = arith.index_cast %parallel_loop3A_1194 : i32 to index
        %parallel_loop3A_1222 = tpu.vector_load %arg14[%parallel_loop3A_1220, %parallel_loop3A_1221] {strides = array<i32>} : memref<4x1024xf32, #tpu.memory_space<vmem>>, vector<1x16xf32>,
        %parallel_loop3A_1223 = vector.shape_cast %parallel_loop3A_1222 : vector<1x16xf32> to vector<16xf32>
        %parallel_loop3A_1224 = vector.shape_cast %parallel_loop3A_1219 : vector<16xf32> to vector<1x16xf32>
        tpu.vector_store %arg14[%parallel_loop3A_1220, %parallel_loop3A_1221], %parallel_loop3A_1224 {strides = array<i32>} : memref<4x1024xf32, #tpu.memory_space<vmem>>, vector<1x16xf32>,
        %parallel_loop3A_1225 = arith.index_cast %parallel_loop3A_1190 : i32 to index
        %parallel_loop3A_1226 = arith.index_cast %parallel_loop3A_1194 : i32 to index
        %parallel_loop3A_1227 = tpu.vector_load %arg15[%parallel_loop3A_1225, %parallel_loop3A_1226] {strides = array<i32>} : memref<4x1024xf32, #tpu.memory_space<vmem>>, vector<1x16xf32>,
        %parallel_loop3A_1228 = vector.shape_cast %parallel_loop3A_1227 : vector<1x16xf32> to vector<16xf32>
        %parallel_loop3A_1229 = arith.constant 3.200000e+01 : f32
        %parallel_loop3A_1230 = vector.broadcast %parallel_loop3A_1229 : f32 to vector<16xf32>
        %parallel_loop3A_1231 = arith.mulf %parallel_loop3A_1228, %parallel_loop3A_1230 : vector<16xf32>
        %parallel_loop3A_1232 = arith.addf %parallel_loop3A_1231, %parallel_loop3A_1198 : vector<16xf32>
        %parallel_loop3A_1233 = arith.index_cast %parallel_loop3A_1190 : i32 to index
        %parallel_loop3A_1234 = arith.index_cast %parallel_loop3A_1194 : i32 to index
        %parallel_loop3A_1235 = tpu.vector_load %arg15[%parallel_loop3A_1233, %parallel_loop3A_1234] {strides = array<i32>} : memref<4x1024xf32, #tpu.memory_space<vmem>>, vector<1x16xf32>,
        %parallel_loop3A_1236 = vector.shape_cast %parallel_loop3A_1235 : vector<1x16xf32> to vector<16xf32>
        %parallel_loop3A_1237 = vector.shape_cast %parallel_loop3A_1232 : vector<16xf32> to vector<1x16xf32>
        tpu.vector_store %arg15[%parallel_loop3A_1233, %parallel_loop3A_1234], %parallel_loop3A_1237 {strides = array<i32>} : memref<4x1024xf32, #tpu.memory_space<vmem>>, vector<1x16xf32>,
        %parallel_loop3A_1238 = arith.index_cast %parallel_loop3A_1190 : i32 to index
        %parallel_loop3A_1239 = arith.index_cast %parallel_loop3A_1194 : i32 to index
        %parallel_loop3A_1240 = tpu.vector_load %arg16[%parallel_loop3A_1238, %parallel_loop3A_1239] {strides = array<i32>} : memref<4x1024xf32, #tpu.memory_space<vmem>>, vector<1x16xf32>,
        %parallel_loop3A_1241 = vector.shape_cast %parallel_loop3A_1240 : vector<1x16xf32> to vector<16xf32>
        %parallel_loop3A_1242 = arith.constant 3.200000e+01 : f32
        %parallel_loop3A_1243 = vector.broadcast %parallel_loop3A_1242 : f32 to vector<16xf32>
        %parallel_loop3A_1244 = arith.mulf %parallel_loop3A_1241, %parallel_loop3A_1243 : vector<16xf32>
        %parallel_loop3A_1245 = arith.addf %parallel_loop3A_1244, %parallel_loop3A_1198 : vector<16xf32>
        %parallel_loop3A_1246 = arith.index_cast %parallel_loop3A_1190 : i32 to index
        %parallel_loop3A_1247 = arith.index_cast %parallel_loop3A_1194 : i32 to index
        %parallel_loop3A_1248 = tpu.vector_load %arg16[%parallel_loop3A_1246, %parallel_loop3A_1247] {strides = array<i32>} : memref<4x1024xf32, #tpu.memory_space<vmem>>, vector<1x16xf32>,
        %parallel_loop3A_1249 = vector.shape_cast %parallel_loop3A_1248 : vector<1x16xf32> to vector<16xf32>
        %parallel_loop3A_1250 = vector.shape_cast %parallel_loop3A_1245 : vector<16xf32> to vector<1x16xf32>
        tpu.vector_store %arg16[%parallel_loop3A_1246, %parallel_loop3A_1247], %parallel_loop3A_1250 {strides = array<i32>} : memref<4x1024xf32, #tpu.memory_space<vmem>>, vector<1x16xf32>,
      } {sc.loop_unroll_factor = 2 : i64, sc.parallel_access}
      %mul3A_610 = arith.constant 4 : i32
      %mul3A_611 = arith.muli %add3A_565, %mul3A_610 : i32
      %add3A_612 = arith.addi %mul3A_2, %mul3A_611 : i32
      %dma_start3A_613 = arith.constant 0 : i32
      %dma_start3A_614 = arith.constant 0 : i32
      %dma_start3A_615 = tpu.memref_slice %arg4[%dma_start3A_613, %add3A_612, %dma_start3A_614] : memref<4x8192x1024xf32, #tpu.memory_space<hbm>> -> memref<1x4x1024xf32, #tpu.memory_space<hbm>>
      %dma_start3A_616 = tpu.memref_squeeze %dma_start3A_615 : memref<1x4x1024xf32, #tpu.memory_space<hbm>> -> memref<4x1024xf32, #tpu.memory_space<hbm>>
      %dma_start3A_617 = arith.constant 0 : i32
      %dma_start3A_618 = tpu.memref_slice %arg4[%dma_start3A_613, %add3A_612, %dma_start3A_617] : memref<4x8192x1024xf32, #tpu.memory_space<hbm>> -> memref<1x4x1024xf32, #tpu.memory_space<hbm>>
      %dma_start3A_619 = tpu.memref_squeeze %dma_start3A_618 : memref<1x4x1024xf32, #tpu.memory_space<hbm>> -> memref<4x1024xf32, #tpu.memory_space<hbm>>
      tpu.enqueue_dma source(%arg13 : memref<4x1024xf32, #tpu.memory_space<vmem>>) target(%dma_start3A_619 : memref<4x1024xf32, #tpu.memory_space<hbm>>) target_semaphore(%arg29 : memref<!tpu.dma_semaphore, #tpu.memory_space<semaphore_mem>>)
      %mul3A_620 = arith.constant 4 : i32
      %mul3A_621 = arith.muli %add3A_565, %mul3A_620 : i32
      %add3A_622 = arith.addi %mul3A_2, %mul3A_621 : i32
      %dma_start3A_623 = arith.constant 1 : i32
      %dma_start3A_624 = arith.constant 0 : i32
      %dma_start3A_625 = tpu.memref_slice %arg4[%dma_start3A_623, %add3A_622, %dma_start3A_624] : memref<4x8192x1024xf32, #tpu.memory_space<hbm>> -> memref<1x4x1024xf32, #tpu.memory_space<hbm>>
      %dma_start3A_626 = tpu.memref_squeeze %dma_start3A_625 : memref<1x4x1024xf32, #tpu.memory_space<hbm>> -> memref<4x1024xf32, #tpu.memory_space<hbm>>
      %dma_start3A_627 = arith.constant 0 : i32
      %dma_start3A_628 = tpu.memref_slice %arg4[%dma_start3A_623, %add3A_622, %dma_start3A_627] : memref<4x8192x1024xf32, #tpu.memory_space<hbm>> -> memref<1x4x1024xf32, #tpu.memory_space<hbm>>
      %dma_start3A_629 = tpu.memref_squeeze %dma_start3A_628 : memref<1x4x1024xf32, #tpu.memory_space<hbm>> -> memref<4x1024xf32, #tpu.memory_space<hbm>>
      tpu.enqueue_dma source(%arg14 : memref<4x1024xf32, #tpu.memory_space<vmem>>) target(%dma_start3A_629 : memref<4x1024xf32, #tpu.memory_space<hbm>>) target_semaphore(%arg29 : memref<!tpu.dma_semaphore, #tpu.memory_space<semaphore_mem>>)
      %mul3A_630 = arith.constant 4 : i32
      %mul3A_631 = arith.muli %add3A_565, %mul3A_630 : i32
      %add3A_632 = arith.addi %mul3A_2, %mul3A_631 : i32
      %dma_start3A_633 = arith.constant 2 : i32
      %dma_start3A_634 = arith.constant 0 : i32
      %dma_start3A_635 = tpu.memref_slice %arg4[%dma_start3A_633, %add3A_632, %dma_start3A_634] : memref<4x8192x1024xf32, #tpu.memory_space<hbm>> -> memref<1x4x1024xf32, #tpu.memory_space<hbm>>
      %dma_start3A_636 = tpu.memref_squeeze %dma_start3A_635 : memref<1x4x1024xf32, #tpu.memory_space<hbm>> -> memref<4x1024xf32, #tpu.memory_space<hbm>>
      %dma_start3A_637 = arith.constant 0 : i32
      %dma_start3A_638 = tpu.memref_slice %arg4[%dma_start3A_633, %add3A_632, %dma_start3A_637] : memref<4x8192x1024xf32, #tpu.memory_space<hbm>> -> memref<1x4x1024xf32, #tpu.memory_space<hbm>>
      %dma_start3A_639 = tpu.memref_squeeze %dma_start3A_638 : memref<1x4x1024xf32, #tpu.memory_space<hbm>> -> memref<4x1024xf32, #tpu.memory_space<hbm>>
      tpu.enqueue_dma source(%arg15 : memref<4x1024xf32, #tpu.memory_space<vmem>>) target(%dma_start3A_639 : memref<4x1024xf32, #tpu.memory_space<hbm>>) target_semaphore(%arg29 : memref<!tpu.dma_semaphore, #tpu.memory_space<semaphore_mem>>)
      %mul3A_640 = arith.constant 4 : i32
      %mul3A_641 = arith.muli %add3A_565, %mul3A_640 : i32
      %add3A_642 = arith.addi %mul3A_2, %mul3A_641 : i32
      %dma_start3A_643 = arith.constant 3 : i32
      %dma_start3A_644 = arith.constant 0 : i32
      %dma_start3A_645 = tpu.memref_slice %arg4[%dma_start3A_643, %add3A_642, %dma_start3A_644] : memref<4x8192x1024xf32, #tpu.memory_space<hbm>> -> memref<1x4x1024xf32, #tpu.memory_space<hbm>>
      %dma_start3A_646 = tpu.memref_squeeze %dma_start3A_645 : memref<1x4x1024xf32, #tpu.memory_space<hbm>> -> memref<4x1024xf32, #tpu.memory_space<hbm>>
      %dma_start3A_647 = arith.constant 0 : i32
      %dma_start3A_648 = tpu.memref_slice %arg4[%dma_start3A_643, %add3A_642, %dma_start3A_647] : memref<4x8192x1024xf32, #tpu.memory_space<hbm>> -> memref<1x4x1024xf32, #tpu.memory_space<hbm>>
      %dma_start3A_649 = tpu.memref_squeeze %dma_start3A_648 : memref<1x4x1024xf32, #tpu.memory_space<hbm>> -> memref<4x1024xf32, #tpu.memory_space<hbm>>
      tpu.enqueue_dma source(%arg16 : memref<4x1024xf32, #tpu.memory_space<vmem>>) target(%dma_start3A_649 : memref<4x1024xf32, #tpu.memory_space<hbm>>) target_semaphore(%arg29 : memref<!tpu.dma_semaphore, #tpu.memory_space<semaphore_mem>>)
      %dma_wait3A_650 = arith.constant 0 : i32
      %dma_wait3A_651 = arith.constant 0 : i32
      %dma_wait3A_652 = tpu.memref_slice %arg4[%dma_wait3A_650, %mul3A_2, %dma_wait3A_651] : memref<4x8192x1024xf32, #tpu.memory_space<hbm>> -> memref<1x4x1024xf32, #tpu.memory_space<hbm>>
      %dma_wait3A_653 = tpu.memref_squeeze %dma_wait3A_652 : memref<1x4x1024xf32, #tpu.memory_space<hbm>> -> memref<4x1024xf32, #tpu.memory_space<hbm>>
      %dma_wait3A_654 = arith.constant 0 : i32
      %dma_wait3A_655 = tpu.memref_slice %arg4[%dma_wait3A_650, %mul3A_2, %dma_wait3A_654] : memref<4x8192x1024xf32, #tpu.memory_space<hbm>> -> memref<1x4x1024xf32, #tpu.memory_space<hbm>>
      %dma_wait3A_656 = tpu.memref_squeeze %dma_wait3A_655 : memref<1x4x1024xf32, #tpu.memory_space<hbm>> -> memref<4x1024xf32, #tpu.memory_space<hbm>>
      tpu.wait_dma2 semaphore(%arg27 : memref<!tpu.dma_semaphore, #tpu.memory_space<semaphore_mem>>) src(%arg5 : memref<4x1024xf32, #tpu.memory_space<vmem>>) dst(%dma_wait3A_656 : memref<4x1024xf32, #tpu.memory_space<hbm>>)
      %dma_wait3A_657 = arith.constant 1 : i32
      %dma_wait3A_658 = arith.constant 0 : i32
      %dma_wait3A_659 = tpu.memref_slice %arg4[%dma_wait3A_657, %mul3A_2, %dma_wait3A_658] : memref<4x8192x1024xf32, #tpu.memory_space<hbm>> -> memref<1x4x1024xf32, #tpu.memory_space<hbm>>
      %dma_wait3A_660 = tpu.memref_squeeze %dma_wait3A_659 : memref<1x4x1024xf32, #tpu.memory_space<hbm>> -> memref<4x1024xf32, #tpu.memory_space<hbm>>
      %dma_wait3A_661 = arith.constant 0 : i32
      %dma_wait3A_662 = tpu.memref_slice %arg4[%dma_wait3A_657, %mul3A_2, %dma_wait3A_661] : memref<4x8192x1024xf32, #tpu.memory_space<hbm>> -> memref<1x4x1024xf32, #tpu.memory_space<hbm>>
      %dma_wait3A_663 = tpu.memref_squeeze %dma_wait3A_662 : memref<1x4x1024xf32, #tpu.memory_space<hbm>> -> memref<4x1024xf32, #tpu.memory_space<hbm>>
      tpu.wait_dma2 semaphore(%arg27 : memref<!tpu.dma_semaphore, #tpu.memory_space<semaphore_mem>>) src(%arg6 : memref<4x1024xf32, #tpu.memory_space<vmem>>) dst(%dma_wait3A_663 : memref<4x1024xf32, #tpu.memory_space<hbm>>)
      %dma_wait3A_664 = arith.constant 2 : i32
      %dma_wait3A_665 = arith.constant 0 : i32
      %dma_wait3A_666 = tpu.memref_slice %arg4[%dma_wait3A_664, %mul3A_2, %dma_wait3A_665] : memref<4x8192x1024xf32, #tpu.memory_space<hbm>> -> memref<1x4x1024xf32, #tpu.memory_space<hbm>>
      %dma_wait3A_667 = tpu.memref_squeeze %dma_wait3A_666 : memref<1x4x1024xf32, #tpu.memory_space<hbm>> -> memref<4x1024xf32, #tpu.memory_space<hbm>>
      %dma_wait3A_668 = arith.constant 0 : i32
      %dma_wait3A_669 = tpu.memref_slice %arg4[%dma_wait3A_664, %mul3A_2, %dma_wait3A_668] : memref<4x8192x1024xf32, #tpu.memory_space<hbm>> -> memref<1x4x1024xf32, #tpu.memory_space<hbm>>
      %dma_wait3A_670 = tpu.memref_squeeze %dma_wait3A_669 : memref<1x4x1024xf32, #tpu.memory_space<hbm>> -> memref<4x1024xf32, #tpu.memory_space<hbm>>
      tpu.wait_dma2 semaphore(%arg27 : memref<!tpu.dma_semaphore, #tpu.memory_space<semaphore_mem>>) src(%arg7 : memref<4x1024xf32, #tpu.memory_space<vmem>>) dst(%dma_wait3A_670 : memref<4x1024xf32, #tpu.memory_space<hbm>>)
      %dma_wait3A_671 = arith.constant 3 : i32
      %dma_wait3A_672 = arith.constant 0 : i32
      %dma_wait3A_673 = tpu.memref_slice %arg4[%dma_wait3A_671, %mul3A_2, %dma_wait3A_672] : memref<4x8192x1024xf32, #tpu.memory_space<hbm>> -> memref<1x4x1024xf32, #tpu.memory_space<hbm>>
      %dma_wait3A_674 = tpu.memref_squeeze %dma_wait3A_673 : memref<1x4x1024xf32, #tpu.memory_space<hbm>> -> memref<4x1024xf32, #tpu.memory_space<hbm>>
      %dma_wait3A_675 = arith.constant 0 : i32
      %dma_wait3A_676 = tpu.memref_slice %arg4[%dma_wait3A_671, %mul3A_2, %dma_wait3A_675] : memref<4x8192x1024xf32, #tpu.memory_space<hbm>> -> memref<1x4x1024xf32, #tpu.memory_space<hbm>>
      %dma_wait3A_677 = tpu.memref_squeeze %dma_wait3A_676 : memref<1x4x1024xf32, #tpu.memory_space<hbm>> -> memref<4x1024xf32, #tpu.memory_space<hbm>>
      tpu.wait_dma2 semaphore(%arg27 : memref<!tpu.dma_semaphore, #tpu.memory_space<semaphore_mem>>) src(%arg8 : memref<4x1024xf32, #tpu.memory_space<vmem>>) dst(%dma_wait3A_677 : memref<4x1024xf32, #tpu.memory_space<hbm>>)
      %add3A_678 = arith.constant 2 : i32
      %add3A_679 = arith.addi %add3A_565, %add3A_678 : i32
      %mul3A_680 = arith.constant 4 : i32
      %mul3A_681 = arith.muli %add3A_679, %mul3A_680 : i32
      %add3A_682 = arith.addi %mul3A_2, %mul3A_681 : i32
      %dma_start3A_683 = arith.constant 0 : i32
      %dma_start3A_684 = arith.constant 0 : i32
      %dma_start3A_685 = tpu.memref_slice %arg2[%dma_start3A_683, %add3A_682, %dma_start3A_684] : memref<4x8192x1024xf32, #tpu.memory_space<hbm>> -> memref<1x4x1024xf32, #tpu.memory_space<hbm>>
      %dma_start3A_686 = tpu.memref_squeeze %dma_start3A_685 : memref<1x4x1024xf32, #tpu.memory_space<hbm>> -> memref<4x1024xf32, #tpu.memory_space<hbm>>
      %dma_start3A_687 = arith.constant 0 : i32
      %dma_start3A_688 = tpu.memref_slice %arg2[%dma_start3A_683, %add3A_682, %dma_start3A_687] : memref<4x8192x1024xf32, #tpu.memory_space<hbm>> -> memref<1x4x1024xf32, #tpu.memory_space<hbm>>
      %dma_start3A_689 = tpu.memref_squeeze %dma_start3A_688 : memref<1x4x1024xf32, #tpu.memory_space<hbm>> -> memref<4x1024xf32, #tpu.memory_space<hbm>>
      tpu.enqueue_dma source(%dma_start3A_689 : memref<4x1024xf32, #tpu.memory_space<hbm>>) target(%arg5 : memref<4x1024xf32, #tpu.memory_space<vmem>>) target_semaphore(%arg23 : memref<!tpu.dma_semaphore, #tpu.memory_space<semaphore_mem>>)
      %mul3A_690 = arith.constant 4 : i32
      %mul3A_691 = arith.muli %add3A_679, %mul3A_690 : i32
      %add3A_692 = arith.addi %mul3A_2, %mul3A_691 : i32
      %dma_start3A_693 = arith.constant 1 : i32
      %dma_start3A_694 = arith.constant 0 : i32
      %dma_start3A_695 = tpu.memref_slice %arg2[%dma_start3A_693, %add3A_692, %dma_start3A_694] : memref<4x8192x1024xf32, #tpu.memory_space<hbm>> -> memref<1x4x1024xf32, #tpu.memory_space<hbm>>
      %dma_start3A_696 = tpu.memref_squeeze %dma_start3A_695 : memref<1x4x1024xf32, #tpu.memory_space<hbm>> -> memref<4x1024xf32, #tpu.memory_space<hbm>>
      %dma_start3A_697 = arith.constant 0 : i32
      %dma_start3A_698 = tpu.memref_slice %arg2[%dma_start3A_693, %add3A_692, %dma_start3A_697] : memref<4x8192x1024xf32, #tpu.memory_space<hbm>> -> memref<1x4x1024xf32, #tpu.memory_space<hbm>>
      %dma_start3A_699 = tpu.memref_squeeze %dma_start3A_698 : memref<1x4x1024xf32, #tpu.memory_space<hbm>> -> memref<4x1024xf32, #tpu.memory_space<hbm>>
      tpu.enqueue_dma source(%dma_start3A_699 : memref<4x1024xf32, #tpu.memory_space<hbm>>) target(%arg6 : memref<4x1024xf32, #tpu.memory_space<vmem>>) target_semaphore(%arg23 : memref<!tpu.dma_semaphore, #tpu.memory_space<semaphore_mem>>)
      %mul3A_700 = arith.constant 4 : i32
      %mul3A_701 = arith.muli %add3A_679, %mul3A_700 : i32
      %add3A_702 = arith.addi %mul3A_2, %mul3A_701 : i32
      %dma_start3A_703 = arith.constant 2 : i32
      %dma_start3A_704 = arith.constant 0 : i32
      %dma_start3A_705 = tpu.memref_slice %arg2[%dma_start3A_703, %add3A_702, %dma_start3A_704] : memref<4x8192x1024xf32, #tpu.memory_space<hbm>> -> memref<1x4x1024xf32, #tpu.memory_space<hbm>>
      %dma_start3A_706 = tpu.memref_squeeze %dma_start3A_705 : memref<1x4x1024xf32, #tpu.memory_space<hbm>> -> memref<4x1024xf32, #tpu.memory_space<hbm>>
      %dma_start3A_707 = arith.constant 0 : i32
      %dma_start3A_708 = tpu.memref_slice %arg2[%dma_start3A_703, %add3A_702, %dma_start3A_707] : memref<4x8192x1024xf32, #tpu.memory_space<hbm>> -> memref<1x4x1024xf32, #tpu.memory_space<hbm>>
      %dma_start3A_709 = tpu.memref_squeeze %dma_start3A_708 : memref<1x4x1024xf32, #tpu.memory_space<hbm>> -> memref<4x1024xf32, #tpu.memory_space<hbm>>
      tpu.enqueue_dma source(%dma_start3A_709 : memref<4x1024xf32, #tpu.memory_space<hbm>>) target(%arg7 : memref<4x1024xf32, #tpu.memory_space<vmem>>) target_semaphore(%arg23 : memref<!tpu.dma_semaphore, #tpu.memory_space<semaphore_mem>>)
      %mul3A_710 = arith.constant 4 : i32
      %mul3A_711 = arith.muli %add3A_679, %mul3A_710 : i32
      %add3A_712 = arith.addi %mul3A_2, %mul3A_711 : i32
      %dma_start3A_713 = arith.constant 3 : i32
      %dma_start3A_714 = arith.constant 0 : i32
      %dma_start3A_715 = tpu.memref_slice %arg2[%dma_start3A_713, %add3A_712, %dma_start3A_714] : memref<4x8192x1024xf32, #tpu.memory_space<hbm>> -> memref<1x4x1024xf32, #tpu.memory_space<hbm>>
      %dma_start3A_716 = tpu.memref_squeeze %dma_start3A_715 : memref<1x4x1024xf32, #tpu.memory_space<hbm>> -> memref<4x1024xf32, #tpu.memory_space<hbm>>
      %dma_start3A_717 = arith.constant 0 : i32
      %dma_start3A_718 = tpu.memref_slice %arg2[%dma_start3A_713, %add3A_712, %dma_start3A_717] : memref<4x8192x1024xf32, #tpu.memory_space<hbm>> -> memref<1x4x1024xf32, #tpu.memory_space<hbm>>
      %dma_start3A_719 = tpu.memref_squeeze %dma_start3A_718 : memref<1x4x1024xf32, #tpu.memory_space<hbm>> -> memref<4x1024xf32, #tpu.memory_space<hbm>>
      tpu.enqueue_dma source(%dma_start3A_719 : memref<4x1024xf32, #tpu.memory_space<hbm>>) target(%arg8 : memref<4x1024xf32, #tpu.memory_space<vmem>>) target_semaphore(%arg23 : memref<!tpu.dma_semaphore, #tpu.memory_space<semaphore_mem>>)
      %add3A_720 = arith.constant 1 : i32
      %add3A_721 = arith.addi %add3A_563, %add3A_720 : i32
      %add3A_722 = arith.constant 1 : i32
      %add3A_723 = arith.addi %add3A_721, %add3A_722 : i32
      %mul3A_724 = arith.constant 4 : i32
      %mul3A_725 = arith.muli %add3A_723, %mul3A_724 : i32
      %add3A_726 = arith.addi %mul3A_2, %mul3A_725 : i32
      %dma_start3A_727 = arith.constant 0 : i32
      %dma_start3A_728 = tpu.memref_slice %arg3[%add3A_726, %dma_start3A_727] : memref<8192x1024xf32, #tpu.memory_space<hbm>> -> memref<4x1024xf32, #tpu.memory_space<hbm>>
      %dma_start3A_729 = arith.constant 0 : i32
      %dma_start3A_730 = tpu.memref_slice %arg3[%add3A_726, %dma_start3A_729] : memref<8192x1024xf32, #tpu.memory_space<hbm>> -> memref<4x1024xf32, #tpu.memory_space<hbm>>
      tpu.enqueue_dma source(%dma_start3A_730 : memref<4x1024xf32, #tpu.memory_space<hbm>>) target(%arg21 : memref<4x1024xf32, #tpu.memory_space<vmem>>) target_semaphore(%arg31 : memref<!tpu.dma_semaphore, #tpu.memory_space<semaphore_mem>>)
      %dma_wait3A_731 = arith.constant 0 : i32
      %dma_wait3A_732 = tpu.memref_slice %arg3[%mul3A_2, %dma_wait3A_731] : memref<8192x1024xf32, #tpu.memory_space<hbm>> -> memref<4x1024xf32, #tpu.memory_space<hbm>>
      %dma_wait3A_733 = arith.constant 0 : i32
      %dma_wait3A_734 = tpu.memref_slice %arg3[%mul3A_2, %dma_wait3A_733] : memref<8192x1024xf32, #tpu.memory_space<hbm>> -> memref<4x1024xf32, #tpu.memory_space<hbm>>
      tpu.wait_dma2 semaphore(%arg31 : memref<!tpu.dma_semaphore, #tpu.memory_space<semaphore_mem>>) src(%dma_wait3A_734 : memref<4x1024xf32, #tpu.memory_space<hbm>>) dst(%arg22 : memref<4x1024xf32, #tpu.memory_space<vmem>>)
      %dma_wait3A_735 = arith.constant 0 : i32
      %dma_wait3A_736 = arith.constant 0 : i32
      %dma_wait3A_737 = tpu.memref_slice %arg2[%dma_wait3A_735, %mul3A_2, %dma_wait3A_736] : memref<4x8192x1024xf32, #tpu.memory_space<hbm>> -> memref<1x4x1024xf32, #tpu.memory_space<hbm>>
      %dma_wait3A_738 = tpu.memref_squeeze %dma_wait3A_737 : memref<1x4x1024xf32, #tpu.memory_space<hbm>> -> memref<4x1024xf32, #tpu.memory_space<hbm>>
      %dma_wait3A_739 = arith.constant 0 : i32
      %dma_wait3A_740 = tpu.memref_slice %arg2[%dma_wait3A_735, %mul3A_2, %dma_wait3A_739] : memref<4x8192x1024xf32, #tpu.memory_space<hbm>> -> memref<1x4x1024xf32, #tpu.memory_space<hbm>>
      %dma_wait3A_741 = tpu.memref_squeeze %dma_wait3A_740 : memref<1x4x1024xf32, #tpu.memory_space<hbm>> -> memref<4x1024xf32, #tpu.memory_space<hbm>>
      tpu.wait_dma2 semaphore(%arg26 : memref<!tpu.dma_semaphore, #tpu.memory_space<semaphore_mem>>) src(%dma_wait3A_741 : memref<4x1024xf32, #tpu.memory_space<hbm>>) dst(%arg17 : memref<4x1024xf32, #tpu.memory_space<vmem>>)
      %dma_wait3A_742 = arith.constant 1 : i32
      %dma_wait3A_743 = arith.constant 0 : i32
      %dma_wait3A_744 = tpu.memref_slice %arg2[%dma_wait3A_742, %mul3A_2, %dma_wait3A_743] : memref<4x8192x1024xf32, #tpu.memory_space<hbm>> -> memref<1x4x1024xf32, #tpu.memory_space<hbm>>
      %dma_wait3A_745 = tpu.memref_squeeze %dma_wait3A_744 : memref<1x4x1024xf32, #tpu.memory_space<hbm>> -> memref<4x1024xf32, #tpu.memory_space<hbm>>
      %dma_wait3A_746 = arith.constant 0 : i32
      %dma_wait3A_747 = tpu.memref_slice %arg2[%dma_wait3A_742, %mul3A_2, %dma_wait3A_746] : memref<4x8192x1024xf32, #tpu.memory_space<hbm>> -> memref<1x4x1024xf32, #tpu.memory_space<hbm>>
      %dma_wait3A_748 = tpu.memref_squeeze %dma_wait3A_747 : memref<1x4x1024xf32, #tpu.memory_space<hbm>> -> memref<4x1024xf32, #tpu.memory_space<hbm>>
      tpu.wait_dma2 semaphore(%arg26 : memref<!tpu.dma_semaphore, #tpu.memory_space<semaphore_mem>>) src(%dma_wait3A_748 : memref<4x1024xf32, #tpu.memory_space<hbm>>) dst(%arg18 : memref<4x1024xf32, #tpu.memory_space<vmem>>)
      %dma_wait3A_749 = arith.constant 2 : i32
      %dma_wait3A_750 = arith.constant 0 : i32
      %dma_wait3A_751 = tpu.memref_slice %arg2[%dma_wait3A_749, %mul3A_2, %dma_wait3A_750] : memref<4x8192x1024xf32, #tpu.memory_space<hbm>> -> memref<1x4x1024xf32, #tpu.memory_space<hbm>>
      %dma_wait3A_752 = tpu.memref_squeeze %dma_wait3A_751 : memref<1x4x1024xf32, #tpu.memory_space<hbm>> -> memref<4x1024xf32, #tpu.memory_space<hbm>>
      %dma_wait3A_753 = arith.constant 0 : i32
      %dma_wait3A_754 = tpu.memref_slice %arg2[%dma_wait3A_749, %mul3A_2, %dma_wait3A_753] : memref<4x8192x1024xf32, #tpu.memory_space<hbm>> -> memref<1x4x1024xf32, #tpu.memory_space<hbm>>
      %dma_wait3A_755 = tpu.memref_squeeze %dma_wait3A_754 : memref<1x4x1024xf32, #tpu.memory_space<hbm>> -> memref<4x1024xf32, #tpu.memory_space<hbm>>
      tpu.wait_dma2 semaphore(%arg26 : memref<!tpu.dma_semaphore, #tpu.memory_space<semaphore_mem>>) src(%dma_wait3A_755 : memref<4x1024xf32, #tpu.memory_space<hbm>>) dst(%arg19 : memref<4x1024xf32, #tpu.memory_space<vmem>>)
      %dma_wait3A_756 = arith.constant 3 : i32
      %dma_wait3A_757 = arith.constant 0 : i32
      %dma_wait3A_758 = tpu.memref_slice %arg2[%dma_wait3A_756, %mul3A_2, %dma_wait3A_757] : memref<4x8192x1024xf32, #tpu.memory_space<hbm>> -> memref<1x4x1024xf32, #tpu.memory_space<hbm>>
      %dma_wait3A_759 = tpu.memref_squeeze %dma_wait3A_758 : memref<1x4x1024xf32, #tpu.memory_space<hbm>> -> memref<4x1024xf32, #tpu.memory_space<hbm>>
      %dma_wait3A_760 = arith.constant 0 : i32
      %dma_wait3A_761 = tpu.memref_slice %arg2[%dma_wait3A_756, %mul3A_2, %dma_wait3A_760] : memref<4x8192x1024xf32, #tpu.memory_space<hbm>> -> memref<1x4x1024xf32, #tpu.memory_space<hbm>>
      %dma_wait3A_762 = tpu.memref_squeeze %dma_wait3A_761 : memref<1x4x1024xf32, #tpu.memory_space<hbm>> -> memref<4x1024xf32, #tpu.memory_space<hbm>>
      tpu.wait_dma2 semaphore(%arg26 : memref<!tpu.dma_semaphore, #tpu.memory_space<semaphore_mem>>) src(%dma_wait3A_762 : memref<4x1024xf32, #tpu.memory_space<hbm>>) dst(%arg20 : memref<4x1024xf32, #tpu.memory_space<vmem>>)
      %parallel_loop3A_763 = arith.constant 0 : i32
      %parallel_loop3A_764 = arith.constant 256 : i32
      %parallel_loop3A_765 = arith.constant 1 : i32
      scf.for %parallel_loop3A_1188 = %parallel_loop3A_763 to %parallel_loop3A_764 step %parallel_loop3A_765  : i32 {
        %parallel_loop3A_1189 = arith.constant 6 : i32
        %parallel_loop3A_1190 = arith.shrsi %parallel_loop3A_1188, %parallel_loop3A_1189 : i32
        %parallel_loop3A_1191 = arith.constant 63 : i32
        %parallel_loop3A_1192 = arith.andi %parallel_loop3A_1188, %parallel_loop3A_1191 : i32
        %parallel_loop3A_1193 = arith.constant 16 : i32
        %parallel_loop3A_1194 = arith.muli %parallel_loop3A_1192, %parallel_loop3A_1193 : i32
        %parallel_loop3A_1195 = arith.index_cast %parallel_loop3A_1190 : i32 to index
        %parallel_loop3A_1196 = arith.index_cast %parallel_loop3A_1194 : i32 to index
        %parallel_loop3A_1197 = tpu.vector_load %arg22[%parallel_loop3A_1195, %parallel_loop3A_1196] {strides = array<i32>} : memref<4x1024xf32, #tpu.memory_space<vmem>>, vector<1x16xf32>,
        %parallel_loop3A_1198 = vector.shape_cast %parallel_loop3A_1197 : vector<1x16xf32> to vector<16xf32>
        %parallel_loop3A_1199 = arith.index_cast %parallel_loop3A_1190 : i32 to index
        %parallel_loop3A_1200 = arith.index_cast %parallel_loop3A_1194 : i32 to index
        %parallel_loop3A_1201 = tpu.vector_load %arg17[%parallel_loop3A_1199, %parallel_loop3A_1200] {strides = array<i32>} : memref<4x1024xf32, #tpu.memory_space<vmem>>, vector<1x16xf32>,
        %parallel_loop3A_1202 = vector.shape_cast %parallel_loop3A_1201 : vector<1x16xf32> to vector<16xf32>
        %parallel_loop3A_1203 = arith.constant 3.200000e+01 : f32
        %parallel_loop3A_1204 = vector.broadcast %parallel_loop3A_1203 : f32 to vector<16xf32>
        %parallel_loop3A_1205 = arith.mulf %parallel_loop3A_1202, %parallel_loop3A_1204 : vector<16xf32>
        %parallel_loop3A_1206 = arith.addf %parallel_loop3A_1205, %parallel_loop3A_1198 : vector<16xf32>
        %parallel_loop3A_1207 = arith.index_cast %parallel_loop3A_1190 : i32 to index
        %parallel_loop3A_1208 = arith.index_cast %parallel_loop3A_1194 : i32 to index
        %parallel_loop3A_1209 = tpu.vector_load %arg17[%parallel_loop3A_1207, %parallel_loop3A_1208] {strides = array<i32>} : memref<4x1024xf32, #tpu.memory_space<vmem>>, vector<1x16xf32>,
        %parallel_loop3A_1210 = vector.shape_cast %parallel_loop3A_1209 : vector<1x16xf32> to vector<16xf32>
        %parallel_loop3A_1211 = vector.shape_cast %parallel_loop3A_1206 : vector<16xf32> to vector<1x16xf32>
        tpu.vector_store %arg17[%parallel_loop3A_1207, %parallel_loop3A_1208], %parallel_loop3A_1211 {strides = array<i32>} : memref<4x1024xf32, #tpu.memory_space<vmem>>, vector<1x16xf32>,
        %parallel_loop3A_1212 = arith.index_cast %parallel_loop3A_1190 : i32 to index
        %parallel_loop3A_1213 = arith.index_cast %parallel_loop3A_1194 : i32 to index
        %parallel_loop3A_1214 = tpu.vector_load %arg18[%parallel_loop3A_1212, %parallel_loop3A_1213] {strides = array<i32>} : memref<4x1024xf32, #tpu.memory_space<vmem>>, vector<1x16xf32>,
        %parallel_loop3A_1215 = vector.shape_cast %parallel_loop3A_1214 : vector<1x16xf32> to vector<16xf32>
        %parallel_loop3A_1216 = arith.constant 3.200000e+01 : f32
        %parallel_loop3A_1217 = vector.broadcast %parallel_loop3A_1216 : f32 to vector<16xf32>
        %parallel_loop3A_1218 = arith.mulf %parallel_loop3A_1215, %parallel_loop3A_1217 : vector<16xf32>
        %parallel_loop3A_1219 = arith.addf %parallel_loop3A_1218, %parallel_loop3A_1198 : vector<16xf32>
        %parallel_loop3A_1220 = arith.index_cast %parallel_loop3A_1190 : i32 to index
        %parallel_loop3A_1221 = arith.index_cast %parallel_loop3A_1194 : i32 to index
        %parallel_loop3A_1222 = tpu.vector_load %arg18[%parallel_loop3A_1220, %parallel_loop3A_1221] {strides = array<i32>} : memref<4x1024xf32, #tpu.memory_space<vmem>>, vector<1x16xf32>,
        %parallel_loop3A_1223 = vector.shape_cast %parallel_loop3A_1222 : vector<1x16xf32> to vector<16xf32>
        %parallel_loop3A_1224 = vector.shape_cast %parallel_loop3A_1219 : vector<16xf32> to vector<1x16xf32>
        tpu.vector_store %arg18[%parallel_loop3A_1220, %parallel_loop3A_1221], %parallel_loop3A_1224 {strides = array<i32>} : memref<4x1024xf32, #tpu.memory_space<vmem>>, vector<1x16xf32>,
        %parallel_loop3A_1225 = arith.index_cast %parallel_loop3A_1190 : i32 to index
        %parallel_loop3A_1226 = arith.index_cast %parallel_loop3A_1194 : i32 to index
        %parallel_loop3A_1227 = tpu.vector_load %arg19[%parallel_loop3A_1225, %parallel_loop3A_1226] {strides = array<i32>} : memref<4x1024xf32, #tpu.memory_space<vmem>>, vector<1x16xf32>,
        %parallel_loop3A_1228 = vector.shape_cast %parallel_loop3A_1227 : vector<1x16xf32> to vector<16xf32>
        %parallel_loop3A_1229 = arith.constant 3.200000e+01 : f32
        %parallel_loop3A_1230 = vector.broadcast %parallel_loop3A_1229 : f32 to vector<16xf32>
        %parallel_loop3A_1231 = arith.mulf %parallel_loop3A_1228, %parallel_loop3A_1230 : vector<16xf32>
        %parallel_loop3A_1232 = arith.addf %parallel_loop3A_1231, %parallel_loop3A_1198 : vector<16xf32>
        %parallel_loop3A_1233 = arith.index_cast %parallel_loop3A_1190 : i32 to index
        %parallel_loop3A_1234 = arith.index_cast %parallel_loop3A_1194 : i32 to index
        %parallel_loop3A_1235 = tpu.vector_load %arg19[%parallel_loop3A_1233, %parallel_loop3A_1234] {strides = array<i32>} : memref<4x1024xf32, #tpu.memory_space<vmem>>, vector<1x16xf32>,
        %parallel_loop3A_1236 = vector.shape_cast %parallel_loop3A_1235 : vector<1x16xf32> to vector<16xf32>
        %parallel_loop3A_1237 = vector.shape_cast %parallel_loop3A_1232 : vector<16xf32> to vector<1x16xf32>
        tpu.vector_store %arg19[%parallel_loop3A_1233, %parallel_loop3A_1234], %parallel_loop3A_1237 {strides = array<i32>} : memref<4x1024xf32, #tpu.memory_space<vmem>>, vector<1x16xf32>,
        %parallel_loop3A_1238 = arith.index_cast %parallel_loop3A_1190 : i32 to index
        %parallel_loop3A_1239 = arith.index_cast %parallel_loop3A_1194 : i32 to index
        %parallel_loop3A_1240 = tpu.vector_load %arg20[%parallel_loop3A_1238, %parallel_loop3A_1239] {strides = array<i32>} : memref<4x1024xf32, #tpu.memory_space<vmem>>, vector<1x16xf32>,
        %parallel_loop3A_1241 = vector.shape_cast %parallel_loop3A_1240 : vector<1x16xf32> to vector<16xf32>
        %parallel_loop3A_1242 = arith.constant 3.200000e+01 : f32
        %parallel_loop3A_1243 = vector.broadcast %parallel_loop3A_1242 : f32 to vector<16xf32>
        %parallel_loop3A_1244 = arith.mulf %parallel_loop3A_1241, %parallel_loop3A_1243 : vector<16xf32>
        %parallel_loop3A_1245 = arith.addf %parallel_loop3A_1244, %parallel_loop3A_1198 : vector<16xf32>
        %parallel_loop3A_1246 = arith.index_cast %parallel_loop3A_1190 : i32 to index
        %parallel_loop3A_1247 = arith.index_cast %parallel_loop3A_1194 : i32 to index
        %parallel_loop3A_1248 = tpu.vector_load %arg20[%parallel_loop3A_1246, %parallel_loop3A_1247] {strides = array<i32>} : memref<4x1024xf32, #tpu.memory_space<vmem>>, vector<1x16xf32>,
        %parallel_loop3A_1249 = vector.shape_cast %parallel_loop3A_1248 : vector<1x16xf32> to vector<16xf32>
        %parallel_loop3A_1250 = vector.shape_cast %parallel_loop3A_1245 : vector<16xf32> to vector<1x16xf32>
        tpu.vector_store %arg20[%parallel_loop3A_1246, %parallel_loop3A_1247], %parallel_loop3A_1250 {strides = array<i32>} : memref<4x1024xf32, #tpu.memory_space<vmem>>, vector<1x16xf32>,
      } {sc.loop_unroll_factor = 2 : i64, sc.parallel_access}
      %mul3A_766 = arith.constant 4 : i32
      %mul3A_767 = arith.muli %add3A_721, %mul3A_766 : i32
      %add3A_768 = arith.addi %mul3A_2, %mul3A_767 : i32
      %dma_start3A_769 = arith.constant 0 : i32
      %dma_start3A_770 = arith.constant 0 : i32
      %dma_start3A_771 = tpu.memref_slice %arg4[%dma_start3A_769, %add3A_768, %dma_start3A_770] : memref<4x8192x1024xf32, #tpu.memory_space<hbm>> -> memref<1x4x1024xf32, #tpu.memory_space<hbm>>
      %dma_start3A_772 = tpu.memref_squeeze %dma_start3A_771 : memref<1x4x1024xf32, #tpu.memory_space<hbm>> -> memref<4x1024xf32, #tpu.memory_space<hbm>>
      %dma_start3A_773 = arith.constant 0 : i32
      %dma_start3A_774 = tpu.memref_slice %arg4[%dma_start3A_769, %add3A_768, %dma_start3A_773] : memref<4x8192x1024xf32, #tpu.memory_space<hbm>> -> memref<1x4x1024xf32, #tpu.memory_space<hbm>>
      %dma_start3A_775 = tpu.memref_squeeze %dma_start3A_774 : memref<1x4x1024xf32, #tpu.memory_space<hbm>> -> memref<4x1024xf32, #tpu.memory_space<hbm>>
      tpu.enqueue_dma source(%arg17 : memref<4x1024xf32, #tpu.memory_space<vmem>>) target(%dma_start3A_775 : memref<4x1024xf32, #tpu.memory_space<hbm>>) target_semaphore(%arg30 : memref<!tpu.dma_semaphore, #tpu.memory_space<semaphore_mem>>)
      %mul3A_776 = arith.constant 4 : i32
      %mul3A_777 = arith.muli %add3A_721, %mul3A_776 : i32
      %add3A_778 = arith.addi %mul3A_2, %mul3A_777 : i32
      %dma_start3A_779 = arith.constant 1 : i32
      %dma_start3A_780 = arith.constant 0 : i32
      %dma_start3A_781 = tpu.memref_slice %arg4[%dma_start3A_779, %add3A_778, %dma_start3A_780] : memref<4x8192x1024xf32, #tpu.memory_space<hbm>> -> memref<1x4x1024xf32, #tpu.memory_space<hbm>>
      %dma_start3A_782 = tpu.memref_squeeze %dma_start3A_781 : memref<1x4x1024xf32, #tpu.memory_space<hbm>> -> memref<4x1024xf32, #tpu.memory_space<hbm>>
      %dma_start3A_783 = arith.constant 0 : i32
      %dma_start3A_784 = tpu.memref_slice %arg4[%dma_start3A_779, %add3A_778, %dma_start3A_783] : memref<4x8192x1024xf32, #tpu.memory_space<hbm>> -> memref<1x4x1024xf32, #tpu.memory_space<hbm>>
      %dma_start3A_785 = tpu.memref_squeeze %dma_start3A_784 : memref<1x4x1024xf32, #tpu.memory_space<hbm>> -> memref<4x1024xf32, #tpu.memory_space<hbm>>
      tpu.enqueue_dma source(%arg18 : memref<4x1024xf32, #tpu.memory_space<vmem>>) target(%dma_start3A_785 : memref<4x1024xf32, #tpu.memory_space<hbm>>) target_semaphore(%arg30 : memref<!tpu.dma_semaphore, #tpu.memory_space<semaphore_mem>>)
      %mul3A_786 = arith.constant 4 : i32
      %mul3A_787 = arith.muli %add3A_721, %mul3A_786 : i32
      %add3A_788 = arith.addi %mul3A_2, %mul3A_787 : i32
      %dma_start3A_789 = arith.constant 2 : i32
      %dma_start3A_790 = arith.constant 0 : i32
      %dma_start3A_791 = tpu.memref_slice %arg4[%dma_start3A_789, %add3A_788, %dma_start3A_790] : memref<4x8192x1024xf32, #tpu.memory_space<hbm>> -> memref<1x4x1024xf32, #tpu.memory_space<hbm>>
      %dma_start3A_792 = tpu.memref_squeeze %dma_start3A_791 : memref<1x4x1024xf32, #tpu.memory_space<hbm>> -> memref<4x1024xf32, #tpu.memory_space<hbm>>
      %dma_start3A_793 = arith.constant 0 : i32
      %dma_start3A_794 = tpu.memref_slice %arg4[%dma_start3A_789, %add3A_788, %dma_start3A_793] : memref<4x8192x1024xf32, #tpu.memory_space<hbm>> -> memref<1x4x1024xf32, #tpu.memory_space<hbm>>
      %dma_start3A_795 = tpu.memref_squeeze %dma_start3A_794 : memref<1x4x1024xf32, #tpu.memory_space<hbm>> -> memref<4x1024xf32, #tpu.memory_space<hbm>>
      tpu.enqueue_dma source(%arg19 : memref<4x1024xf32, #tpu.memory_space<vmem>>) target(%dma_start3A_795 : memref<4x1024xf32, #tpu.memory_space<hbm>>) target_semaphore(%arg30 : memref<!tpu.dma_semaphore, #tpu.memory_space<semaphore_mem>>)
      %mul3A_796 = arith.constant 4 : i32
      %mul3A_797 = arith.muli %add3A_721, %mul3A_796 : i32
      %add3A_798 = arith.addi %mul3A_2, %mul3A_797 : i32
      %dma_start3A_799 = arith.constant 3 : i32
      %dma_start3A_800 = arith.constant 0 : i32
      %dma_start3A_801 = tpu.memref_slice %arg4[%dma_start3A_799, %add3A_798, %dma_start3A_800] : memref<4x8192x1024xf32, #tpu.memory_space<hbm>> -> memref<1x4x1024xf32, #tpu.memory_space<hbm>>
      %dma_start3A_802 = tpu.memref_squeeze %dma_start3A_801 : memref<1x4x1024xf32, #tpu.memory_space<hbm>> -> memref<4x1024xf32, #tpu.memory_space<hbm>>
      %dma_start3A_803 = arith.constant 0 : i32
      %dma_start3A_804 = tpu.memref_slice %arg4[%dma_start3A_799, %add3A_798, %dma_start3A_803] : memref<4x8192x1024xf32, #tpu.memory_space<hbm>> -> memref<1x4x1024xf32, #tpu.memory_space<hbm>>
      %dma_start3A_805 = tpu.memref_squeeze %dma_start3A_804 : memref<1x4x1024xf32, #tpu.memory_space<hbm>> -> memref<4x1024xf32, #tpu.memory_space<hbm>>
      tpu.enqueue_dma source(%arg20 : memref<4x1024xf32, #tpu.memory_space<vmem>>) target(%dma_start3A_805 : memref<4x1024xf32, #tpu.memory_space<hbm>>) target_semaphore(%arg30 : memref<!tpu.dma_semaphore, #tpu.memory_space<semaphore_mem>>)
      %dma_wait3A_806 = arith.constant 0 : i32
      %dma_wait3A_807 = arith.constant 0 : i32
      %dma_wait3A_808 = tpu.memref_slice %arg4[%dma_wait3A_806, %mul3A_2, %dma_wait3A_807] : memref<4x8192x1024xf32, #tpu.memory_space<hbm>> -> memref<1x4x1024xf32, #tpu.memory_space<hbm>>
      %dma_wait3A_809 = tpu.memref_squeeze %dma_wait3A_808 : memref<1x4x1024xf32, #tpu.memory_space<hbm>> -> memref<4x1024xf32, #tpu.memory_space<hbm>>
      %dma_wait3A_810 = arith.constant 0 : i32
      %dma_wait3A_811 = tpu.memref_slice %arg4[%dma_wait3A_806, %mul3A_2, %dma_wait3A_810] : memref<4x8192x1024xf32, #tpu.memory_space<hbm>> -> memref<1x4x1024xf32, #tpu.memory_space<hbm>>
      %dma_wait3A_812 = tpu.memref_squeeze %dma_wait3A_811 : memref<1x4x1024xf32, #tpu.memory_space<hbm>> -> memref<4x1024xf32, #tpu.memory_space<hbm>>
      tpu.wait_dma2 semaphore(%arg28 : memref<!tpu.dma_semaphore, #tpu.memory_space<semaphore_mem>>) src(%arg9 : memref<4x1024xf32, #tpu.memory_space<vmem>>) dst(%dma_wait3A_812 : memref<4x1024xf32, #tpu.memory_space<hbm>>)
      %dma_wait3A_813 = arith.constant 1 : i32
      %dma_wait3A_814 = arith.constant 0 : i32
      %dma_wait3A_815 = tpu.memref_slice %arg4[%dma_wait3A_813, %mul3A_2, %dma_wait3A_814] : memref<4x8192x1024xf32, #tpu.memory_space<hbm>> -> memref<1x4x1024xf32, #tpu.memory_space<hbm>>
      %dma_wait3A_816 = tpu.memref_squeeze %dma_wait3A_815 : memref<1x4x1024xf32, #tpu.memory_space<hbm>> -> memref<4x1024xf32, #tpu.memory_space<hbm>>
      %dma_wait3A_817 = arith.constant 0 : i32
      %dma_wait3A_818 = tpu.memref_slice %arg4[%dma_wait3A_813, %mul3A_2, %dma_wait3A_817] : memref<4x8192x1024xf32, #tpu.memory_space<hbm>> -> memref<1x4x1024xf32, #tpu.memory_space<hbm>>
      %dma_wait3A_819 = tpu.memref_squeeze %dma_wait3A_818 : memref<1x4x1024xf32, #tpu.memory_space<hbm>> -> memref<4x1024xf32, #tpu.memory_space<hbm>>
      tpu.wait_dma2 semaphore(%arg28 : memref<!tpu.dma_semaphore, #tpu.memory_space<semaphore_mem>>) src(%arg10 : memref<4x1024xf32, #tpu.memory_space<vmem>>) dst(%dma_wait3A_819 : memref<4x1024xf32, #tpu.memory_space<hbm>>)
      %dma_wait3A_820 = arith.constant 2 : i32
      %dma_wait3A_821 = arith.constant 0 : i32
      %dma_wait3A_822 = tpu.memref_slice %arg4[%dma_wait3A_820, %mul3A_2, %dma_wait3A_821] : memref<4x8192x1024xf32, #tpu.memory_space<hbm>> -> memref<1x4x1024xf32, #tpu.memory_space<hbm>>
      %dma_wait3A_823 = tpu.memref_squeeze %dma_wait3A_822 : memref<1x4x1024xf32, #tpu.memory_space<hbm>> -> memref<4x1024xf32, #tpu.memory_space<hbm>>
      %dma_wait3A_824 = arith.constant 0 : i32
      %dma_wait3A_825 = tpu.memref_slice %arg4[%dma_wait3A_820, %mul3A_2, %dma_wait3A_824] : memref<4x8192x1024xf32, #tpu.memory_space<hbm>> -> memref<1x4x1024xf32, #tpu.memory_space<hbm>>
      %dma_wait3A_826 = tpu.memref_squeeze %dma_wait3A_825 : memref<1x4x1024xf32, #tpu.memory_space<hbm>> -> memref<4x1024xf32, #tpu.memory_space<hbm>>
      tpu.wait_dma2 semaphore(%arg28 : memref<!tpu.dma_semaphore, #tpu.memory_space<semaphore_mem>>) src(%arg11 : memref<4x1024xf32, #tpu.memory_space<vmem>>) dst(%dma_wait3A_826 : memref<4x1024xf32, #tpu.memory_space<hbm>>)
      %dma_wait3A_827 = arith.constant 3 : i32
      %dma_wait3A_828 = arith.constant 0 : i32
      %dma_wait3A_829 = tpu.memref_slice %arg4[%dma_wait3A_827, %mul3A_2, %dma_wait3A_828] : memref<4x8192x1024xf32, #tpu.memory_space<hbm>> -> memref<1x4x1024xf32, #tpu.memory_space<hbm>>
      %dma_wait3A_830 = tpu.memref_squeeze %dma_wait3A_829 : memref<1x4x1024xf32, #tpu.memory_space<hbm>> -> memref<4x1024xf32, #tpu.memory_space<hbm>>
      %dma_wait3A_831 = arith.constant 0 : i32
      %dma_wait3A_832 = tpu.memref_slice %arg4[%dma_wait3A_827, %mul3A_2, %dma_wait3A_831] : memref<4x8192x1024xf32, #tpu.memory_space<hbm>> -> memref<1x4x1024xf32, #tpu.memory_space<hbm>>
      %dma_wait3A_833 = tpu.memref_squeeze %dma_wait3A_832 : memref<1x4x1024xf32, #tpu.memory_space<hbm>> -> memref<4x1024xf32, #tpu.memory_space<hbm>>
      tpu.wait_dma2 semaphore(%arg28 : memref<!tpu.dma_semaphore, #tpu.memory_space<semaphore_mem>>) src(%arg12 : memref<4x1024xf32, #tpu.memory_space<vmem>>) dst(%dma_wait3A_833 : memref<4x1024xf32, #tpu.memory_space<hbm>>)
      %add3A_834 = arith.constant 2 : i32
      %add3A_835 = arith.addi %add3A_721, %add3A_834 : i32
      %mul3A_836 = arith.constant 4 : i32
      %mul3A_837 = arith.muli %add3A_835, %mul3A_836 : i32
      %add3A_838 = arith.addi %mul3A_2, %mul3A_837 : i32
      %dma_start3A_839 = arith.constant 0 : i32
      %dma_start3A_840 = arith.constant 0 : i32
      %dma_start3A_841 = tpu.memref_slice %arg2[%dma_start3A_839, %add3A_838, %dma_start3A_840] : memref<4x8192x1024xf32, #tpu.memory_space<hbm>> -> memref<1x4x1024xf32, #tpu.memory_space<hbm>>
      %dma_start3A_842 = tpu.memref_squeeze %dma_start3A_841 : memref<1x4x1024xf32, #tpu.memory_space<hbm>> -> memref<4x1024xf32, #tpu.memory_space<hbm>>
      %dma_start3A_843 = arith.constant 0 : i32
      %dma_start3A_844 = tpu.memref_slice %arg2[%dma_start3A_839, %add3A_838, %dma_start3A_843] : memref<4x8192x1024xf32, #tpu.memory_space<hbm>> -> memref<1x4x1024xf32, #tpu.memory_space<hbm>>
      %dma_start3A_845 = tpu.memref_squeeze %dma_start3A_844 : memref<1x4x1024xf32, #tpu.memory_space<hbm>> -> memref<4x1024xf32, #tpu.memory_space<hbm>>
      tpu.enqueue_dma source(%dma_start3A_845 : memref<4x1024xf32, #tpu.memory_space<hbm>>) target(%arg9 : memref<4x1024xf32, #tpu.memory_space<vmem>>) target_semaphore(%arg24 : memref<!tpu.dma_semaphore, #tpu.memory_space<semaphore_mem>>)
      %mul3A_846 = arith.constant 4 : i32
      %mul3A_847 = arith.muli %add3A_835, %mul3A_846 : i32
      %add3A_848 = arith.addi %mul3A_2, %mul3A_847 : i32
      %dma_start3A_849 = arith.constant 1 : i32
      %dma_start3A_850 = arith.constant 0 : i32
      %dma_start3A_851 = tpu.memref_slice %arg2[%dma_start3A_849, %add3A_848, %dma_start3A_850] : memref<4x8192x1024xf32, #tpu.memory_space<hbm>> -> memref<1x4x1024xf32, #tpu.memory_space<hbm>>
      %dma_start3A_852 = tpu.memref_squeeze %dma_start3A_851 : memref<1x4x1024xf32, #tpu.memory_space<hbm>> -> memref<4x1024xf32, #tpu.memory_space<hbm>>
      %dma_start3A_853 = arith.constant 0 : i32
      %dma_start3A_854 = tpu.memref_slice %arg2[%dma_start3A_849, %add3A_848, %dma_start3A_853] : memref<4x8192x1024xf32, #tpu.memory_space<hbm>> -> memref<1x4x1024xf32, #tpu.memory_space<hbm>>
      %dma_start3A_855 = tpu.memref_squeeze %dma_start3A_854 : memref<1x4x1024xf32, #tpu.memory_space<hbm>> -> memref<4x1024xf32, #tpu.memory_space<hbm>>
      tpu.enqueue_dma source(%dma_start3A_855 : memref<4x1024xf32, #tpu.memory_space<hbm>>) target(%arg10 : memref<4x1024xf32, #tpu.memory_space<vmem>>) target_semaphore(%arg24 : memref<!tpu.dma_semaphore, #tpu.memory_space<semaphore_mem>>)
      %mul3A_856 = arith.constant 4 : i32
      %mul3A_857 = arith.muli %add3A_835, %mul3A_856 : i32
      %add3A_858 = arith.addi %mul3A_2, %mul3A_857 : i32
      %dma_start3A_859 = arith.constant 2 : i32
      %dma_start3A_860 = arith.constant 0 : i32
      %dma_start3A_861 = tpu.memref_slice %arg2[%dma_start3A_859, %add3A_858, %dma_start3A_860] : memref<4x8192x1024xf32, #tpu.memory_space<hbm>> -> memref<1x4x1024xf32, #tpu.memory_space<hbm>>
      %dma_start3A_862 = tpu.memref_squeeze %dma_start3A_861 : memref<1x4x1024xf32, #tpu.memory_space<hbm>> -> memref<4x1024xf32, #tpu.memory_space<hbm>>
      %dma_start3A_863 = arith.constant 0 : i32
      %dma_start3A_864 = tpu.memref_slice %arg2[%dma_start3A_859, %add3A_858, %dma_start3A_863] : memref<4x8192x1024xf32, #tpu.memory_space<hbm>> -> memref<1x4x1024xf32, #tpu.memory_space<hbm>>
      %dma_start3A_865 = tpu.memref_squeeze %dma_start3A_864 : memref<1x4x1024xf32, #tpu.memory_space<hbm>> -> memref<4x1024xf32, #tpu.memory_space<hbm>>
      tpu.enqueue_dma source(%dma_start3A_865 : memref<4x1024xf32, #tpu.memory_space<hbm>>) target(%arg11 : memref<4x1024xf32, #tpu.memory_space<vmem>>) target_semaphore(%arg24 : memref<!tpu.dma_semaphore, #tpu.memory_space<semaphore_mem>>)
      %mul3A_866 = arith.constant 4 : i32
      %mul3A_867 = arith.muli %add3A_835, %mul3A_866 : i32
      %add3A_868 = arith.addi %mul3A_2, %mul3A_867 : i32
      %dma_start3A_869 = arith.constant 3 : i32
      %dma_start3A_870 = arith.constant 0 : i32
      %dma_start3A_871 = tpu.memref_slice %arg2[%dma_start3A_869, %add3A_868, %dma_start3A_870] : memref<4x8192x1024xf32, #tpu.memory_space<hbm>> -> memref<1x4x1024xf32, #tpu.memory_space<hbm>>
      %dma_start3A_872 = tpu.memref_squeeze %dma_start3A_871 : memref<1x4x1024xf32, #tpu.memory_space<hbm>> -> memref<4x1024xf32, #tpu.memory_space<hbm>>
      %dma_start3A_873 = arith.constant 0 : i32
      %dma_start3A_874 = tpu.memref_slice %arg2[%dma_start3A_869, %add3A_868, %dma_start3A_873] : memref<4x8192x1024xf32, #tpu.memory_space<hbm>> -> memref<1x4x1024xf32, #tpu.memory_space<hbm>>
      %dma_start3A_875 = tpu.memref_squeeze %dma_start3A_874 : memref<1x4x1024xf32, #tpu.memory_space<hbm>> -> memref<4x1024xf32, #tpu.memory_space<hbm>>
      tpu.enqueue_dma source(%dma_start3A_875 : memref<4x1024xf32, #tpu.memory_space<hbm>>) target(%arg12 : memref<4x1024xf32, #tpu.memory_space<vmem>>) target_semaphore(%arg24 : memref<!tpu.dma_semaphore, #tpu.memory_space<semaphore_mem>>)
      %add3A_876 = arith.constant 2 : i32
      %add3A_877 = arith.addi %add3A_563, %add3A_876 : i32
      %add3A_878 = arith.constant 1 : i32
      %add3A_879 = arith.addi %add3A_877, %add3A_878 : i32
      %mul3A_880 = arith.constant 4 : i32
      %mul3A_881 = arith.muli %add3A_879, %mul3A_880 : i32
      %add3A_882 = arith.addi %mul3A_2, %mul3A_881 : i32
      %dma_start3A_883 = arith.constant 0 : i32
      %dma_start3A_884 = tpu.memref_slice %arg3[%add3A_882, %dma_start3A_883] : memref<8192x1024xf32, #tpu.memory_space<hbm>> -> memref<4x1024xf32, #tpu.memory_space<hbm>>
      %dma_start3A_885 = arith.constant 0 : i32
      %dma_start3A_886 = tpu.memref_slice %arg3[%add3A_882, %dma_start3A_885] : memref<8192x1024xf32, #tpu.memory_space<hbm>> -> memref<4x1024xf32, #tpu.memory_space<hbm>>
      tpu.enqueue_dma source(%dma_start3A_886 : memref<4x1024xf32, #tpu.memory_space<hbm>>) target(%arg22 : memref<4x1024xf32, #tpu.memory_space<vmem>>) target_semaphore(%arg31 : memref<!tpu.dma_semaphore, #tpu.memory_space<semaphore_mem>>)
      %dma_wait3A_887 = arith.constant 0 : i32
      %dma_wait3A_888 = tpu.memref_slice %arg3[%mul3A_2, %dma_wait3A_887] : memref<8192x1024xf32, #tpu.memory_space<hbm>> -> memref<4x1024xf32, #tpu.memory_space<hbm>>
      %dma_wait3A_889 = arith.constant 0 : i32
      %dma_wait3A_890 = tpu.memref_slice %arg3[%mul3A_2, %dma_wait3A_889] : memref<8192x1024xf32, #tpu.memory_space<hbm>> -> memref<4x1024xf32, #tpu.memory_space<hbm>>
      tpu.wait_dma2 semaphore(%arg31 : memref<!tpu.dma_semaphore, #tpu.memory_space<semaphore_mem>>) src(%dma_wait3A_890 : memref<4x1024xf32, #tpu.memory_space<hbm>>) dst(%arg21 : memref<4x1024xf32, #tpu.memory_space<vmem>>)
      %dma_wait3A_891 = arith.constant 0 : i32
      %dma_wait3A_892 = arith.constant 0 : i32
      %dma_wait3A_893 = tpu.memref_slice %arg2[%dma_wait3A_891, %mul3A_2, %dma_wait3A_892] : memref<4x8192x1024xf32, #tpu.memory_space<hbm>> -> memref<1x4x1024xf32, #tpu.memory_space<hbm>>
      %dma_wait3A_894 = tpu.memref_squeeze %dma_wait3A_893 : memref<1x4x1024xf32, #tpu.memory_space<hbm>> -> memref<4x1024xf32, #tpu.memory_space<hbm>>
      %dma_wait3A_895 = arith.constant 0 : i32
      %dma_wait3A_896 = tpu.memref_slice %arg2[%dma_wait3A_891, %mul3A_2, %dma_wait3A_895] : memref<4x8192x1024xf32, #tpu.memory_space<hbm>> -> memref<1x4x1024xf32, #tpu.memory_space<hbm>>
      %dma_wait3A_897 = tpu.memref_squeeze %dma_wait3A_896 : memref<1x4x1024xf32, #tpu.memory_space<hbm>> -> memref<4x1024xf32, #tpu.memory_space<hbm>>
      tpu.wait_dma2 semaphore(%arg23 : memref<!tpu.dma_semaphore, #tpu.memory_space<semaphore_mem>>) src(%dma_wait3A_897 : memref<4x1024xf32, #tpu.memory_space<hbm>>) dst(%arg5 : memref<4x1024xf32, #tpu.memory_space<vmem>>)
      %dma_wait3A_898 = arith.constant 1 : i32
      %dma_wait3A_899 = arith.constant 0 : i32
      %dma_wait3A_900 = tpu.memref_slice %arg2[%dma_wait3A_898, %mul3A_2, %dma_wait3A_899] : memref<4x8192x1024xf32, #tpu.memory_space<hbm>> -> memref<1x4x1024xf32, #tpu.memory_space<hbm>>
      %dma_wait3A_901 = tpu.memref_squeeze %dma_wait3A_900 : memref<1x4x1024xf32, #tpu.memory_space<hbm>> -> memref<4x1024xf32, #tpu.memory_space<hbm>>
      %dma_wait3A_902 = arith.constant 0 : i32
      %dma_wait3A_903 = tpu.memref_slice %arg2[%dma_wait3A_898, %mul3A_2, %dma_wait3A_902] : memref<4x8192x1024xf32, #tpu.memory_space<hbm>> -> memref<1x4x1024xf32, #tpu.memory_space<hbm>>
      %dma_wait3A_904 = tpu.memref_squeeze %dma_wait3A_903 : memref<1x4x1024xf32, #tpu.memory_space<hbm>> -> memref<4x1024xf32, #tpu.memory_space<hbm>>
      tpu.wait_dma2 semaphore(%arg23 : memref<!tpu.dma_semaphore, #tpu.memory_space<semaphore_mem>>) src(%dma_wait3A_904 : memref<4x1024xf32, #tpu.memory_space<hbm>>) dst(%arg6 : memref<4x1024xf32, #tpu.memory_space<vmem>>)
      %dma_wait3A_905 = arith.constant 2 : i32
      %dma_wait3A_906 = arith.constant 0 : i32
      %dma_wait3A_907 = tpu.memref_slice %arg2[%dma_wait3A_905, %mul3A_2, %dma_wait3A_906] : memref<4x8192x1024xf32, #tpu.memory_space<hbm>> -> memref<1x4x1024xf32, #tpu.memory_space<hbm>>
      %dma_wait3A_908 = tpu.memref_squeeze %dma_wait3A_907 : memref<1x4x1024xf32, #tpu.memory_space<hbm>> -> memref<4x1024xf32, #tpu.memory_space<hbm>>
      %dma_wait3A_909 = arith.constant 0 : i32
      %dma_wait3A_910 = tpu.memref_slice %arg2[%dma_wait3A_905, %mul3A_2, %dma_wait3A_909] : memref<4x8192x1024xf32, #tpu.memory_space<hbm>> -> memref<1x4x1024xf32, #tpu.memory_space<hbm>>
      %dma_wait3A_911 = tpu.memref_squeeze %dma_wait3A_910 : memref<1x4x1024xf32, #tpu.memory_space<hbm>> -> memref<4x1024xf32, #tpu.memory_space<hbm>>
      tpu.wait_dma2 semaphore(%arg23 : memref<!tpu.dma_semaphore, #tpu.memory_space<semaphore_mem>>) src(%dma_wait3A_911 : memref<4x1024xf32, #tpu.memory_space<hbm>>) dst(%arg7 : memref<4x1024xf32, #tpu.memory_space<vmem>>)
      %dma_wait3A_912 = arith.constant 3 : i32
      %dma_wait3A_913 = arith.constant 0 : i32
      %dma_wait3A_914 = tpu.memref_slice %arg2[%dma_wait3A_912, %mul3A_2, %dma_wait3A_913] : memref<4x8192x1024xf32, #tpu.memory_space<hbm>> -> memref<1x4x1024xf32, #tpu.memory_space<hbm>>
      %dma_wait3A_915 = tpu.memref_squeeze %dma_wait3A_914 : memref<1x4x1024xf32, #tpu.memory_space<hbm>> -> memref<4x1024xf32, #tpu.memory_space<hbm>>
      %dma_wait3A_916 = arith.constant 0 : i32
      %dma_wait3A_917 = tpu.memref_slice %arg2[%dma_wait3A_912, %mul3A_2, %dma_wait3A_916] : memref<4x8192x1024xf32, #tpu.memory_space<hbm>> -> memref<1x4x1024xf32, #tpu.memory_space<hbm>>
      %dma_wait3A_918 = tpu.memref_squeeze %dma_wait3A_917 : memref<1x4x1024xf32, #tpu.memory_space<hbm>> -> memref<4x1024xf32, #tpu.memory_space<hbm>>
      tpu.wait_dma2 semaphore(%arg23 : memref<!tpu.dma_semaphore, #tpu.memory_space<semaphore_mem>>) src(%dma_wait3A_918 : memref<4x1024xf32, #tpu.memory_space<hbm>>) dst(%arg8 : memref<4x1024xf32, #tpu.memory_space<vmem>>)
      %parallel_loop3A_919 = arith.constant 0 : i32
      %parallel_loop3A_920 = arith.constant 256 : i32
      %parallel_loop3A_921 = arith.constant 1 : i32
      scf.for %parallel_loop3A_1188 = %parallel_loop3A_919 to %parallel_loop3A_920 step %parallel_loop3A_921  : i32 {
        %parallel_loop3A_1189 = arith.constant 6 : i32
        %parallel_loop3A_1190 = arith.shrsi %parallel_loop3A_1188, %parallel_loop3A_1189 : i32
        %parallel_loop3A_1191 = arith.constant 63 : i32
        %parallel_loop3A_1192 = arith.andi %parallel_loop3A_1188, %parallel_loop3A_1191 : i32
        %parallel_loop3A_1193 = arith.constant 16 : i32
        %parallel_loop3A_1194 = arith.muli %parallel_loop3A_1192, %parallel_loop3A_1193 : i32
        %parallel_loop3A_1195 = arith.index_cast %parallel_loop3A_1190 : i32 to index
        %parallel_loop3A_1196 = arith.index_cast %parallel_loop3A_1194 : i32 to index
        %parallel_loop3A_1197 = tpu.vector_load %arg21[%parallel_loop3A_1195, %parallel_loop3A_1196] {strides = array<i32>} : memref<4x1024xf32, #tpu.memory_space<vmem>>, vector<1x16xf32>,
        %parallel_loop3A_1198 = vector.shape_cast %parallel_loop3A_1197 : vector<1x16xf32> to vector<16xf32>
        %parallel_loop3A_1199 = arith.index_cast %parallel_loop3A_1190 : i32 to index
        %parallel_loop3A_1200 = arith.index_cast %parallel_loop3A_1194 : i32 to index
        %parallel_loop3A_1201 = tpu.vector_load %arg5[%parallel_loop3A_1199, %parallel_loop3A_1200] {strides = array<i32>} : memref<4x1024xf32, #tpu.memory_space<vmem>>, vector<1x16xf32>,
        %parallel_loop3A_1202 = vector.shape_cast %parallel_loop3A_1201 : vector<1x16xf32> to vector<16xf32>
        %parallel_loop3A_1203 = arith.constant 3.200000e+01 : f32
        %parallel_loop3A_1204 = vector.broadcast %parallel_loop3A_1203 : f32 to vector<16xf32>
        %parallel_loop3A_1205 = arith.mulf %parallel_loop3A_1202, %parallel_loop3A_1204 : vector<16xf32>
        %parallel_loop3A_1206 = arith.addf %parallel_loop3A_1205, %parallel_loop3A_1198 : vector<16xf32>
        %parallel_loop3A_1207 = arith.index_cast %parallel_loop3A_1190 : i32 to index
        %parallel_loop3A_1208 = arith.index_cast %parallel_loop3A_1194 : i32 to index
        %parallel_loop3A_1209 = tpu.vector_load %arg5[%parallel_loop3A_1207, %parallel_loop3A_1208] {strides = array<i32>} : memref<4x1024xf32, #tpu.memory_space<vmem>>, vector<1x16xf32>,
        %parallel_loop3A_1210 = vector.shape_cast %parallel_loop3A_1209 : vector<1x16xf32> to vector<16xf32>
        %parallel_loop3A_1211 = vector.shape_cast %parallel_loop3A_1206 : vector<16xf32> to vector<1x16xf32>
        tpu.vector_store %arg5[%parallel_loop3A_1207, %parallel_loop3A_1208], %parallel_loop3A_1211 {strides = array<i32>} : memref<4x1024xf32, #tpu.memory_space<vmem>>, vector<1x16xf32>,
        %parallel_loop3A_1212 = arith.index_cast %parallel_loop3A_1190 : i32 to index
        %parallel_loop3A_1213 = arith.index_cast %parallel_loop3A_1194 : i32 to index
        %parallel_loop3A_1214 = tpu.vector_load %arg6[%parallel_loop3A_1212, %parallel_loop3A_1213] {strides = array<i32>} : memref<4x1024xf32, #tpu.memory_space<vmem>>, vector<1x16xf32>,
        %parallel_loop3A_1215 = vector.shape_cast %parallel_loop3A_1214 : vector<1x16xf32> to vector<16xf32>
        %parallel_loop3A_1216 = arith.constant 3.200000e+01 : f32
        %parallel_loop3A_1217 = vector.broadcast %parallel_loop3A_1216 : f32 to vector<16xf32>
        %parallel_loop3A_1218 = arith.mulf %parallel_loop3A_1215, %parallel_loop3A_1217 : vector<16xf32>
        %parallel_loop3A_1219 = arith.addf %parallel_loop3A_1218, %parallel_loop3A_1198 : vector<16xf32>
        %parallel_loop3A_1220 = arith.index_cast %parallel_loop3A_1190 : i32 to index
        %parallel_loop3A_1221 = arith.index_cast %parallel_loop3A_1194 : i32 to index
        %parallel_loop3A_1222 = tpu.vector_load %arg6[%parallel_loop3A_1220, %parallel_loop3A_1221] {strides = array<i32>} : memref<4x1024xf32, #tpu.memory_space<vmem>>, vector<1x16xf32>,
        %parallel_loop3A_1223 = vector.shape_cast %parallel_loop3A_1222 : vector<1x16xf32> to vector<16xf32>
        %parallel_loop3A_1224 = vector.shape_cast %parallel_loop3A_1219 : vector<16xf32> to vector<1x16xf32>
        tpu.vector_store %arg6[%parallel_loop3A_1220, %parallel_loop3A_1221], %parallel_loop3A_1224 {strides = array<i32>} : memref<4x1024xf32, #tpu.memory_space<vmem>>, vector<1x16xf32>,
        %parallel_loop3A_1225 = arith.index_cast %parallel_loop3A_1190 : i32 to index
        %parallel_loop3A_1226 = arith.index_cast %parallel_loop3A_1194 : i32 to index
        %parallel_loop3A_1227 = tpu.vector_load %arg7[%parallel_loop3A_1225, %parallel_loop3A_1226] {strides = array<i32>} : memref<4x1024xf32, #tpu.memory_space<vmem>>, vector<1x16xf32>,
        %parallel_loop3A_1228 = vector.shape_cast %parallel_loop3A_1227 : vector<1x16xf32> to vector<16xf32>
        %parallel_loop3A_1229 = arith.constant 3.200000e+01 : f32
        %parallel_loop3A_1230 = vector.broadcast %parallel_loop3A_1229 : f32 to vector<16xf32>
        %parallel_loop3A_1231 = arith.mulf %parallel_loop3A_1228, %parallel_loop3A_1230 : vector<16xf32>
        %parallel_loop3A_1232 = arith.addf %parallel_loop3A_1231, %parallel_loop3A_1198 : vector<16xf32>
        %parallel_loop3A_1233 = arith.index_cast %parallel_loop3A_1190 : i32 to index
        %parallel_loop3A_1234 = arith.index_cast %parallel_loop3A_1194 : i32 to index
        %parallel_loop3A_1235 = tpu.vector_load %arg7[%parallel_loop3A_1233, %parallel_loop3A_1234] {strides = array<i32>} : memref<4x1024xf32, #tpu.memory_space<vmem>>, vector<1x16xf32>,
        %parallel_loop3A_1236 = vector.shape_cast %parallel_loop3A_1235 : vector<1x16xf32> to vector<16xf32>
        %parallel_loop3A_1237 = vector.shape_cast %parallel_loop3A_1232 : vector<16xf32> to vector<1x16xf32>
        tpu.vector_store %arg7[%parallel_loop3A_1233, %parallel_loop3A_1234], %parallel_loop3A_1237 {strides = array<i32>} : memref<4x1024xf32, #tpu.memory_space<vmem>>, vector<1x16xf32>,
        %parallel_loop3A_1238 = arith.index_cast %parallel_loop3A_1190 : i32 to index
        %parallel_loop3A_1239 = arith.index_cast %parallel_loop3A_1194 : i32 to index
        %parallel_loop3A_1240 = tpu.vector_load %arg8[%parallel_loop3A_1238, %parallel_loop3A_1239] {strides = array<i32>} : memref<4x1024xf32, #tpu.memory_space<vmem>>, vector<1x16xf32>,
        %parallel_loop3A_1241 = vector.shape_cast %parallel_loop3A_1240 : vector<1x16xf32> to vector<16xf32>
        %parallel_loop3A_1242 = arith.constant 3.200000e+01 : f32
        %parallel_loop3A_1243 = vector.broadcast %parallel_loop3A_1242 : f32 to vector<16xf32>
        %parallel_loop3A_1244 = arith.mulf %parallel_loop3A_1241, %parallel_loop3A_1243 : vector<16xf32>
        %parallel_loop3A_1245 = arith.addf %parallel_loop3A_1244, %parallel_loop3A_1198 : vector<16xf32>
        %parallel_loop3A_1246 = arith.index_cast %parallel_loop3A_1190 : i32 to index
        %parallel_loop3A_1247 = arith.index_cast %parallel_loop3A_1194 : i32 to index
        %parallel_loop3A_1248 = tpu.vector_load %arg8[%parallel_loop3A_1246, %parallel_loop3A_1247] {strides = array<i32>} : memref<4x1024xf32, #tpu.memory_space<vmem>>, vector<1x16xf32>,
        %parallel_loop3A_1249 = vector.shape_cast %parallel_loop3A_1248 : vector<1x16xf32> to vector<16xf32>
        %parallel_loop3A_1250 = vector.shape_cast %parallel_loop3A_1245 : vector<16xf32> to vector<1x16xf32>
        tpu.vector_store %arg8[%parallel_loop3A_1246, %parallel_loop3A_1247], %parallel_loop3A_1250 {strides = array<i32>} : memref<4x1024xf32, #tpu.memory_space<vmem>>, vector<1x16xf32>,
      } {sc.loop_unroll_factor = 2 : i64, sc.parallel_access}
      %mul3A_922 = arith.constant 4 : i32
      %mul3A_923 = arith.muli %add3A_877, %mul3A_922 : i32
      %add3A_924 = arith.addi %mul3A_2, %mul3A_923 : i32
      %dma_start3A_925 = arith.constant 0 : i32
      %dma_start3A_926 = arith.constant 0 : i32
      %dma_start3A_927 = tpu.memref_slice %arg4[%dma_start3A_925, %add3A_924, %dma_start3A_926] : memref<4x8192x1024xf32, #tpu.memory_space<hbm>> -> memref<1x4x1024xf32, #tpu.memory_space<hbm>>
      %dma_start3A_928 = tpu.memref_squeeze %dma_start3A_927 : memref<1x4x1024xf32, #tpu.memory_space<hbm>> -> memref<4x1024xf32, #tpu.memory_space<hbm>>
      %dma_start3A_929 = arith.constant 0 : i32
      %dma_start3A_930 = tpu.memref_slice %arg4[%dma_start3A_925, %add3A_924, %dma_start3A_929] : memref<4x8192x1024xf32, #tpu.memory_space<hbm>> -> memref<1x4x1024xf32, #tpu.memory_space<hbm>>
      %dma_start3A_931 = tpu.memref_squeeze %dma_start3A_930 : memref<1x4x1024xf32, #tpu.memory_space<hbm>> -> memref<4x1024xf32, #tpu.memory_space<hbm>>
      tpu.enqueue_dma source(%arg5 : memref<4x1024xf32, #tpu.memory_space<vmem>>) target(%dma_start3A_931 : memref<4x1024xf32, #tpu.memory_space<hbm>>) target_semaphore(%arg27 : memref<!tpu.dma_semaphore, #tpu.memory_space<semaphore_mem>>)
      %mul3A_932 = arith.constant 4 : i32
      %mul3A_933 = arith.muli %add3A_877, %mul3A_932 : i32
      %add3A_934 = arith.addi %mul3A_2, %mul3A_933 : i32
      %dma_start3A_935 = arith.constant 1 : i32
      %dma_start3A_936 = arith.constant 0 : i32
      %dma_start3A_937 = tpu.memref_slice %arg4[%dma_start3A_935, %add3A_934, %dma_start3A_936] : memref<4x8192x1024xf32, #tpu.memory_space<hbm>> -> memref<1x4x1024xf32, #tpu.memory_space<hbm>>
      %dma_start3A_938 = tpu.memref_squeeze %dma_start3A_937 : memref<1x4x1024xf32, #tpu.memory_space<hbm>> -> memref<4x1024xf32, #tpu.memory_space<hbm>>
      %dma_start3A_939 = arith.constant 0 : i32
      %dma_start3A_940 = tpu.memref_slice %arg4[%dma_start3A_935, %add3A_934, %dma_start3A_939] : memref<4x8192x1024xf32, #tpu.memory_space<hbm>> -> memref<1x4x1024xf32, #tpu.memory_space<hbm>>
      %dma_start3A_941 = tpu.memref_squeeze %dma_start3A_940 : memref<1x4x1024xf32, #tpu.memory_space<hbm>> -> memref<4x1024xf32, #tpu.memory_space<hbm>>
      tpu.enqueue_dma source(%arg6 : memref<4x1024xf32, #tpu.memory_space<vmem>>) target(%dma_start3A_941 : memref<4x1024xf32, #tpu.memory_space<hbm>>) target_semaphore(%arg27 : memref<!tpu.dma_semaphore, #tpu.memory_space<semaphore_mem>>)
      %mul3A_942 = arith.constant 4 : i32
      %mul3A_943 = arith.muli %add3A_877, %mul3A_942 : i32
      %add3A_944 = arith.addi %mul3A_2, %mul3A_943 : i32
      %dma_start3A_945 = arith.constant 2 : i32
      %dma_start3A_946 = arith.constant 0 : i32
      %dma_start3A_947 = tpu.memref_slice %arg4[%dma_start3A_945, %add3A_944, %dma_start3A_946] : memref<4x8192x1024xf32, #tpu.memory_space<hbm>> -> memref<1x4x1024xf32, #tpu.memory_space<hbm>>
      %dma_start3A_948 = tpu.memref_squeeze %dma_start3A_947 : memref<1x4x1024xf32, #tpu.memory_space<hbm>> -> memref<4x1024xf32, #tpu.memory_space<hbm>>
      %dma_start3A_949 = arith.constant 0 : i32
      %dma_start3A_950 = tpu.memref_slice %arg4[%dma_start3A_945, %add3A_944, %dma_start3A_949] : memref<4x8192x1024xf32, #tpu.memory_space<hbm>> -> memref<1x4x1024xf32, #tpu.memory_space<hbm>>
      %dma_start3A_951 = tpu.memref_squeeze %dma_start3A_950 : memref<1x4x1024xf32, #tpu.memory_space<hbm>> -> memref<4x1024xf32, #tpu.memory_space<hbm>>
      tpu.enqueue_dma source(%arg7 : memref<4x1024xf32, #tpu.memory_space<vmem>>) target(%dma_start3A_951 : memref<4x1024xf32, #tpu.memory_space<hbm>>) target_semaphore(%arg27 : memref<!tpu.dma_semaphore, #tpu.memory_space<semaphore_mem>>)
      %mul3A_952 = arith.constant 4 : i32
      %mul3A_953 = arith.muli %add3A_877, %mul3A_952 : i32
      %add3A_954 = arith.addi %mul3A_2, %mul3A_953 : i32
      %dma_start3A_955 = arith.constant 3 : i32
      %dma_start3A_956 = arith.constant 0 : i32
      %dma_start3A_957 = tpu.memref_slice %arg4[%dma_start3A_955, %add3A_954, %dma_start3A_956] : memref<4x8192x1024xf32, #tpu.memory_space<hbm>> -> memref<1x4x1024xf32, #tpu.memory_space<hbm>>
      %dma_start3A_958 = tpu.memref_squeeze %dma_start3A_957 : memref<1x4x1024xf32, #tpu.memory_space<hbm>> -> memref<4x1024xf32, #tpu.memory_space<hbm>>
      %dma_start3A_959 = arith.constant 0 : i32
      %dma_start3A_960 = tpu.memref_slice %arg4[%dma_start3A_955, %add3A_954, %dma_start3A_959] : memref<4x8192x1024xf32, #tpu.memory_space<hbm>> -> memref<1x4x1024xf32, #tpu.memory_space<hbm>>
      %dma_start3A_961 = tpu.memref_squeeze %dma_start3A_960 : memref<1x4x1024xf32, #tpu.memory_space<hbm>> -> memref<4x1024xf32, #tpu.memory_space<hbm>>
      tpu.enqueue_dma source(%arg8 : memref<4x1024xf32, #tpu.memory_space<vmem>>) target(%dma_start3A_961 : memref<4x1024xf32, #tpu.memory_space<hbm>>) target_semaphore(%arg27 : memref<!tpu.dma_semaphore, #tpu.memory_space<semaphore_mem>>)
      %dma_wait3A_962 = arith.constant 0 : i32
      %dma_wait3A_963 = arith.constant 0 : i32
      %dma_wait3A_964 = tpu.memref_slice %arg4[%dma_wait3A_962, %mul3A_2, %dma_wait3A_963] : memref<4x8192x1024xf32, #tpu.memory_space<hbm>> -> memref<1x4x1024xf32, #tpu.memory_space<hbm>>
      %dma_wait3A_965 = tpu.memref_squeeze %dma_wait3A_964 : memref<1x4x1024xf32, #tpu.memory_space<hbm>> -> memref<4x1024xf32, #tpu.memory_space<hbm>>
      %dma_wait3A_966 = arith.constant 0 : i32
      %dma_wait3A_967 = tpu.memref_slice %arg4[%dma_wait3A_962, %mul3A_2, %dma_wait3A_966] : memref<4x8192x1024xf32, #tpu.memory_space<hbm>> -> memref<1x4x1024xf32, #tpu.memory_space<hbm>>
      %dma_wait3A_968 = tpu.memref_squeeze %dma_wait3A_967 : memref<1x4x1024xf32, #tpu.memory_space<hbm>> -> memref<4x1024xf32, #tpu.memory_space<hbm>>
      tpu.wait_dma2 semaphore(%arg29 : memref<!tpu.dma_semaphore, #tpu.memory_space<semaphore_mem>>) src(%arg13 : memref<4x1024xf32, #tpu.memory_space<vmem>>) dst(%dma_wait3A_968 : memref<4x1024xf32, #tpu.memory_space<hbm>>)
      %dma_wait3A_969 = arith.constant 1 : i32
      %dma_wait3A_970 = arith.constant 0 : i32
      %dma_wait3A_971 = tpu.memref_slice %arg4[%dma_wait3A_969, %mul3A_2, %dma_wait3A_970] : memref<4x8192x1024xf32, #tpu.memory_space<hbm>> -> memref<1x4x1024xf32, #tpu.memory_space<hbm>>
      %dma_wait3A_972 = tpu.memref_squeeze %dma_wait3A_971 : memref<1x4x1024xf32, #tpu.memory_space<hbm>> -> memref<4x1024xf32, #tpu.memory_space<hbm>>
      %dma_wait3A_973 = arith.constant 0 : i32
      %dma_wait3A_974 = tpu.memref_slice %arg4[%dma_wait3A_969, %mul3A_2, %dma_wait3A_973] : memref<4x8192x1024xf32, #tpu.memory_space<hbm>> -> memref<1x4x1024xf32, #tpu.memory_space<hbm>>
      %dma_wait3A_975 = tpu.memref_squeeze %dma_wait3A_974 : memref<1x4x1024xf32, #tpu.memory_space<hbm>> -> memref<4x1024xf32, #tpu.memory_space<hbm>>
      tpu.wait_dma2 semaphore(%arg29 : memref<!tpu.dma_semaphore, #tpu.memory_space<semaphore_mem>>) src(%arg14 : memref<4x1024xf32, #tpu.memory_space<vmem>>) dst(%dma_wait3A_975 : memref<4x1024xf32, #tpu.memory_space<hbm>>)
      %dma_wait3A_976 = arith.constant 2 : i32
      %dma_wait3A_977 = arith.constant 0 : i32
      %dma_wait3A_978 = tpu.memref_slice %arg4[%dma_wait3A_976, %mul3A_2, %dma_wait3A_977] : memref<4x8192x1024xf32, #tpu.memory_space<hbm>> -> memref<1x4x1024xf32, #tpu.memory_space<hbm>>
      %dma_wait3A_979 = tpu.memref_squeeze %dma_wait3A_978 : memref<1x4x1024xf32, #tpu.memory_space<hbm>> -> memref<4x1024xf32, #tpu.memory_space<hbm>>
      %dma_wait3A_980 = arith.constant 0 : i32
      %dma_wait3A_981 = tpu.memref_slice %arg4[%dma_wait3A_976, %mul3A_2, %dma_wait3A_980] : memref<4x8192x1024xf32, #tpu.memory_space<hbm>> -> memref<1x4x1024xf32, #tpu.memory_space<hbm>>
      %dma_wait3A_982 = tpu.memref_squeeze %dma_wait3A_981 : memref<1x4x1024xf32, #tpu.memory_space<hbm>> -> memref<4x1024xf32, #tpu.memory_space<hbm>>
      tpu.wait_dma2 semaphore(%arg29 : memref<!tpu.dma_semaphore, #tpu.memory_space<semaphore_mem>>) src(%arg15 : memref<4x1024xf32, #tpu.memory_space<vmem>>) dst(%dma_wait3A_982 : memref<4x1024xf32, #tpu.memory_space<hbm>>)
      %dma_wait3A_983 = arith.constant 3 : i32
      %dma_wait3A_984 = arith.constant 0 : i32
      %dma_wait3A_985 = tpu.memref_slice %arg4[%dma_wait3A_983, %mul3A_2, %dma_wait3A_984] : memref<4x8192x1024xf32, #tpu.memory_space<hbm>> -> memref<1x4x1024xf32, #tpu.memory_space<hbm>>
      %dma_wait3A_986 = tpu.memref_squeeze %dma_wait3A_985 : memref<1x4x1024xf32, #tpu.memory_space<hbm>> -> memref<4x1024xf32, #tpu.memory_space<hbm>>
      %dma_wait3A_987 = arith.constant 0 : i32
      %dma_wait3A_988 = tpu.memref_slice %arg4[%dma_wait3A_983, %mul3A_2, %dma_wait3A_987] : memref<4x8192x1024xf32, #tpu.memory_space<hbm>> -> memref<1x4x1024xf32, #tpu.memory_space<hbm>>
      %dma_wait3A_989 = tpu.memref_squeeze %dma_wait3A_988 : memref<1x4x1024xf32, #tpu.memory_space<hbm>> -> memref<4x1024xf32, #tpu.memory_space<hbm>>
      tpu.wait_dma2 semaphore(%arg29 : memref<!tpu.dma_semaphore, #tpu.memory_space<semaphore_mem>>) src(%arg16 : memref<4x1024xf32, #tpu.memory_space<vmem>>) dst(%dma_wait3A_989 : memref<4x1024xf32, #tpu.memory_space<hbm>>)
      %add3A_990 = arith.constant 2 : i32
      %add3A_991 = arith.addi %add3A_877, %add3A_990 : i32
      %mul3A_992 = arith.constant 4 : i32
      %mul3A_993 = arith.muli %add3A_991, %mul3A_992 : i32
      %add3A_994 = arith.addi %mul3A_2, %mul3A_993 : i32
      %dma_start3A_995 = arith.constant 0 : i32
      %dma_start3A_996 = arith.constant 0 : i32
      %dma_start3A_997 = tpu.memref_slice %arg2[%dma_start3A_995, %add3A_994, %dma_start3A_996] : memref<4x8192x1024xf32, #tpu.memory_space<hbm>> -> memref<1x4x1024xf32, #tpu.memory_space<hbm>>
      %dma_start3A_998 = tpu.memref_squeeze %dma_start3A_997 : memref<1x4x1024xf32, #tpu.memory_space<hbm>> -> memref<4x1024xf32, #tpu.memory_space<hbm>>
      %dma_start3A_999 = arith.constant 0 : i32
      %dma_start3A_1000 = tpu.memref_slice %arg2[%dma_start3A_995, %add3A_994, %dma_start3A_999] : memref<4x8192x1024xf32, #tpu.memory_space<hbm>> -> memref<1x4x1024xf32, #tpu.memory_space<hbm>>
      %dma_start3A_1001 = tpu.memref_squeeze %dma_start3A_1000 : memref<1x4x1024xf32, #tpu.memory_space<hbm>> -> memref<4x1024xf32, #tpu.memory_space<hbm>>
      tpu.enqueue_dma source(%dma_start3A_1001 : memref<4x1024xf32, #tpu.memory_space<hbm>>) target(%arg13 : memref<4x1024xf32, #tpu.memory_space<vmem>>) target_semaphore(%arg25 : memref<!tpu.dma_semaphore, #tpu.memory_space<semaphore_mem>>)
      %mul3A_1002 = arith.constant 4 : i32
      %mul3A_1003 = arith.muli %add3A_991, %mul3A_1002 : i32
      %add3A_1004 = arith.addi %mul3A_2, %mul3A_1003 : i32
      %dma_start3A_1005 = arith.constant 1 : i32
      %dma_start3A_1006 = arith.constant 0 : i32
      %dma_start3A_1007 = tpu.memref_slice %arg2[%dma_start3A_1005, %add3A_1004, %dma_start3A_1006] : memref<4x8192x1024xf32, #tpu.memory_space<hbm>> -> memref<1x4x1024xf32, #tpu.memory_space<hbm>>
      %dma_start3A_1008 = tpu.memref_squeeze %dma_start3A_1007 : memref<1x4x1024xf32, #tpu.memory_space<hbm>> -> memref<4x1024xf32, #tpu.memory_space<hbm>>
      %dma_start3A_1009 = arith.constant 0 : i32
      %dma_start3A_1010 = tpu.memref_slice %arg2[%dma_start3A_1005, %add3A_1004, %dma_start3A_1009] : memref<4x8192x1024xf32, #tpu.memory_space<hbm>> -> memref<1x4x1024xf32, #tpu.memory_space<hbm>>
      %dma_start3A_1011 = tpu.memref_squeeze %dma_start3A_1010 : memref<1x4x1024xf32, #tpu.memory_space<hbm>> -> memref<4x1024xf32, #tpu.memory_space<hbm>>
      tpu.enqueue_dma source(%dma_start3A_1011 : memref<4x1024xf32, #tpu.memory_space<hbm>>) target(%arg14 : memref<4x1024xf32, #tpu.memory_space<vmem>>) target_semaphore(%arg25 : memref<!tpu.dma_semaphore, #tpu.memory_space<semaphore_mem>>)
      %mul3A_1012 = arith.constant 4 : i32
      %mul3A_1013 = arith.muli %add3A_991, %mul3A_1012 : i32
      %add3A_1014 = arith.addi %mul3A_2, %mul3A_1013 : i32
      %dma_start3A_1015 = arith.constant 2 : i32
      %dma_start3A_1016 = arith.constant 0 : i32
      %dma_start3A_1017 = tpu.memref_slice %arg2[%dma_start3A_1015, %add3A_1014, %dma_start3A_1016] : memref<4x8192x1024xf32, #tpu.memory_space<hbm>> -> memref<1x4x1024xf32, #tpu.memory_space<hbm>>
      %dma_start3A_1018 = tpu.memref_squeeze %dma_start3A_1017 : memref<1x4x1024xf32, #tpu.memory_space<hbm>> -> memref<4x1024xf32, #tpu.memory_space<hbm>>
      %dma_start3A_1019 = arith.constant 0 : i32
      %dma_start3A_1020 = tpu.memref_slice %arg2[%dma_start3A_1015, %add3A_1014, %dma_start3A_1019] : memref<4x8192x1024xf32, #tpu.memory_space<hbm>> -> memref<1x4x1024xf32, #tpu.memory_space<hbm>>
      %dma_start3A_1021 = tpu.memref_squeeze %dma_start3A_1020 : memref<1x4x1024xf32, #tpu.memory_space<hbm>> -> memref<4x1024xf32, #tpu.memory_space<hbm>>
      tpu.enqueue_dma source(%dma_start3A_1021 : memref<4x1024xf32, #tpu.memory_space<hbm>>) target(%arg15 : memref<4x1024xf32, #tpu.memory_space<vmem>>) target_semaphore(%arg25 : memref<!tpu.dma_semaphore, #tpu.memory_space<semaphore_mem>>)
      %mul3A_1022 = arith.constant 4 : i32
      %mul3A_1023 = arith.muli %add3A_991, %mul3A_1022 : i32
      %add3A_1024 = arith.addi %mul3A_2, %mul3A_1023 : i32
      %dma_start3A_1025 = arith.constant 3 : i32
      %dma_start3A_1026 = arith.constant 0 : i32
      %dma_start3A_1027 = tpu.memref_slice %arg2[%dma_start3A_1025, %add3A_1024, %dma_start3A_1026] : memref<4x8192x1024xf32, #tpu.memory_space<hbm>> -> memref<1x4x1024xf32, #tpu.memory_space<hbm>>
      %dma_start3A_1028 = tpu.memref_squeeze %dma_start3A_1027 : memref<1x4x1024xf32, #tpu.memory_space<hbm>> -> memref<4x1024xf32, #tpu.memory_space<hbm>>
      %dma_start3A_1029 = arith.constant 0 : i32
      %dma_start3A_1030 = tpu.memref_slice %arg2[%dma_start3A_1025, %add3A_1024, %dma_start3A_1029] : memref<4x8192x1024xf32, #tpu.memory_space<hbm>> -> memref<1x4x1024xf32, #tpu.memory_space<hbm>>
      %dma_start3A_1031 = tpu.memref_squeeze %dma_start3A_1030 : memref<1x4x1024xf32, #tpu.memory_space<hbm>> -> memref<4x1024xf32, #tpu.memory_space<hbm>>
      tpu.enqueue_dma source(%dma_start3A_1031 : memref<4x1024xf32, #tpu.memory_space<hbm>>) target(%arg16 : memref<4x1024xf32, #tpu.memory_space<vmem>>) target_semaphore(%arg25 : memref<!tpu.dma_semaphore, #tpu.memory_space<semaphore_mem>>)
      %add3A_1032 = arith.constant 3 : i32
      %add3A_1033 = arith.addi %add3A_563, %add3A_1032 : i32
      %add3A_1034 = arith.constant 1 : i32
      %add3A_1035 = arith.addi %add3A_1033, %add3A_1034 : i32
      %mul3A_1036 = arith.constant 4 : i32
      %mul3A_1037 = arith.muli %add3A_1035, %mul3A_1036 : i32
      %add3A_1038 = arith.addi %mul3A_2, %mul3A_1037 : i32
      %dma_start3A_1039 = arith.constant 0 : i32
      %dma_start3A_1040 = tpu.memref_slice %arg3[%add3A_1038, %dma_start3A_1039] : memref<8192x1024xf32, #tpu.memory_space<hbm>> -> memref<4x1024xf32, #tpu.memory_space<hbm>>
      %dma_start3A_1041 = arith.constant 0 : i32
      %dma_start3A_1042 = tpu.memref_slice %arg3[%add3A_1038, %dma_start3A_1041] : memref<8192x1024xf32, #tpu.memory_space<hbm>> -> memref<4x1024xf32, #tpu.memory_space<hbm>>
      tpu.enqueue_dma source(%dma_start3A_1042 : memref<4x1024xf32, #tpu.memory_space<hbm>>) target(%arg21 : memref<4x1024xf32, #tpu.memory_space<vmem>>) target_semaphore(%arg31 : memref<!tpu.dma_semaphore, #tpu.memory_space<semaphore_mem>>)
      %dma_wait3A_1043 = arith.constant 0 : i32
      %dma_wait3A_1044 = tpu.memref_slice %arg3[%mul3A_2, %dma_wait3A_1043] : memref<8192x1024xf32, #tpu.memory_space<hbm>> -> memref<4x1024xf32, #tpu.memory_space<hbm>>
      %dma_wait3A_1045 = arith.constant 0 : i32
      %dma_wait3A_1046 = tpu.memref_slice %arg3[%mul3A_2, %dma_wait3A_1045] : memref<8192x1024xf32, #tpu.memory_space<hbm>> -> memref<4x1024xf32, #tpu.memory_space<hbm>>
      tpu.wait_dma2 semaphore(%arg31 : memref<!tpu.dma_semaphore, #tpu.memory_space<semaphore_mem>>) src(%dma_wait3A_1046 : memref<4x1024xf32, #tpu.memory_space<hbm>>) dst(%arg22 : memref<4x1024xf32, #tpu.memory_space<vmem>>)
      %dma_wait3A_1047 = arith.constant 0 : i32
      %dma_wait3A_1048 = arith.constant 0 : i32
      %dma_wait3A_1049 = tpu.memref_slice %arg2[%dma_wait3A_1047, %mul3A_2, %dma_wait3A_1048] : memref<4x8192x1024xf32, #tpu.memory_space<hbm>> -> memref<1x4x1024xf32, #tpu.memory_space<hbm>>
      %dma_wait3A_1050 = tpu.memref_squeeze %dma_wait3A_1049 : memref<1x4x1024xf32, #tpu.memory_space<hbm>> -> memref<4x1024xf32, #tpu.memory_space<hbm>>
      %dma_wait3A_1051 = arith.constant 0 : i32
      %dma_wait3A_1052 = tpu.memref_slice %arg2[%dma_wait3A_1047, %mul3A_2, %dma_wait3A_1051] : memref<4x8192x1024xf32, #tpu.memory_space<hbm>> -> memref<1x4x1024xf32, #tpu.memory_space<hbm>>
      %dma_wait3A_1053 = tpu.memref_squeeze %dma_wait3A_1052 : memref<1x4x1024xf32, #tpu.memory_space<hbm>> -> memref<4x1024xf32, #tpu.memory_space<hbm>>
      tpu.wait_dma2 semaphore(%arg24 : memref<!tpu.dma_semaphore, #tpu.memory_space<semaphore_mem>>) src(%dma_wait3A_1053 : memref<4x1024xf32, #tpu.memory_space<hbm>>) dst(%arg9 : memref<4x1024xf32, #tpu.memory_space<vmem>>)
      %dma_wait3A_1054 = arith.constant 1 : i32
      %dma_wait3A_1055 = arith.constant 0 : i32
      %dma_wait3A_1056 = tpu.memref_slice %arg2[%dma_wait3A_1054, %mul3A_2, %dma_wait3A_1055] : memref<4x8192x1024xf32, #tpu.memory_space<hbm>> -> memref<1x4x1024xf32, #tpu.memory_space<hbm>>
      %dma_wait3A_1057 = tpu.memref_squeeze %dma_wait3A_1056 : memref<1x4x1024xf32, #tpu.memory_space<hbm>> -> memref<4x1024xf32, #tpu.memory_space<hbm>>
      %dma_wait3A_1058 = arith.constant 0 : i32
      %dma_wait3A_1059 = tpu.memref_slice %arg2[%dma_wait3A_1054, %mul3A_2, %dma_wait3A_1058] : memref<4x8192x1024xf32, #tpu.memory_space<hbm>> -> memref<1x4x1024xf32, #tpu.memory_space<hbm>>
      %dma_wait3A_1060 = tpu.memref_squeeze %dma_wait3A_1059 : memref<1x4x1024xf32, #tpu.memory_space<hbm>> -> memref<4x1024xf32, #tpu.memory_space<hbm>>
      tpu.wait_dma2 semaphore(%arg24 : memref<!tpu.dma_semaphore, #tpu.memory_space<semaphore_mem>>) src(%dma_wait3A_1060 : memref<4x1024xf32, #tpu.memory_space<hbm>>) dst(%arg10 : memref<4x1024xf32, #tpu.memory_space<vmem>>)
      %dma_wait3A_1061 = arith.constant 2 : i32
      %dma_wait3A_1062 = arith.constant 0 : i32
      %dma_wait3A_1063 = tpu.memref_slice %arg2[%dma_wait3A_1061, %mul3A_2, %dma_wait3A_1062] : memref<4x8192x1024xf32, #tpu.memory_space<hbm>> -> memref<1x4x1024xf32, #tpu.memory_space<hbm>>
      %dma_wait3A_1064 = tpu.memref_squeeze %dma_wait3A_1063 : memref<1x4x1024xf32, #tpu.memory_space<hbm>> -> memref<4x1024xf32, #tpu.memory_space<hbm>>
      %dma_wait3A_1065 = arith.constant 0 : i32
      %dma_wait3A_1066 = tpu.memref_slice %arg2[%dma_wait3A_1061, %mul3A_2, %dma_wait3A_1065] : memref<4x8192x1024xf32, #tpu.memory_space<hbm>> -> memref<1x4x1024xf32, #tpu.memory_space<hbm>>
      %dma_wait3A_1067 = tpu.memref_squeeze %dma_wait3A_1066 : memref<1x4x1024xf32, #tpu.memory_space<hbm>> -> memref<4x1024xf32, #tpu.memory_space<hbm>>
      tpu.wait_dma2 semaphore(%arg24 : memref<!tpu.dma_semaphore, #tpu.memory_space<semaphore_mem>>) src(%dma_wait3A_1067 : memref<4x1024xf32, #tpu.memory_space<hbm>>) dst(%arg11 : memref<4x1024xf32, #tpu.memory_space<vmem>>)
      %dma_wait3A_1068 = arith.constant 3 : i32
      %dma_wait3A_1069 = arith.constant 0 : i32
      %dma_wait3A_1070 = tpu.memref_slice %arg2[%dma_wait3A_1068, %mul3A_2, %dma_wait3A_1069] : memref<4x8192x1024xf32, #tpu.memory_space<hbm>> -> memref<1x4x1024xf32, #tpu.memory_space<hbm>>
      %dma_wait3A_1071 = tpu.memref_squeeze %dma_wait3A_1070 : memref<1x4x1024xf32, #tpu.memory_space<hbm>> -> memref<4x1024xf32, #tpu.memory_space<hbm>>
      %dma_wait3A_1072 = arith.constant 0 : i32
      %dma_wait3A_1073 = tpu.memref_slice %arg2[%dma_wait3A_1068, %mul3A_2, %dma_wait3A_1072] : memref<4x8192x1024xf32, #tpu.memory_space<hbm>> -> memref<1x4x1024xf32, #tpu.memory_space<hbm>>
      %dma_wait3A_1074 = tpu.memref_squeeze %dma_wait3A_1073 : memref<1x4x1024xf32, #tpu.memory_space<hbm>> -> memref<4x1024xf32, #tpu.memory_space<hbm>>
      tpu.wait_dma2 semaphore(%arg24 : memref<!tpu.dma_semaphore, #tpu.memory_space<semaphore_mem>>) src(%dma_wait3A_1074 : memref<4x1024xf32, #tpu.memory_space<hbm>>) dst(%arg12 : memref<4x1024xf32, #tpu.memory_space<vmem>>)
      %parallel_loop3A_1075 = arith.constant 0 : i32
      %parallel_loop3A_1076 = arith.constant 256 : i32
      %parallel_loop3A_1077 = arith.constant 1 : i32
      scf.for %parallel_loop3A_1188 = %parallel_loop3A_1075 to %parallel_loop3A_1076 step %parallel_loop3A_1077  : i32 {
        %parallel_loop3A_1189 = arith.constant 6 : i32
        %parallel_loop3A_1190 = arith.shrsi %parallel_loop3A_1188, %parallel_loop3A_1189 : i32
        %parallel_loop3A_1191 = arith.constant 63 : i32
        %parallel_loop3A_1192 = arith.andi %parallel_loop3A_1188, %parallel_loop3A_1191 : i32
        %parallel_loop3A_1193 = arith.constant 16 : i32
        %parallel_loop3A_1194 = arith.muli %parallel_loop3A_1192, %parallel_loop3A_1193 : i32
        %parallel_loop3A_1195 = arith.index_cast %parallel_loop3A_1190 : i32 to index
        %parallel_loop3A_1196 = arith.index_cast %parallel_loop3A_1194 : i32 to index
        %parallel_loop3A_1197 = tpu.vector_load %arg22[%parallel_loop3A_1195, %parallel_loop3A_1196] {strides = array<i32>} : memref<4x1024xf32, #tpu.memory_space<vmem>>, vector<1x16xf32>,
        %parallel_loop3A_1198 = vector.shape_cast %parallel_loop3A_1197 : vector<1x16xf32> to vector<16xf32>
        %parallel_loop3A_1199 = arith.index_cast %parallel_loop3A_1190 : i32 to index
        %parallel_loop3A_1200 = arith.index_cast %parallel_loop3A_1194 : i32 to index
        %parallel_loop3A_1201 = tpu.vector_load %arg9[%parallel_loop3A_1199, %parallel_loop3A_1200] {strides = array<i32>} : memref<4x1024xf32, #tpu.memory_space<vmem>>, vector<1x16xf32>,
        %parallel_loop3A_1202 = vector.shape_cast %parallel_loop3A_1201 : vector<1x16xf32> to vector<16xf32>
        %parallel_loop3A_1203 = arith.constant 3.200000e+01 : f32
        %parallel_loop3A_1204 = vector.broadcast %parallel_loop3A_1203 : f32 to vector<16xf32>
        %parallel_loop3A_1205 = arith.mulf %parallel_loop3A_1202, %parallel_loop3A_1204 : vector<16xf32>
        %parallel_loop3A_1206 = arith.addf %parallel_loop3A_1205, %parallel_loop3A_1198 : vector<16xf32>
        %parallel_loop3A_1207 = arith.index_cast %parallel_loop3A_1190 : i32 to index
        %parallel_loop3A_1208 = arith.index_cast %parallel_loop3A_1194 : i32 to index
        %parallel_loop3A_1209 = tpu.vector_load %arg9[%parallel_loop3A_1207, %parallel_loop3A_1208] {strides = array<i32>} : memref<4x1024xf32, #tpu.memory_space<vmem>>, vector<1x16xf32>,
        %parallel_loop3A_1210 = vector.shape_cast %parallel_loop3A_1209 : vector<1x16xf32> to vector<16xf32>
        %parallel_loop3A_1211 = vector.shape_cast %parallel_loop3A_1206 : vector<16xf32> to vector<1x16xf32>
        tpu.vector_store %arg9[%parallel_loop3A_1207, %parallel_loop3A_1208], %parallel_loop3A_1211 {strides = array<i32>} : memref<4x1024xf32, #tpu.memory_space<vmem>>, vector<1x16xf32>,
        %parallel_loop3A_1212 = arith.index_cast %parallel_loop3A_1190 : i32 to index
        %parallel_loop3A_1213 = arith.index_cast %parallel_loop3A_1194 : i32 to index
        %parallel_loop3A_1214 = tpu.vector_load %arg10[%parallel_loop3A_1212, %parallel_loop3A_1213] {strides = array<i32>} : memref<4x1024xf32, #tpu.memory_space<vmem>>, vector<1x16xf32>,
        %parallel_loop3A_1215 = vector.shape_cast %parallel_loop3A_1214 : vector<1x16xf32> to vector<16xf32>
        %parallel_loop3A_1216 = arith.constant 3.200000e+01 : f32
        %parallel_loop3A_1217 = vector.broadcast %parallel_loop3A_1216 : f32 to vector<16xf32>
        %parallel_loop3A_1218 = arith.mulf %parallel_loop3A_1215, %parallel_loop3A_1217 : vector<16xf32>
        %parallel_loop3A_1219 = arith.addf %parallel_loop3A_1218, %parallel_loop3A_1198 : vector<16xf32>
        %parallel_loop3A_1220 = arith.index_cast %parallel_loop3A_1190 : i32 to index
        %parallel_loop3A_1221 = arith.index_cast %parallel_loop3A_1194 : i32 to index
        %parallel_loop3A_1222 = tpu.vector_load %arg10[%parallel_loop3A_1220, %parallel_loop3A_1221] {strides = array<i32>} : memref<4x1024xf32, #tpu.memory_space<vmem>>, vector<1x16xf32>,
        %parallel_loop3A_1223 = vector.shape_cast %parallel_loop3A_1222 : vector<1x16xf32> to vector<16xf32>
        %parallel_loop3A_1224 = vector.shape_cast %parallel_loop3A_1219 : vector<16xf32> to vector<1x16xf32>
        tpu.vector_store %arg10[%parallel_loop3A_1220, %parallel_loop3A_1221], %parallel_loop3A_1224 {strides = array<i32>} : memref<4x1024xf32, #tpu.memory_space<vmem>>, vector<1x16xf32>,
        %parallel_loop3A_1225 = arith.index_cast %parallel_loop3A_1190 : i32 to index
        %parallel_loop3A_1226 = arith.index_cast %parallel_loop3A_1194 : i32 to index
        %parallel_loop3A_1227 = tpu.vector_load %arg11[%parallel_loop3A_1225, %parallel_loop3A_1226] {strides = array<i32>} : memref<4x1024xf32, #tpu.memory_space<vmem>>, vector<1x16xf32>,
        %parallel_loop3A_1228 = vector.shape_cast %parallel_loop3A_1227 : vector<1x16xf32> to vector<16xf32>
        %parallel_loop3A_1229 = arith.constant 3.200000e+01 : f32
        %parallel_loop3A_1230 = vector.broadcast %parallel_loop3A_1229 : f32 to vector<16xf32>
        %parallel_loop3A_1231 = arith.mulf %parallel_loop3A_1228, %parallel_loop3A_1230 : vector<16xf32>
        %parallel_loop3A_1232 = arith.addf %parallel_loop3A_1231, %parallel_loop3A_1198 : vector<16xf32>
        %parallel_loop3A_1233 = arith.index_cast %parallel_loop3A_1190 : i32 to index
        %parallel_loop3A_1234 = arith.index_cast %parallel_loop3A_1194 : i32 to index
        %parallel_loop3A_1235 = tpu.vector_load %arg11[%parallel_loop3A_1233, %parallel_loop3A_1234] {strides = array<i32>} : memref<4x1024xf32, #tpu.memory_space<vmem>>, vector<1x16xf32>,
        %parallel_loop3A_1236 = vector.shape_cast %parallel_loop3A_1235 : vector<1x16xf32> to vector<16xf32>
        %parallel_loop3A_1237 = vector.shape_cast %parallel_loop3A_1232 : vector<16xf32> to vector<1x16xf32>
        tpu.vector_store %arg11[%parallel_loop3A_1233, %parallel_loop3A_1234], %parallel_loop3A_1237 {strides = array<i32>} : memref<4x1024xf32, #tpu.memory_space<vmem>>, vector<1x16xf32>,
        %parallel_loop3A_1238 = arith.index_cast %parallel_loop3A_1190 : i32 to index
        %parallel_loop3A_1239 = arith.index_cast %parallel_loop3A_1194 : i32 to index
        %parallel_loop3A_1240 = tpu.vector_load %arg12[%parallel_loop3A_1238, %parallel_loop3A_1239] {strides = array<i32>} : memref<4x1024xf32, #tpu.memory_space<vmem>>, vector<1x16xf32>,
        %parallel_loop3A_1241 = vector.shape_cast %parallel_loop3A_1240 : vector<1x16xf32> to vector<16xf32>
        %parallel_loop3A_1242 = arith.constant 3.200000e+01 : f32
        %parallel_loop3A_1243 = vector.broadcast %parallel_loop3A_1242 : f32 to vector<16xf32>
        %parallel_loop3A_1244 = arith.mulf %parallel_loop3A_1241, %parallel_loop3A_1243 : vector<16xf32>
        %parallel_loop3A_1245 = arith.addf %parallel_loop3A_1244, %parallel_loop3A_1198 : vector<16xf32>
        %parallel_loop3A_1246 = arith.index_cast %parallel_loop3A_1190 : i32 to index
        %parallel_loop3A_1247 = arith.index_cast %parallel_loop3A_1194 : i32 to index
        %parallel_loop3A_1248 = tpu.vector_load %arg12[%parallel_loop3A_1246, %parallel_loop3A_1247] {strides = array<i32>} : memref<4x1024xf32, #tpu.memory_space<vmem>>, vector<1x16xf32>,
        %parallel_loop3A_1249 = vector.shape_cast %parallel_loop3A_1248 : vector<1x16xf32> to vector<16xf32>
        %parallel_loop3A_1250 = vector.shape_cast %parallel_loop3A_1245 : vector<16xf32> to vector<1x16xf32>
        tpu.vector_store %arg12[%parallel_loop3A_1246, %parallel_loop3A_1247], %parallel_loop3A_1250 {strides = array<i32>} : memref<4x1024xf32, #tpu.memory_space<vmem>>, vector<1x16xf32>,
      } {sc.loop_unroll_factor = 2 : i64, sc.parallel_access}
      %mul3A_1078 = arith.constant 4 : i32
      %mul3A_1079 = arith.muli %add3A_1033, %mul3A_1078 : i32
      %add3A_1080 = arith.addi %mul3A_2, %mul3A_1079 : i32
      %dma_start3A_1081 = arith.constant 0 : i32
      %dma_start3A_1082 = arith.constant 0 : i32
      %dma_start3A_1083 = tpu.memref_slice %arg4[%dma_start3A_1081, %add3A_1080, %dma_start3A_1082] : memref<4x8192x1024xf32, #tpu.memory_space<hbm>> -> memref<1x4x1024xf32, #tpu.memory_space<hbm>>
      %dma_start3A_1084 = tpu.memref_squeeze %dma_start3A_1083 : memref<1x4x1024xf32, #tpu.memory_space<hbm>> -> memref<4x1024xf32, #tpu.memory_space<hbm>>
      %dma_start3A_1085 = arith.constant 0 : i32
      %dma_start3A_1086 = tpu.memref_slice %arg4[%dma_start3A_1081, %add3A_1080, %dma_start3A_1085] : memref<4x8192x1024xf32, #tpu.memory_space<hbm>> -> memref<1x4x1024xf32, #tpu.memory_space<hbm>>
      %dma_start3A_1087 = tpu.memref_squeeze %dma_start3A_1086 : memref<1x4x1024xf32, #tpu.memory_space<hbm>> -> memref<4x1024xf32, #tpu.memory_space<hbm>>
      tpu.enqueue_dma source(%arg9 : memref<4x1024xf32, #tpu.memory_space<vmem>>) target(%dma_start3A_1087 : memref<4x1024xf32, #tpu.memory_space<hbm>>) target_semaphore(%arg28 : memref<!tpu.dma_semaphore, #tpu.memory_space<semaphore_mem>>)
      %mul3A_1088 = arith.constant 4 : i32
      %mul3A_1089 = arith.muli %add3A_1033, %mul3A_1088 : i32
      %add3A_1090 = arith.addi %mul3A_2, %mul3A_1089 : i32
      %dma_start3A_1091 = arith.constant 1 : i32
      %dma_start3A_1092 = arith.constant 0 : i32
      %dma_start3A_1093 = tpu.memref_slice %arg4[%dma_start3A_1091, %add3A_1090, %dma_start3A_1092] : memref<4x8192x1024xf32, #tpu.memory_space<hbm>> -> memref<1x4x1024xf32, #tpu.memory_space<hbm>>
      %dma_start3A_1094 = tpu.memref_squeeze %dma_start3A_1093 : memref<1x4x1024xf32, #tpu.memory_space<hbm>> -> memref<4x1024xf32, #tpu.memory_space<hbm>>
      %dma_start3A_1095 = arith.constant 0 : i32
      %dma_start3A_1096 = tpu.memref_slice %arg4[%dma_start3A_1091, %add3A_1090, %dma_start3A_1095] : memref<4x8192x1024xf32, #tpu.memory_space<hbm>> -> memref<1x4x1024xf32, #tpu.memory_space<hbm>>
      %dma_start3A_1097 = tpu.memref_squeeze %dma_start3A_1096 : memref<1x4x1024xf32, #tpu.memory_space<hbm>> -> memref<4x1024xf32, #tpu.memory_space<hbm>>
      tpu.enqueue_dma source(%arg10 : memref<4x1024xf32, #tpu.memory_space<vmem>>) target(%dma_start3A_1097 : memref<4x1024xf32, #tpu.memory_space<hbm>>) target_semaphore(%arg28 : memref<!tpu.dma_semaphore, #tpu.memory_space<semaphore_mem>>)
      %mul3A_1098 = arith.constant 4 : i32
      %mul3A_1099 = arith.muli %add3A_1033, %mul3A_1098 : i32
      %add3A_1100 = arith.addi %mul3A_2, %mul3A_1099 : i32
      %dma_start3A_1101 = arith.constant 2 : i32
      %dma_start3A_1102 = arith.constant 0 : i32
      %dma_start3A_1103 = tpu.memref_slice %arg4[%dma_start3A_1101, %add3A_1100, %dma_start3A_1102] : memref<4x8192x1024xf32, #tpu.memory_space<hbm>> -> memref<1x4x1024xf32, #tpu.memory_space<hbm>>
      %dma_start3A_1104 = tpu.memref_squeeze %dma_start3A_1103 : memref<1x4x1024xf32, #tpu.memory_space<hbm>> -> memref<4x1024xf32, #tpu.memory_space<hbm>>
      %dma_start3A_1105 = arith.constant 0 : i32
      %dma_start3A_1106 = tpu.memref_slice %arg4[%dma_start3A_1101, %add3A_1100, %dma_start3A_1105] : memref<4x8192x1024xf32, #tpu.memory_space<hbm>> -> memref<1x4x1024xf32, #tpu.memory_space<hbm>>
      %dma_start3A_1107 = tpu.memref_squeeze %dma_start3A_1106 : memref<1x4x1024xf32, #tpu.memory_space<hbm>> -> memref<4x1024xf32, #tpu.memory_space<hbm>>
      tpu.enqueue_dma source(%arg11 : memref<4x1024xf32, #tpu.memory_space<vmem>>) target(%dma_start3A_1107 : memref<4x1024xf32, #tpu.memory_space<hbm>>) target_semaphore(%arg28 : memref<!tpu.dma_semaphore, #tpu.memory_space<semaphore_mem>>)
      %mul3A_1108 = arith.constant 4 : i32
      %mul3A_1109 = arith.muli %add3A_1033, %mul3A_1108 : i32
      %add3A_1110 = arith.addi %mul3A_2, %mul3A_1109 : i32
      %dma_start3A_1111 = arith.constant 3 : i32
      %dma_start3A_1112 = arith.constant 0 : i32
      %dma_start3A_1113 = tpu.memref_slice %arg4[%dma_start3A_1111, %add3A_1110, %dma_start3A_1112] : memref<4x8192x1024xf32, #tpu.memory_space<hbm>> -> memref<1x4x1024xf32, #tpu.memory_space<hbm>>
      %dma_start3A_1114 = tpu.memref_squeeze %dma_start3A_1113 : memref<1x4x1024xf32, #tpu.memory_space<hbm>> -> memref<4x1024xf32, #tpu.memory_space<hbm>>
      %dma_start3A_1115 = arith.constant 0 : i32
      %dma_start3A_1116 = tpu.memref_slice %arg4[%dma_start3A_1111, %add3A_1110, %dma_start3A_1115] : memref<4x8192x1024xf32, #tpu.memory_space<hbm>> -> memref<1x4x1024xf32, #tpu.memory_space<hbm>>
      %dma_start3A_1117 = tpu.memref_squeeze %dma_start3A_1116 : memref<1x4x1024xf32, #tpu.memory_space<hbm>> -> memref<4x1024xf32, #tpu.memory_space<hbm>>
      tpu.enqueue_dma source(%arg12 : memref<4x1024xf32, #tpu.memory_space<vmem>>) target(%dma_start3A_1117 : memref<4x1024xf32, #tpu.memory_space<hbm>>) target_semaphore(%arg28 : memref<!tpu.dma_semaphore, #tpu.memory_space<semaphore_mem>>)
      %dma_wait3A_1118 = arith.constant 0 : i32
      %dma_wait3A_1119 = arith.constant 0 : i32
      %dma_wait3A_1120 = tpu.memref_slice %arg4[%dma_wait3A_1118, %mul3A_2, %dma_wait3A_1119] : memref<4x8192x1024xf32, #tpu.memory_space<hbm>> -> memref<1x4x1024xf32, #tpu.memory_space<hbm>>
      %dma_wait3A_1121 = tpu.memref_squeeze %dma_wait3A_1120 : memref<1x4x1024xf32, #tpu.memory_space<hbm>> -> memref<4x1024xf32, #tpu.memory_space<hbm>>
      %dma_wait3A_1122 = arith.constant 0 : i32
      %dma_wait3A_1123 = tpu.memref_slice %arg4[%dma_wait3A_1118, %mul3A_2, %dma_wait3A_1122] : memref<4x8192x1024xf32, #tpu.memory_space<hbm>> -> memref<1x4x1024xf32, #tpu.memory_space<hbm>>
      %dma_wait3A_1124 = tpu.memref_squeeze %dma_wait3A_1123 : memref<1x4x1024xf32, #tpu.memory_space<hbm>> -> memref<4x1024xf32, #tpu.memory_space<hbm>>
      tpu.wait_dma2 semaphore(%arg30 : memref<!tpu.dma_semaphore, #tpu.memory_space<semaphore_mem>>) src(%arg17 : memref<4x1024xf32, #tpu.memory_space<vmem>>) dst(%dma_wait3A_1124 : memref<4x1024xf32, #tpu.memory_space<hbm>>)
      %dma_wait3A_1125 = arith.constant 1 : i32
      %dma_wait3A_1126 = arith.constant 0 : i32
      %dma_wait3A_1127 = tpu.memref_slice %arg4[%dma_wait3A_1125, %mul3A_2, %dma_wait3A_1126] : memref<4x8192x1024xf32, #tpu.memory_space<hbm>> -> memref<1x4x1024xf32, #tpu.memory_space<hbm>>
      %dma_wait3A_1128 = tpu.memref_squeeze %dma_wait3A_1127 : memref<1x4x1024xf32, #tpu.memory_space<hbm>> -> memref<4x1024xf32, #tpu.memory_space<hbm>>
      %dma_wait3A_1129 = arith.constant 0 : i32
      %dma_wait3A_1130 = tpu.memref_slice %arg4[%dma_wait3A_1125, %mul3A_2, %dma_wait3A_1129] : memref<4x8192x1024xf32, #tpu.memory_space<hbm>> -> memref<1x4x1024xf32, #tpu.memory_space<hbm>>
      %dma_wait3A_1131 = tpu.memref_squeeze %dma_wait3A_1130 : memref<1x4x1024xf32, #tpu.memory_space<hbm>> -> memref<4x1024xf32, #tpu.memory_space<hbm>>
      tpu.wait_dma2 semaphore(%arg30 : memref<!tpu.dma_semaphore, #tpu.memory_space<semaphore_mem>>) src(%arg18 : memref<4x1024xf32, #tpu.memory_space<vmem>>) dst(%dma_wait3A_1131 : memref<4x1024xf32, #tpu.memory_space<hbm>>)
      %dma_wait3A_1132 = arith.constant 2 : i32
      %dma_wait3A_1133 = arith.constant 0 : i32
      %dma_wait3A_1134 = tpu.memref_slice %arg4[%dma_wait3A_1132, %mul3A_2, %dma_wait3A_1133] : memref<4x8192x1024xf32, #tpu.memory_space<hbm>> -> memref<1x4x1024xf32, #tpu.memory_space<hbm>>
      %dma_wait3A_1135 = tpu.memref_squeeze %dma_wait3A_1134 : memref<1x4x1024xf32, #tpu.memory_space<hbm>> -> memref<4x1024xf32, #tpu.memory_space<hbm>>
      %dma_wait3A_1136 = arith.constant 0 : i32
      %dma_wait3A_1137 = tpu.memref_slice %arg4[%dma_wait3A_1132, %mul3A_2, %dma_wait3A_1136] : memref<4x8192x1024xf32, #tpu.memory_space<hbm>> -> memref<1x4x1024xf32, #tpu.memory_space<hbm>>
      %dma_wait3A_1138 = tpu.memref_squeeze %dma_wait3A_1137 : memref<1x4x1024xf32, #tpu.memory_space<hbm>> -> memref<4x1024xf32, #tpu.memory_space<hbm>>
      tpu.wait_dma2 semaphore(%arg30 : memref<!tpu.dma_semaphore, #tpu.memory_space<semaphore_mem>>) src(%arg19 : memref<4x1024xf32, #tpu.memory_space<vmem>>) dst(%dma_wait3A_1138 : memref<4x1024xf32, #tpu.memory_space<hbm>>)
      %dma_wait3A_1139 = arith.constant 3 : i32
      %dma_wait3A_1140 = arith.constant 0 : i32
      %dma_wait3A_1141 = tpu.memref_slice %arg4[%dma_wait3A_1139, %mul3A_2, %dma_wait3A_1140] : memref<4x8192x1024xf32, #tpu.memory_space<hbm>> -> memref<1x4x1024xf32, #tpu.memory_space<hbm>>
      %dma_wait3A_1142 = tpu.memref_squeeze %dma_wait3A_1141 : memref<1x4x1024xf32, #tpu.memory_space<hbm>> -> memref<4x1024xf32, #tpu.memory_space<hbm>>
      %dma_wait3A_1143 = arith.constant 0 : i32
      %dma_wait3A_1144 = tpu.memref_slice %arg4[%dma_wait3A_1139, %mul3A_2, %dma_wait3A_1143] : memref<4x8192x1024xf32, #tpu.memory_space<hbm>> -> memref<1x4x1024xf32, #tpu.memory_space<hbm>>
      %dma_wait3A_1145 = tpu.memref_squeeze %dma_wait3A_1144 : memref<1x4x1024xf32, #tpu.memory_space<hbm>> -> memref<4x1024xf32, #tpu.memory_space<hbm>>
      tpu.wait_dma2 semaphore(%arg30 : memref<!tpu.dma_semaphore, #tpu.memory_space<semaphore_mem>>) src(%arg20 : memref<4x1024xf32, #tpu.memory_space<vmem>>) dst(%dma_wait3A_1145 : memref<4x1024xf32, #tpu.memory_space<hbm>>)
      %add3A_1146 = arith.constant 2 : i32
      %add3A_1147 = arith.addi %add3A_1033, %add3A_1146 : i32
      %mul3A_1148 = arith.constant 4 : i32
      %mul3A_1149 = arith.muli %add3A_1147, %mul3A_1148 : i32
      %add3A_1150 = arith.addi %mul3A_2, %mul3A_1149 : i32
      %dma_start3A_1151 = arith.constant 0 : i32
      %dma_start3A_1152 = arith.constant 0 : i32
      %dma_start3A_1153 = tpu.memref_slice %arg2[%dma_start3A_1151, %add3A_1150, %dma_start3A_1152] : memref<4x8192x1024xf32, #tpu.memory_space<hbm>> -> memref<1x4x1024xf32, #tpu.memory_space<hbm>>
      %dma_start3A_1154 = tpu.memref_squeeze %dma_start3A_1153 : memref<1x4x1024xf32, #tpu.memory_space<hbm>> -> memref<4x1024xf32, #tpu.memory_space<hbm>>
      %dma_start3A_1155 = arith.constant 0 : i32
      %dma_start3A_1156 = tpu.memref_slice %arg2[%dma_start3A_1151, %add3A_1150, %dma_start3A_1155] : memref<4x8192x1024xf32, #tpu.memory_space<hbm>> -> memref<1x4x1024xf32, #tpu.memory_space<hbm>>
      %dma_start3A_1157 = tpu.memref_squeeze %dma_start3A_1156 : memref<1x4x1024xf32, #tpu.memory_space<hbm>> -> memref<4x1024xf32, #tpu.memory_space<hbm>>
      tpu.enqueue_dma source(%dma_start3A_1157 : memref<4x1024xf32, #tpu.memory_space<hbm>>) target(%arg17 : memref<4x1024xf32, #tpu.memory_space<vmem>>) target_semaphore(%arg26 : memref<!tpu.dma_semaphore, #tpu.memory_space<semaphore_mem>>)
      %mul3A_1158 = arith.constant 4 : i32
      %mul3A_1159 = arith.muli %add3A_1147, %mul3A_1158 : i32
      %add3A_1160 = arith.addi %mul3A_2, %mul3A_1159 : i32
      %dma_start3A_1161 = arith.constant 1 : i32
      %dma_start3A_1162 = arith.constant 0 : i32
      %dma_start3A_1163 = tpu.memref_slice %arg2[%dma_start3A_1161, %add3A_1160, %dma_start3A_1162] : memref<4x8192x1024xf32, #tpu.memory_space<hbm>> -> memref<1x4x1024xf32, #tpu.memory_space<hbm>>
      %dma_start3A_1164 = tpu.memref_squeeze %dma_start3A_1163 : memref<1x4x1024xf32, #tpu.memory_space<hbm>> -> memref<4x1024xf32, #tpu.memory_space<hbm>>
      %dma_start3A_1165 = arith.constant 0 : i32
      %dma_start3A_1166 = tpu.memref_slice %arg2[%dma_start3A_1161, %add3A_1160, %dma_start3A_1165] : memref<4x8192x1024xf32, #tpu.memory_space<hbm>> -> memref<1x4x1024xf32, #tpu.memory_space<hbm>>
      %dma_start3A_1167 = tpu.memref_squeeze %dma_start3A_1166 : memref<1x4x1024xf32, #tpu.memory_space<hbm>> -> memref<4x1024xf32, #tpu.memory_space<hbm>>
      tpu.enqueue_dma source(%dma_start3A_1167 : memref<4x1024xf32, #tpu.memory_space<hbm>>) target(%arg18 : memref<4x1024xf32, #tpu.memory_space<vmem>>) target_semaphore(%arg26 : memref<!tpu.dma_semaphore, #tpu.memory_space<semaphore_mem>>)
      %mul3A_1168 = arith.constant 4 : i32
      %mul3A_1169 = arith.muli %add3A_1147, %mul3A_1168 : i32
      %add3A_1170 = arith.addi %mul3A_2, %mul3A_1169 : i32
      %dma_start3A_1171 = arith.constant 2 : i32
      %dma_start3A_1172 = arith.constant 0 : i32
      %dma_start3A_1173 = tpu.memref_slice %arg2[%dma_start3A_1171, %add3A_1170, %dma_start3A_1172] : memref<4x8192x1024xf32, #tpu.memory_space<hbm>> -> memref<1x4x1024xf32, #tpu.memory_space<hbm>>
      %dma_start3A_1174 = tpu.memref_squeeze %dma_start3A_1173 : memref<1x4x1024xf32, #tpu.memory_space<hbm>> -> memref<4x1024xf32, #tpu.memory_space<hbm>>
      %dma_start3A_1175 = arith.constant 0 : i32
      %dma_start3A_1176 = tpu.memref_slice %arg2[%dma_start3A_1171, %add3A_1170, %dma_start3A_1175] : memref<4x8192x1024xf32, #tpu.memory_space<hbm>> -> memref<1x4x1024xf32, #tpu.memory_space<hbm>>
      %dma_start3A_1177 = tpu.memref_squeeze %dma_start3A_1176 : memref<1x4x1024xf32, #tpu.memory_space<hbm>> -> memref<4x1024xf32, #tpu.memory_space<hbm>>
      tpu.enqueue_dma source(%dma_start3A_1177 : memref<4x1024xf32, #tpu.memory_space<hbm>>) target(%arg19 : memref<4x1024xf32, #tpu.memory_space<vmem>>) target_semaphore(%arg26 : memref<!tpu.dma_semaphore, #tpu.memory_space<semaphore_mem>>)
      %mul3A_1178 = arith.constant 4 : i32
      %mul3A_1179 = arith.muli %add3A_1147, %mul3A_1178 : i32
      %add3A_1180 = arith.addi %mul3A_2, %mul3A_1179 : i32
      %dma_start3A_1181 = arith.constant 3 : i32
      %dma_start3A_1182 = arith.constant 0 : i32
      %dma_start3A_1183 = tpu.memref_slice %arg2[%dma_start3A_1181, %add3A_1180, %dma_start3A_1182] : memref<4x8192x1024xf32, #tpu.memory_space<hbm>> -> memref<1x4x1024xf32, #tpu.memory_space<hbm>>
      %dma_start3A_1184 = tpu.memref_squeeze %dma_start3A_1183 : memref<1x4x1024xf32, #tpu.memory_space<hbm>> -> memref<4x1024xf32, #tpu.memory_space<hbm>>
      %dma_start3A_1185 = arith.constant 0 : i32
      %dma_start3A_1186 = tpu.memref_slice %arg2[%dma_start3A_1181, %add3A_1180, %dma_start3A_1185] : memref<4x8192x1024xf32, #tpu.memory_space<hbm>> -> memref<1x4x1024xf32, #tpu.memory_space<hbm>>
      %dma_start3A_1187 = tpu.memref_squeeze %dma_start3A_1186 : memref<1x4x1024xf32, #tpu.memory_space<hbm>> -> memref<4x1024xf32, #tpu.memory_space<hbm>>
      tpu.enqueue_dma source(%dma_start3A_1187 : memref<4x1024xf32, #tpu.memory_space<hbm>>) target(%arg20 : memref<4x1024xf32, #tpu.memory_space<vmem>>) target_semaphore(%arg26 : memref<!tpu.dma_semaphore, #tpu.memory_space<semaphore_mem>>)
    }
    %scan3A_298 = arith.constant 15 : i32
    %add3A_299 = arith.constant 252 : i32
    %add3A_300 = arith.addi %mul3A_2, %add3A_299 : i32
    %dma_start3A_301 = arith.constant 0 : i32
    %dma_start3A_302 = tpu.memref_slice %arg3[%add3A_300, %dma_start3A_301] : memref<8192x1024xf32, #tpu.memory_space<hbm>> -> memref<4x1024xf32, #tpu.memory_space<hbm>>
    %dma_start3A_303 = arith.constant 0 : i32
    %dma_start3A_304 = tpu.memref_slice %arg3[%add3A_300, %dma_start3A_303] : memref<8192x1024xf32, #tpu.memory_space<hbm>> -> memref<4x1024xf32, #tpu.memory_space<hbm>>
    tpu.enqueue_dma source(%dma_start3A_304 : memref<4x1024xf32, #tpu.memory_space<hbm>>) target(%arg22 : memref<4x1024xf32, #tpu.memory_space<vmem>>) target_semaphore(%arg31 : memref<!tpu.dma_semaphore, #tpu.memory_space<semaphore_mem>>)
    %dma_wait3A_305 = arith.constant 0 : i32
    %dma_wait3A_306 = tpu.memref_slice %arg3[%mul3A_2, %dma_wait3A_305] : memref<8192x1024xf32, #tpu.memory_space<hbm>> -> memref<4x1024xf32, #tpu.memory_space<hbm>>
    %dma_wait3A_307 = arith.constant 0 : i32
    %dma_wait3A_308 = tpu.memref_slice %arg3[%mul3A_2, %dma_wait3A_307] : memref<8192x1024xf32, #tpu.memory_space<hbm>> -> memref<4x1024xf32, #tpu.memory_space<hbm>>
    tpu.wait_dma2 semaphore(%arg31 : memref<!tpu.dma_semaphore, #tpu.memory_space<semaphore_mem>>) src(%dma_wait3A_308 : memref<4x1024xf32, #tpu.memory_space<hbm>>) dst(%arg21 : memref<4x1024xf32, #tpu.memory_space<vmem>>)
    %dma_wait3A_309 = arith.constant 0 : i32
    %dma_wait3A_310 = arith.constant 0 : i32
    %dma_wait3A_311 = tpu.memref_slice %arg2[%dma_wait3A_309, %mul3A_2, %dma_wait3A_310] : memref<4x8192x1024xf32, #tpu.memory_space<hbm>> -> memref<1x4x1024xf32, #tpu.memory_space<hbm>>
    %dma_wait3A_312 = tpu.memref_squeeze %dma_wait3A_311 : memref<1x4x1024xf32, #tpu.memory_space<hbm>> -> memref<4x1024xf32, #tpu.memory_space<hbm>>
    %dma_wait3A_313 = arith.constant 0 : i32
    %dma_wait3A_314 = tpu.memref_slice %arg2[%dma_wait3A_309, %mul3A_2, %dma_wait3A_313] : memref<4x8192x1024xf32, #tpu.memory_space<hbm>> -> memref<1x4x1024xf32, #tpu.memory_space<hbm>>
    %dma_wait3A_315 = tpu.memref_squeeze %dma_wait3A_314 : memref<1x4x1024xf32, #tpu.memory_space<hbm>> -> memref<4x1024xf32, #tpu.memory_space<hbm>>
    tpu.wait_dma2 semaphore(%arg25 : memref<!tpu.dma_semaphore, #tpu.memory_space<semaphore_mem>>) src(%dma_wait3A_315 : memref<4x1024xf32, #tpu.memory_space<hbm>>) dst(%arg13 : memref<4x1024xf32, #tpu.memory_space<vmem>>)
    %dma_wait3A_316 = arith.constant 1 : i32
    %dma_wait3A_317 = arith.constant 0 : i32
    %dma_wait3A_318 = tpu.memref_slice %arg2[%dma_wait3A_316, %mul3A_2, %dma_wait3A_317] : memref<4x8192x1024xf32, #tpu.memory_space<hbm>> -> memref<1x4x1024xf32, #tpu.memory_space<hbm>>
    %dma_wait3A_319 = tpu.memref_squeeze %dma_wait3A_318 : memref<1x4x1024xf32, #tpu.memory_space<hbm>> -> memref<4x1024xf32, #tpu.memory_space<hbm>>
    %dma_wait3A_320 = arith.constant 0 : i32
    %dma_wait3A_321 = tpu.memref_slice %arg2[%dma_wait3A_316, %mul3A_2, %dma_wait3A_320] : memref<4x8192x1024xf32, #tpu.memory_space<hbm>> -> memref<1x4x1024xf32, #tpu.memory_space<hbm>>
    %dma_wait3A_322 = tpu.memref_squeeze %dma_wait3A_321 : memref<1x4x1024xf32, #tpu.memory_space<hbm>> -> memref<4x1024xf32, #tpu.memory_space<hbm>>
    tpu.wait_dma2 semaphore(%arg25 : memref<!tpu.dma_semaphore, #tpu.memory_space<semaphore_mem>>) src(%dma_wait3A_322 : memref<4x1024xf32, #tpu.memory_space<hbm>>) dst(%arg14 : memref<4x1024xf32, #tpu.memory_space<vmem>>)
    %dma_wait3A_323 = arith.constant 2 : i32
    %dma_wait3A_324 = arith.constant 0 : i32
    %dma_wait3A_325 = tpu.memref_slice %arg2[%dma_wait3A_323, %mul3A_2, %dma_wait3A_324] : memref<4x8192x1024xf32, #tpu.memory_space<hbm>> -> memref<1x4x1024xf32, #tpu.memory_space<hbm>>
    %dma_wait3A_326 = tpu.memref_squeeze %dma_wait3A_325 : memref<1x4x1024xf32, #tpu.memory_space<hbm>> -> memref<4x1024xf32, #tpu.memory_space<hbm>>
    %dma_wait3A_327 = arith.constant 0 : i32
    %dma_wait3A_328 = tpu.memref_slice %arg2[%dma_wait3A_323, %mul3A_2, %dma_wait3A_327] : memref<4x8192x1024xf32, #tpu.memory_space<hbm>> -> memref<1x4x1024xf32, #tpu.memory_space<hbm>>
    %dma_wait3A_329 = tpu.memref_squeeze %dma_wait3A_328 : memref<1x4x1024xf32, #tpu.memory_space<hbm>> -> memref<4x1024xf32, #tpu.memory_space<hbm>>
    tpu.wait_dma2 semaphore(%arg25 : memref<!tpu.dma_semaphore, #tpu.memory_space<semaphore_mem>>) src(%dma_wait3A_329 : memref<4x1024xf32, #tpu.memory_space<hbm>>) dst(%arg15 : memref<4x1024xf32, #tpu.memory_space<vmem>>)
    %dma_wait3A_330 = arith.constant 3 : i32
    %dma_wait3A_331 = arith.constant 0 : i32
    %dma_wait3A_332 = tpu.memref_slice %arg2[%dma_wait3A_330, %mul3A_2, %dma_wait3A_331] : memref<4x8192x1024xf32, #tpu.memory_space<hbm>> -> memref<1x4x1024xf32, #tpu.memory_space<hbm>>
    %dma_wait3A_333 = tpu.memref_squeeze %dma_wait3A_332 : memref<1x4x1024xf32, #tpu.memory_space<hbm>> -> memref<4x1024xf32, #tpu.memory_space<hbm>>
    %dma_wait3A_334 = arith.constant 0 : i32
    %dma_wait3A_335 = tpu.memref_slice %arg2[%dma_wait3A_330, %mul3A_2, %dma_wait3A_334] : memref<4x8192x1024xf32, #tpu.memory_space<hbm>> -> memref<1x4x1024xf32, #tpu.memory_space<hbm>>
    %dma_wait3A_336 = tpu.memref_squeeze %dma_wait3A_335 : memref<1x4x1024xf32, #tpu.memory_space<hbm>> -> memref<4x1024xf32, #tpu.memory_space<hbm>>
    tpu.wait_dma2 semaphore(%arg25 : memref<!tpu.dma_semaphore, #tpu.memory_space<semaphore_mem>>) src(%dma_wait3A_336 : memref<4x1024xf32, #tpu.memory_space<hbm>>) dst(%arg16 : memref<4x1024xf32, #tpu.memory_space<vmem>>)
    %parallel_loop3A_337 = arith.constant 0 : i32
    %parallel_loop3A_338 = arith.constant 256 : i32
    %parallel_loop3A_339 = arith.constant 1 : i32
    scf.for %parallel_loop3A_559 = %parallel_loop3A_337 to %parallel_loop3A_338 step %parallel_loop3A_339  : i32 {
      %parallel_loop3A_560 = arith.constant 6 : i32
      %parallel_loop3A_561 = arith.shrsi %parallel_loop3A_559, %parallel_loop3A_560 : i32
      %parallel_loop3A_562 = arith.constant 63 : i32
      %parallel_loop3A_563 = arith.andi %parallel_loop3A_559, %parallel_loop3A_562 : i32
      %parallel_loop3A_564 = arith.constant 16 : i32
      %parallel_loop3A_565 = arith.muli %parallel_loop3A_563, %parallel_loop3A_564 : i32
      %parallel_loop3A_566 = arith.index_cast %parallel_loop3A_561 : i32 to index
      %parallel_loop3A_567 = arith.index_cast %parallel_loop3A_565 : i32 to index
      %parallel_loop3A_568 = tpu.vector_load %arg21[%parallel_loop3A_566, %parallel_loop3A_567] {strides = array<i32>} : memref<4x1024xf32, #tpu.memory_space<vmem>>, vector<1x16xf32>,
      %parallel_loop3A_569 = vector.shape_cast %parallel_loop3A_568 : vector<1x16xf32> to vector<16xf32>
      %parallel_loop3A_570 = arith.index_cast %parallel_loop3A_561 : i32 to index
      %parallel_loop3A_571 = arith.index_cast %parallel_loop3A_565 : i32 to index
      %parallel_loop3A_572 = tpu.vector_load %arg13[%parallel_loop3A_570, %parallel_loop3A_571] {strides = array<i32>} : memref<4x1024xf32, #tpu.memory_space<vmem>>, vector<1x16xf32>,
      %parallel_loop3A_573 = vector.shape_cast %parallel_loop3A_572 : vector<1x16xf32> to vector<16xf32>
      %parallel_loop3A_574 = arith.constant 3.200000e+01 : f32
      %parallel_loop3A_575 = vector.broadcast %parallel_loop3A_574 : f32 to vector<16xf32>
      %parallel_loop3A_576 = arith.mulf %parallel_loop3A_573, %parallel_loop3A_575 : vector<16xf32>
      %parallel_loop3A_577 = arith.addf %parallel_loop3A_576, %parallel_loop3A_569 : vector<16xf32>
      %parallel_loop3A_578 = arith.index_cast %parallel_loop3A_561 : i32 to index
      %parallel_loop3A_579 = arith.index_cast %parallel_loop3A_565 : i32 to index
      %parallel_loop3A_580 = tpu.vector_load %arg13[%parallel_loop3A_578, %parallel_loop3A_579] {strides = array<i32>} : memref<4x1024xf32, #tpu.memory_space<vmem>>, vector<1x16xf32>,
      %parallel_loop3A_581 = vector.shape_cast %parallel_loop3A_580 : vector<1x16xf32> to vector<16xf32>
      %parallel_loop3A_582 = vector.shape_cast %parallel_loop3A_577 : vector<16xf32> to vector<1x16xf32>
      tpu.vector_store %arg13[%parallel_loop3A_578, %parallel_loop3A_579], %parallel_loop3A_582 {strides = array<i32>} : memref<4x1024xf32, #tpu.memory_space<vmem>>, vector<1x16xf32>,
      %parallel_loop3A_583 = arith.index_cast %parallel_loop3A_561 : i32 to index
      %parallel_loop3A_584 = arith.index_cast %parallel_loop3A_565 : i32 to index
      %parallel_loop3A_585 = tpu.vector_load %arg14[%parallel_loop3A_583, %parallel_loop3A_584] {strides = array<i32>} : memref<4x1024xf32, #tpu.memory_space<vmem>>, vector<1x16xf32>,
      %parallel_loop3A_586 = vector.shape_cast %parallel_loop3A_585 : vector<1x16xf32> to vector<16xf32>
      %parallel_loop3A_587 = arith.constant 3.200000e+01 : f32
      %parallel_loop3A_588 = vector.broadcast %parallel_loop3A_587 : f32 to vector<16xf32>
      %parallel_loop3A_589 = arith.mulf %parallel_loop3A_586, %parallel_loop3A_588 : vector<16xf32>
      %parallel_loop3A_590 = arith.addf %parallel_loop3A_589, %parallel_loop3A_569 : vector<16xf32>
      %parallel_loop3A_591 = arith.index_cast %parallel_loop3A_561 : i32 to index
      %parallel_loop3A_592 = arith.index_cast %parallel_loop3A_565 : i32 to index
      %parallel_loop3A_593 = tpu.vector_load %arg14[%parallel_loop3A_591, %parallel_loop3A_592] {strides = array<i32>} : memref<4x1024xf32, #tpu.memory_space<vmem>>, vector<1x16xf32>,
      %parallel_loop3A_594 = vector.shape_cast %parallel_loop3A_593 : vector<1x16xf32> to vector<16xf32>
      %parallel_loop3A_595 = vector.shape_cast %parallel_loop3A_590 : vector<16xf32> to vector<1x16xf32>
      tpu.vector_store %arg14[%parallel_loop3A_591, %parallel_loop3A_592], %parallel_loop3A_595 {strides = array<i32>} : memref<4x1024xf32, #tpu.memory_space<vmem>>, vector<1x16xf32>,
      %parallel_loop3A_596 = arith.index_cast %parallel_loop3A_561 : i32 to index
      %parallel_loop3A_597 = arith.index_cast %parallel_loop3A_565 : i32 to index
      %parallel_loop3A_598 = tpu.vector_load %arg15[%parallel_loop3A_596, %parallel_loop3A_597] {strides = array<i32>} : memref<4x1024xf32, #tpu.memory_space<vmem>>, vector<1x16xf32>,
      %parallel_loop3A_599 = vector.shape_cast %parallel_loop3A_598 : vector<1x16xf32> to vector<16xf32>
      %parallel_loop3A_600 = arith.constant 3.200000e+01 : f32
      %parallel_loop3A_601 = vector.broadcast %parallel_loop3A_600 : f32 to vector<16xf32>
      %parallel_loop3A_602 = arith.mulf %parallel_loop3A_599, %parallel_loop3A_601 : vector<16xf32>
      %parallel_loop3A_603 = arith.addf %parallel_loop3A_602, %parallel_loop3A_569 : vector<16xf32>
      %parallel_loop3A_604 = arith.index_cast %parallel_loop3A_561 : i32 to index
      %parallel_loop3A_605 = arith.index_cast %parallel_loop3A_565 : i32 to index
      %parallel_loop3A_606 = tpu.vector_load %arg15[%parallel_loop3A_604, %parallel_loop3A_605] {strides = array<i32>} : memref<4x1024xf32, #tpu.memory_space<vmem>>, vector<1x16xf32>,
      %parallel_loop3A_607 = vector.shape_cast %parallel_loop3A_606 : vector<1x16xf32> to vector<16xf32>
      %parallel_loop3A_608 = vector.shape_cast %parallel_loop3A_603 : vector<16xf32> to vector<1x16xf32>
      tpu.vector_store %arg15[%parallel_loop3A_604, %parallel_loop3A_605], %parallel_loop3A_608 {strides = array<i32>} : memref<4x1024xf32, #tpu.memory_space<vmem>>, vector<1x16xf32>,
      %parallel_loop3A_609 = arith.index_cast %parallel_loop3A_561 : i32 to index
      %parallel_loop3A_610 = arith.index_cast %parallel_loop3A_565 : i32 to index
      %parallel_loop3A_611 = tpu.vector_load %arg16[%parallel_loop3A_609, %parallel_loop3A_610] {strides = array<i32>} : memref<4x1024xf32, #tpu.memory_space<vmem>>, vector<1x16xf32>,
      %parallel_loop3A_612 = vector.shape_cast %parallel_loop3A_611 : vector<1x16xf32> to vector<16xf32>
      %parallel_loop3A_613 = arith.constant 3.200000e+01 : f32
      %parallel_loop3A_614 = vector.broadcast %parallel_loop3A_613 : f32 to vector<16xf32>
      %parallel_loop3A_615 = arith.mulf %parallel_loop3A_612, %parallel_loop3A_614 : vector<16xf32>
      %parallel_loop3A_616 = arith.addf %parallel_loop3A_615, %parallel_loop3A_569 : vector<16xf32>
      %parallel_loop3A_617 = arith.index_cast %parallel_loop3A_561 : i32 to index
      %parallel_loop3A_618 = arith.index_cast %parallel_loop3A_565 : i32 to index
      %parallel_loop3A_619 = tpu.vector_load %arg16[%parallel_loop3A_617, %parallel_loop3A_618] {strides = array<i32>} : memref<4x1024xf32, #tpu.memory_space<vmem>>, vector<1x16xf32>,
      %parallel_loop3A_620 = vector.shape_cast %parallel_loop3A_619 : vector<1x16xf32> to vector<16xf32>
      %parallel_loop3A_621 = vector.shape_cast %parallel_loop3A_616 : vector<16xf32> to vector<1x16xf32>
      tpu.vector_store %arg16[%parallel_loop3A_617, %parallel_loop3A_618], %parallel_loop3A_621 {strides = array<i32>} : memref<4x1024xf32, #tpu.memory_space<vmem>>, vector<1x16xf32>,
    } {sc.loop_unroll_factor = 2 : i64, sc.parallel_access}
    %add3A_340 = arith.constant 248 : i32
    %add3A_341 = arith.addi %mul3A_2, %add3A_340 : i32
    %dma_start3A_342 = arith.constant 0 : i32
    %dma_start3A_343 = arith.constant 0 : i32
    %dma_start3A_344 = tpu.memref_slice %arg4[%dma_start3A_342, %add3A_341, %dma_start3A_343] : memref<4x8192x1024xf32, #tpu.memory_space<hbm>> -> memref<1x4x1024xf32, #tpu.memory_space<hbm>>
    %dma_start3A_345 = tpu.memref_squeeze %dma_start3A_344 : memref<1x4x1024xf32, #tpu.memory_space<hbm>> -> memref<4x1024xf32, #tpu.memory_space<hbm>>
    %dma_start3A_346 = arith.constant 0 : i32
    %dma_start3A_347 = tpu.memref_slice %arg4[%dma_start3A_342, %add3A_341, %dma_start3A_346] : memref<4x8192x1024xf32, #tpu.memory_space<hbm>> -> memref<1x4x1024xf32, #tpu.memory_space<hbm>>
    %dma_start3A_348 = tpu.memref_squeeze %dma_start3A_347 : memref<1x4x1024xf32, #tpu.memory_space<hbm>> -> memref<4x1024xf32, #tpu.memory_space<hbm>>
    tpu.enqueue_dma source(%arg13 : memref<4x1024xf32, #tpu.memory_space<vmem>>) target(%dma_start3A_348 : memref<4x1024xf32, #tpu.memory_space<hbm>>) target_semaphore(%arg29 : memref<!tpu.dma_semaphore, #tpu.memory_space<semaphore_mem>>)
    %add3A_349 = arith.constant 248 : i32
    %add3A_350 = arith.addi %mul3A_2, %add3A_349 : i32
    %dma_start3A_351 = arith.constant 1 : i32
    %dma_start3A_352 = arith.constant 0 : i32
    %dma_start3A_353 = tpu.memref_slice %arg4[%dma_start3A_351, %add3A_350, %dma_start3A_352] : memref<4x8192x1024xf32, #tpu.memory_space<hbm>> -> memref<1x4x1024xf32, #tpu.memory_space<hbm>>
    %dma_start3A_354 = tpu.memref_squeeze %dma_start3A_353 : memref<1x4x1024xf32, #tpu.memory_space<hbm>> -> memref<4x1024xf32, #tpu.memory_space<hbm>>
    %dma_start3A_355 = arith.constant 0 : i32
    %dma_start3A_356 = tpu.memref_slice %arg4[%dma_start3A_351, %add3A_350, %dma_start3A_355] : memref<4x8192x1024xf32, #tpu.memory_space<hbm>> -> memref<1x4x1024xf32, #tpu.memory_space<hbm>>
    %dma_start3A_357 = tpu.memref_squeeze %dma_start3A_356 : memref<1x4x1024xf32, #tpu.memory_space<hbm>> -> memref<4x1024xf32, #tpu.memory_space<hbm>>
    tpu.enqueue_dma source(%arg14 : memref<4x1024xf32, #tpu.memory_space<vmem>>) target(%dma_start3A_357 : memref<4x1024xf32, #tpu.memory_space<hbm>>) target_semaphore(%arg29 : memref<!tpu.dma_semaphore, #tpu.memory_space<semaphore_mem>>)
    %add3A_358 = arith.constant 248 : i32
    %add3A_359 = arith.addi %mul3A_2, %add3A_358 : i32
    %dma_start3A_360 = arith.constant 2 : i32
    %dma_start3A_361 = arith.constant 0 : i32
    %dma_start3A_362 = tpu.memref_slice %arg4[%dma_start3A_360, %add3A_359, %dma_start3A_361] : memref<4x8192x1024xf32, #tpu.memory_space<hbm>> -> memref<1x4x1024xf32, #tpu.memory_space<hbm>>
    %dma_start3A_363 = tpu.memref_squeeze %dma_start3A_362 : memref<1x4x1024xf32, #tpu.memory_space<hbm>> -> memref<4x1024xf32, #tpu.memory_space<hbm>>
    %dma_start3A_364 = arith.constant 0 : i32
    %dma_start3A_365 = tpu.memref_slice %arg4[%dma_start3A_360, %add3A_359, %dma_start3A_364] : memref<4x8192x1024xf32, #tpu.memory_space<hbm>> -> memref<1x4x1024xf32, #tpu.memory_space<hbm>>
    %dma_start3A_366 = tpu.memref_squeeze %dma_start3A_365 : memref<1x4x1024xf32, #tpu.memory_space<hbm>> -> memref<4x1024xf32, #tpu.memory_space<hbm>>
    tpu.enqueue_dma source(%arg15 : memref<4x1024xf32, #tpu.memory_space<vmem>>) target(%dma_start3A_366 : memref<4x1024xf32, #tpu.memory_space<hbm>>) target_semaphore(%arg29 : memref<!tpu.dma_semaphore, #tpu.memory_space<semaphore_mem>>)
    %add3A_367 = arith.constant 248 : i32
    %add3A_368 = arith.addi %mul3A_2, %add3A_367 : i32
    %dma_start3A_369 = arith.constant 3 : i32
    %dma_start3A_370 = arith.constant 0 : i32
    %dma_start3A_371 = tpu.memref_slice %arg4[%dma_start3A_369, %add3A_368, %dma_start3A_370] : memref<4x8192x1024xf32, #tpu.memory_space<hbm>> -> memref<1x4x1024xf32, #tpu.memory_space<hbm>>
    %dma_start3A_372 = tpu.memref_squeeze %dma_start3A_371 : memref<1x4x1024xf32, #tpu.memory_space<hbm>> -> memref<4x1024xf32, #tpu.memory_space<hbm>>
    %dma_start3A_373 = arith.constant 0 : i32
    %dma_start3A_374 = tpu.memref_slice %arg4[%dma_start3A_369, %add3A_368, %dma_start3A_373] : memref<4x8192x1024xf32, #tpu.memory_space<hbm>> -> memref<1x4x1024xf32, #tpu.memory_space<hbm>>
    %dma_start3A_375 = tpu.memref_squeeze %dma_start3A_374 : memref<1x4x1024xf32, #tpu.memory_space<hbm>> -> memref<4x1024xf32, #tpu.memory_space<hbm>>
    tpu.enqueue_dma source(%arg16 : memref<4x1024xf32, #tpu.memory_space<vmem>>) target(%dma_start3A_375 : memref<4x1024xf32, #tpu.memory_space<hbm>>) target_semaphore(%arg29 : memref<!tpu.dma_semaphore, #tpu.memory_space<semaphore_mem>>)
    %dma_wait3A_376 = arith.constant 0 : i32
    %dma_wait3A_377 = arith.constant 0 : i32
    %dma_wait3A_378 = tpu.memref_slice %arg4[%dma_wait3A_376, %mul3A_2, %dma_wait3A_377] : memref<4x8192x1024xf32, #tpu.memory_space<hbm>> -> memref<1x4x1024xf32, #tpu.memory_space<hbm>>
    %dma_wait3A_379 = tpu.memref_squeeze %dma_wait3A_378 : memref<1x4x1024xf32, #tpu.memory_space<hbm>> -> memref<4x1024xf32, #tpu.memory_space<hbm>>
    %dma_wait3A_380 = arith.constant 0 : i32
    %dma_wait3A_381 = tpu.memref_slice %arg4[%dma_wait3A_376, %mul3A_2, %dma_wait3A_380] : memref<4x8192x1024xf32, #tpu.memory_space<hbm>> -> memref<1x4x1024xf32, #tpu.memory_space<hbm>>
    %dma_wait3A_382 = tpu.memref_squeeze %dma_wait3A_381 : memref<1x4x1024xf32, #tpu.memory_space<hbm>> -> memref<4x1024xf32, #tpu.memory_space<hbm>>
    tpu.wait_dma2 semaphore(%arg27 : memref<!tpu.dma_semaphore, #tpu.memory_space<semaphore_mem>>) src(%arg5 : memref<4x1024xf32, #tpu.memory_space<vmem>>) dst(%dma_wait3A_382 : memref<4x1024xf32, #tpu.memory_space<hbm>>)
    %dma_wait3A_383 = arith.constant 1 : i32
    %dma_wait3A_384 = arith.constant 0 : i32
    %dma_wait3A_385 = tpu.memref_slice %arg4[%dma_wait3A_383, %mul3A_2, %dma_wait3A_384] : memref<4x8192x1024xf32, #tpu.memory_space<hbm>> -> memref<1x4x1024xf32, #tpu.memory_space<hbm>>
    %dma_wait3A_386 = tpu.memref_squeeze %dma_wait3A_385 : memref<1x4x1024xf32, #tpu.memory_space<hbm>> -> memref<4x1024xf32, #tpu.memory_space<hbm>>
    %dma_wait3A_387 = arith.constant 0 : i32
    %dma_wait3A_388 = tpu.memref_slice %arg4[%dma_wait3A_383, %mul3A_2, %dma_wait3A_387] : memref<4x8192x1024xf32, #tpu.memory_space<hbm>> -> memref<1x4x1024xf32, #tpu.memory_space<hbm>>
    %dma_wait3A_389 = tpu.memref_squeeze %dma_wait3A_388 : memref<1x4x1024xf32, #tpu.memory_space<hbm>> -> memref<4x1024xf32, #tpu.memory_space<hbm>>
    tpu.wait_dma2 semaphore(%arg27 : memref<!tpu.dma_semaphore, #tpu.memory_space<semaphore_mem>>) src(%arg6 : memref<4x1024xf32, #tpu.memory_space<vmem>>) dst(%dma_wait3A_389 : memref<4x1024xf32, #tpu.memory_space<hbm>>)
    %dma_wait3A_390 = arith.constant 2 : i32
    %dma_wait3A_391 = arith.constant 0 : i32
    %dma_wait3A_392 = tpu.memref_slice %arg4[%dma_wait3A_390, %mul3A_2, %dma_wait3A_391] : memref<4x8192x1024xf32, #tpu.memory_space<hbm>> -> memref<1x4x1024xf32, #tpu.memory_space<hbm>>
    %dma_wait3A_393 = tpu.memref_squeeze %dma_wait3A_392 : memref<1x4x1024xf32, #tpu.memory_space<hbm>> -> memref<4x1024xf32, #tpu.memory_space<hbm>>
    %dma_wait3A_394 = arith.constant 0 : i32
    %dma_wait3A_395 = tpu.memref_slice %arg4[%dma_wait3A_390, %mul3A_2, %dma_wait3A_394] : memref<4x8192x1024xf32, #tpu.memory_space<hbm>> -> memref<1x4x1024xf32, #tpu.memory_space<hbm>>
    %dma_wait3A_396 = tpu.memref_squeeze %dma_wait3A_395 : memref<1x4x1024xf32, #tpu.memory_space<hbm>> -> memref<4x1024xf32, #tpu.memory_space<hbm>>
    tpu.wait_dma2 semaphore(%arg27 : memref<!tpu.dma_semaphore, #tpu.memory_space<semaphore_mem>>) src(%arg7 : memref<4x1024xf32, #tpu.memory_space<vmem>>) dst(%dma_wait3A_396 : memref<4x1024xf32, #tpu.memory_space<hbm>>)
    %dma_wait3A_397 = arith.constant 3 : i32
    %dma_wait3A_398 = arith.constant 0 : i32
    %dma_wait3A_399 = tpu.memref_slice %arg4[%dma_wait3A_397, %mul3A_2, %dma_wait3A_398] : memref<4x8192x1024xf32, #tpu.memory_space<hbm>> -> memref<1x4x1024xf32, #tpu.memory_space<hbm>>
    %dma_wait3A_400 = tpu.memref_squeeze %dma_wait3A_399 : memref<1x4x1024xf32, #tpu.memory_space<hbm>> -> memref<4x1024xf32, #tpu.memory_space<hbm>>
    %dma_wait3A_401 = arith.constant 0 : i32
    %dma_wait3A_402 = tpu.memref_slice %arg4[%dma_wait3A_397, %mul3A_2, %dma_wait3A_401] : memref<4x8192x1024xf32, #tpu.memory_space<hbm>> -> memref<1x4x1024xf32, #tpu.memory_space<hbm>>
    %dma_wait3A_403 = tpu.memref_squeeze %dma_wait3A_402 : memref<1x4x1024xf32, #tpu.memory_space<hbm>> -> memref<4x1024xf32, #tpu.memory_space<hbm>>
    tpu.wait_dma2 semaphore(%arg27 : memref<!tpu.dma_semaphore, #tpu.memory_space<semaphore_mem>>) src(%arg8 : memref<4x1024xf32, #tpu.memory_space<vmem>>) dst(%dma_wait3A_403 : memref<4x1024xf32, #tpu.memory_space<hbm>>)
    %dma_wait3A_404 = arith.constant 0 : i32
    %dma_wait3A_405 = tpu.memref_slice %arg3[%mul3A_2, %dma_wait3A_404] : memref<8192x1024xf32, #tpu.memory_space<hbm>> -> memref<4x1024xf32, #tpu.memory_space<hbm>>
    %dma_wait3A_406 = arith.constant 0 : i32
    %dma_wait3A_407 = tpu.memref_slice %arg3[%mul3A_2, %dma_wait3A_406] : memref<8192x1024xf32, #tpu.memory_space<hbm>> -> memref<4x1024xf32, #tpu.memory_space<hbm>>
    tpu.wait_dma2 semaphore(%arg31 : memref<!tpu.dma_semaphore, #tpu.memory_space<semaphore_mem>>) src(%dma_wait3A_407 : memref<4x1024xf32, #tpu.memory_space<hbm>>) dst(%arg22 : memref<4x1024xf32, #tpu.memory_space<vmem>>)
    %dma_wait3A_408 = arith.constant 0 : i32
    %dma_wait3A_409 = arith.constant 0 : i32
    %dma_wait3A_410 = tpu.memref_slice %arg2[%dma_wait3A_408, %mul3A_2, %dma_wait3A_409] : memref<4x8192x1024xf32, #tpu.memory_space<hbm>> -> memref<1x4x1024xf32, #tpu.memory_space<hbm>>
    %dma_wait3A_411 = tpu.memref_squeeze %dma_wait3A_410 : memref<1x4x1024xf32, #tpu.memory_space<hbm>> -> memref<4x1024xf32, #tpu.memory_space<hbm>>
    %dma_wait3A_412 = arith.constant 0 : i32
    %dma_wait3A_413 = tpu.memref_slice %arg2[%dma_wait3A_408, %mul3A_2, %dma_wait3A_412] : memref<4x8192x1024xf32, #tpu.memory_space<hbm>> -> memref<1x4x1024xf32, #tpu.memory_space<hbm>>
    %dma_wait3A_414 = tpu.memref_squeeze %dma_wait3A_413 : memref<1x4x1024xf32, #tpu.memory_space<hbm>> -> memref<4x1024xf32, #tpu.memory_space<hbm>>
    tpu.wait_dma2 semaphore(%arg26 : memref<!tpu.dma_semaphore, #tpu.memory_space<semaphore_mem>>) src(%dma_wait3A_414 : memref<4x1024xf32, #tpu.memory_space<hbm>>) dst(%arg17 : memref<4x1024xf32, #tpu.memory_space<vmem>>)
    %dma_wait3A_415 = arith.constant 1 : i32
    %dma_wait3A_416 = arith.constant 0 : i32
    %dma_wait3A_417 = tpu.memref_slice %arg2[%dma_wait3A_415, %mul3A_2, %dma_wait3A_416] : memref<4x8192x1024xf32, #tpu.memory_space<hbm>> -> memref<1x4x1024xf32, #tpu.memory_space<hbm>>
    %dma_wait3A_418 = tpu.memref_squeeze %dma_wait3A_417 : memref<1x4x1024xf32, #tpu.memory_space<hbm>> -> memref<4x1024xf32, #tpu.memory_space<hbm>>
    %dma_wait3A_419 = arith.constant 0 : i32
    %dma_wait3A_420 = tpu.memref_slice %arg2[%dma_wait3A_415, %mul3A_2, %dma_wait3A_419] : memref<4x8192x1024xf32, #tpu.memory_space<hbm>> -> memref<1x4x1024xf32, #tpu.memory_space<hbm>>
    %dma_wait3A_421 = tpu.memref_squeeze %dma_wait3A_420 : memref<1x4x1024xf32, #tpu.memory_space<hbm>> -> memref<4x1024xf32, #tpu.memory_space<hbm>>
    tpu.wait_dma2 semaphore(%arg26 : memref<!tpu.dma_semaphore, #tpu.memory_space<semaphore_mem>>) src(%dma_wait3A_421 : memref<4x1024xf32, #tpu.memory_space<hbm>>) dst(%arg18 : memref<4x1024xf32, #tpu.memory_space<vmem>>)
    %dma_wait3A_422 = arith.constant 2 : i32
    %dma_wait3A_423 = arith.constant 0 : i32
    %dma_wait3A_424 = tpu.memref_slice %arg2[%dma_wait3A_422, %mul3A_2, %dma_wait3A_423] : memref<4x8192x1024xf32, #tpu.memory_space<hbm>> -> memref<1x4x1024xf32, #tpu.memory_space<hbm>>
    %dma_wait3A_425 = tpu.memref_squeeze %dma_wait3A_424 : memref<1x4x1024xf32, #tpu.memory_space<hbm>> -> memref<4x1024xf32, #tpu.memory_space<hbm>>
    %dma_wait3A_426 = arith.constant 0 : i32
    %dma_wait3A_427 = tpu.memref_slice %arg2[%dma_wait3A_422, %mul3A_2, %dma_wait3A_426] : memref<4x8192x1024xf32, #tpu.memory_space<hbm>> -> memref<1x4x1024xf32, #tpu.memory_space<hbm>>
    %dma_wait3A_428 = tpu.memref_squeeze %dma_wait3A_427 : memref<1x4x1024xf32, #tpu.memory_space<hbm>> -> memref<4x1024xf32, #tpu.memory_space<hbm>>
    tpu.wait_dma2 semaphore(%arg26 : memref<!tpu.dma_semaphore, #tpu.memory_space<semaphore_mem>>) src(%dma_wait3A_428 : memref<4x1024xf32, #tpu.memory_space<hbm>>) dst(%arg19 : memref<4x1024xf32, #tpu.memory_space<vmem>>)
    %dma_wait3A_429 = arith.constant 3 : i32
    %dma_wait3A_430 = arith.constant 0 : i32
    %dma_wait3A_431 = tpu.memref_slice %arg2[%dma_wait3A_429, %mul3A_2, %dma_wait3A_430] : memref<4x8192x1024xf32, #tpu.memory_space<hbm>> -> memref<1x4x1024xf32, #tpu.memory_space<hbm>>
    %dma_wait3A_432 = tpu.memref_squeeze %dma_wait3A_431 : memref<1x4x1024xf32, #tpu.memory_space<hbm>> -> memref<4x1024xf32, #tpu.memory_space<hbm>>
    %dma_wait3A_433 = arith.constant 0 : i32
    %dma_wait3A_434 = tpu.memref_slice %arg2[%dma_wait3A_429, %mul3A_2, %dma_wait3A_433] : memref<4x8192x1024xf32, #tpu.memory_space<hbm>> -> memref<1x4x1024xf32, #tpu.memory_space<hbm>>
    %dma_wait3A_435 = tpu.memref_squeeze %dma_wait3A_434 : memref<1x4x1024xf32, #tpu.memory_space<hbm>> -> memref<4x1024xf32, #tpu.memory_space<hbm>>
    tpu.wait_dma2 semaphore(%arg26 : memref<!tpu.dma_semaphore, #tpu.memory_space<semaphore_mem>>) src(%dma_wait3A_435 : memref<4x1024xf32, #tpu.memory_space<hbm>>) dst(%arg20 : memref<4x1024xf32, #tpu.memory_space<vmem>>)
    %parallel_loop3A_436 = arith.constant 0 : i32
    %parallel_loop3A_437 = arith.constant 256 : i32
    %parallel_loop3A_438 = arith.constant 1 : i32
    scf.for %parallel_loop3A_559 = %parallel_loop3A_436 to %parallel_loop3A_437 step %parallel_loop3A_438  : i32 {
      %parallel_loop3A_560 = arith.constant 6 : i32
      %parallel_loop3A_561 = arith.shrsi %parallel_loop3A_559, %parallel_loop3A_560 : i32
      %parallel_loop3A_562 = arith.constant 63 : i32
      %parallel_loop3A_563 = arith.andi %parallel_loop3A_559, %parallel_loop3A_562 : i32
      %parallel_loop3A_564 = arith.constant 16 : i32
      %parallel_loop3A_565 = arith.muli %parallel_loop3A_563, %parallel_loop3A_564 : i32
      %parallel_loop3A_566 = arith.index_cast %parallel_loop3A_561 : i32 to index
      %parallel_loop3A_567 = arith.index_cast %parallel_loop3A_565 : i32 to index
      %parallel_loop3A_568 = tpu.vector_load %arg22[%parallel_loop3A_566, %parallel_loop3A_567] {strides = array<i32>} : memref<4x1024xf32, #tpu.memory_space<vmem>>, vector<1x16xf32>,
      %parallel_loop3A_569 = vector.shape_cast %parallel_loop3A_568 : vector<1x16xf32> to vector<16xf32>
      %parallel_loop3A_570 = arith.index_cast %parallel_loop3A_561 : i32 to index
      %parallel_loop3A_571 = arith.index_cast %parallel_loop3A_565 : i32 to index
      %parallel_loop3A_572 = tpu.vector_load %arg17[%parallel_loop3A_570, %parallel_loop3A_571] {strides = array<i32>} : memref<4x1024xf32, #tpu.memory_space<vmem>>, vector<1x16xf32>,
      %parallel_loop3A_573 = vector.shape_cast %parallel_loop3A_572 : vector<1x16xf32> to vector<16xf32>
      %parallel_loop3A_574 = arith.constant 3.200000e+01 : f32
      %parallel_loop3A_575 = vector.broadcast %parallel_loop3A_574 : f32 to vector<16xf32>
      %parallel_loop3A_576 = arith.mulf %parallel_loop3A_573, %parallel_loop3A_575 : vector<16xf32>
      %parallel_loop3A_577 = arith.addf %parallel_loop3A_576, %parallel_loop3A_569 : vector<16xf32>
      %parallel_loop3A_578 = arith.index_cast %parallel_loop3A_561 : i32 to index
      %parallel_loop3A_579 = arith.index_cast %parallel_loop3A_565 : i32 to index
      %parallel_loop3A_580 = tpu.vector_load %arg17[%parallel_loop3A_578, %parallel_loop3A_579] {strides = array<i32>} : memref<4x1024xf32, #tpu.memory_space<vmem>>, vector<1x16xf32>,
      %parallel_loop3A_581 = vector.shape_cast %parallel_loop3A_580 : vector<1x16xf32> to vector<16xf32>
      %parallel_loop3A_582 = vector.shape_cast %parallel_loop3A_577 : vector<16xf32> to vector<1x16xf32>
      tpu.vector_store %arg17[%parallel_loop3A_578, %parallel_loop3A_579], %parallel_loop3A_582 {strides = array<i32>} : memref<4x1024xf32, #tpu.memory_space<vmem>>, vector<1x16xf32>,
      %parallel_loop3A_583 = arith.index_cast %parallel_loop3A_561 : i32 to index
      %parallel_loop3A_584 = arith.index_cast %parallel_loop3A_565 : i32 to index
      %parallel_loop3A_585 = tpu.vector_load %arg18[%parallel_loop3A_583, %parallel_loop3A_584] {strides = array<i32>} : memref<4x1024xf32, #tpu.memory_space<vmem>>, vector<1x16xf32>,
      %parallel_loop3A_586 = vector.shape_cast %parallel_loop3A_585 : vector<1x16xf32> to vector<16xf32>
      %parallel_loop3A_587 = arith.constant 3.200000e+01 : f32
      %parallel_loop3A_588 = vector.broadcast %parallel_loop3A_587 : f32 to vector<16xf32>
      %parallel_loop3A_589 = arith.mulf %parallel_loop3A_586, %parallel_loop3A_588 : vector<16xf32>
      %parallel_loop3A_590 = arith.addf %parallel_loop3A_589, %parallel_loop3A_569 : vector<16xf32>
      %parallel_loop3A_591 = arith.index_cast %parallel_loop3A_561 : i32 to index
      %parallel_loop3A_592 = arith.index_cast %parallel_loop3A_565 : i32 to index
      %parallel_loop3A_593 = tpu.vector_load %arg18[%parallel_loop3A_591, %parallel_loop3A_592] {strides = array<i32>} : memref<4x1024xf32, #tpu.memory_space<vmem>>, vector<1x16xf32>,
      %parallel_loop3A_594 = vector.shape_cast %parallel_loop3A_593 : vector<1x16xf32> to vector<16xf32>
      %parallel_loop3A_595 = vector.shape_cast %parallel_loop3A_590 : vector<16xf32> to vector<1x16xf32>
      tpu.vector_store %arg18[%parallel_loop3A_591, %parallel_loop3A_592], %parallel_loop3A_595 {strides = array<i32>} : memref<4x1024xf32, #tpu.memory_space<vmem>>, vector<1x16xf32>,
      %parallel_loop3A_596 = arith.index_cast %parallel_loop3A_561 : i32 to index
      %parallel_loop3A_597 = arith.index_cast %parallel_loop3A_565 : i32 to index
      %parallel_loop3A_598 = tpu.vector_load %arg19[%parallel_loop3A_596, %parallel_loop3A_597] {strides = array<i32>} : memref<4x1024xf32, #tpu.memory_space<vmem>>, vector<1x16xf32>,
      %parallel_loop3A_599 = vector.shape_cast %parallel_loop3A_598 : vector<1x16xf32> to vector<16xf32>
      %parallel_loop3A_600 = arith.constant 3.200000e+01 : f32
      %parallel_loop3A_601 = vector.broadcast %parallel_loop3A_600 : f32 to vector<16xf32>
      %parallel_loop3A_602 = arith.mulf %parallel_loop3A_599, %parallel_loop3A_601 : vector<16xf32>
      %parallel_loop3A_603 = arith.addf %parallel_loop3A_602, %parallel_loop3A_569 : vector<16xf32>
      %parallel_loop3A_604 = arith.index_cast %parallel_loop3A_561 : i32 to index
      %parallel_loop3A_605 = arith.index_cast %parallel_loop3A_565 : i32 to index
      %parallel_loop3A_606 = tpu.vector_load %arg19[%parallel_loop3A_604, %parallel_loop3A_605] {strides = array<i32>} : memref<4x1024xf32, #tpu.memory_space<vmem>>, vector<1x16xf32>,
      %parallel_loop3A_607 = vector.shape_cast %parallel_loop3A_606 : vector<1x16xf32> to vector<16xf32>
      %parallel_loop3A_608 = vector.shape_cast %parallel_loop3A_603 : vector<16xf32> to vector<1x16xf32>
      tpu.vector_store %arg19[%parallel_loop3A_604, %parallel_loop3A_605], %parallel_loop3A_608 {strides = array<i32>} : memref<4x1024xf32, #tpu.memory_space<vmem>>, vector<1x16xf32>,
      %parallel_loop3A_609 = arith.index_cast %parallel_loop3A_561 : i32 to index
      %parallel_loop3A_610 = arith.index_cast %parallel_loop3A_565 : i32 to index
      %parallel_loop3A_611 = tpu.vector_load %arg20[%parallel_loop3A_609, %parallel_loop3A_610] {strides = array<i32>} : memref<4x1024xf32, #tpu.memory_space<vmem>>, vector<1x16xf32>,
      %parallel_loop3A_612 = vector.shape_cast %parallel_loop3A_611 : vector<1x16xf32> to vector<16xf32>
      %parallel_loop3A_613 = arith.constant 3.200000e+01 : f32
      %parallel_loop3A_614 = vector.broadcast %parallel_loop3A_613 : f32 to vector<16xf32>
      %parallel_loop3A_615 = arith.mulf %parallel_loop3A_612, %parallel_loop3A_614 : vector<16xf32>
      %parallel_loop3A_616 = arith.addf %parallel_loop3A_615, %parallel_loop3A_569 : vector<16xf32>
      %parallel_loop3A_617 = arith.index_cast %parallel_loop3A_561 : i32 to index
      %parallel_loop3A_618 = arith.index_cast %parallel_loop3A_565 : i32 to index
      %parallel_loop3A_619 = tpu.vector_load %arg20[%parallel_loop3A_617, %parallel_loop3A_618] {strides = array<i32>} : memref<4x1024xf32, #tpu.memory_space<vmem>>, vector<1x16xf32>,
      %parallel_loop3A_620 = vector.shape_cast %parallel_loop3A_619 : vector<1x16xf32> to vector<16xf32>
      %parallel_loop3A_621 = vector.shape_cast %parallel_loop3A_616 : vector<16xf32> to vector<1x16xf32>
      tpu.vector_store %arg20[%parallel_loop3A_617, %parallel_loop3A_618], %parallel_loop3A_621 {strides = array<i32>} : memref<4x1024xf32, #tpu.memory_space<vmem>>, vector<1x16xf32>,
    } {sc.loop_unroll_factor = 2 : i64, sc.parallel_access}
    %add3A_439 = arith.constant 252 : i32
    %add3A_440 = arith.addi %mul3A_2, %add3A_439 : i32
    %dma_start3A_441 = arith.constant 0 : i32
    %dma_start3A_442 = arith.constant 0 : i32
    %dma_start3A_443 = tpu.memref_slice %arg4[%dma_start3A_441, %add3A_440, %dma_start3A_442] : memref<4x8192x1024xf32, #tpu.memory_space<hbm>> -> memref<1x4x1024xf32, #tpu.memory_space<hbm>>
    %dma_start3A_444 = tpu.memref_squeeze %dma_start3A_443 : memref<1x4x1024xf32, #tpu.memory_space<hbm>> -> memref<4x1024xf32, #tpu.memory_space<hbm>>
    %dma_start3A_445 = arith.constant 0 : i32
    %dma_start3A_446 = tpu.memref_slice %arg4[%dma_start3A_441, %add3A_440, %dma_start3A_445] : memref<4x8192x1024xf32, #tpu.memory_space<hbm>> -> memref<1x4x1024xf32, #tpu.memory_space<hbm>>
    %dma_start3A_447 = tpu.memref_squeeze %dma_start3A_446 : memref<1x4x1024xf32, #tpu.memory_space<hbm>> -> memref<4x1024xf32, #tpu.memory_space<hbm>>
    tpu.enqueue_dma source(%arg17 : memref<4x1024xf32, #tpu.memory_space<vmem>>) target(%dma_start3A_447 : memref<4x1024xf32, #tpu.memory_space<hbm>>) target_semaphore(%arg30 : memref<!tpu.dma_semaphore, #tpu.memory_space<semaphore_mem>>)
    %add3A_448 = arith.constant 252 : i32
    %add3A_449 = arith.addi %mul3A_2, %add3A_448 : i32
    %dma_start3A_450 = arith.constant 1 : i32
    %dma_start3A_451 = arith.constant 0 : i32
    %dma_start3A_452 = tpu.memref_slice %arg4[%dma_start3A_450, %add3A_449, %dma_start3A_451] : memref<4x8192x1024xf32, #tpu.memory_space<hbm>> -> memref<1x4x1024xf32, #tpu.memory_space<hbm>>
    %dma_start3A_453 = tpu.memref_squeeze %dma_start3A_452 : memref<1x4x1024xf32, #tpu.memory_space<hbm>> -> memref<4x1024xf32, #tpu.memory_space<hbm>>
    %dma_start3A_454 = arith.constant 0 : i32
    %dma_start3A_455 = tpu.memref_slice %arg4[%dma_start3A_450, %add3A_449, %dma_start3A_454] : memref<4x8192x1024xf32, #tpu.memory_space<hbm>> -> memref<1x4x1024xf32, #tpu.memory_space<hbm>>
    %dma_start3A_456 = tpu.memref_squeeze %dma_start3A_455 : memref<1x4x1024xf32, #tpu.memory_space<hbm>> -> memref<4x1024xf32, #tpu.memory_space<hbm>>
    tpu.enqueue_dma source(%arg18 : memref<4x1024xf32, #tpu.memory_space<vmem>>) target(%dma_start3A_456 : memref<4x1024xf32, #tpu.memory_space<hbm>>) target_semaphore(%arg30 : memref<!tpu.dma_semaphore, #tpu.memory_space<semaphore_mem>>)
    %add3A_457 = arith.constant 252 : i32
    %add3A_458 = arith.addi %mul3A_2, %add3A_457 : i32
    %dma_start3A_459 = arith.constant 2 : i32
    %dma_start3A_460 = arith.constant 0 : i32
    %dma_start3A_461 = tpu.memref_slice %arg4[%dma_start3A_459, %add3A_458, %dma_start3A_460] : memref<4x8192x1024xf32, #tpu.memory_space<hbm>> -> memref<1x4x1024xf32, #tpu.memory_space<hbm>>
    %dma_start3A_462 = tpu.memref_squeeze %dma_start3A_461 : memref<1x4x1024xf32, #tpu.memory_space<hbm>> -> memref<4x1024xf32, #tpu.memory_space<hbm>>
    %dma_start3A_463 = arith.constant 0 : i32
    %dma_start3A_464 = tpu.memref_slice %arg4[%dma_start3A_459, %add3A_458, %dma_start3A_463] : memref<4x8192x1024xf32, #tpu.memory_space<hbm>> -> memref<1x4x1024xf32, #tpu.memory_space<hbm>>
    %dma_start3A_465 = tpu.memref_squeeze %dma_start3A_464 : memref<1x4x1024xf32, #tpu.memory_space<hbm>> -> memref<4x1024xf32, #tpu.memory_space<hbm>>
    tpu.enqueue_dma source(%arg19 : memref<4x1024xf32, #tpu.memory_space<vmem>>) target(%dma_start3A_465 : memref<4x1024xf32, #tpu.memory_space<hbm>>) target_semaphore(%arg30 : memref<!tpu.dma_semaphore, #tpu.memory_space<semaphore_mem>>)
    %add3A_466 = arith.constant 252 : i32
    %add3A_467 = arith.addi %mul3A_2, %add3A_466 : i32
    %dma_start3A_468 = arith.constant 3 : i32
    %dma_start3A_469 = arith.constant 0 : i32
    %dma_start3A_470 = tpu.memref_slice %arg4[%dma_start3A_468, %add3A_467, %dma_start3A_469] : memref<4x8192x1024xf32, #tpu.memory_space<hbm>> -> memref<1x4x1024xf32, #tpu.memory_space<hbm>>
    %dma_start3A_471 = tpu.memref_squeeze %dma_start3A_470 : memref<1x4x1024xf32, #tpu.memory_space<hbm>> -> memref<4x1024xf32, #tpu.memory_space<hbm>>
    %dma_start3A_472 = arith.constant 0 : i32
    %dma_start3A_473 = tpu.memref_slice %arg4[%dma_start3A_468, %add3A_467, %dma_start3A_472] : memref<4x8192x1024xf32, #tpu.memory_space<hbm>> -> memref<1x4x1024xf32, #tpu.memory_space<hbm>>
    %dma_start3A_474 = tpu.memref_squeeze %dma_start3A_473 : memref<1x4x1024xf32, #tpu.memory_space<hbm>> -> memref<4x1024xf32, #tpu.memory_space<hbm>>
    tpu.enqueue_dma source(%arg20 : memref<4x1024xf32, #tpu.memory_space<vmem>>) target(%dma_start3A_474 : memref<4x1024xf32, #tpu.memory_space<hbm>>) target_semaphore(%arg30 : memref<!tpu.dma_semaphore, #tpu.memory_space<semaphore_mem>>)
    %dma_wait3A_475 = arith.constant 0 : i32
    %dma_wait3A_476 = arith.constant 0 : i32
    %dma_wait3A_477 = tpu.memref_slice %arg4[%dma_wait3A_475, %mul3A_2, %dma_wait3A_476] : memref<4x8192x1024xf32, #tpu.memory_space<hbm>> -> memref<1x4x1024xf32, #tpu.memory_space<hbm>>
    %dma_wait3A_478 = tpu.memref_squeeze %dma_wait3A_477 : memref<1x4x1024xf32, #tpu.memory_space<hbm>> -> memref<4x1024xf32, #tpu.memory_space<hbm>>
    %dma_wait3A_479 = arith.constant 0 : i32
    %dma_wait3A_480 = tpu.memref_slice %arg4[%dma_wait3A_475, %mul3A_2, %dma_wait3A_479] : memref<4x8192x1024xf32, #tpu.memory_space<hbm>> -> memref<1x4x1024xf32, #tpu.memory_space<hbm>>
    %dma_wait3A_481 = tpu.memref_squeeze %dma_wait3A_480 : memref<1x4x1024xf32, #tpu.memory_space<hbm>> -> memref<4x1024xf32, #tpu.memory_space<hbm>>
    tpu.wait_dma2 semaphore(%arg28 : memref<!tpu.dma_semaphore, #tpu.memory_space<semaphore_mem>>) src(%arg9 : memref<4x1024xf32, #tpu.memory_space<vmem>>) dst(%dma_wait3A_481 : memref<4x1024xf32, #tpu.memory_space<hbm>>)
    %dma_wait3A_482 = arith.constant 1 : i32
    %dma_wait3A_483 = arith.constant 0 : i32
    %dma_wait3A_484 = tpu.memref_slice %arg4[%dma_wait3A_482, %mul3A_2, %dma_wait3A_483] : memref<4x8192x1024xf32, #tpu.memory_space<hbm>> -> memref<1x4x1024xf32, #tpu.memory_space<hbm>>
    %dma_wait3A_485 = tpu.memref_squeeze %dma_wait3A_484 : memref<1x4x1024xf32, #tpu.memory_space<hbm>> -> memref<4x1024xf32, #tpu.memory_space<hbm>>
    %dma_wait3A_486 = arith.constant 0 : i32
    %dma_wait3A_487 = tpu.memref_slice %arg4[%dma_wait3A_482, %mul3A_2, %dma_wait3A_486] : memref<4x8192x1024xf32, #tpu.memory_space<hbm>> -> memref<1x4x1024xf32, #tpu.memory_space<hbm>>
    %dma_wait3A_488 = tpu.memref_squeeze %dma_wait3A_487 : memref<1x4x1024xf32, #tpu.memory_space<hbm>> -> memref<4x1024xf32, #tpu.memory_space<hbm>>
    tpu.wait_dma2 semaphore(%arg28 : memref<!tpu.dma_semaphore, #tpu.memory_space<semaphore_mem>>) src(%arg10 : memref<4x1024xf32, #tpu.memory_space<vmem>>) dst(%dma_wait3A_488 : memref<4x1024xf32, #tpu.memory_space<hbm>>)
    %dma_wait3A_489 = arith.constant 2 : i32
    %dma_wait3A_490 = arith.constant 0 : i32
    %dma_wait3A_491 = tpu.memref_slice %arg4[%dma_wait3A_489, %mul3A_2, %dma_wait3A_490] : memref<4x8192x1024xf32, #tpu.memory_space<hbm>> -> memref<1x4x1024xf32, #tpu.memory_space<hbm>>
    %dma_wait3A_492 = tpu.memref_squeeze %dma_wait3A_491 : memref<1x4x1024xf32, #tpu.memory_space<hbm>> -> memref<4x1024xf32, #tpu.memory_space<hbm>>
    %dma_wait3A_493 = arith.constant 0 : i32
    %dma_wait3A_494 = tpu.memref_slice %arg4[%dma_wait3A_489, %mul3A_2, %dma_wait3A_493] : memref<4x8192x1024xf32, #tpu.memory_space<hbm>> -> memref<1x4x1024xf32, #tpu.memory_space<hbm>>
    %dma_wait3A_495 = tpu.memref_squeeze %dma_wait3A_494 : memref<1x4x1024xf32, #tpu.memory_space<hbm>> -> memref<4x1024xf32, #tpu.memory_space<hbm>>
    tpu.wait_dma2 semaphore(%arg28 : memref<!tpu.dma_semaphore, #tpu.memory_space<semaphore_mem>>) src(%arg11 : memref<4x1024xf32, #tpu.memory_space<vmem>>) dst(%dma_wait3A_495 : memref<4x1024xf32, #tpu.memory_space<hbm>>)
    %dma_wait3A_496 = arith.constant 3 : i32
    %dma_wait3A_497 = arith.constant 0 : i32
    %dma_wait3A_498 = tpu.memref_slice %arg4[%dma_wait3A_496, %mul3A_2, %dma_wait3A_497] : memref<4x8192x1024xf32, #tpu.memory_space<hbm>> -> memref<1x4x1024xf32, #tpu.memory_space<hbm>>
    %dma_wait3A_499 = tpu.memref_squeeze %dma_wait3A_498 : memref<1x4x1024xf32, #tpu.memory_space<hbm>> -> memref<4x1024xf32, #tpu.memory_space<hbm>>
    %dma_wait3A_500 = arith.constant 0 : i32
    %dma_wait3A_501 = tpu.memref_slice %arg4[%dma_wait3A_496, %mul3A_2, %dma_wait3A_500] : memref<4x8192x1024xf32, #tpu.memory_space<hbm>> -> memref<1x4x1024xf32, #tpu.memory_space<hbm>>
    %dma_wait3A_502 = tpu.memref_squeeze %dma_wait3A_501 : memref<1x4x1024xf32, #tpu.memory_space<hbm>> -> memref<4x1024xf32, #tpu.memory_space<hbm>>
    tpu.wait_dma2 semaphore(%arg28 : memref<!tpu.dma_semaphore, #tpu.memory_space<semaphore_mem>>) src(%arg12 : memref<4x1024xf32, #tpu.memory_space<vmem>>) dst(%dma_wait3A_502 : memref<4x1024xf32, #tpu.memory_space<hbm>>)
    %dma_wait3A_503 = arith.constant 0 : i32
    %dma_wait3A_504 = arith.constant 0 : i32
    %dma_wait3A_505 = tpu.memref_slice %arg4[%dma_wait3A_503, %mul3A_2, %dma_wait3A_504] : memref<4x8192x1024xf32, #tpu.memory_space<hbm>> -> memref<1x4x1024xf32, #tpu.memory_space<hbm>>
    %dma_wait3A_506 = tpu.memref_squeeze %dma_wait3A_505 : memref<1x4x1024xf32, #tpu.memory_space<hbm>> -> memref<4x1024xf32, #tpu.memory_space<hbm>>
    %dma_wait3A_507 = arith.constant 0 : i32
    %dma_wait3A_508 = tpu.memref_slice %arg4[%dma_wait3A_503, %mul3A_2, %dma_wait3A_507] : memref<4x8192x1024xf32, #tpu.memory_space<hbm>> -> memref<1x4x1024xf32, #tpu.memory_space<hbm>>
    %dma_wait3A_509 = tpu.memref_squeeze %dma_wait3A_508 : memref<1x4x1024xf32, #tpu.memory_space<hbm>> -> memref<4x1024xf32, #tpu.memory_space<hbm>>
    tpu.wait_dma2 semaphore(%arg29 : memref<!tpu.dma_semaphore, #tpu.memory_space<semaphore_mem>>) src(%arg13 : memref<4x1024xf32, #tpu.memory_space<vmem>>) dst(%dma_wait3A_509 : memref<4x1024xf32, #tpu.memory_space<hbm>>)
    %dma_wait3A_510 = arith.constant 1 : i32
    %dma_wait3A_511 = arith.constant 0 : i32
    %dma_wait3A_512 = tpu.memref_slice %arg4[%dma_wait3A_510, %mul3A_2, %dma_wait3A_511] : memref<4x8192x1024xf32, #tpu.memory_space<hbm>> -> memref<1x4x1024xf32, #tpu.memory_space<hbm>>
    %dma_wait3A_513 = tpu.memref_squeeze %dma_wait3A_512 : memref<1x4x1024xf32, #tpu.memory_space<hbm>> -> memref<4x1024xf32, #tpu.memory_space<hbm>>
    %dma_wait3A_514 = arith.constant 0 : i32
    %dma_wait3A_515 = tpu.memref_slice %arg4[%dma_wait3A_510, %mul3A_2, %dma_wait3A_514] : memref<4x8192x1024xf32, #tpu.memory_space<hbm>> -> memref<1x4x1024xf32, #tpu.memory_space<hbm>>
    %dma_wait3A_516 = tpu.memref_squeeze %dma_wait3A_515 : memref<1x4x1024xf32, #tpu.memory_space<hbm>> -> memref<4x1024xf32, #tpu.memory_space<hbm>>
    tpu.wait_dma2 semaphore(%arg29 : memref<!tpu.dma_semaphore, #tpu.memory_space<semaphore_mem>>) src(%arg14 : memref<4x1024xf32, #tpu.memory_space<vmem>>) dst(%dma_wait3A_516 : memref<4x1024xf32, #tpu.memory_space<hbm>>)
    %dma_wait3A_517 = arith.constant 2 : i32
    %dma_wait3A_518 = arith.constant 0 : i32
    %dma_wait3A_519 = tpu.memref_slice %arg4[%dma_wait3A_517, %mul3A_2, %dma_wait3A_518] : memref<4x8192x1024xf32, #tpu.memory_space<hbm>> -> memref<1x4x1024xf32, #tpu.memory_space<hbm>>
    %dma_wait3A_520 = tpu.memref_squeeze %dma_wait3A_519 : memref<1x4x1024xf32, #tpu.memory_space<hbm>> -> memref<4x1024xf32, #tpu.memory_space<hbm>>
    %dma_wait3A_521 = arith.constant 0 : i32
    %dma_wait3A_522 = tpu.memref_slice %arg4[%dma_wait3A_517, %mul3A_2, %dma_wait3A_521] : memref<4x8192x1024xf32, #tpu.memory_space<hbm>> -> memref<1x4x1024xf32, #tpu.memory_space<hbm>>
    %dma_wait3A_523 = tpu.memref_squeeze %dma_wait3A_522 : memref<1x4x1024xf32, #tpu.memory_space<hbm>> -> memref<4x1024xf32, #tpu.memory_space<hbm>>
    tpu.wait_dma2 semaphore(%arg29 : memref<!tpu.dma_semaphore, #tpu.memory_space<semaphore_mem>>) src(%arg15 : memref<4x1024xf32, #tpu.memory_space<vmem>>) dst(%dma_wait3A_523 : memref<4x1024xf32, #tpu.memory_space<hbm>>)
    %dma_wait3A_524 = arith.constant 3 : i32
    %dma_wait3A_525 = arith.constant 0 : i32
    %dma_wait3A_526 = tpu.memref_slice %arg4[%dma_wait3A_524, %mul3A_2, %dma_wait3A_525] : memref<4x8192x1024xf32, #tpu.memory_space<hbm>> -> memref<1x4x1024xf32, #tpu.memory_space<hbm>>
    %dma_wait3A_527 = tpu.memref_squeeze %dma_wait3A_526 : memref<1x4x1024xf32, #tpu.memory_space<hbm>> -> memref<4x1024xf32, #tpu.memory_space<hbm>>
    %dma_wait3A_528 = arith.constant 0 : i32
    %dma_wait3A_529 = tpu.memref_slice %arg4[%dma_wait3A_524, %mul3A_2, %dma_wait3A_528] : memref<4x8192x1024xf32, #tpu.memory_space<hbm>> -> memref<1x4x1024xf32, #tpu.memory_space<hbm>>
    %dma_wait3A_530 = tpu.memref_squeeze %dma_wait3A_529 : memref<1x4x1024xf32, #tpu.memory_space<hbm>> -> memref<4x1024xf32, #tpu.memory_space<hbm>>
    tpu.wait_dma2 semaphore(%arg29 : memref<!tpu.dma_semaphore, #tpu.memory_space<semaphore_mem>>) src(%arg16 : memref<4x1024xf32, #tpu.memory_space<vmem>>) dst(%dma_wait3A_530 : memref<4x1024xf32, #tpu.memory_space<hbm>>)
    %dma_wait3A_531 = arith.constant 0 : i32
    %dma_wait3A_532 = arith.constant 0 : i32
    %dma_wait3A_533 = tpu.memref_slice %arg4[%dma_wait3A_531, %mul3A_2, %dma_wait3A_532] : memref<4x8192x1024xf32, #tpu.memory_space<hbm>> -> memref<1x4x1024xf32, #tpu.memory_space<hbm>>
    %dma_wait3A_534 = tpu.memref_squeeze %dma_wait3A_533 : memref<1x4x1024xf32, #tpu.memory_space<hbm>> -> memref<4x1024xf32, #tpu.memory_space<hbm>>
    %dma_wait3A_535 = arith.constant 0 : i32
    %dma_wait3A_536 = tpu.memref_slice %arg4[%dma_wait3A_531, %mul3A_2, %dma_wait3A_535] : memref<4x8192x1024xf32, #tpu.memory_space<hbm>> -> memref<1x4x1024xf32, #tpu.memory_space<hbm>>
    %dma_wait3A_537 = tpu.memref_squeeze %dma_wait3A_536 : memref<1x4x1024xf32, #tpu.memory_space<hbm>> -> memref<4x1024xf32, #tpu.memory_space<hbm>>
    tpu.wait_dma2 semaphore(%arg30 : memref<!tpu.dma_semaphore, #tpu.memory_space<semaphore_mem>>) src(%arg17 : memref<4x1024xf32, #tpu.memory_space<vmem>>) dst(%dma_wait3A_537 : memref<4x1024xf32, #tpu.memory_space<hbm>>)
    %dma_wait3A_538 = arith.constant 1 : i32
    %dma_wait3A_539 = arith.constant 0 : i32
    %dma_wait3A_540 = tpu.memref_slice %arg4[%dma_wait3A_538, %mul3A_2, %dma_wait3A_539] : memref<4x8192x1024xf32, #tpu.memory_space<hbm>> -> memref<1x4x1024xf32, #tpu.memory_space<hbm>>
    %dma_wait3A_541 = tpu.memref_squeeze %dma_wait3A_540 : memref<1x4x1024xf32, #tpu.memory_space<hbm>> -> memref<4x1024xf32, #tpu.memory_space<hbm>>
    %dma_wait3A_542 = arith.constant 0 : i32
    %dma_wait3A_543 = tpu.memref_slice %arg4[%dma_wait3A_538, %mul3A_2, %dma_wait3A_542] : memref<4x8192x1024xf32, #tpu.memory_space<hbm>> -> memref<1x4x1024xf32, #tpu.memory_space<hbm>>
    %dma_wait3A_544 = tpu.memref_squeeze %dma_wait3A_543 : memref<1x4x1024xf32, #tpu.memory_space<hbm>> -> memref<4x1024xf32, #tpu.memory_space<hbm>>
    tpu.wait_dma2 semaphore(%arg30 : memref<!tpu.dma_semaphore, #tpu.memory_space<semaphore_mem>>) src(%arg18 : memref<4x1024xf32, #tpu.memory_space<vmem>>) dst(%dma_wait3A_544 : memref<4x1024xf32, #tpu.memory_space<hbm>>)
    %dma_wait3A_545 = arith.constant 2 : i32
    %dma_wait3A_546 = arith.constant 0 : i32
    %dma_wait3A_547 = tpu.memref_slice %arg4[%dma_wait3A_545, %mul3A_2, %dma_wait3A_546] : memref<4x8192x1024xf32, #tpu.memory_space<hbm>> -> memref<1x4x1024xf32, #tpu.memory_space<hbm>>
    %dma_wait3A_548 = tpu.memref_squeeze %dma_wait3A_547 : memref<1x4x1024xf32, #tpu.memory_space<hbm>> -> memref<4x1024xf32, #tpu.memory_space<hbm>>
    %dma_wait3A_549 = arith.constant 0 : i32
    %dma_wait3A_550 = tpu.memref_slice %arg4[%dma_wait3A_545, %mul3A_2, %dma_wait3A_549] : memref<4x8192x1024xf32, #tpu.memory_space<hbm>> -> memref<1x4x1024xf32, #tpu.memory_space<hbm>>
    %dma_wait3A_551 = tpu.memref_squeeze %dma_wait3A_550 : memref<1x4x1024xf32, #tpu.memory_space<hbm>> -> memref<4x1024xf32, #tpu.memory_space<hbm>>
    tpu.wait_dma2 semaphore(%arg30 : memref<!tpu.dma_semaphore, #tpu.memory_space<semaphore_mem>>) src(%arg19 : memref<4x1024xf32, #tpu.memory_space<vmem>>) dst(%dma_wait3A_551 : memref<4x1024xf32, #tpu.memory_space<hbm>>)
    %dma_wait3A_552 = arith.constant 3 : i32
    %dma_wait3A_553 = arith.constant 0 : i32
    %dma_wait3A_554 = tpu.memref_slice %arg4[%dma_wait3A_552, %mul3A_2, %dma_wait3A_553] : memref<4x8192x1024xf32, #tpu.memory_space<hbm>> -> memref<1x4x1024xf32, #tpu.memory_space<hbm>>
    %dma_wait3A_555 = tpu.memref_squeeze %dma_wait3A_554 : memref<1x4x1024xf32, #tpu.memory_space<hbm>> -> memref<4x1024xf32, #tpu.memory_space<hbm>>
    %dma_wait3A_556 = arith.constant 0 : i32
    %dma_wait3A_557 = tpu.memref_slice %arg4[%dma_wait3A_552, %mul3A_2, %dma_wait3A_556] : memref<4x8192x1024xf32, #tpu.memory_space<hbm>> -> memref<1x4x1024xf32, #tpu.memory_space<hbm>>
    %dma_wait3A_558 = tpu.memref_squeeze %dma_wait3A_557 : memref<1x4x1024xf32, #tpu.memory_space<hbm>> -> memref<4x1024xf32, #tpu.memory_space<hbm>>
    tpu.wait_dma2 semaphore(%arg30 : memref<!tpu.dma_semaphore, #tpu.memory_space<semaphore_mem>>) src(%arg20 : memref<4x1024xf32, #tpu.memory_space<vmem>>) dst(%dma_wait3A_558 : memref<4x1024xf32, #tpu.memory_space<hbm>>)
    return
  }
}

</mosaic_0001>

<sc_bundles>
// kernel: kernel.3.cloned.1.call-start
scs
__scs_entry_jumppad:
0x0: {  	(pc) =	sbr.rel $0x88, $3  }
0x1: {  	(tag) =	ssettag $0x0;
	lr =	simm.s32 $0x1  }
0x2: {  	[smem:$0x3F9F] =	sst lr;
	_ =	strace $0xD0000000  }
0x3: {  	_ = 	snop  }
0x4: {  	_ = 	snop  }
0x5: {  	_ = 	snop  }
0x6: {  	_ = 	snop  }
0x7: {  	_ = 	snop  }
__scs_overlays_trampoline_lowered:
0x8: {  	[smem:$0x3FAE] =	sst s0  }
0x9: {  	[smem:$0x3FAF] =	sst s1  }
0xa: {  	[smem:$0x3FB0] =	sst s2  }
0xb: {  	[smem:$0x3FB1] =	sst s3  }
0xc: {  	[smem:$0x3FB2] =	sst s4  }
0xd: {  	[smem:$0x3FB3] =	sst s5  }
0xe: {  	[smem:$0x3FB4] =	sst s6  }
0xf: {  	[smem:$0x3FB5] =	sst s7  }
0x10: {  	[smem:$0x3FB6] =	sst s8  }
0x11: {  	[smem:$0x3FB7] =	sst s9;
	s0 =	simm.s32 @!p0 $0x0  }
0x12: {  	s1 =	sld [smem:$0x3F9D];
	s0 =	simm.s32 @p0 $0x1  }
0x13: {  	[smem:$0x3FB8] =	sst s0;
	s0 =	simm.s32 @!p1 $0x0  }
0x14: {  	s2 =	sld [smem:$0x3F9C];
	s0 =	simm.s32 @p1 $0x1  }
0x15: {  	[smem:$0x3FB9] =	sst s0;
	s0 =	simm.s32 @!p2 $0x0  }
0x16: {  	s3 =	sld [smem:$0x3FDB];
	s0 =	simm.s32 @p2 $0x1  }
0x17: {  	s4 =	simm.s32 $0x1BF5;
	[smem:$0x3FBB] =	sst s0  }
0x18: {  	s0 =	sld [smem:$0x3F9E];
	_ =	swait.ge [sflag:s4], $0x0  }
0x19: {  	s7 =	sld [smem:$0x3F9F]  }
0x1a: {  	s8 =	sadd.s32 $0xFFFFE003, lr  }
0x1b: {  	s9 =	sadd.s32 $0xFFFFFEF7, lr;
	s5 =	simm.s32 $0xFFFFFFFF;
	p2 =	slt.u32 s8, $0xFFFFF086  }
0x1c: {  	p1 =	slt.u32 s9, $0xF7A;
	s5 =	simm.s32 @!p2 $0x0  }
0x1d: {  	s5 =	simm.s32 @p1 $0x1;
	p0 =	seq.s32 s7, s2  }
0x1e: {  	s7 =	smul.u32 @!p0 $0xF7A, s2;
	p2 =	seq.s32 @!p0 s5, $0x0  }
0x1f: {  	s9 =	smul.u32 $0xF7A, s1;
	s8 =	simm.s32 @!p0 $0x1BF5;
	p2 =	por !p2, p0  }
0x20: {  	[sflag:s8] =	ssyncset.s32 @!p0 $0xFFFFF086;
	s6 =	sadd.s32 @!p0 s3, s7;
	s7 =	simm.s32 @!p0 $0x108  }
0x21: {  	s3 =	sadd.s32 s3, s9;
	s6 =	sadd.s32 @!p0 $0x88, s6;
	s7 =	simm.s32 @p2 $0x1082  }
0x22: {  	[simem:s7], [sflag:s8] =	dma.local @!p0 [hbm:s6], $0xF7A  }
0x23: {  	s9 =	sor.u32 $0xD0000000, s2;
	s6 =	simm.s32 $0x108;
	_ =	swait.ge @!p0 [sflag:s8], $0x0  }
0x24: {  	s3 =	sadd.s32 $0x88, s3;
	s6 =	simm.s32 @!p1 $0x1082;
	[sflag:s4] =	ssyncset.s32 $0xFFFFF086  }
0x25: {  	[simem:s6], [sflag:s4] =	dma.local [hbm:s3], $0xF7A  }
0x26: {  	[smem:$0x3F9F] =	sst s1;
	(tag) =	ssettag s2;
	_ =	strace s9  }
0x27: {  	s1 =	sld [smem:$0x3FAF]  }
0x28: {  	s2 =	sld [smem:$0x3FB0]  }
0x29: {  	s4 =	sld [smem:$0x3FB2]  }
0x2a: {  	p0 =	seq.s32 s5, $0x0;
	s5 =	sld [smem:$0x3FB3]  }
0x2b: {  	s6 =	sld [smem:$0x3FB4]  }
0x2c: {  	s7 =	sld [smem:$0x3FB5]  }
0x2d: {  	s3 =	simm.s32 $0x108;
	s8 =	sld [smem:$0x3FB6]  }
0x2e: {  	s3 =	simm.s32 @!p0 $0x1082;
	s9 =	sld [smem:$0x3FB7]  }
0x2f: {  	lr =	sadd.s32 s0, s3;
	s0 =	sld [smem:$0x3FAE]  }
0x30: {  	s3 =	sld [smem:$0x3FB1]  }
0x31: {  	[smem:$0x3FBA] =	sst s10  }
0x32: {  	s10 =	sld [smem:$0x3FB8];
	_ =	sdelay $0x3  }
0x33: {  	p0 =	seq.s32 s10, $0x1;
	s10 =	sld [smem:$0x3FBA];
	_ =	sdelay $0x3  }
0x34: {  	[smem:$0x3FBA] =	sst s10  }
0x35: {  	s10 =	sld [smem:$0x3FB9];
	_ =	sdelay $0x3  }
0x36: {  	p1 =	seq.s32 s10, $0x1;
	s10 =	sld [smem:$0x3FBA];
	_ =	sdelay $0x3  }
0x37: {  	[smem:$0x3FBA] =	sst s10  }
0x38: {  	s10 =	sld [smem:$0x3FBB]  }
0x39: {  	_ = 	snop;
	(pc) =	sbr.ind lr, $3  }
0x3a: {  	_ = 	snop  }
0x3b: {  	_ = 	snop  }
0x3c: {  	p2 =	seq.s32 s10, $0x1;
	s10 =	sld [smem:$0x3FBA]  }
0x3d: {  	_ =	shalt  }
0x3e: {  	_ =	shalt  }
0x3f: {  	_ =	shalt  }
0x40: {  	_ =	shalt  }
0x41: {  	_ =	shalt  }
0x42: {  	_ =	shalt  }
0x43: {  	_ =	shalt  }
0x44: {  	_ =	shalt  }
0x45: {  	_ =	shalt  }
0x46: {  	_ =	shalt  }
0x47: {  	_ =	shalt  }
0x48: {  	_ =	shalt  }
0x49: {  	_ =	shalt  }
0x4a: {  	_ =	shalt  }
0x4b: {  	_ =	shalt  }
0x4c: {  	_ =	shalt  }
0x4d: {  	_ =	shalt  }
0x4e: {  	_ =	shalt  }
0x4f: {  	_ =	shalt  }
0x50: {  	_ =	shalt  }
0x51: {  	_ =	shalt  }
0x52: {  	_ =	shalt  }
0x53: {  	_ =	shalt  }
0x54: {  	_ =	shalt  }
0x55: {  	_ =	shalt  }
0x56: {  	_ =	shalt  }
0x57: {  	_ =	shalt  }
0x58: {  	_ =	shalt  }
0x59: {  	_ =	shalt  }
0x5a: {  	_ =	shalt  }
0x5b: {  	_ =	shalt  }
0x5c: {  	_ =	shalt  }
0x5d: {  	_ =	shalt  }
0x5e: {  	_ =	shalt  }
0x5f: {  	_ =	shalt  }
0x60: {  	_ =	shalt  }
0x61: {  	_ =	shalt  }
0x62: {  	_ =	shalt  }
0x63: {  	_ =	shalt  }
0x64: {  	_ =	shalt  }
0x65: {  	_ =	shalt  }
0x66: {  	_ =	shalt  }
0x67: {  	_ =	shalt  }
0x68: {  	_ =	shalt  }
0x69: {  	_ =	shalt  }
0x6a: {  	_ =	shalt  }
0x6b: {  	_ =	shalt  }
0x6c: {  	_ =	shalt  }
0x6d: {  	_ =	shalt  }
0x6e: {  	_ =	shalt  }
0x6f: {  	_ =	shalt  }
0x70: {  	_ =	shalt  }
0x71: {  	_ =	shalt  }
0x72: {  	_ =	shalt  }
0x73: {  	_ =	shalt  }
0x74: {  	_ =	shalt  }
0x75: {  	_ =	shalt  }
0x76: {  	_ =	shalt  }
0x77: {  	_ =	shalt  }
0x78: {  	_ =	shalt  }
0x79: {  	_ =	shalt  }
0x7a: {  	_ =	shalt  }
0x7b: {  	_ =	shalt  }
0x7c: {  	_ =	shalt  }
0x7d: {  	_ =	shalt  }
0x7e: {  	_ =	shalt  }
0x7f: {  	_ =	shalt  }
0x80: {  	_ =	shalt  }
0x81: {  	_ =	shalt  }
0x82: {  	_ =	shalt  }
0x83: {  	_ =	shalt  }
0x84: {  	_ =	shalt  }
0x85: {  	_ =	shalt  }
0x86: {  	_ =	shalt  }
0x87: {  	_ =	shalt  }
.Lfunc_end0:
.L_simem_size_0:
called_computation_lowered:
.L_overlay_start_0:
0x88: {  	s2 =	sld [smem:$0x3FD9]  }
0x89: {  	s3 =	sld [smem:$0x3FFE];
	_ =	sdelay $0x1  }
0x8a: {  	s1 =	srdreg.scid  }
0x8b: {  	s0 =	sand.u32 $0x1, s1  }
0x8c: {  	s18 =	sshll.u32 s0, $0xA;
	s2 =	sadd.s32 s3, s2  }
0x8d: {  	s2 =	sadd.s32 s2, s18  }
0x8e: {  	[smem:$0x3FC6] =	sst s2  }
0x8f: {  	_ = 	snop  }
0x90: {  	s2 =	sld [smem:$0x3FC9]  }
0x91: {  	s19 =	sld [smem:$0x3FC8]  }
0x92: {  	s4 =	sld [smem:$0x3FD0];
	(tm) =	ssettm $0x1  }
0x93: {  	s5 =	sld [smem:$0x3FFB];
	_ =	sdelay $0x3  }
0x94: {  	_ =	strace s5  }
0x95: {  	s5 =	sld [smem:$0x3FFC];
	_ =	sdelay $0x3  }
0x96: {  	_ =	strace s5  }
0x97: {  	s5 =	sld [smem:$0x3FFD];
	_ =	sdelay $0x3  }
0x98: {  	_ =	strace s5  }
0x99: {  	_ =	strace $0x8FFFFFFF  }
0x9a: {  	s20 =	sld [smem:$0x3FDB];
	_ =	sdelay $0x1  }
0x9b: {  	s6 =	simm.s32 $_scs_section_size  }
0x9c: {  	s7 =	simm.s32 $_size__tile_overlayer_lowered;
	s8 =	simm.s32 $_tile_overlayer_lowered  }
0x9d: {  	s23 =	simm.s32 $0x1BFF;
	s22 =	sshll.u32 s8, $0x1;
	s5 =	sadd.s32 s6, s20  }
0x9e: {  	s9 =	simm.s32 $0x0;
	s21 =	sshll.u32 s7, $0x1;
	s7 =	sadd.s32 s22, s5  }
0x9f: {  	[timem:s9], [sflag:s23] =	dma.local [hbm:s7], s21  }
0xa0: {  	_ =	swait.ge [sflag:s23], s21  }
0xa1: {  	s6 =	ssub.s32 $0x0, s21;
	[sflag:s23] =	ssyncset.done $0x0  }
0xa2: {  	[sflag:s23] =	ssyncadd.s32 s6;
	_ =	sdelay $0x1  }
0xa3: {  	s24 =	simm.s32 $0x1B8B  }
0xa4: {  	_ =	swait.ge [sflag:s24], $0x1  }
0xa5: {  	[sflag:s24] =	ssyncset.done $0x0  }
0xa6: {  	s25 =	simm.s32 $0x1B8E;
	[sflag:s24] =	ssyncadd.s32 $0xFFFFFFFF  }
0xa7: {  	s26 =	simm.s32 $execute0_lowered;
	[smem:$0x3FD2] =	sst s25  }
0xa8: {  	s6 =	sshll.u32 s26, $0x1;
	_ =	strace $0x80000046;
	[dreg:$0x1] =	wrdreg $0xFFFFFFFF  }
0xa9: {  	s28 =	simm.s32 $_size_execute0_lowered;
	s5 =	sadd.s32 s5, s6;
	[dreg:$0x0] =	wrdreg $0x0  }
0xaa: {  	s6 =	sshll.u32 s28, $0x1;
	[dreg:$0x2] =	wrdreg s5  }
0xab: {  	[dreg:$0x3] =	wrdreg s6  }
0xac: {  	[dreg:$0x4] =	wrdreg $0xC0  }
0xad: {  	_ =	task [dreg:s9], $0x5FFFF  }
0xae: {  	[dreg:$0x1] =	wrdreg $0xFFFFFFFF  }
0xaf: {  	[dreg:$0x0] =	wrdreg $0x60  }
0xb0: {  	[dreg:$0x2] =	wrdreg s2  }
0xb1: {  	[dreg:$0x3] =	wrdreg s19  }
0xb2: {  	[dreg:$0x4] =	wrdreg s4  }
0xb3: {  	[dreg:$0x5] =	wrdreg $0x9  }
0xb4: {  	_ =	task.clear_ibuf [dreg:s9], $0x6FFFF;
	_ =	strace $0x90000046  }
0xb5: {  	s29 =	simm.s32 $0x9;
	_ =	strace $0x80000048  }
0xb6: {  	_ =	swait.ge [sflag:s29], $0x1  }
0xb7: {  	[sflag:s29] =	ssyncadd.s32 $0xFFFFFFFF  }
0xb8: {  	_ =	strace $0x90000048  }
0xb9: {  	_ =	sfence  }
0xba: {  	s30 =	sld [smem:$0x0];
	_ =	sdelay $0x2  }
0xbb: {  	s31 =	sshll.u32 s1, $0xD;
	s1 =	sshrl.u32 s1, $0x2  }
0xbc: {  	s3 =	sand.u32 $0x4000, s31;
	s1 =	sadd.s32 s1, s30  }
0xbd: {  	s0 =	sor.u32 s3, s0;
	s1 =	sshll.u32 s1, $0x11  }
0xbe: {  	s0 =	sor.u32 s1, s0  }
0xbf: {  	s0 =	sadd.s32 $0x8F2B, s0  }
0xc0: {  	[sflag:s0] =	ssyncadd.remote.s32 $0x1  }
0xc1: {  	_ =	sfence.sel $0xFFFF  }
0xc2: {  	[dreg:$0x0] =	wrdreg $0xFFFFFFFF;
	(pc) =	sbr.abs _section_cstart, $3  }
0xc3: {  	[dreg:$0x1] =	wrdreg $0xFFFFFFFF  }
0xc4: {  	_ =	task.clear_ibuf [dreg:s9], $0x2FFFF;
	_ =	strace $0x9FFFFFFF  }
0xc5: {  	(tm) =	ssettm $0x7FFFFFFF  }
tec
execute0_lowered:
.L_overlay_start_1:
0x0: {  	(tag) =	ssettag $0x1  }
0x1: {  	s1 =	rddreg [dreg:$0x0]  }
0x2: {  	s2 =	rddreg [dreg:$0x1];
	s0 =	srdreg.scid  }
0x3: {  	s11 =	rddreg [dreg:$0x2];
	s4 =	stileid.u32;
	s0 =	sand.u32 $0x1, s0  }
0x4: {  	s5 =	sshll.u32 s4, $0x9;
	s3 =	ssub.s32 $0x2, s0;
	s0 =	sshll.u32 s0, $0x8  }
0x5: {  	s6 =	simm.s32 $0x0;
	s20 =	sshrl.u32 s3, $0x1;
	s4 =	sor.u32 s0, s5  }
0x6: {  	[smem:$0x7FF] =	sst s6;
	s0 =	ssub.s32 s3, s20;
	s3 =	sshll.u32 s4, $0x7  }
0x7: {  	_ =	strace $0x80000047;
	[dreg:$0x4] =	wrdreg s4;
	s21 =	sadd.s32 s2, s3  }
0x8: {  	s0 =	smax.u32 s0, $0x1;
	[dreg:$0x5] =	wrdreg s21  }
0x9: {  	s12 =	sadd.s32 s1, s3;
	[dreg:$0x1d] =	wrdreg s0  }
0xa: {  	s22 =	sor.u32 $0x100000, s3;
	s6 =	sadd.s32 s11, s3;
	[dreg:$0x6] =	wrdreg s12  }
0xb: {  	s24 =	sor.u32 $0x200000, s3;
	s23 =	sadd.s32 s1, s22;
	[dreg:$0x16] =	wrdreg s6  }
0xc: {  	s7 =	sor.u32 $0x300000, s3;
	s8 =	sadd.s32 s1, s24;
	[dreg:$0x7] =	wrdreg s23  }
0xd: {  	s26 =	sor.u32 $0x40, s3;
	s25 =	sadd.s32 s1, s7;
	[dreg:$0x8] =	wrdreg s8  }
0xe: {  	s28 =	sor.u32 $0x100040, s3;
	s9 =	sadd.s32 s1, s26;
	[dreg:$0x9] =	wrdreg s25  }
0xf: {  	s10 =	sor.u32 $0x200040, s3;
	s13 =	sadd.s32 s1, s28;
	[dreg:$0xa] =	wrdreg s9  }
0x10: {  	s14 =	sadd.s32 s1, s10;
	[dreg:$0xb] =	wrdreg s13  }
0x11: {  	s15 =	sadd.s32 s2, s26;
	[dreg:$0xc] =	wrdreg s14  }
0x12: {  	s5 =	sadd.s32 s11, s22;
	[dreg:$0xd] =	wrdreg s15  }
0x13: {  	s16 =	sadd.s32 s11, s24;
	[dreg:$0xe] =	wrdreg s5  }
0x14: {  	s17 =	sor.u32 $0x400, s3;
	s18 =	sadd.s32 s11, s7;
	[dreg:$0xf] =	wrdreg s16  }
0x15: {  	s19 =	sadd.s32 s1, s17;
	[dreg:$0x10] =	wrdreg s18  }
0x16: {  	s20 =	sadd.s32 s11, s26;
	[dreg:$0x11] =	wrdreg s19  }
0x17: {  	s21 =	sadd.s32 s11, s28;
	[dreg:$0x13] =	wrdreg s20  }
0x18: {  	s22 =	sadd.s32 s11, s10;
	[dreg:$0x14] =	wrdreg s21  }
0x19: {  	s26 =	sadd.s32 $0x100400, s12;
	[dreg:$0x15] =	wrdreg s22  }
0x1a: {  	s28 =	sadd.s32 $0x200400, s12;
	[dreg:$0x1b] =	wrdreg s26  }
0x1b: {  	s7 =	sadd.s32 $0x200440, s12;
	[dreg:$0x1c] =	wrdreg s28  }
0x1c: {  	s10 =	sadd.s32 $0x200000, s11;
	[smem:$0x7EA] =	sst s7  }
0x1d: {  	s5 =	sadd.s32 s2, s17;
	[smem:$0x7ED] =	sst s10  }
0x1e: {  	s8 =	sadd.s32 $0x300440, s12;
	[dreg:$0x12] =	wrdreg s5  }
0x1f: {  	s9 =	sadd.s32 $0x100000, s11;
	[smem:$0x7EB] =	sst s8  }
0x20: {  	s13 =	sor.u32 $0x10, s4;
	[smem:$0x7EC] =	sst s9  }
0x21: {  	s14 =	sadd.s32 $0x100040, s11;
	[smem:$0x7EF] =	sst s13  }
0x22: {  	s15 =	sadd.s32 $0x300040, s11;
	[smem:$0x7F0] =	sst s14  }
0x23: {  	s16 =	sadd.s32 $0x200040, s11;
	[smem:$0x7F1] =	sst s15  }
0x24: {  	s17 =	sadd.s32 $0x200000, s1;
	[smem:$0x7F2] =	sst s16  }
0x25: {  	s18 =	sadd.s32 $0x200040, s1;
	[smem:$0x7F3] =	sst s17  }
0x26: {  	s19 =	sor.u32 $0x18, s4;
	[smem:$0x7F4] =	sst s18  }
0x27: {  	s20 =	sadd.s32 $0x107C00, s6;
	[smem:$0x7F5] =	sst s19  }
0x28: {  	s21 =	sadd.s32 $0x207C00, s6;
	[smem:$0x7F6] =	sst s20  }
0x29: {  	s23 =	sor.u32 $0x300040, s3;
	s22 =	sadd.s32 $0x7C00, s6;
	[smem:$0x7F7] =	sst s21  }
0x2a: {  	s31 =	simm.s32 $0x1;
	s26 =	sadd.s32 $0x207C40, s6;
	[smem:$0x7F8] =	sst s22  }
0x2b: {  	s30 =	simm.s32 $0x9000;
	s28 =	sadd.s32 $0x307C40, s6;
	[smem:$0x7FC] =	sst s26  }
0x2c: {  	s29 =	simm.s32 $0x8;
	s24 =	sadd.s32 s1, s23;
	[smem:$0x7FD] =	sst s28  }
0x2d: {  	s3 =	sor.u32 $0x7C40, s3;
	s5 =	sadd.s32 s11, s23;
	[dreg:$0x17] =	wrdreg s24  }
0x2e: {  	s0 =	simm.s32 $0x200;
	s2 =	sadd.s32 s2, s3;
	[dreg:$0x18] =	wrdreg s5  }
0x2f: {  	s4 =	simm.s32 $0x0;
	s25 =	sadd.s32 s11, s3;
	[dreg:$0x19] =	wrdreg s2  }
0x30: {  	s3 =	sadd.s32 $0x100440, s12;
	s23 =	sadd.s32 $0x307C00, s6;
	[dreg:$0x1a] =	wrdreg s25  }
0x31: {  	s26 =	simm.s32 $0x8000;
	s17 =	simm.s32 $0x3;
	[dreg:$0x1f] =	wrdreg s3  }
0x32: {  	s18 =	simm.s32 $0x5;
	s2 =	sadd.s32 $0x300400, s12;
	[smem:$0x7F9] =	sst s23  }
0x33: {  	s19 =	simm.s32 $0x4;
	s5 =	sadd.s32 $0x440, s12;
	[dreg:$0x1e] =	wrdreg s2  }
0x34: {  	s20 =	simm.s32 $0x6;
	s12 =	sadd.s32 $0x300000, s11;
	[smem:$0x7E9] =	sst s5  }
0x35: {  	s21 =	simm.s32 $0x7;
	s24 =	sadd.s32 $0x107C40, s6;
	[smem:$0x7EE] =	sst s12  }
0x36: {  	s25 =	sadd.s32 $0x40, s1;
	s3 =	simm.s32 $0x400;
	[smem:$0x7FA] =	sst s24  }
0x37: {  	s6 =	simm.s32 $0x9;
	[smem:$0x7FB] =	sst s25;
	s12 =	simm.s32 $0x2  }
.LBB2_1:
0x38: {  	[smem:$0x7E8] =	sst s4  }
0x39: {  	s2 =	rddreg [dreg:$0x5];
	s16 =	simm.s32 $0x10000;
	s22 =	simm.s32 $0xA  }
0x3a: {  	[tilespmem:s16], [sflag:$0xA] =	stream.strided.gather [hbm4b:s2+s0], $0x1000, s3, s0, $0x38;
	[tilespmem:$0x12000] =	vst v63  }
0x3b: {  	_ =	swait.ge [sflag:s22], $0x1000  }
0x3c: {  	[sflag:s22] =	ssyncset.done $0x0  }
0x3d: {  	s2 =	simm.s32 $0x0;
	s23 =	rddreg [dreg:$0x6];
	[sflag:s22] =	ssyncadd.s32 $0xFFFFF000  }
0x3e: {  	[tilespmem:s2], [sflag:$0x1] =	stream.strided.gather [hbm4b:s23+s0], $0x1000, s3, s0, $0x38;
	[tilespmem:$0x12000] =	vst v63  }
0x3f: {  	s5 =	simm.s32 $0x1000;
	s24 =	rddreg [dreg:$0x7]  }
0x40: {  	[tilespmem:s5], [sflag:$0x1] =	stream.strided.gather [hbm4b:s24+s0], $0x1000, s3, s0, $0x38;
	[tilespmem:$0x12000] =	vst v63  }
0x41: {  	s28 =	simm.s32 $0x2000;
	s25 =	rddreg [dreg:$0x8]  }
0x42: {  	[tilespmem:s28], [sflag:$0x1] =	stream.strided.gather [hbm4b:s25+s0], $0x1000, s3, s0, $0x38;
	[tilespmem:$0x12000] =	vst v63  }
0x43: {  	s7 =	simm.s32 $0x3000;
	s5 =	rddreg [dreg:$0x9]  }
0x44: {  	[tilespmem:s7], [sflag:$0x1] =	stream.strided.gather [hbm4b:s5+s0], $0x1000, s3, s0, $0x38;
	[tilespmem:$0x12000] =	vst v63  }
0x45: {  	s9 =	simm.s32 $0x4000;
	s8 =	rddreg [dreg:$0xa]  }
0x46: {  	[tilespmem:s9], [sflag:$0x2] =	stream.strided.gather [hbm4b:s8+s0], $0x1000, s3, s0, $0x38;
	[tilespmem:$0x12000] =	vst v63  }
0x47: {  	s11 =	simm.s32 $0x5000;
	s10 =	rddreg [dreg:$0xb]  }
0x48: {  	[tilespmem:s11], [sflag:$0x2] =	stream.strided.gather [hbm4b:s10+s0], $0x1000, s3, s0, $0x38;
	[tilespmem:$0x12000] =	vst v63  }
0x49: {  	s14 =	simm.s32 $0x6000;
	s13 =	rddreg [dreg:$0xc]  }
0x4a: {  	[tilespmem:s14], [sflag:$0x2] =	stream.strided.gather [hbm4b:s13+s0], $0x1000, s3, s0, $0x38;
	[tilespmem:$0x12000] =	vst v63  }
0x4b: {  	s16 =	simm.s32 $0x7000;
	s15 =	rddreg [dreg:$0x17]  }
0x4c: {  	[tilespmem:s16], [sflag:$0x2] =	stream.strided.gather [hbm4b:s15+s0], $0x1000, s3, s0, $0x38;
	[tilespmem:$0x12000] =	vst v63  }
0x4d: {  	s22 =	rddreg [dreg:$0xd];
	s23 =	simm.s32 $0x11000  }
0x4e: {  	[tilespmem:s23], [sflag:$0x9] =	stream.strided.gather [hbm4b:s22+s0], $0x1000, s3, s0, $0x38;
	[tilespmem:$0x12000] =	vst v63  }
0x4f: {  	_ =	swait.ge [sflag:s31], $0x1000  }
0x50: {  	[sflag:s31] =	ssyncset.done $0x0  }
0x51: {  	[sflag:s31] =	ssyncadd.s32 $0xFFFFF000  }
0x52: {  	_ =	swait.ge [sflag:s31], $0x1000  }
0x53: {  	[sflag:s31] =	ssyncset.done $0x0  }
0x54: {  	[sflag:s31] =	ssyncadd.s32 $0xFFFFF000  }
0x55: {  	_ =	swait.ge [sflag:s31], $0x1000  }
0x56: {  	[sflag:s31] =	ssyncset.done $0x0  }
0x57: {  	[sflag:s31] =	ssyncadd.s32 $0xFFFFF000  }
0x58: {  	s24 =	sand.u32 $0xE00, s2;
	s7 =	sand.u32 $0x180, s2;
	_ =	swait.ge [sflag:s31], $0x1000  }
0x59: {  	s5 =	sor.u32 s7, s24;
	s8 =	sand.u32 $0x60, s2;
	[sflag:s31] =	ssyncset.done $0x0  }
0x5a: {  	s7 =	sor.u32 s8, s5;
	[sflag:s31] =	ssyncadd.s32 $0xFFFFF000  }
0x5b: {  	v0 =	vld [tilespmem:s7+$0x3010]  }
0x5c: {  	v1 =	vld [tilespmem:s7+$0x0]  }
0x5d: {  	v7 =	vld [tilespmem:s7+$0x10010]  }
0x5e: {  	v2 =	vld [tilespmem:s7+$0x1000]  }
0x5f: {  	v3 =	vld [tilespmem:s7+$0x2000]  }
0x60: {  	v4 =	vld [tilespmem:s7+$0x3000]  }
0x61: {  	s25 =	simm.s32 $0x80;
	s28 =	simm.s32 $0x4;
	v5 =	vld [tilespmem:s7+$0x10]  }
0x62: {  	s9 =	simm.s32 $0x20;
	s5 =	sand.u32 $0xE00, s25;
	s8 =	sand.u32 $0x180, s28;
	v6 =	vld [tilespmem:s7+$0x1010]  }
0x63: {  	s9 =	sand.u32 $0x60, s9;
	s5 =	sor.u32 s8, s5;
	v8 =	vld [tilespmem:s7+$0x2010]  }
0x64: {  	s8 =	sor.u32 s9, s5;
	v9 =	vld [tilespmem:s7+$0x10000]  }
0x65: {  	v11 =	vld [tilespmem:s8+$0x3010];
	v0 =	vmul.f32 $3.200000000e+01, v0  }
0x66: {  	v12 =	vld [tilespmem:s8+$0x0];
	v1 =	vmul.f32 $3.200000000e+01, v1;
	v5 =	vmul.f32 $3.200000000e+01, v5  }
0x67: {  	v13 =	vmul.f32 $3.200000000e+01, v2;
	v14 =	vmul.f32 $3.200000000e+01, v3;
	v10 =	vadd.f32 v0, v7;
	v0 =	vld [tilespmem:s8+$0x10010]  }
0x68: {  	v15 =	vmul.f32 $3.200000000e+01, v4;
	v16 =	vmul.f32 $3.200000000e+01, v6;
	v3 =	vld [tilespmem:s8+$0x1000];
	v6 =	vadd.f32 v5, v7  }
0x69: {  	v17 =	vmul.f32 $3.200000000e+01, v8;
	v2 =	vld [tilespmem:s8+$0x2000];
	v18 =	vadd.f32 v1, v9;
	v8 =	vadd.f32 v14, v9;
	[tilespmem:s7+$0x3010] =	vst v10  }
0x6a: {  	s10 =	simm.s32 $0x40;
	v4 =	vld [tilespmem:s8+$0x3000];
	v11 =	vmul.f32 $3.200000000e+01, v11;
	v5 =	vadd.f32 v15, v9;
	v10 =	vadd.f32 v13, v9;
	[tilespmem:s7+$0x10] =	vst v6  }
0x6b: {  	s11 =	simm.s32 $0x8;
	s5 =	simm.s32 $0x2;
	s9 =	simm.s32 $0x100;
	v1 =	vmul.f32 $3.200000000e+01, v12;
	v6 =	vld [tilespmem:s8+$0x10];
	[tilespmem:s7+$0x0] =	vst v18;
	v9 =	vadd.f32 v16, v7;
	v7 =	vadd.f32 v17, v7  }
.LBB2_2:
0x6c: {  	s13 =	sand.u32 $0xE00, s9;
	s14 =	sand.u32 $0x180, s11;
	s5 =	sadd.s32 $0x2, s5;
	v12 =	vld [tilespmem:s8+$0x1010];
	v11 =	vadd.f32 v11, v0;
	[tilespmem:s7+$0x1000] =	vst v10;
	v13 =	vmov v0  }
0x6d: {  	s15 =	sand.u32 $0x60, s10;
	s13 =	sor.u32 s14, s13;
	p0 =	slt.u32 s5, $0xFE;
	v10 =	vmul.f32 $3.200000000e+01, v3;
	v14 =	vld [tilespmem:s8+$0x2010];
	[tilespmem:s7+$0x2000] =	vst v8  }
0x6e: {  	s13 =	sor.u32 s15, s13;
	v15 =	vld [tilespmem:s8+$0x10000];
	v8 =	vmul.f32 $3.200000000e+01, v2;
	[tilespmem:s8+$0x3010] =	vst v11  }
0x6f: {  	v11 =	vld [tilespmem:s13+$0x3010];
	v16 =	vmul.f32 $3.200000000e+01, v4;
	[tilespmem:s7+$0x3000] =	vst v5  }
0x70: {  	v17 =	vld [tilespmem:s13+$0x0];
	v2 =	vmul.f32 $3.200000000e+01, v6;
	[tilespmem:s7+$0x1010] =	vst v9  }
.Ltmp0:
0x71: {  	v0 =	vld [tilespmem:s13+$0x10010];
	v9 =	vmul.f32 $3.200000000e+01, v12;
	[tilespmem:s7+$0x2010] =	vst v7;
	s7 =	smov.u32 s8;
	s8 =	smov.u32 s13;
	(pc) =	sbr.rel @p0 .LBB2_2-.Ltmp0, $4  }
0x72: {  	v3 =	vld [tilespmem:s8+$0x1000];
	v6 =	vadd.f32 v2, v13;
	v7 =	vmul.f32 $3.200000000e+01, v14  }
0x73: {  	v2 =	vld [tilespmem:s8+$0x2000];
	v12 =	vadd.f32 v1, v15;
	v10 =	vadd.f32 v10, v15  }
0x74: {  	v8 =	vadd.f32 v8, v15;
	v5 =	vadd.f32 v16, v15;
	v4 =	vld [tilespmem:s8+$0x3000];
	v11 =	vmul.f32 $3.200000000e+01, v11;
	[tilespmem:s7+$0x10] =	vst v6  }
0x75: {  	s9 =	sadd.s32 $0x80, s9;
	s10 =	sadd.s32 $0x20, s10;
	s11 =	sadd.s32 $0x4, s11;
	v9 =	vadd.f32 v9, v13;
	v7 =	vadd.f32 v7, v13;
	v1 =	vmul.f32 $3.200000000e+01, v17;
	v6 =	vld [tilespmem:s8+$0x10];
	[tilespmem:s7+$0x0] =	vst v12  }
0x76: {  	[tilespmem:s7+$0x1000] =	vst v10;
	v10 =	vld [tilespmem:s8+$0x10000];
	_ =	sdelay $0x1  }
0x77: {  	[tilespmem:s7+$0x2000] =	vst v8  }
0x78: {  	v12 =	vld [tilespmem:s8+$0x1010];
	[tilespmem:s7+$0x3000] =	vst v5  }
0x79: {  	v11 =	vadd.f32 v11, v0;
	v13 =	vld [tilespmem:s8+$0x2010];
	[tilespmem:s7+$0x1010] =	vst v9;
	v6 =	vmul.f32 $3.200000000e+01, v6  }
0x7a: {  	v3 =	vmul.f32 $3.200000000e+01, v3;
	[tilespmem:s7+$0x2010] =	vst v7;
	v1 =	vadd.f32 v1, v10  }
0x7b: {  	[tilespmem:s8+$0x3010] =	vst v11;
	v2 =	vmul.f32 $3.200000000e+01, v2;
	v5 =	vadd.f32 v6, v0  }
0x7c: {  	v4 =	vmul.f32 $3.200000000e+01, v4;
	v3 =	vadd.f32 v3, v10;
	[tilespmem:s8+$0x0] =	vst v1  }
0x7d: {  	v2 =	vadd.f32 v2, v10;
	[tilespmem:s8+$0x10] =	vst v5;
	v5 =	vmul.f32 $3.200000000e+01, v12  }
0x7e: {  	v4 =	vadd.f32 v4, v10;
	v1 =	vmul.f32 $3.200000000e+01, v13;
	[tilespmem:s8+$0x1000] =	vst v3  }
0x7f: {  	[tilespmem:s8+$0x2000] =	vst v2;
	v3 =	vadd.f32 v5, v0  }
0x80: {  	[tilespmem:s8+$0x3000] =	vst v4;
	v0 =	vadd.f32 v1, v0  }
0x81: {  	[tilespmem:s8+$0x1010] =	vst v3  }
0x82: {  	[tilespmem:s8+$0x2010] =	vst v0  }
0x83: {  	s5 =	simm.s32 $0x0;
	s2 =	rddreg [dreg:$0x16]  }
0x84: {  	[hbm4b:s2+s0] =	stream.strided.scatter [tilespmem:s5], [sflag:$0x5], $0x1000, s3, s0, $0x38;
	[tilespmem:$0x12000] =	vst v63  }
0x85: {  	s4 =	simm.s32 $0x1000;
	s24 =	rddreg [dreg:$0xe]  }
0x86: {  	[hbm4b:s24+s0] =	stream.strided.scatter [tilespmem:s4], [sflag:$0x5], $0x1000, s3, s0, $0x38;
	[tilespmem:$0x12000] =	vst v63  }
0x87: {  	s28 =	simm.s32 $0x2000;
	s25 =	rddreg [dreg:$0xf]  }
0x88: {  	[hbm4b:s25+s0] =	stream.strided.scatter [tilespmem:s28], [sflag:$0x5], $0x1000, s3, s0, $0x38;
	[tilespmem:$0x12000] =	vst v63  }
0x89: {  	s8 =	simm.s32 $0x3000;
	s7 =	rddreg [dreg:$0x10]  }
0x8a: {  	[hbm4b:s7+s0] =	stream.strided.scatter [tilespmem:s8], [sflag:$0x5], $0x1000, s3, s0, $0x38;
	[tilespmem:$0x12000] =	vst v63  }
0x8b: {  	s9 =	rddreg [dreg:$0x11]  }
0x8c: {  	[tilespmem:s26], [sflag:$0x3] =	stream.strided.gather [hbm4b:s9+s0], $0x1000, s3, s0, $0x38;
	[tilespmem:$0x12000] =	vst v63  }
0x8d: {  	s10 =	rddreg [dreg:$0x1b]  }
0x8e: {  	[tilespmem:s30], [sflag:$0x3] =	stream.strided.gather [hbm4b:s10+s0], $0x1000, s3, s0, $0x38;
	[tilespmem:$0x12000] =	vst v63  }
0x8f: {  	s13 =	simm.s32 $0xA000;
	s11 =	rddreg [dreg:$0x1c]  }
0x90: {  	[tilespmem:s13], [sflag:$0x3] =	stream.strided.gather [hbm4b:s11+s0], $0x1000, s3, s0, $0x38;
	[tilespmem:$0x12000] =	vst v63  }
0x91: {  	s15 =	simm.s32 $0xB000;
	s14 =	rddreg [dreg:$0x1e]  }
0x92: {  	[tilespmem:s15], [sflag:$0x3] =	stream.strided.gather [hbm4b:s14+s0], $0x1000, s3, s0, $0x38;
	[tilespmem:$0x12000] =	vst v63  }
0x93: {  	s22 =	simm.s32 $0x10000;
	s16 =	rddreg [dreg:$0x12]  }
0x94: {  	[tilespmem:s22], [sflag:$0x9] =	stream.strided.gather [hbm4b:s16+s0], $0x1000, s3, s0, $0x38;
	[tilespmem:$0x12000] =	vst v63  }
0x95: {  	_ =	swait.ge [sflag:s6], $0x1000  }
0x96: {  	[sflag:s6] =	ssyncset.done $0x0  }
0x97: {  	[sflag:s6] =	ssyncadd.s32 $0xFFFFF000  }
0x98: {  	_ =	swait.ge [sflag:s12], $0x1000  }
0x99: {  	[sflag:s12] =	ssyncset.done $0x0  }
0x9a: {  	[sflag:s12] =	ssyncadd.s32 $0xFFFFF000  }
0x9b: {  	_ =	swait.ge [sflag:s12], $0x1000  }
0x9c: {  	[sflag:s12] =	ssyncset.done $0x0  }
0x9d: {  	[sflag:s12] =	ssyncadd.s32 $0xFFFFF000  }
0x9e: {  	_ =	swait.ge [sflag:s12], $0x1000  }
0x9f: {  	[sflag:s12] =	ssyncset.done $0x0  }
0xa0: {  	[sflag:s12] =	ssyncadd.s32 $0xFFFFF000  }
0xa1: {  	s23 =	sand.u32 $0xE00, s5;
	s24 =	sand.u32 $0x180, s5;
	_ =	swait.ge [sflag:s12], $0x1000  }
0xa2: {  	s5 =	sand.u32 $0x60, s5;
	s7 =	sor.u32 s24, s23;
	[sflag:s12] =	ssyncset.done $0x0  }
0xa3: {  	s7 =	sor.u32 s5, s7;
	[sflag:s12] =	ssyncadd.s32 $0xFFFFF000  }
0xa4: {  	v0 =	vld [tilespmem:s7+$0x7010]  }
0xa5: {  	v1 =	vld [tilespmem:s7+$0x4000]  }
0xa6: {  	v7 =	vld [tilespmem:s7+$0x11010]  }
0xa7: {  	v2 =	vld [tilespmem:s7+$0x5000]  }
0xa8: {  	v3 =	vld [tilespmem:s7+$0x6000]  }
0xa9: {  	v4 =	vld [tilespmem:s7+$0x7000]  }
0xaa: {  	s25 =	simm.s32 $0x80;
	s28 =	simm.s32 $0x4;
	v5 =	vld [tilespmem:s7+$0x4010]  }
0xab: {  	s8 =	sand.u32 $0x180, s28;
	s5 =	sand.u32 $0xE00, s25;
	s9 =	simm.s32 $0x20;
	v6 =	vld [tilespmem:s7+$0x5010]  }
0xac: {  	s5 =	sor.u32 s8, s5;
	s9 =	sand.u32 $0x60, s9;
	v8 =	vld [tilespmem:s7+$0x6010]  }
0xad: {  	s8 =	sor.u32 s9, s5;
	v9 =	vld [tilespmem:s7+$0x11000]  }
0xae: {  	v11 =	vld [tilespmem:s8+$0x7010];
	v0 =	vmul.f32 $3.200000000e+01, v0  }
0xaf: {  	v62 =	vld [tilespmem:s8+$0x4000];
	v1 =	vmul.f32 $3.200000000e+01, v1;
	v5 =	vmul.f32 $3.200000000e+01, v5  }
0xb0: {  	v63 =	vmul.f32 $3.200000000e+01, v2;
	v14 =	vmul.f32 $3.200000000e+01, v3;
	v10 =	vadd.f32 v0, v7;
	v0 =	vld [tilespmem:s8+$0x11010]  }
0xb1: {  	v15 =	vmul.f32 $3.200000000e+01, v4;
	v16 =	vmul.f32 $3.200000000e+01, v6;
	v3 =	vld [tilespmem:s8+$0x5000];
	v6 =	vadd.f32 v5, v7  }
0xb2: {  	v17 =	vmul.f32 $3.200000000e+01, v8;
	v2 =	vld [tilespmem:s8+$0x6000];
	v18 =	vadd.f32 v1, v9;
	v8 =	vadd.f32 v14, v9;
	[tilespmem:s7+$0x7010] =	vst v10  }
0xb3: {  	s5 =	simm.s32 $0x2;
	v4 =	vld [tilespmem:s8+$0x7000];
	v11 =	vmul.f32 $3.200000000e+01, v11;
	v5 =	vadd.f32 v15, v9;
	v10 =	vadd.f32 v63, v9;
	[tilespmem:s7+$0x4010] =	vst v6  }
0xb4: {  	s9 =	simm.s32 $0x100;
	s10 =	simm.s32 $0x40;
	s11 =	simm.s32 $0x8;
	v1 =	vmul.f32 $3.200000000e+01, v62;
	v6 =	vld [tilespmem:s8+$0x4010];
	[tilespmem:s7+$0x4000] =	vst v18;
	v9 =	vadd.f32 v16, v7;
	v7 =	vadd.f32 v17, v7  }
.LBB2_4:
0xb5: {  	s13 =	sand.u32 $0xE00, s9;
	s14 =	sand.u32 $0x180, s11;
	s5 =	sadd.s32 $0x2, s5;
	v12 =	vld [tilespmem:s8+$0x5010];
	v11 =	vadd.f32 v11, v0;
	[tilespmem:s7+$0x5000] =	vst v10;
	v13 =	vmov v0  }
0xb6: {  	s15 =	sand.u32 $0x60, s10;
	s13 =	sor.u32 s14, s13;
	p0 =	slt.u32 s5, $0xFE;
	v10 =	vmul.f32 $3.200000000e+01, v3;
	v14 =	vld [tilespmem:s8+$0x6010];
	[tilespmem:s7+$0x6000] =	vst v8  }
0xb7: {  	s13 =	sor.u32 s15, s13;
	v15 =	vld [tilespmem:s8+$0x11000];
	v8 =	vmul.f32 $3.200000000e+01, v2;
	[tilespmem:s8+$0x7010] =	vst v11  }
0xb8: {  	v11 =	vld [tilespmem:s13+$0x7010];
	v16 =	vmul.f32 $3.200000000e+01, v4;
	[tilespmem:s7+$0x7000] =	vst v5  }
0xb9: {  	v17 =	vld [tilespmem:s13+$0x4000];
	v2 =	vmul.f32 $3.200000000e+01, v6;
	[tilespmem:s7+$0x5010] =	vst v9  }
.Ltmp1:
0xba: {  	v0 =	vld [tilespmem:s13+$0x11010];
	v9 =	vmul.f32 $3.200000000e+01, v12;
	[tilespmem:s7+$0x6010] =	vst v7;
	s7 =	smov.u32 s8;
	s8 =	smov.u32 s13;
	(pc) =	sbr.rel @p0 .LBB2_4-.Ltmp1, $4  }
0xbb: {  	v3 =	vld [tilespmem:s8+$0x5000];
	v6 =	vadd.f32 v2, v13;
	v7 =	vmul.f32 $3.200000000e+01, v14  }
0xbc: {  	v2 =	vld [tilespmem:s8+$0x6000];
	v12 =	vadd.f32 v1, v15;
	v10 =	vadd.f32 v10, v15  }
0xbd: {  	v8 =	vadd.f32 v8, v15;
	v5 =	vadd.f32 v16, v15;
	v4 =	vld [tilespmem:s8+$0x7000];
	v11 =	vmul.f32 $3.200000000e+01, v11;
	[tilespmem:s7+$0x4010] =	vst v6  }
0xbe: {  	s9 =	sadd.s32 $0x80, s9;
	s10 =	sadd.s32 $0x20, s10;
	s11 =	sadd.s32 $0x4, s11;
	v9 =	vadd.f32 v9, v13;
	v7 =	vadd.f32 v7, v13;
	v1 =	vmul.f32 $3.200000000e+01, v17;
	v6 =	vld [tilespmem:s8+$0x4010];
	[tilespmem:s7+$0x4000] =	vst v12  }
0xbf: {  	v57 =	vld [tilespmem:s8+$0x11000]  }
0xc0: {  	[tilespmem:s7+$0x5000] =	vst v10  }
0xc1: {  	[tilespmem:s7+$0x6000] =	vst v8  }
0xc2: {  	v12 =	vld [tilespmem:s8+$0x5010];
	[tilespmem:s7+$0x7000] =	vst v5  }
0xc3: {  	v11 =	vadd.f32 v11, v0;
	v58 =	vld [tilespmem:s8+$0x6010];
	v3 =	vmul.f32 $3.200000000e+01, v3;
	[tilespmem:s7+$0x5010] =	vst v9  }
0xc4: {  	[tilespmem:s7+$0x6010] =	vst v7;
	v2 =	vmul.f32 $3.200000000e+01, v2;
	v1 =	vadd.f32 v1, v57  }
0xc5: {  	[tilespmem:s8+$0x7010] =	vst v11;
	v4 =	vmul.f32 $3.200000000e+01, v4;
	v3 =	vadd.f32 v3, v57  }
0xc6: {  	v6 =	vmul.f32 $3.200000000e+01, v6;
	v2 =	vadd.f32 v2, v57;
	[tilespmem:s8+$0x4000] =	vst v1  }
0xc7: {  	v60 =	vmul.f32 $3.200000000e+01, v12;
	v4 =	vadd.f32 v4, v57;
	[tilespmem:s8+$0x5000] =	vst v3  }
0xc8: {  	v61 =	vmul.f32 $3.200000000e+01, v58;
	v59 =	vadd.f32 v6, v0;
	[tilespmem:s8+$0x6000] =	vst v2  }
0xc9: {  	v62 =	vadd.f32 v60, v0;
	[tilespmem:s8+$0x7000] =	vst v4  }
0xca: {  	v63 =	vadd.f32 v61, v0;
	[tilespmem:s8+$0x4010] =	vst v59  }
0xcb: {  	[tilespmem:s8+$0x5010] =	vst v62  }
0xcc: {  	[tilespmem:s8+$0x6010] =	vst v63  }
0xcd: {  	s2 =	rddreg [dreg:$0x13]  }
0xce: {  	s4 =	simm.s32 $0x4000;
	s7 =	rddreg [dreg:$0x14]  }
0xcf: {  	[hbm4b:s2+s0] =	stream.strided.scatter [tilespmem:s4], [sflag:$0x6], $0x1000, s3, s0, $0x38;
	[tilespmem:$0x12000] =	vst v63  }
0xd0: {  	s8 =	simm.s32 $0x5000;
	s9 =	rddreg [dreg:$0x15]  }
0xd1: {  	[hbm4b:s7+s0] =	stream.strided.scatter [tilespmem:s8], [sflag:$0x6], $0x1000, s3, s0, $0x38;
	[tilespmem:$0x12000] =	vst v63  }
0xd2: {  	s10 =	simm.s32 $0x6000;
	s11 =	rddreg [dreg:$0x18]  }
0xd3: {  	[hbm4b:s9+s0] =	stream.strided.scatter [tilespmem:s10], [sflag:$0x6], $0x1000, s3, s0, $0x38;
	[tilespmem:$0x12000] =	vst v63  }
0xd4: {  	s13 =	simm.s32 $0x7000;
	s14 =	sld [smem:$0x7E9]  }
0xd5: {  	[hbm4b:s11+s0] =	stream.strided.scatter [tilespmem:s13], [sflag:$0x6], $0x1000, s3, s0, $0x38;
	[tilespmem:$0x12000] =	vst v63  }
0xd6: {  	s15 =	simm.s32 $0xC000;
	s16 =	rddreg [dreg:$0x1f]  }
0xd7: {  	[tilespmem:s15], [sflag:$0x4] =	stream.strided.gather [hbm4b:s14+s0], $0x1000, s3, s0, $0x38;
	[tilespmem:$0x12000] =	vst v63  }
0xd8: {  	s22 =	simm.s32 $0xD000;
	s23 =	sld [smem:$0x7EA]  }
0xd9: {  	[tilespmem:s22], [sflag:$0x4] =	stream.strided.gather [hbm4b:s16+s0], $0x1000, s3, s0, $0x38;
	[tilespmem:$0x12000] =	vst v63  }
0xda: {  	s24 =	simm.s32 $0xE000;
	s25 =	sld [smem:$0x7EB]  }
0xdb: {  	[tilespmem:s24], [sflag:$0x4] =	stream.strided.gather [hbm4b:s23+s0], $0x1000, s3, s0, $0x38;
	[tilespmem:$0x12000] =	vst v63  }
0xdc: {  	s28 =	simm.s32 $0xF000;
	s10 =	simm.s32 $0x0  }
0xdd: {  	[tilespmem:s28], [sflag:$0x4] =	stream.strided.gather [hbm4b:s25+s0], $0x1000, s3, s0, $0x38;
	[tilespmem:$0x12000] =	vst v63  }
.LBB2_6:
0xde: {  	s11 =	sshll.u32 s10, $0x4;
	s2 =	rddreg [dreg:$0x4]  }
0xdf: {  	s5 =	sor.u32 s11, s2  }
0xe0: {  	s22 =	sshll.u32 s5, $0x7  }
0xe1: {  	s13 =	rddreg [dreg:$0x1];
	s8 =	sor.u32 $0x440, s22  }
0xe2: {  	s15 =	simm.s32 $0x11000;
	s14 =	sadd.s32 s13, s8  }
0xe3: {  	[tilespmem:s15], [sflag:$0x9] =	stream.strided.gather [hbm4b:s14+s0], $0x1000, s3, s0, $0x38;
	[tilespmem:$0x12000] =	vst v63  }
0xe4: {  	_ =	swait.ge [sflag:s6], $0x1000  }
0xe5: {  	[sflag:s6] =	ssyncset.done $0x0  }
0xe6: {  	[sflag:s6] =	ssyncadd.s32 $0xFFFFF000  }
0xe7: {  	_ =	swait.ge [sflag:s17], $0x1000  }
0xe8: {  	[sflag:s17] =	ssyncset.done $0x0  }
0xe9: {  	[sflag:s17] =	ssyncadd.s32 $0xFFFFF000  }
0xea: {  	_ =	swait.ge [sflag:s17], $0x1000  }
0xeb: {  	[sflag:s17] =	ssyncset.done $0x0  }
0xec: {  	[sflag:s17] =	ssyncadd.s32 $0xFFFFF000  }
0xed: {  	_ =	swait.ge [sflag:s17], $0x1000  }
0xee: {  	[sflag:s17] =	ssyncset.done $0x0  }
0xef: {  	s16 =	simm.s32 $0x0;
	[sflag:s17] =	ssyncadd.s32 $0xFFFFF000  }
0xf0: {  	s23 =	sand.u32 $0xE00, s16;
	s9 =	sand.u32 $0x180, s16;
	_ =	swait.ge [sflag:s17], $0x1000  }
0xf1: {  	s5 =	sor.u32 s9, s23;
	s13 =	sand.u32 $0x60, s16;
	[sflag:s17] =	ssyncset.done $0x0  }
0xf2: {  	s23 =	sor.u32 s13, s5;
	[sflag:s17] =	ssyncadd.s32 $0xFFFFF000  }
0xf3: {  	v0 =	vld [tilespmem:s23+$0xB010]  }
0xf4: {  	v1 =	vld [tilespmem:s23+$0x8000]  }
0xf5: {  	v7 =	vld [tilespmem:s23+$0x10010]  }
0xf6: {  	v2 =	vld [tilespmem:s23+$0x9000]  }
0xf7: {  	v3 =	vld [tilespmem:s23+$0xA000]  }
0xf8: {  	v4 =	vld [tilespmem:s23+$0xB000]  }
0xf9: {  	s24 =	simm.s32 $0x80;
	s25 =	simm.s32 $0x4;
	v5 =	vld [tilespmem:s23+$0x8010]  }
0xfa: {  	s28 =	simm.s32 $0x20;
	s9 =	sand.u32 $0x180, s25;
	s5 =	sand.u32 $0xE00, s24;
	v6 =	vld [tilespmem:s23+$0x9010]  }
0xfb: {  	s13 =	sand.u32 $0x60, s28;
	s5 =	sor.u32 s9, s5;
	v8 =	vld [tilespmem:s23+$0xA010]  }
0xfc: {  	s24 =	sor.u32 s13, s5;
	v9 =	vld [tilespmem:s23+$0x10000]  }
0xfd: {  	v11 =	vld [tilespmem:s24+$0xB010];
	v0 =	vmul.f32 $3.200000000e+01, v0  }
0xfe: {  	v12 =	vld [tilespmem:s24+$0x8000];
	v1 =	vmul.f32 $3.200000000e+01, v1;
	v5 =	vmul.f32 $3.200000000e+01, v5  }
0xff: {  	v13 =	vmul.f32 $3.200000000e+01, v2;
	v14 =	vmul.f32 $3.200000000e+01, v3;
	v10 =	vadd.f32 v0, v7;
	v0 =	vld [tilespmem:s24+$0x10010]  }
0x100: {  	v15 =	vmul.f32 $3.200000000e+01, v4;
	v16 =	vmul.f32 $3.200000000e+01, v6;
	v3 =	vld [tilespmem:s24+$0x9000];
	v6 =	vadd.f32 v5, v7  }
0x101: {  	v17 =	vmul.f32 $3.200000000e+01, v8;
	v2 =	vld [tilespmem:s24+$0xA000];
	v18 =	vadd.f32 v1, v9;
	v8 =	vadd.f32 v14, v9;
	[tilespmem:s23+$0xB010] =	vst v10  }
0x102: {  	s14 =	simm.s32 $0x8;
	v4 =	vld [tilespmem:s24+$0xB000];
	v11 =	vmul.f32 $3.200000000e+01, v11;
	v5 =	vadd.f32 v15, v9;
	v10 =	vadd.f32 v13, v9;
	[tilespmem:s23+$0x8010] =	vst v6  }
0x103: {  	s9 =	simm.s32 $0x100;
	s5 =	simm.s32 $0x2;
	s13 =	simm.s32 $0x40;
	v1 =	vmul.f32 $3.200000000e+01, v12;
	v6 =	vld [tilespmem:s24+$0x8010];
	[tilespmem:s23+$0x8000] =	vst v18;
	v9 =	vadd.f32 v16, v7;
	v7 =	vadd.f32 v17, v7  }
.LBB2_7:
0x104: {  	s15 =	sand.u32 $0xE00, s9;
	s16 =	sand.u32 $0x180, s14;
	s5 =	sadd.s32 $0x2, s5;
	v12 =	vld [tilespmem:s24+$0x9010];
	v11 =	vadd.f32 v11, v0;
	[tilespmem:s23+$0x9000] =	vst v10;
	v13 =	vmov v0  }
0x105: {  	s25 =	sand.u32 $0x60, s13;
	s15 =	sor.u32 s16, s15;
	p0 =	slt.u32 s5, $0xFE;
	v10 =	vmul.f32 $3.200000000e+01, v3;
	v14 =	vld [tilespmem:s24+$0xA010];
	[tilespmem:s23+$0xA000] =	vst v8  }
0x106: {  	s15 =	sor.u32 s25, s15;
	v15 =	vld [tilespmem:s24+$0x10000];
	v8 =	vmul.f32 $3.200000000e+01, v2;
	[tilespmem:s24+$0xB010] =	vst v11  }
0x107: {  	v11 =	vld [tilespmem:s15+$0xB010];
	v16 =	vmul.f32 $3.200000000e+01, v4;
	[tilespmem:s23+$0xB000] =	vst v5  }
0x108: {  	v17 =	vld [tilespmem:s15+$0x8000];
	v2 =	vmul.f32 $3.200000000e+01, v6;
	[tilespmem:s23+$0x9010] =	vst v9  }
.Ltmp2:
0x109: {  	v0 =	vld [tilespmem:s15+$0x10010];
	v9 =	vmul.f32 $3.200000000e+01, v12;
	[tilespmem:s23+$0xA010] =	vst v7;
	s23 =	smov.u32 s24;
	s24 =	smov.u32 s15;
	(pc) =	sbr.rel @p0 .LBB2_7-.Ltmp2, $4  }
0x10a: {  	v3 =	vld [tilespmem:s24+$0x9000];
	v6 =	vadd.f32 v2, v13;
	v7 =	vmul.f32 $3.200000000e+01, v14  }
0x10b: {  	v2 =	vld [tilespmem:s24+$0xA000];
	v12 =	vadd.f32 v1, v15;
	v10 =	vadd.f32 v10, v15  }
0x10c: {  	v8 =	vadd.f32 v8, v15;
	v5 =	vadd.f32 v16, v15;
	v4 =	vld [tilespmem:s24+$0xB000];
	v11 =	vmul.f32 $3.200000000e+01, v11;
	[tilespmem:s23+$0x8010] =	vst v6  }
0x10d: {  	s9 =	sadd.s32 $0x80, s9;
	s13 =	sadd.s32 $0x20, s13;
	s14 =	sadd.s32 $0x4, s14;
	v9 =	vadd.f32 v9, v13;
	v7 =	vadd.f32 v7, v13;
	v1 =	vmul.f32 $3.200000000e+01, v17;
	v6 =	vld [tilespmem:s24+$0x8010];
	[tilespmem:s23+$0x8000] =	vst v12  }
0x10e: {  	[tilespmem:s23+$0x9000] =	vst v10;
	v10 =	vld [tilespmem:s24+$0x10000];
	_ =	sdelay $0x1  }
0x10f: {  	[tilespmem:s23+$0xA000] =	vst v8  }
0x110: {  	v12 =	vld [tilespmem:s24+$0x9010];
	[tilespmem:s23+$0xB000] =	vst v5  }
0x111: {  	v11 =	vadd.f32 v11, v0;
	v13 =	vld [tilespmem:s24+$0xA010];
	[tilespmem:s23+$0x9010] =	vst v9;
	v6 =	vmul.f32 $3.200000000e+01, v6  }
0x112: {  	v3 =	vmul.f32 $3.200000000e+01, v3;
	[tilespmem:s23+$0xA010] =	vst v7;
	v1 =	vadd.f32 v1, v10  }
0x113: {  	[tilespmem:s24+$0xB010] =	vst v11;
	v2 =	vmul.f32 $3.200000000e+01, v2;
	v5 =	vadd.f32 v6, v0  }
0x114: {  	v4 =	vmul.f32 $3.200000000e+01, v4;
	v3 =	vadd.f32 v3, v10;
	[tilespmem:s24+$0x8000] =	vst v1  }
0x115: {  	v2 =	vadd.f32 v2, v10;
	[tilespmem:s24+$0x8010] =	vst v5;
	v5 =	vmul.f32 $3.200000000e+01, v12  }
0x116: {  	v4 =	vadd.f32 v4, v10;
	v1 =	vmul.f32 $3.200000000e+01, v13;
	[tilespmem:s24+$0x9000] =	vst v3  }
0x117: {  	[tilespmem:s24+$0xA000] =	vst v2;
	v3 =	vadd.f32 v5, v0  }
0x118: {  	[tilespmem:s24+$0xB000] =	vst v4;
	v0 =	vadd.f32 v1, v0  }
0x119: {  	[tilespmem:s24+$0x9010] =	vst v3  }
0x11a: {  	s2 =	rddreg [dreg:$0x2];
	s23 =	sor.u32 $0x400, s22;
	[tilespmem:s24+$0xA010] =	vst v0  }
0x11b: {  	s5 =	sadd.s32 s2, s23;
	s24 =	sld [smem:$0x7EC]  }
0x11c: {  	[hbm4b:s5+s0] =	stream.strided.scatter [tilespmem:s26], [sflag:$0x7], $0x1000, s3, s0, $0x38;
	[tilespmem:$0x12000] =	vst v63  }
0x11d: {  	s26 =	sld [smem:$0x7ED]  }
0x11e: {  	s5 =	sld [smem:$0x7EE];
	s25 =	sadd.s32 s23, s24  }
0x11f: {  	[hbm4b:s25+s0] =	stream.strided.scatter [tilespmem:s30], [sflag:$0x7], $0x1000, s3, s0, $0x38;
	[tilespmem:$0x12000] =	vst v63  }
0x120: {  	s4 =	simm.s32 $0xA000;
	s2 =	sadd.s32 s23, s26  }
0x121: {  	[hbm4b:s2+s0] =	stream.strided.scatter [tilespmem:s4], [sflag:$0x7], $0x1000, s3, s0, $0x38;
	[tilespmem:$0x12000] =	vst v63  }
0x122: {  	s9 =	simm.s32 $0xB000;
	s7 =	sadd.s32 s23, s5  }
0x123: {  	[hbm4b:s7+s0] =	stream.strided.scatter [tilespmem:s9], [sflag:$0x7], $0x1000, s3, s0, $0x38;
	[tilespmem:$0x12000] =	vst v63  }
0x124: {  	_ =	swait.ge [sflag:s18], $0x1000  }
0x125: {  	[sflag:s18] =	ssyncset.done $0x0  }
0x126: {  	[sflag:s18] =	ssyncadd.s32 $0xFFFFF000  }
0x127: {  	_ =	swait.ge [sflag:s18], $0x1000  }
0x128: {  	[sflag:s18] =	ssyncset.done $0x0  }
0x129: {  	[sflag:s18] =	ssyncadd.s32 $0xFFFFF000  }
0x12a: {  	_ =	swait.ge [sflag:s18], $0x1000  }
0x12b: {  	[sflag:s18] =	ssyncset.done $0x0  }
0x12c: {  	[sflag:s18] =	ssyncadd.s32 $0xFFFFF000  }
0x12d: {  	_ =	swait.ge [sflag:s18], $0x1000  }
0x12e: {  	s13 =	sld [smem:$0x7EF];
	_ =	sdelay $0x2  }
0x12f: {  	s9 =	simm.s32 $0x0;
	s14 =	sadd.s32 s11, s13  }
0x130: {  	[sflag:s18] =	ssyncset.done $0x0;
	s22 =	sshll.u32 s14, $0x7;
	s24 =	sshll.u32 s14, $0xA  }
0x131: {  	[sflag:s18] =	ssyncadd.s32 $0xFFFFF000;
	s15 =	sadd.s32 s1, s22;
	s16 =	sshrl.u32 s24, $0x3  }
0x132: {  	[tilespmem:s9], [sflag:$0x1] =	stream.strided.gather [hbm4b:s15+s0], $0x1000, s3, s0, $0x38;
	[tilespmem:$0x12000] =	vst v63  }
0x133: {  	s25 =	sadd.s32 $0x100000, s16  }
0x134: {  	s26 =	simm.s32 $0x1000;
	s13 =	sadd.s32 s1, s25  }
0x135: {  	[tilespmem:s26], [sflag:$0x1] =	stream.strided.gather [hbm4b:s13+s0], $0x1000, s3, s0, $0x38;
	[tilespmem:$0x12000] =	vst v63  }
0x136: {  	s26 =	sor.u32 $0x200000, s22  }
0x137: {  	s7 =	simm.s32 $0x2000;
	s30 =	sadd.s32 $0x300000, s16;
	s4 =	sadd.s32 s1, s26  }
0x138: {  	[tilespmem:s7], [sflag:$0x1] =	stream.strided.gather [hbm4b:s4+s0], $0x1000, s3, s0, $0x38;
	[tilespmem:$0x12000] =	vst v63  }
0x139: {  	s14 =	rddreg [dreg:$0x1];
	s5 =	sadd.s32 s1, s30;
	s13 =	simm.s32 $0x3000  }
0x13a: {  	[tilespmem:s13], [sflag:$0x1] =	stream.strided.gather [hbm4b:s5+s0], $0x1000, s3, s0, $0x38;
	[tilespmem:$0x12000] =	vst v63  }
0x13b: {  	s15 =	sadd.s32 s14, s22;
	s16 =	simm.s32 $0x10000  }
0x13c: {  	[tilespmem:s16], [sflag:$0x9] =	stream.strided.gather [hbm4b:s15+s0], $0x1000, s3, s0, $0x38;
	[tilespmem:$0x12000] =	vst v63  }
0x13d: {  	_ =	swait.ge [sflag:s6], $0x1000  }
0x13e: {  	[sflag:s6] =	ssyncset.done $0x0  }
0x13f: {  	[sflag:s6] =	ssyncadd.s32 $0xFFFFF000  }
0x140: {  	_ =	swait.ge [sflag:s19], $0x1000  }
0x141: {  	[sflag:s19] =	ssyncset.done $0x0  }
0x142: {  	[sflag:s19] =	ssyncadd.s32 $0xFFFFF000  }
0x143: {  	_ =	swait.ge [sflag:s19], $0x1000  }
0x144: {  	[sflag:s19] =	ssyncset.done $0x0  }
0x145: {  	[sflag:s19] =	ssyncadd.s32 $0xFFFFF000  }
0x146: {  	_ =	swait.ge [sflag:s19], $0x1000  }
0x147: {  	[sflag:s19] =	ssyncset.done $0x0  }
0x148: {  	[sflag:s19] =	ssyncadd.s32 $0xFFFFF000  }
0x149: {  	s4 =	sand.u32 $0xE00, s9;
	s7 =	sand.u32 $0x180, s9;
	_ =	swait.ge [sflag:s19], $0x1000  }
0x14a: {  	s9 =	sand.u32 $0x60, s9;
	s5 =	sor.u32 s7, s4;
	[sflag:s19] =	ssyncset.done $0x0  }
0x14b: {  	s28 =	sor.u32 s9, s5;
	[sflag:s19] =	ssyncadd.s32 $0xFFFFF000  }
0x14c: {  	v0 =	vld [tilespmem:s28+$0xF010]  }
0x14d: {  	v1 =	vld [tilespmem:s28+$0xC000]  }
0x14e: {  	v7 =	vld [tilespmem:s28+$0x11010]  }
0x14f: {  	v2 =	vld [tilespmem:s28+$0xD000]  }
0x150: {  	v3 =	vld [tilespmem:s28+$0xE000]  }
0x151: {  	v4 =	vld [tilespmem:s28+$0xF000]  }
0x152: {  	s14 =	simm.s32 $0x80;
	s15 =	simm.s32 $0x4;
	v5 =	vld [tilespmem:s28+$0xC010]  }
0x153: {  	s5 =	sand.u32 $0xE00, s14;
	s16 =	simm.s32 $0x20;
	s9 =	sand.u32 $0x180, s15;
	v6 =	vld [tilespmem:s28+$0xD010]  }
0x154: {  	s13 =	sand.u32 $0x60, s16;
	s5 =	sor.u32 s9, s5;
	v8 =	vld [tilespmem:s28+$0xE010]  }
0x155: {  	s9 =	sor.u32 s13, s5;
	v9 =	vld [tilespmem:s28+$0x11000]  }
0x156: {  	v11 =	vld [tilespmem:s9+$0xF010];
	v0 =	vmul.f32 $3.200000000e+01, v0  }
0x157: {  	v62 =	vld [tilespmem:s9+$0xC000];
	v1 =	vmul.f32 $3.200000000e+01, v1;
	v5 =	vmul.f32 $3.200000000e+01, v5  }
0x158: {  	v63 =	vmul.f32 $3.200000000e+01, v2;
	v14 =	vmul.f32 $3.200000000e+01, v3;
	v10 =	vadd.f32 v0, v7;
	v0 =	vld [tilespmem:s9+$0x11010]  }
0x159: {  	v15 =	vmul.f32 $3.200000000e+01, v4;
	v16 =	vmul.f32 $3.200000000e+01, v6;
	v3 =	vld [tilespmem:s9+$0xD000];
	v6 =	vadd.f32 v5, v7  }
0x15a: {  	v17 =	vmul.f32 $3.200000000e+01, v8;
	v2 =	vld [tilespmem:s9+$0xE000];
	v18 =	vadd.f32 v1, v9;
	v8 =	vadd.f32 v14, v9;
	[tilespmem:s28+$0xF010] =	vst v10  }
0x15b: {  	s14 =	simm.s32 $0x40;
	v4 =	vld [tilespmem:s9+$0xF000];
	v11 =	vmul.f32 $3.200000000e+01, v11;
	v5 =	vadd.f32 v15, v9;
	v10 =	vadd.f32 v63, v9;
	[tilespmem:s28+$0xC010] =	vst v6  }
0x15c: {  	s15 =	simm.s32 $0x8;
	s5 =	simm.s32 $0x2;
	s13 =	simm.s32 $0x100;
	v1 =	vmul.f32 $3.200000000e+01, v62;
	v6 =	vld [tilespmem:s9+$0xC010];
	[tilespmem:s28+$0xC000] =	vst v18;
	v9 =	vadd.f32 v16, v7;
	v7 =	vadd.f32 v17, v7  }
.LBB2_9:
0x15d: {  	s16 =	sand.u32 $0xE00, s13;
	s2 =	sand.u32 $0x180, s15;
	s5 =	sadd.s32 $0x2, s5;
	v12 =	vld [tilespmem:s9+$0xD010];
	v11 =	vadd.f32 v11, v0;
	[tilespmem:s28+$0xD000] =	vst v10;
	v13 =	vmov v0  }
0x15e: {  	s7 =	sand.u32 $0x60, s14;
	s2 =	sor.u32 s2, s16;
	p0 =	slt.u32 s5, $0xFE;
	v10 =	vmul.f32 $3.200000000e+01, v3;
	v14 =	vld [tilespmem:s9+$0xE010];
	[tilespmem:s28+$0xE000] =	vst v8  }
0x15f: {  	s2 =	sor.u32 s7, s2;
	v15 =	vld [tilespmem:s9+$0x11000];
	v8 =	vmul.f32 $3.200000000e+01, v2;
	[tilespmem:s9+$0xF010] =	vst v11  }
0x160: {  	v11 =	vld [tilespmem:s2+$0xF010];
	v16 =	vmul.f32 $3.200000000e+01, v4;
	[tilespmem:s28+$0xF000] =	vst v5  }
0x161: {  	v17 =	vld [tilespmem:s2+$0xC000];
	v2 =	vmul.f32 $3.200000000e+01, v6;
	[tilespmem:s28+$0xD010] =	vst v9  }
.Ltmp3:
0x162: {  	v0 =	vld [tilespmem:s2+$0x11010];
	v9 =	vmul.f32 $3.200000000e+01, v12;
	[tilespmem:s28+$0xE010] =	vst v7;
	s28 =	smov.u32 s9;
	s9 =	smov.u32 s2;
	(pc) =	sbr.rel @p0 .LBB2_9-.Ltmp3, $4  }
0x163: {  	v3 =	vld [tilespmem:s9+$0xD000];
	v6 =	vadd.f32 v2, v13;
	v7 =	vmul.f32 $3.200000000e+01, v14  }
0x164: {  	v2 =	vld [tilespmem:s9+$0xE000];
	v12 =	vadd.f32 v1, v15;
	v10 =	vadd.f32 v10, v15  }
0x165: {  	v8 =	vadd.f32 v8, v15;
	v5 =	vadd.f32 v16, v15;
	v4 =	vld [tilespmem:s9+$0xF000];
	v11 =	vmul.f32 $3.200000000e+01, v11;
	[tilespmem:s28+$0xC010] =	vst v6  }
0x166: {  	s13 =	sadd.s32 $0x80, s13;
	s14 =	sadd.s32 $0x20, s14;
	s15 =	sadd.s32 $0x4, s15;
	v9 =	vadd.f32 v9, v13;
	v7 =	vadd.f32 v7, v13;
	v1 =	vmul.f32 $3.200000000e+01, v17;
	v6 =	vld [tilespmem:s9+$0xC010];
	[tilespmem:s28+$0xC000] =	vst v12  }
0x167: {  	[tilespmem:s28+$0xD000] =	vst v10;
	v10 =	vld [tilespmem:s9+$0x11000];
	_ =	sdelay $0x1  }
0x168: {  	[tilespmem:s28+$0xE000] =	vst v8  }
0x169: {  	v12 =	vld [tilespmem:s9+$0xD010];
	[tilespmem:s28+$0xF000] =	vst v5  }
0x16a: {  	v11 =	vadd.f32 v11, v0;
	v13 =	vld [tilespmem:s9+$0xE010];
	[tilespmem:s28+$0xD010] =	vst v9;
	v6 =	vmul.f32 $3.200000000e+01, v6  }
0x16b: {  	v3 =	vmul.f32 $3.200000000e+01, v3;
	[tilespmem:s28+$0xE010] =	vst v7;
	v1 =	vadd.f32 v1, v10  }
0x16c: {  	[tilespmem:s9+$0xF010] =	vst v11;
	v2 =	vmul.f32 $3.200000000e+01, v2;
	v5 =	vadd.f32 v6, v0  }
0x16d: {  	v4 =	vmul.f32 $3.200000000e+01, v4;
	v3 =	vadd.f32 v3, v10;
	[tilespmem:s9+$0xC000] =	vst v1  }
0x16e: {  	v2 =	vadd.f32 v2, v10;
	[tilespmem:s9+$0xC010] =	vst v5;
	v5 =	vmul.f32 $3.200000000e+01, v12  }
0x16f: {  	v4 =	vadd.f32 v4, v10;
	v1 =	vmul.f32 $3.200000000e+01, v13;
	[tilespmem:s9+$0xD000] =	vst v3  }
0x170: {  	[tilespmem:s9+$0xE000] =	vst v2;
	v3 =	vadd.f32 v5, v0  }
0x171: {  	[tilespmem:s9+$0xF000] =	vst v4;
	v0 =	vadd.f32 v1, v0  }
0x172: {  	[tilespmem:s9+$0xD010] =	vst v3  }
0x173: {  	s2 =	rddreg [dreg:$0x2];
	[tilespmem:s9+$0xE010] =	vst v0  }
0x174: {  	s4 =	simm.s32 $0xC000;
	s2 =	sadd.s32 s2, s8;
	s13 =	sld [smem:$0x7F0]  }
0x175: {  	[hbm4b:s2+s0] =	stream.strided.scatter [tilespmem:s4], [sflag:$0x8], $0x1000, s3, s0, $0x38;
	[tilespmem:$0x12000] =	vst v63  }
0x176: {  	s15 =	sld [smem:$0x7F2]  }
0x177: {  	s14 =	simm.s32 $0xD000;
	s4 =	sld [smem:$0x7F1];
	s2 =	sadd.s32 s23, s13  }
0x178: {  	[hbm4b:s2+s0] =	stream.strided.scatter [tilespmem:s14], [sflag:$0x8], $0x1000, s3, s0, $0x38;
	[tilespmem:$0x12000] =	vst v63  }
0x179: {  	s16 =	simm.s32 $0xE000;
	s2 =	sadd.s32 s23, s15  }
0x17a: {  	[hbm4b:s2+s0] =	stream.strided.scatter [tilespmem:s16], [sflag:$0x8], $0x1000, s3, s0, $0x38;
	[tilespmem:$0x12000] =	vst v63  }
0x17b: {  	s5 =	simm.s32 $0xF000;
	s2 =	sadd.s32 s23, s4  }
0x17c: {  	[hbm4b:s2+s0] =	stream.strided.scatter [tilespmem:s5], [sflag:$0x8], $0x1000, s3, s0, $0x38;
	[tilespmem:$0x12000] =	vst v63  }
0x17d: {  	_ =	swait.ge [sflag:s20], $0x1000  }
0x17e: {  	[sflag:s20] =	ssyncset.done $0x0  }
0x17f: {  	[sflag:s20] =	ssyncadd.s32 $0xFFFFF000  }
0x180: {  	_ =	swait.ge [sflag:s20], $0x1000  }
0x181: {  	[sflag:s20] =	ssyncset.done $0x0  }
0x182: {  	[sflag:s20] =	ssyncadd.s32 $0xFFFFF000  }
0x183: {  	_ =	swait.ge [sflag:s20], $0x1000  }
0x184: {  	[sflag:s20] =	ssyncset.done $0x0  }
0x185: {  	s7 =	sand.u32 $0xFFC000, s24;
	[sflag:s20] =	ssyncadd.s32 $0xFFFFF000  }
0x186: {  	s2 =	sshrl.u32 s7, $0x3;
	_ =	swait.ge [sflag:s20], $0x1000  }
0x187: {  	s8 =	simm.s32 $0x4000;
	s23 =	sor.u32 $0x40, s2;
	[sflag:s20] =	ssyncset.done $0x0  }
0x188: {  	s28 =	sadd.s32 $0x100040, s2;
	s5 =	sadd.s32 s1, s23;
	[sflag:s20] =	ssyncadd.s32 $0xFFFFF000  }
0x189: {  	[tilespmem:s8], [sflag:$0x2] =	stream.strided.gather [hbm4b:s5+s0], $0x1000, s3, s0, $0x38;
	[tilespmem:$0x12000] =	vst v63  }
0x18a: {  	s13 =	simm.s32 $0x5000;
	s9 =	sadd.s32 s1, s28;
	s8 =	sor.u32 $0x200040, s2  }
0x18b: {  	[tilespmem:s13], [sflag:$0x2] =	stream.strided.gather [hbm4b:s9+s0], $0x1000, s3, s0, $0x38;
	[tilespmem:$0x12000] =	vst v63  }
0x18c: {  	s15 =	simm.s32 $0x6000;
	s24 =	sadd.s32 $0x300040, s2;
	s14 =	sadd.s32 s1, s8  }
0x18d: {  	[tilespmem:s15], [sflag:$0x2] =	stream.strided.gather [hbm4b:s14+s0], $0x1000, s3, s0, $0x38;
	[tilespmem:$0x12000] =	vst v63  }
0x18e: {  	s16 =	simm.s32 $0x7000;
	s2 =	sadd.s32 s1, s24;
	s5 =	rddreg [dreg:$0x1]  }
0x18f: {  	[tilespmem:s16], [sflag:$0x2] =	stream.strided.gather [hbm4b:s2+s0], $0x1000, s3, s0, $0x38;
	[tilespmem:$0x12000] =	vst v63  }
0x190: {  	s7 =	simm.s32 $0x11000;
	s2 =	sadd.s32 s5, s23  }
0x191: {  	[tilespmem:s7], [sflag:$0x9] =	stream.strided.gather [hbm4b:s2+s0], $0x1000, s3, s0, $0x38;
	[tilespmem:$0x12000] =	vst v63  }
0x192: {  	_ =	swait.ge [sflag:s6], $0x1000  }
0x193: {  	[sflag:s6] =	ssyncset.done $0x0  }
0x194: {  	[sflag:s6] =	ssyncadd.s32 $0xFFFFF000  }
0x195: {  	_ =	swait.ge [sflag:s31], $0x1000  }
0x196: {  	[sflag:s31] =	ssyncset.done $0x0  }
0x197: {  	[sflag:s31] =	ssyncadd.s32 $0xFFFFF000  }
0x198: {  	_ =	swait.ge [sflag:s31], $0x1000  }
0x199: {  	[sflag:s31] =	ssyncset.done $0x0  }
0x19a: {  	[sflag:s31] =	ssyncadd.s32 $0xFFFFF000  }
0x19b: {  	_ =	swait.ge [sflag:s31], $0x1000  }
0x19c: {  	[sflag:s31] =	ssyncset.done $0x0  }
0x19d: {  	s9 =	simm.s32 $0x0;
	[sflag:s31] =	ssyncadd.s32 $0xFFFFF000  }
0x19e: {  	s13 =	sand.u32 $0xE00, s9;
	s7 =	sand.u32 $0x180, s9;
	_ =	swait.ge [sflag:s31], $0x1000  }
0x19f: {  	s2 =	sand.u32 $0x60, s9;
	s5 =	sor.u32 s7, s13;
	[sflag:s31] =	ssyncset.done $0x0  }
0x1a0: {  	s9 =	sor.u32 s2, s5;
	[sflag:s31] =	ssyncadd.s32 $0xFFFFF000  }
0x1a1: {  	v0 =	vld [tilespmem:s9+$0x3010]  }
0x1a2: {  	v1 =	vld [tilespmem:s9+$0x0]  }
0x1a3: {  	v7 =	vld [tilespmem:s9+$0x10010]  }
0x1a4: {  	v2 =	vld [tilespmem:s9+$0x1000]  }
0x1a5: {  	v3 =	vld [tilespmem:s9+$0x2000]  }
0x1a6: {  	v4 =	vld [tilespmem:s9+$0x3000]  }
0x1a7: {  	s14 =	simm.s32 $0x80;
	s15 =	simm.s32 $0x4;
	v5 =	vld [tilespmem:s9+$0x10]  }
0x1a8: {  	s16 =	simm.s32 $0x20;
	s2 =	sand.u32 $0xE00, s14;
	s5 =	sand.u32 $0x180, s15;
	v6 =	vld [tilespmem:s9+$0x1010]  }
0x1a9: {  	s7 =	sand.u32 $0x60, s16;
	s2 =	sor.u32 s5, s2;
	v8 =	vld [tilespmem:s9+$0x2010]  }
0x1aa: {  	s5 =	sor.u32 s7, s2;
	v9 =	vld [tilespmem:s9+$0x10000]  }
0x1ab: {  	v11 =	vld [tilespmem:s5+$0x3010];
	v0 =	vmul.f32 $3.200000000e+01, v0  }
0x1ac: {  	v62 =	vld [tilespmem:s5+$0x0];
	v1 =	vmul.f32 $3.200000000e+01, v1;
	v5 =	vmul.f32 $3.200000000e+01, v5  }
0x1ad: {  	v63 =	vmul.f32 $3.200000000e+01, v2;
	v14 =	vmul.f32 $3.200000000e+01, v3;
	v10 =	vadd.f32 v0, v7;
	v0 =	vld [tilespmem:s5+$0x10010]  }
0x1ae: {  	v15 =	vmul.f32 $3.200000000e+01, v4;
	v16 =	vmul.f32 $3.200000000e+01, v6;
	v3 =	vld [tilespmem:s5+$0x1000];
	v6 =	vadd.f32 v5, v7  }
0x1af: {  	v17 =	vmul.f32 $3.200000000e+01, v8;
	v2 =	vld [tilespmem:s5+$0x2000];
	v18 =	vadd.f32 v1, v9;
	v8 =	vadd.f32 v14, v9;
	[tilespmem:s9+$0x3010] =	vst v10  }
0x1b0: {  	s13 =	simm.s32 $0x2;
	v4 =	vld [tilespmem:s5+$0x3000];
	v11 =	vmul.f32 $3.200000000e+01, v11;
	v5 =	vadd.f32 v15, v9;
	v10 =	vadd.f32 v63, v9;
	[tilespmem:s9+$0x10] =	vst v6  }
0x1b1: {  	s16 =	simm.s32 $0x8;
	s14 =	simm.s32 $0x100;
	s15 =	simm.s32 $0x40;
	v1 =	vmul.f32 $3.200000000e+01, v62;
	v6 =	vld [tilespmem:s5+$0x10];
	[tilespmem:s9+$0x0] =	vst v18;
	v9 =	vadd.f32 v16, v7;
	v7 =	vadd.f32 v17, v7  }
.LBB2_11:
0x1b2: {  	s2 =	sand.u32 $0xE00, s14;
	s7 =	sand.u32 $0x180, s16;
	s13 =	sadd.s32 $0x2, s13;
	v12 =	vld [tilespmem:s5+$0x1010];
	v11 =	vadd.f32 v11, v0;
	[tilespmem:s9+$0x1000] =	vst v10;
	v13 =	vmov v0  }
0x1b3: {  	s4 =	sand.u32 $0x60, s15;
	s2 =	sor.u32 s7, s2;
	p0 =	slt.u32 s13, $0xFE;
	v10 =	vmul.f32 $3.200000000e+01, v3;
	v14 =	vld [tilespmem:s5+$0x2010];
	[tilespmem:s9+$0x2000] =	vst v8  }
0x1b4: {  	s2 =	sor.u32 s4, s2;
	v15 =	vld [tilespmem:s5+$0x10000];
	v8 =	vmul.f32 $3.200000000e+01, v2;
	[tilespmem:s5+$0x3010] =	vst v11  }
0x1b5: {  	v11 =	vld [tilespmem:s2+$0x3010];
	v16 =	vmul.f32 $3.200000000e+01, v4;
	[tilespmem:s9+$0x3000] =	vst v5  }
0x1b6: {  	v17 =	vld [tilespmem:s2+$0x0];
	v2 =	vmul.f32 $3.200000000e+01, v6;
	[tilespmem:s9+$0x1010] =	vst v9  }
.Ltmp4:
0x1b7: {  	v0 =	vld [tilespmem:s2+$0x10010];
	v9 =	vmul.f32 $3.200000000e+01, v12;
	[tilespmem:s9+$0x2010] =	vst v7;
	s9 =	smov.u32 s5;
	s5 =	smov.u32 s2;
	(pc) =	sbr.rel @p0 .LBB2_11-.Ltmp4, $4  }
0x1b8: {  	v3 =	vld [tilespmem:s5+$0x1000];
	v6 =	vadd.f32 v2, v13;
	v7 =	vmul.f32 $3.200000000e+01, v14  }
0x1b9: {  	v2 =	vld [tilespmem:s5+$0x2000];
	v12 =	vadd.f32 v1, v15;
	v10 =	vadd.f32 v10, v15  }
0x1ba: {  	v8 =	vadd.f32 v8, v15;
	v5 =	vadd.f32 v16, v15;
	v4 =	vld [tilespmem:s5+$0x3000];
	v11 =	vmul.f32 $3.200000000e+01, v11;
	[tilespmem:s9+$0x10] =	vst v6  }
0x1bb: {  	s14 =	sadd.s32 $0x80, s14;
	s15 =	sadd.s32 $0x20, s15;
	s16 =	sadd.s32 $0x4, s16;
	v9 =	vadd.f32 v9, v13;
	v7 =	vadd.f32 v7, v13;
	v1 =	vmul.f32 $3.200000000e+01, v17;
	v6 =	vld [tilespmem:s5+$0x10];
	[tilespmem:s9+$0x0] =	vst v12  }
0x1bc: {  	[tilespmem:s9+$0x1000] =	vst v10;
	v10 =	vld [tilespmem:s5+$0x10000];
	_ =	sdelay $0x1  }
0x1bd: {  	[tilespmem:s9+$0x2000] =	vst v8  }
0x1be: {  	v12 =	vld [tilespmem:s5+$0x1010];
	[tilespmem:s9+$0x3000] =	vst v5  }
0x1bf: {  	v11 =	vadd.f32 v11, v0;
	v13 =	vld [tilespmem:s5+$0x2010];
	[tilespmem:s9+$0x1010] =	vst v9;
	v6 =	vmul.f32 $3.200000000e+01, v6  }
0x1c0: {  	v3 =	vmul.f32 $3.200000000e+01, v3;
	[tilespmem:s9+$0x2010] =	vst v7;
	v1 =	vadd.f32 v1, v10  }
0x1c1: {  	[tilespmem:s5+$0x3010] =	vst v11;
	v2 =	vmul.f32 $3.200000000e+01, v2;
	v5 =	vadd.f32 v6, v0  }
0x1c2: {  	v4 =	vmul.f32 $3.200000000e+01, v4;
	v3 =	vadd.f32 v3, v10;
	[tilespmem:s5+$0x0] =	vst v1  }
0x1c3: {  	v2 =	vadd.f32 v2, v10;
	[tilespmem:s5+$0x10] =	vst v5;
	v5 =	vmul.f32 $3.200000000e+01, v12  }
0x1c4: {  	v4 =	vadd.f32 v4, v10;
	v1 =	vmul.f32 $3.200000000e+01, v13;
	[tilespmem:s5+$0x1000] =	vst v3  }
0x1c5: {  	[tilespmem:s5+$0x2000] =	vst v2;
	v3 =	vadd.f32 v5, v0  }
0x1c6: {  	[tilespmem:s5+$0x3000] =	vst v4;
	v0 =	vadd.f32 v1, v0  }
0x1c7: {  	s16 =	rddreg [dreg:$0x2];
	[tilespmem:s5+$0x1010] =	vst v3  }
0x1c8: {  	s4 =	simm.s32 $0x0;
	s2 =	sadd.s32 s16, s22;
	[tilespmem:s5+$0x2010] =	vst v0  }
0x1c9: {  	[hbm4b:s2+s0] =	stream.strided.scatter [tilespmem:s4], [sflag:$0x5], $0x1000, s3, s0, $0x38;
	[tilespmem:$0x12000] =	vst v63  }
0x1ca: {  	s7 =	simm.s32 $0x1000;
	s22 =	sadd.s32 s16, s25  }
0x1cb: {  	[hbm4b:s22+s0] =	stream.strided.scatter [tilespmem:s7], [sflag:$0x5], $0x1000, s3, s0, $0x38;
	[tilespmem:$0x12000] =	vst v63  }
0x1cc: {  	s25 =	sadd.s32 s16, s26;
	s26 =	simm.s32 $0x2000  }
0x1cd: {  	[hbm4b:s25+s0] =	stream.strided.scatter [tilespmem:s26], [sflag:$0x5], $0x1000, s3, s0, $0x38;
	[tilespmem:$0x12000] =	vst v63  }
0x1ce: {  	s5 =	sadd.s32 s16, s30;
	s7 =	simm.s32 $0x3000  }
0x1cf: {  	[hbm4b:s5+s0] =	stream.strided.scatter [tilespmem:s7], [sflag:$0x5], $0x1000, s3, s0, $0x38;
	[tilespmem:$0x12000] =	vst v63  }
0x1d0: {  	_ =	swait.ge [sflag:s21], $0x1000  }
0x1d1: {  	[sflag:s21] =	ssyncset.done $0x0  }
0x1d2: {  	[sflag:s21] =	ssyncadd.s32 $0xFFFFF000  }
0x1d3: {  	_ =	swait.ge [sflag:s21], $0x1000  }
0x1d4: {  	[sflag:s21] =	ssyncset.done $0x0  }
0x1d5: {  	[sflag:s21] =	ssyncadd.s32 $0xFFFFF000  }
0x1d6: {  	_ =	swait.ge [sflag:s21], $0x1000  }
0x1d7: {  	[sflag:s21] =	ssyncset.done $0x0  }
0x1d8: {  	[sflag:s21] =	ssyncadd.s32 $0xFFFFF000  }
0x1d9: {  	_ =	swait.ge [sflag:s21], $0x1000  }
0x1da: {  	s9 =	sld [smem:$0x7F5];
	_ =	sdelay $0x2  }
0x1db: {  	s26 =	simm.s32 $0x8000;
	s2 =	sadd.s32 s11, s9  }
0x1dc: {  	[sflag:s21] =	ssyncset.done $0x0;
	s5 =	sshll.u32 s2, $0x7;
	s11 =	sshll.u32 s2, $0xA  }
0x1dd: {  	[sflag:s21] =	ssyncadd.s32 $0xFFFFF000;
	s13 =	sadd.s32 s1, s5;
	s14 =	sshrl.u32 s11, $0x3  }
0x1de: {  	[tilespmem:s26], [sflag:$0x3] =	stream.strided.gather [hbm4b:s13+s0], $0x1000, s3, s0, $0x38;
	[tilespmem:$0x12000] =	vst v63  }
0x1df: {  	s16 =	sld [smem:$0x7F3];
	s2 =	sadd.s32 s1, s14  }
0x1e0: {  	s30 =	simm.s32 $0x9000;
	s15 =	sadd.s32 $0x100000, s2  }
0x1e1: {  	[tilespmem:s30], [sflag:$0x3] =	stream.strided.gather [hbm4b:s15+s0], $0x1000, s3, s0, $0x38;
	[tilespmem:$0x12000] =	vst v63  }
0x1e2: {  	s22 =	simm.s32 $0xA000;
	s7 =	sadd.s32 s5, s16  }
0x1e3: {  	[tilespmem:s22], [sflag:$0x3] =	stream.strided.gather [hbm4b:s7+s0], $0x1000, s3, s0, $0x38;
	[tilespmem:$0x12000] =	vst v63  }
0x1e4: {  	s25 =	simm.s32 $0xB000;
	s9 =	rddreg [dreg:$0x1];
	s2 =	sadd.s32 $0x300000, s2  }
0x1e5: {  	[tilespmem:s25], [sflag:$0x3] =	stream.strided.gather [hbm4b:s2+s0], $0x1000, s3, s0, $0x38;
	[tilespmem:$0x12000] =	vst v63  }
0x1e6: {  	s13 =	simm.s32 $0x10000;
	s2 =	sadd.s32 s9, s5  }
0x1e7: {  	[tilespmem:s13], [sflag:$0x9] =	stream.strided.gather [hbm4b:s2+s0], $0x1000, s3, s0, $0x38;
	[tilespmem:$0x12000] =	vst v63  }
0x1e8: {  	_ =	swait.ge [sflag:s6], $0x1000  }
0x1e9: {  	[sflag:s6] =	ssyncset.done $0x0  }
0x1ea: {  	[sflag:s6] =	ssyncadd.s32 $0xFFFFF000  }
0x1eb: {  	_ =	swait.ge [sflag:s12], $0x1000  }
0x1ec: {  	[sflag:s12] =	ssyncset.done $0x0  }
0x1ed: {  	[sflag:s12] =	ssyncadd.s32 $0xFFFFF000  }
0x1ee: {  	_ =	swait.ge [sflag:s12], $0x1000  }
0x1ef: {  	[sflag:s12] =	ssyncset.done $0x0  }
0x1f0: {  	[sflag:s12] =	ssyncadd.s32 $0xFFFFF000  }
0x1f1: {  	_ =	swait.ge [sflag:s12], $0x1000  }
0x1f2: {  	[sflag:s12] =	ssyncset.done $0x0  }
0x1f3: {  	[sflag:s12] =	ssyncadd.s32 $0xFFFFF000  }
0x1f4: {  	s14 =	sand.u32 $0xE00, s4;
	s15 =	sand.u32 $0x180, s4;
	_ =	swait.ge [sflag:s12], $0x1000  }
0x1f5: {  	s4 =	sand.u32 $0x60, s4;
	s2 =	sor.u32 s15, s14;
	[sflag:s12] =	ssyncset.done $0x0  }
0x1f6: {  	s9 =	sor.u32 s4, s2;
	[sflag:s12] =	ssyncadd.s32 $0xFFFFF000  }
0x1f7: {  	v0 =	vld [tilespmem:s9+$0x7010]  }
0x1f8: {  	v1 =	vld [tilespmem:s9+$0x4000]  }
0x1f9: {  	v7 =	vld [tilespmem:s9+$0x11010]  }
0x1fa: {  	v2 =	vld [tilespmem:s9+$0x5000]  }
0x1fb: {  	v3 =	vld [tilespmem:s9+$0x6000]  }
0x1fc: {  	v4 =	vld [tilespmem:s9+$0x7000]  }
0x1fd: {  	s16 =	simm.s32 $0x80;
	s22 =	simm.s32 $0x4;
	v5 =	vld [tilespmem:s9+$0x4010]  }
0x1fe: {  	s25 =	simm.s32 $0x20;
	s2 =	sand.u32 $0xE00, s16;
	s4 =	sand.u32 $0x180, s22;
	v6 =	vld [tilespmem:s9+$0x5010]  }
0x1ff: {  	s5 =	sand.u32 $0x60, s25;
	s2 =	sor.u32 s4, s2;
	v8 =	vld [tilespmem:s9+$0x6010]  }
0x200: {  	s5 =	sor.u32 s5, s2;
	v9 =	vld [tilespmem:s9+$0x11000]  }
0x201: {  	v11 =	vld [tilespmem:s5+$0x7010];
	v0 =	vmul.f32 $3.200000000e+01, v0  }
0x202: {  	v62 =	vld [tilespmem:s5+$0x4000];
	v1 =	vmul.f32 $3.200000000e+01, v1;
	v5 =	vmul.f32 $3.200000000e+01, v5  }
0x203: {  	v63 =	vmul.f32 $3.200000000e+01, v2;
	v14 =	vmul.f32 $3.200000000e+01, v3;
	v10 =	vadd.f32 v0, v7;
	v0 =	vld [tilespmem:s5+$0x11010]  }
0x204: {  	v15 =	vmul.f32 $3.200000000e+01, v4;
	v16 =	vmul.f32 $3.200000000e+01, v6;
	v3 =	vld [tilespmem:s5+$0x5000];
	v6 =	vadd.f32 v5, v7  }
0x205: {  	v17 =	vmul.f32 $3.200000000e+01, v8;
	v2 =	vld [tilespmem:s5+$0x6000];
	v18 =	vadd.f32 v1, v9;
	v8 =	vadd.f32 v14, v9;
	[tilespmem:s9+$0x7010] =	vst v10  }
0x206: {  	s13 =	simm.s32 $0x2;
	v4 =	vld [tilespmem:s5+$0x7000];
	v11 =	vmul.f32 $3.200000000e+01, v11;
	v5 =	vadd.f32 v15, v9;
	v10 =	vadd.f32 v63, v9;
	[tilespmem:s9+$0x4010] =	vst v6  }
0x207: {  	s14 =	simm.s32 $0x100;
	s15 =	simm.s32 $0x40;
	s16 =	simm.s32 $0x8;
	v1 =	vmul.f32 $3.200000000e+01, v62;
	v6 =	vld [tilespmem:s5+$0x4010];
	[tilespmem:s9+$0x4000] =	vst v18;
	v9 =	vadd.f32 v16, v7;
	v7 =	vadd.f32 v17, v7  }
.LBB2_13:
0x208: {  	s2 =	sand.u32 $0xE00, s14;
	s4 =	sand.u32 $0x180, s16;
	s13 =	sadd.s32 $0x2, s13;
	v12 =	vld [tilespmem:s5+$0x5010];
	v11 =	vadd.f32 v11, v0;
	[tilespmem:s9+$0x5000] =	vst v10;
	v13 =	vmov v0  }
0x209: {  	s7 =	sand.u32 $0x60, s15;
	s2 =	sor.u32 s4, s2;
	p0 =	slt.u32 s13, $0xFE;
	v10 =	vmul.f32 $3.200000000e+01, v3;
	v14 =	vld [tilespmem:s5+$0x6010];
	[tilespmem:s9+$0x6000] =	vst v8  }
0x20a: {  	s2 =	sor.u32 s7, s2;
	v15 =	vld [tilespmem:s5+$0x11000];
	v8 =	vmul.f32 $3.200000000e+01, v2;
	[tilespmem:s5+$0x7010] =	vst v11  }
0x20b: {  	v11 =	vld [tilespmem:s2+$0x7010];
	v16 =	vmul.f32 $3.200000000e+01, v4;
	[tilespmem:s9+$0x7000] =	vst v5  }
0x20c: {  	v17 =	vld [tilespmem:s2+$0x4000];
	v2 =	vmul.f32 $3.200000000e+01, v6;
	[tilespmem:s9+$0x5010] =	vst v9  }
.Ltmp5:
0x20d: {  	v0 =	vld [tilespmem:s2+$0x11010];
	v9 =	vmul.f32 $3.200000000e+01, v12;
	[tilespmem:s9+$0x6010] =	vst v7;
	s9 =	smov.u32 s5;
	s5 =	smov.u32 s2;
	(pc) =	sbr.rel @p0 .LBB2_13-.Ltmp5, $4  }
0x20e: {  	v3 =	vld [tilespmem:s5+$0x5000];
	v6 =	vadd.f32 v2, v13;
	v7 =	vmul.f32 $3.200000000e+01, v14  }
0x20f: {  	v2 =	vld [tilespmem:s5+$0x6000];
	v12 =	vadd.f32 v1, v15;
	v10 =	vadd.f32 v10, v15  }
0x210: {  	v8 =	vadd.f32 v8, v15;
	v5 =	vadd.f32 v16, v15;
	v4 =	vld [tilespmem:s5+$0x7000];
	v11 =	vmul.f32 $3.200000000e+01, v11;
	[tilespmem:s9+$0x4010] =	vst v6  }
0x211: {  	s14 =	sadd.s32 $0x80, s14;
	s15 =	sadd.s32 $0x20, s15;
	s16 =	sadd.s32 $0x4, s16;
	v9 =	vadd.f32 v9, v13;
	v7 =	vadd.f32 v7, v13;
	v1 =	vmul.f32 $3.200000000e+01, v17;
	v6 =	vld [tilespmem:s5+$0x4010];
	[tilespmem:s9+$0x4000] =	vst v12  }
0x212: {  	v57 =	vld [tilespmem:s5+$0x11000]  }
0x213: {  	[tilespmem:s9+$0x5000] =	vst v10  }
0x214: {  	[tilespmem:s9+$0x6000] =	vst v8  }
0x215: {  	v12 =	vld [tilespmem:s5+$0x5010];
	[tilespmem:s9+$0x7000] =	vst v5  }
0x216: {  	v11 =	vadd.f32 v11, v0;
	v58 =	vld [tilespmem:s5+$0x6010];
	v3 =	vmul.f32 $3.200000000e+01, v3;
	[tilespmem:s9+$0x5010] =	vst v9  }
0x217: {  	[tilespmem:s9+$0x6010] =	vst v7;
	v2 =	vmul.f32 $3.200000000e+01, v2;
	v1 =	vadd.f32 v1, v57  }
0x218: {  	[tilespmem:s5+$0x7010] =	vst v11;
	v4 =	vmul.f32 $3.200000000e+01, v4;
	v3 =	vadd.f32 v3, v57  }
0x219: {  	v6 =	vmul.f32 $3.200000000e+01, v6;
	v2 =	vadd.f32 v2, v57;
	[tilespmem:s5+$0x4000] =	vst v1  }
0x21a: {  	v60 =	vmul.f32 $3.200000000e+01, v12;
	v4 =	vadd.f32 v4, v57;
	[tilespmem:s5+$0x5000] =	vst v3  }
0x21b: {  	v61 =	vmul.f32 $3.200000000e+01, v58;
	v59 =	vadd.f32 v6, v0;
	[tilespmem:s5+$0x6000] =	vst v2  }
0x21c: {  	v62 =	vadd.f32 v60, v0;
	[tilespmem:s5+$0x7000] =	vst v4  }
0x21d: {  	v63 =	vadd.f32 v61, v0;
	[tilespmem:s5+$0x4010] =	vst v59  }
0x21e: {  	s4 =	rddreg [dreg:$0x2];
	[tilespmem:s5+$0x5010] =	vst v62  }
0x21f: {  	s2 =	sadd.s32 s4, s23;
	s23 =	simm.s32 $0x4000;
	[tilespmem:s5+$0x6010] =	vst v63  }
0x220: {  	[hbm4b:s2+s0] =	stream.strided.scatter [tilespmem:s23], [sflag:$0x6], $0x1000, s3, s0, $0x38;
	[tilespmem:$0x12000] =	vst v63  }
0x221: {  	s25 =	sadd.s32 s4, s28;
	s28 =	simm.s32 $0x5000  }
0x222: {  	[hbm4b:s25+s0] =	stream.strided.scatter [tilespmem:s28], [sflag:$0x6], $0x1000, s3, s0, $0x38;
	[tilespmem:$0x12000] =	vst v63  }
0x223: {  	s7 =	simm.s32 $0x6000;
	s5 =	sadd.s32 s4, s8  }
0x224: {  	[hbm4b:s5+s0] =	stream.strided.scatter [tilespmem:s7], [sflag:$0x6], $0x1000, s3, s0, $0x38;
	[tilespmem:$0x12000] =	vst v63  }
0x225: {  	s9 =	simm.s32 $0x7000;
	s8 =	sadd.s32 s4, s24  }
0x226: {  	[hbm4b:s8+s0] =	stream.strided.scatter [tilespmem:s9], [sflag:$0x6], $0x1000, s3, s0, $0x38;
	[tilespmem:$0x12000] =	vst v63  }
0x227: {  	_ =	swait.ge [sflag:s29], $0x1000  }
0x228: {  	[sflag:s29] =	ssyncset.done $0x0  }
0x229: {  	[sflag:s29] =	ssyncadd.s32 $0xFFFFF000  }
0x22a: {  	_ =	swait.ge [sflag:s29], $0x1000  }
0x22b: {  	[sflag:s29] =	ssyncset.done $0x0  }
0x22c: {  	[sflag:s29] =	ssyncadd.s32 $0xFFFFF000  }
0x22d: {  	_ =	swait.ge [sflag:s29], $0x1000  }
0x22e: {  	[sflag:s29] =	ssyncset.done $0x0  }
0x22f: {  	[sflag:s29] =	ssyncadd.s32 $0xFFFFF000  }
0x230: {  	_ =	swait.ge [sflag:s29], $0x1000  }
0x231: {  	s14 =	sld [smem:$0x7FB]  }
0x232: {  	s13 =	sand.u32 $0xFFE000, s11;
	s15 =	simm.s32 $0xC000;
	s10 =	sadd.s32 $0x1, s10  }
0x233: {  	p0 =	sne.s32 s10, $0xF;
	s2 =	sshrl.u32 s13, $0x3;
	[sflag:s29] =	ssyncset.done $0x0  }
0x234: {  	s16 =	sadd.s32 s1, s2;
	[sflag:s29] =	ssyncadd.s32 $0xFFFFF000;
	s4 =	sadd.s32 s2, s14  }
0x235: {  	[tilespmem:s15], [sflag:$0x4] =	stream.strided.gather [hbm4b:s4+s0], $0x1000, s3, s0, $0x38;
	[tilespmem:$0x12000] =	vst v63  }
0x236: {  	s22 =	sadd.s32 $0x100040, s16;
	s7 =	simm.s32 $0xD000;
	s23 =	sld [smem:$0x7F4]  }
0x237: {  	[tilespmem:s7], [sflag:$0x4] =	stream.strided.gather [hbm4b:s22+s0], $0x1000, s3, s0, $0x38;
	[tilespmem:$0x12000] =	vst v63  }
.Ltmp6:
0x238: {  	_ = 	snop;
	(pc) =	sbr.rel @p0 .LBB2_6-.Ltmp6, $4  }
0x239: {  	s24 =	simm.s32 $0xE000;
	s2 =	sadd.s32 s2, s23  }
0x23a: {  	[tilespmem:s24], [sflag:$0x4] =	stream.strided.gather [hbm4b:s2+s0], $0x1000, s3, s0, $0x38;
	[tilespmem:$0x12000] =	vst v63  }
0x23b: {  	s25 =	sadd.s32 $0x300040, s16;
	s28 =	simm.s32 $0xF000  }
0x23c: {  	[tilespmem:s28], [sflag:$0x4] =	stream.strided.gather [hbm4b:s25+s0], $0x1000, s3, s0, $0x38;
	[tilespmem:$0x12000] =	vst v63  }
0x23d: {  	s2 =	rddreg [dreg:$0x19];
	s4 =	simm.s32 $0x11000  }
0x23e: {  	[tilespmem:s4], [sflag:$0x9] =	stream.strided.gather [hbm4b:s2+s0], $0x1000, s3, s0, $0x38;
	[tilespmem:$0x12000] =	vst v63  }
0x23f: {  	_ =	swait.ge [sflag:s6], $0x1000  }
0x240: {  	[sflag:s6] =	ssyncset.done $0x0  }
0x241: {  	[sflag:s6] =	ssyncadd.s32 $0xFFFFF000  }
0x242: {  	_ =	swait.ge [sflag:s17], $0x1000  }
0x243: {  	[sflag:s17] =	ssyncset.done $0x0  }
0x244: {  	[sflag:s17] =	ssyncadd.s32 $0xFFFFF000  }
0x245: {  	_ =	swait.ge [sflag:s17], $0x1000  }
0x246: {  	[sflag:s17] =	ssyncset.done $0x0  }
0x247: {  	[sflag:s17] =	ssyncadd.s32 $0xFFFFF000  }
0x248: {  	_ =	swait.ge [sflag:s17], $0x1000  }
0x249: {  	[sflag:s17] =	ssyncset.done $0x0  }
0x24a: {  	s22 =	simm.s32 $0x0;
	[sflag:s17] =	ssyncadd.s32 $0xFFFFF000  }
0x24b: {  	s23 =	sand.u32 $0xE00, s22;
	s5 =	sand.u32 $0x180, s22;
	_ =	swait.ge [sflag:s17], $0x1000  }
0x24c: {  	s2 =	sand.u32 $0x60, s22;
	s4 =	sor.u32 s5, s23;
	[sflag:s17] =	ssyncset.done $0x0  }
0x24d: {  	s7 =	sor.u32 s2, s4;
	[sflag:s17] =	ssyncadd.s32 $0xFFFFF000  }
0x24e: {  	v0 =	vld [tilespmem:s7+$0xB010]  }
0x24f: {  	v1 =	vld [tilespmem:s7+$0x8000]  }
0x250: {  	v7 =	vld [tilespmem:s7+$0x10010]  }
0x251: {  	v2 =	vld [tilespmem:s7+$0x9000]  }
0x252: {  	v3 =	vld [tilespmem:s7+$0xA000]  }
0x253: {  	v4 =	vld [tilespmem:s7+$0xB000]  }
0x254: {  	s24 =	simm.s32 $0x80;
	s25 =	simm.s32 $0x4;
	v5 =	vld [tilespmem:s7+$0x8010]  }
0x255: {  	s28 =	simm.s32 $0x20;
	s2 =	sand.u32 $0xE00, s24;
	s4 =	sand.u32 $0x180, s25;
	v6 =	vld [tilespmem:s7+$0x9010]  }
0x256: {  	s5 =	sand.u32 $0x60, s28;
	s2 =	sor.u32 s4, s2;
	v8 =	vld [tilespmem:s7+$0xA010]  }
0x257: {  	s5 =	sor.u32 s5, s2;
	v9 =	vld [tilespmem:s7+$0x10000]  }
0x258: {  	v11 =	vld [tilespmem:s5+$0xB010];
	v0 =	vmul.f32 $3.200000000e+01, v0  }
0x259: {  	v12 =	vld [tilespmem:s5+$0x8000];
	v1 =	vmul.f32 $3.200000000e+01, v1;
	v5 =	vmul.f32 $3.200000000e+01, v5  }
0x25a: {  	v13 =	vmul.f32 $3.200000000e+01, v2;
	v14 =	vmul.f32 $3.200000000e+01, v3;
	v10 =	vadd.f32 v0, v7;
	v0 =	vld [tilespmem:s5+$0x10010]  }
0x25b: {  	v15 =	vmul.f32 $3.200000000e+01, v4;
	v16 =	vmul.f32 $3.200000000e+01, v6;
	v3 =	vld [tilespmem:s5+$0x9000];
	v6 =	vadd.f32 v5, v7  }
0x25c: {  	v17 =	vmul.f32 $3.200000000e+01, v8;
	v2 =	vld [tilespmem:s5+$0xA000];
	v18 =	vadd.f32 v1, v9;
	v8 =	vadd.f32 v14, v9;
	[tilespmem:s7+$0xB010] =	vst v10  }
0x25d: {  	s8 =	simm.s32 $0x2;
	v4 =	vld [tilespmem:s5+$0xB000];
	v11 =	vmul.f32 $3.200000000e+01, v11;
	v5 =	vadd.f32 v15, v9;
	v10 =	vadd.f32 v13, v9;
	[tilespmem:s7+$0x8010] =	vst v6  }
0x25e: {  	s9 =	simm.s32 $0x100;
	s10 =	simm.s32 $0x40;
	s11 =	simm.s32 $0x8;
	v1 =	vmul.f32 $3.200000000e+01, v12;
	v6 =	vld [tilespmem:s5+$0x8010];
	[tilespmem:s7+$0x8000] =	vst v18;
	v9 =	vadd.f32 v16, v7;
	v7 =	vadd.f32 v17, v7  }
.LBB2_16:
0x25f: {  	s2 =	sand.u32 $0xE00, s9;
	s4 =	sand.u32 $0x180, s11;
	s8 =	sadd.s32 $0x2, s8;
	v12 =	vld [tilespmem:s5+$0x9010];
	v11 =	vadd.f32 v11, v0;
	[tilespmem:s7+$0x9000] =	vst v10;
	v13 =	vmov v0  }
0x260: {  	s13 =	sand.u32 $0x60, s10;
	s2 =	sor.u32 s4, s2;
	p0 =	slt.u32 s8, $0xFE;
	v10 =	vmul.f32 $3.200000000e+01, v3;
	v14 =	vld [tilespmem:s5+$0xA010];
	[tilespmem:s7+$0xA000] =	vst v8  }
0x261: {  	s2 =	sor.u32 s13, s2;
	v15 =	vld [tilespmem:s5+$0x10000];
	v8 =	vmul.f32 $3.200000000e+01, v2;
	[tilespmem:s5+$0xB010] =	vst v11  }
0x262: {  	v11 =	vld [tilespmem:s2+$0xB010];
	v16 =	vmul.f32 $3.200000000e+01, v4;
	[tilespmem:s7+$0xB000] =	vst v5  }
0x263: {  	v17 =	vld [tilespmem:s2+$0x8000];
	v2 =	vmul.f32 $3.200000000e+01, v6;
	[tilespmem:s7+$0x9010] =	vst v9  }
.Ltmp7:
0x264: {  	v0 =	vld [tilespmem:s2+$0x10010];
	v9 =	vmul.f32 $3.200000000e+01, v12;
	[tilespmem:s7+$0xA010] =	vst v7;
	s7 =	smov.u32 s5;
	s5 =	smov.u32 s2;
	(pc) =	sbr.rel @p0 .LBB2_16-.Ltmp7, $4  }
0x265: {  	v3 =	vld [tilespmem:s5+$0x9000];
	v6 =	vadd.f32 v2, v13;
	v7 =	vmul.f32 $3.200000000e+01, v14  }
0x266: {  	v2 =	vld [tilespmem:s5+$0xA000];
	v12 =	vadd.f32 v1, v15;
	v10 =	vadd.f32 v10, v15  }
0x267: {  	v8 =	vadd.f32 v8, v15;
	v5 =	vadd.f32 v16, v15;
	v4 =	vld [tilespmem:s5+$0xB000];
	v11 =	vmul.f32 $3.200000000e+01, v11;
	[tilespmem:s7+$0x8010] =	vst v6  }
0x268: {  	s9 =	sadd.s32 $0x80, s9;
	s10 =	sadd.s32 $0x20, s10;
	s11 =	sadd.s32 $0x4, s11;
	v9 =	vadd.f32 v9, v13;
	v7 =	vadd.f32 v7, v13;
	v1 =	vmul.f32 $3.200000000e+01, v17;
	v6 =	vld [tilespmem:s5+$0x8010];
	[tilespmem:s7+$0x8000] =	vst v12  }
0x269: {  	[tilespmem:s7+$0x9000] =	vst v10;
	v10 =	vld [tilespmem:s5+$0x10000];
	_ =	sdelay $0x1  }
0x26a: {  	[tilespmem:s7+$0xA000] =	vst v8  }
0x26b: {  	v12 =	vld [tilespmem:s5+$0x9010];
	[tilespmem:s7+$0xB000] =	vst v5  }
0x26c: {  	v11 =	vadd.f32 v11, v0;
	v13 =	vld [tilespmem:s5+$0xA010];
	[tilespmem:s7+$0x9010] =	vst v9;
	v6 =	vmul.f32 $3.200000000e+01, v6  }
0x26d: {  	v3 =	vmul.f32 $3.200000000e+01, v3;
	[tilespmem:s7+$0xA010] =	vst v7;
	v1 =	vadd.f32 v1, v10  }
0x26e: {  	[tilespmem:s5+$0xB010] =	vst v11;
	v2 =	vmul.f32 $3.200000000e+01, v2;
	v5 =	vadd.f32 v6, v0  }
0x26f: {  	v4 =	vmul.f32 $3.200000000e+01, v4;
	v3 =	vadd.f32 v3, v10;
	[tilespmem:s5+$0x8000] =	vst v1  }
0x270: {  	v2 =	vadd.f32 v2, v10;
	[tilespmem:s5+$0x8010] =	vst v5;
	v5 =	vmul.f32 $3.200000000e+01, v12  }
0x271: {  	v4 =	vadd.f32 v4, v10;
	v1 =	vmul.f32 $3.200000000e+01, v13;
	[tilespmem:s5+$0x9000] =	vst v3  }
0x272: {  	[tilespmem:s5+$0xA000] =	vst v2;
	v3 =	vadd.f32 v5, v0  }
0x273: {  	[tilespmem:s5+$0xB000] =	vst v4;
	v0 =	vadd.f32 v1, v0  }
0x274: {  	[tilespmem:s5+$0x9010] =	vst v3  }
0x275: {  	[tilespmem:s5+$0xA010] =	vst v0  }
0x276: {  	s2 =	sld [smem:$0x7F8];
	_ =	sdelay $0x1  }
0x277: {  	s11 =	sld [smem:$0x7F6]  }
0x278: {  	[hbm4b:s2+s0] =	stream.strided.scatter [tilespmem:s26], [sflag:$0x7], $0x1000, s3, s0, $0x38;
	[tilespmem:$0x12000] =	vst v63  }
0x279: {  	s13 =	sld [smem:$0x7F7]  }
0x27a: {  	[hbm4b:s11+s0] =	stream.strided.scatter [tilespmem:s30], [sflag:$0x7], $0x1000, s3, s0, $0x38;
	[tilespmem:$0x12000] =	vst v63  }
0x27b: {  	s4 =	simm.s32 $0xA000;
	s14 =	sld [smem:$0x7F9]  }
0x27c: {  	[hbm4b:s13+s0] =	stream.strided.scatter [tilespmem:s4], [sflag:$0x7], $0x1000, s3, s0, $0x38;
	[tilespmem:$0x12000] =	vst v63  }
0x27d: {  	s15 =	simm.s32 $0xB000  }
0x27e: {  	[hbm4b:s14+s0] =	stream.strided.scatter [tilespmem:s15], [sflag:$0x7], $0x1000, s3, s0, $0x38;
	[tilespmem:$0x12000] =	vst v63  }
0x27f: {  	_ =	swait.ge [sflag:s18], $0x1000  }
0x280: {  	[sflag:s18] =	ssyncset.done $0x0  }
0x281: {  	[sflag:s18] =	ssyncadd.s32 $0xFFFFF000  }
0x282: {  	_ =	swait.ge [sflag:s18], $0x1000  }
0x283: {  	[sflag:s18] =	ssyncset.done $0x0  }
0x284: {  	[sflag:s18] =	ssyncadd.s32 $0xFFFFF000  }
0x285: {  	_ =	swait.ge [sflag:s18], $0x1000  }
0x286: {  	[sflag:s18] =	ssyncset.done $0x0  }
0x287: {  	[sflag:s18] =	ssyncadd.s32 $0xFFFFF000  }
0x288: {  	_ =	swait.ge [sflag:s18], $0x1000  }
0x289: {  	[sflag:s18] =	ssyncset.done $0x0  }
0x28a: {  	[sflag:s18] =	ssyncadd.s32 $0xFFFFF000  }
0x28b: {  	_ =	swait.ge [sflag:s6], $0x1000  }
0x28c: {  	[sflag:s6] =	ssyncset.done $0x0  }
0x28d: {  	[sflag:s6] =	ssyncadd.s32 $0xFFFFF000  }
0x28e: {  	_ =	swait.ge [sflag:s19], $0x1000  }
0x28f: {  	[sflag:s19] =	ssyncset.done $0x0  }
0x290: {  	[sflag:s19] =	ssyncadd.s32 $0xFFFFF000  }
0x291: {  	_ =	swait.ge [sflag:s19], $0x1000  }
0x292: {  	[sflag:s19] =	ssyncset.done $0x0  }
0x293: {  	[sflag:s19] =	ssyncadd.s32 $0xFFFFF000  }
0x294: {  	_ =	swait.ge [sflag:s19], $0x1000  }
0x295: {  	[sflag:s19] =	ssyncset.done $0x0  }
0x296: {  	s16 =	simm.s32 $0x0;
	[sflag:s19] =	ssyncadd.s32 $0xFFFFF000  }
0x297: {  	s22 =	sand.u32 $0xE00, s16;
	s23 =	sand.u32 $0x180, s16;
	_ =	swait.ge [sflag:s19], $0x1000  }
0x298: {  	s2 =	sand.u32 $0x60, s16;
	s4 =	sor.u32 s23, s22;
	[sflag:s19] =	ssyncset.done $0x0  }
0x299: {  	s7 =	sor.u32 s2, s4;
	[sflag:s19] =	ssyncadd.s32 $0xFFFFF000  }
0x29a: {  	v0 =	vld [tilespmem:s7+$0xF010]  }
0x29b: {  	v1 =	vld [tilespmem:s7+$0xC000]  }
0x29c: {  	v7 =	vld [tilespmem:s7+$0x11010]  }
0x29d: {  	v2 =	vld [tilespmem:s7+$0xD000]  }
0x29e: {  	v3 =	vld [tilespmem:s7+$0xE000]  }
0x29f: {  	v4 =	vld [tilespmem:s7+$0xF000]  }
0x2a0: {  	s24 =	simm.s32 $0x80;
	s25 =	simm.s32 $0x4;
	v5 =	vld [tilespmem:s7+$0xC010]  }
0x2a1: {  	s28 =	simm.s32 $0x20;
	s2 =	sand.u32 $0xE00, s24;
	s4 =	sand.u32 $0x180, s25;
	v6 =	vld [tilespmem:s7+$0xD010]  }
0x2a2: {  	s5 =	sand.u32 $0x60, s28;
	s2 =	sor.u32 s4, s2;
	v8 =	vld [tilespmem:s7+$0xE010]  }
0x2a3: {  	s5 =	sor.u32 s5, s2;
	v9 =	vld [tilespmem:s7+$0x11000]  }
0x2a4: {  	v11 =	vld [tilespmem:s5+$0xF010];
	v0 =	vmul.f32 $3.200000000e+01, v0  }
0x2a5: {  	v62 =	vld [tilespmem:s5+$0xC000];
	v1 =	vmul.f32 $3.200000000e+01, v1;
	v5 =	vmul.f32 $3.200000000e+01, v5  }
0x2a6: {  	v63 =	vmul.f32 $3.200000000e+01, v2;
	v14 =	vmul.f32 $3.200000000e+01, v3;
	v10 =	vadd.f32 v0, v7;
	v0 =	vld [tilespmem:s5+$0x11010]  }
0x2a7: {  	v15 =	vmul.f32 $3.200000000e+01, v4;
	v16 =	vmul.f32 $3.200000000e+01, v6;
	v3 =	vld [tilespmem:s5+$0xD000];
	v6 =	vadd.f32 v5, v7  }
0x2a8: {  	v17 =	vmul.f32 $3.200000000e+01, v8;
	v2 =	vld [tilespmem:s5+$0xE000];
	v18 =	vadd.f32 v1, v9;
	v8 =	vadd.f32 v14, v9;
	[tilespmem:s7+$0xF010] =	vst v10  }
0x2a9: {  	s8 =	simm.s32 $0x2;
	v4 =	vld [tilespmem:s5+$0xF000];
	v11 =	vmul.f32 $3.200000000e+01, v11;
	v5 =	vadd.f32 v15, v9;
	v10 =	vadd.f32 v63, v9;
	[tilespmem:s7+$0xC010] =	vst v6  }
0x2aa: {  	s9 =	simm.s32 $0x100;
	s10 =	simm.s32 $0x40;
	s11 =	simm.s32 $0x8;
	v1 =	vmul.f32 $3.200000000e+01, v62;
	v6 =	vld [tilespmem:s5+$0xC010];
	[tilespmem:s7+$0xC000] =	vst v18;
	v9 =	vadd.f32 v16, v7;
	v7 =	vadd.f32 v17, v7  }
.LBB2_18:
0x2ab: {  	s2 =	sand.u32 $0xE00, s9;
	s4 =	sand.u32 $0x180, s11;
	s8 =	sadd.s32 $0x2, s8;
	v12 =	vld [tilespmem:s5+$0xD010];
	v11 =	vadd.f32 v11, v0;
	[tilespmem:s7+$0xD000] =	vst v10;
	v13 =	vmov v0  }
0x2ac: {  	s13 =	sand.u32 $0x60, s10;
	s2 =	sor.u32 s4, s2;
	p0 =	slt.u32 s8, $0xFE;
	v10 =	vmul.f32 $3.200000000e+01, v3;
	v14 =	vld [tilespmem:s5+$0xE010];
	[tilespmem:s7+$0xE000] =	vst v8  }
0x2ad: {  	s2 =	sor.u32 s13, s2;
	v15 =	vld [tilespmem:s5+$0x11000];
	v8 =	vmul.f32 $3.200000000e+01, v2;
	[tilespmem:s5+$0xF010] =	vst v11  }
0x2ae: {  	v11 =	vld [tilespmem:s2+$0xF010];
	v16 =	vmul.f32 $3.200000000e+01, v4;
	[tilespmem:s7+$0xF000] =	vst v5  }
0x2af: {  	v17 =	vld [tilespmem:s2+$0xC000];
	v2 =	vmul.f32 $3.200000000e+01, v6;
	[tilespmem:s7+$0xD010] =	vst v9  }
.Ltmp8:
0x2b0: {  	v0 =	vld [tilespmem:s2+$0x11010];
	v9 =	vmul.f32 $3.200000000e+01, v12;
	[tilespmem:s7+$0xE010] =	vst v7;
	s7 =	smov.u32 s5;
	s5 =	smov.u32 s2;
	(pc) =	sbr.rel @p0 .LBB2_18-.Ltmp8, $4  }
0x2b1: {  	v3 =	vld [tilespmem:s5+$0xD000];
	v6 =	vadd.f32 v2, v13;
	v7 =	vmul.f32 $3.200000000e+01, v14  }
0x2b2: {  	v2 =	vld [tilespmem:s5+$0xE000];
	v12 =	vadd.f32 v1, v15;
	v10 =	vadd.f32 v10, v15  }
0x2b3: {  	v8 =	vadd.f32 v8, v15;
	v5 =	vadd.f32 v16, v15;
	v4 =	vld [tilespmem:s5+$0xF000];
	v11 =	vmul.f32 $3.200000000e+01, v11;
	[tilespmem:s7+$0xC010] =	vst v6  }
0x2b4: {  	s9 =	sadd.s32 $0x80, s9;
	s10 =	sadd.s32 $0x20, s10;
	s11 =	sadd.s32 $0x4, s11;
	v9 =	vadd.f32 v9, v13;
	v7 =	vadd.f32 v7, v13;
	v1 =	vmul.f32 $3.200000000e+01, v17;
	v6 =	vld [tilespmem:s5+$0xC010];
	[tilespmem:s7+$0xC000] =	vst v12  }
0x2b5: {  	v57 =	vld [tilespmem:s5+$0x11000]  }
0x2b6: {  	[tilespmem:s7+$0xD000] =	vst v10  }
0x2b7: {  	[tilespmem:s7+$0xE000] =	vst v8  }
0x2b8: {  	v12 =	vld [tilespmem:s5+$0xD010];
	[tilespmem:s7+$0xF000] =	vst v5  }
0x2b9: {  	v11 =	vadd.f32 v11, v0;
	v58 =	vld [tilespmem:s5+$0xE010];
	v3 =	vmul.f32 $3.200000000e+01, v3;
	[tilespmem:s7+$0xD010] =	vst v9  }
0x2ba: {  	[tilespmem:s7+$0xE010] =	vst v7;
	v2 =	vmul.f32 $3.200000000e+01, v2;
	v1 =	vadd.f32 v1, v57  }
0x2bb: {  	[tilespmem:s5+$0xF010] =	vst v11;
	v4 =	vmul.f32 $3.200000000e+01, v4;
	v3 =	vadd.f32 v3, v57  }
0x2bc: {  	v6 =	vmul.f32 $3.200000000e+01, v6;
	v2 =	vadd.f32 v2, v57;
	[tilespmem:s5+$0xC000] =	vst v1  }
0x2bd: {  	v60 =	vmul.f32 $3.200000000e+01, v12;
	v4 =	vadd.f32 v4, v57;
	[tilespmem:s5+$0xD000] =	vst v3  }
0x2be: {  	v61 =	vmul.f32 $3.200000000e+01, v58;
	v59 =	vadd.f32 v6, v0;
	[tilespmem:s5+$0xE000] =	vst v2  }
0x2bf: {  	v62 =	vadd.f32 v60, v0;
	[tilespmem:s5+$0xF000] =	vst v4  }
0x2c0: {  	v63 =	vadd.f32 v61, v0;
	[tilespmem:s5+$0xC010] =	vst v59  }
0x2c1: {  	[tilespmem:s5+$0xD010] =	vst v62  }
0x2c2: {  	[tilespmem:s5+$0xE010] =	vst v63  }
0x2c3: {  	s2 =	rddreg [dreg:$0x1a]  }
0x2c4: {  	s4 =	simm.s32 $0xC000;
	s14 =	sld [smem:$0x7FA]  }
0x2c5: {  	[hbm4b:s2+s0] =	stream.strided.scatter [tilespmem:s4], [sflag:$0x8], $0x1000, s3, s0, $0x38;
	[tilespmem:$0x12000] =	vst v63  }
0x2c6: {  	s15 =	simm.s32 $0xD000;
	s16 =	sld [smem:$0x7FC]  }
0x2c7: {  	[hbm4b:s14+s0] =	stream.strided.scatter [tilespmem:s15], [sflag:$0x8], $0x1000, s3, s0, $0x38;
	[tilespmem:$0x12000] =	vst v63  }
0x2c8: {  	s22 =	simm.s32 $0xE000;
	s23 =	sld [smem:$0x7FD]  }
0x2c9: {  	[hbm4b:s16+s0] =	stream.strided.scatter [tilespmem:s22], [sflag:$0x8], $0x1000, s3, s0, $0x38;
	[tilespmem:$0x12000] =	vst v63  }
0x2ca: {  	s24 =	simm.s32 $0xF000  }
0x2cb: {  	[hbm4b:s23+s0] =	stream.strided.scatter [tilespmem:s24], [sflag:$0x8], $0x1000, s3, s0, $0x38;
	[tilespmem:$0x12000] =	vst v63  }
0x2cc: {  	_ =	swait.ge [sflag:s20], $0x1000  }
0x2cd: {  	[sflag:s20] =	ssyncset.done $0x0  }
0x2ce: {  	[sflag:s20] =	ssyncadd.s32 $0xFFFFF000  }
0x2cf: {  	_ =	swait.ge [sflag:s20], $0x1000  }
0x2d0: {  	[sflag:s20] =	ssyncset.done $0x0  }
0x2d1: {  	[sflag:s20] =	ssyncadd.s32 $0xFFFFF000  }
0x2d2: {  	_ =	swait.ge [sflag:s20], $0x1000  }
0x2d3: {  	[sflag:s20] =	ssyncset.done $0x0  }
0x2d4: {  	[sflag:s20] =	ssyncadd.s32 $0xFFFFF000  }
0x2d5: {  	_ =	swait.ge [sflag:s20], $0x1000  }
0x2d6: {  	[sflag:s20] =	ssyncset.done $0x0  }
0x2d7: {  	[sflag:s20] =	ssyncadd.s32 $0xFFFFF000  }
0x2d8: {  	_ =	swait.ge [sflag:s21], $0x1000  }
0x2d9: {  	[sflag:s21] =	ssyncset.done $0x0  }
0x2da: {  	[sflag:s21] =	ssyncadd.s32 $0xFFFFF000  }
0x2db: {  	_ =	swait.ge [sflag:s21], $0x1000  }
0x2dc: {  	[sflag:s21] =	ssyncset.done $0x0  }
0x2dd: {  	[sflag:s21] =	ssyncadd.s32 $0xFFFFF000  }
0x2de: {  	_ =	swait.ge [sflag:s21], $0x1000  }
0x2df: {  	[sflag:s21] =	ssyncset.done $0x0  }
0x2e0: {  	[sflag:s21] =	ssyncadd.s32 $0xFFFFF000  }
0x2e1: {  	_ =	swait.ge [sflag:s21], $0x1000  }
0x2e2: {  	[sflag:s21] =	ssyncset.done $0x0  }
0x2e3: {  	[sflag:s21] =	ssyncadd.s32 $0xFFFFF000  }
0x2e4: {  	_ =	swait.ge [sflag:s29], $0x1000  }
0x2e5: {  	[sflag:s29] =	ssyncset.done $0x0  }
0x2e6: {  	[sflag:s29] =	ssyncadd.s32 $0xFFFFF000  }
0x2e7: {  	_ =	swait.ge [sflag:s29], $0x1000  }
0x2e8: {  	[sflag:s29] =	ssyncset.done $0x0  }
0x2e9: {  	[sflag:s29] =	ssyncadd.s32 $0xFFFFF000  }
0x2ea: {  	_ =	swait.ge [sflag:s29], $0x1000  }
0x2eb: {  	[sflag:s29] =	ssyncset.done $0x0  }
0x2ec: {  	[sflag:s29] =	ssyncadd.s32 $0xFFFFF000  }
0x2ed: {  	_ =	swait.ge [sflag:s29], $0x1000  }
0x2ee: {  	s25 =	sld [smem:$0x7E8];
	_ =	sdelay $0x2  }
0x2ef: {  	s28 =	rddreg [dreg:$0x1d];
	s4 =	sadd.s32 $0x1, s25  }
0x2f0: {  	p0 =	sne.s32 s4, s28  }
.Ltmp9:
0x2f1: {  	_ = 	snop;
	(pc) =	sbr.rel @p0 .LBB2_1-.Ltmp9, $3  }
0x2f2: {  	_ =	sdelay $0x1  }
0x2f3: {  	[sflag:s29] =	ssyncset.done $0x0  }
0x2f4: {  	[sflag:s29] =	ssyncadd.s32 $0xFFFFF000  }
0x2f5: {  	_ =	sfence.sel $0x180000  }
0x2f6: {  	[bflag:$0x0] =	sbarrier.arrive $0xFFFF  }
0x2f7: {  	_ =	strace $0x90000047  }
0x2f8: {  	s0 =	stileid.u32;
	[bflag:$0x2] =	sbarrier.arrive $0xFFFF  }
0x2f9: {  	p0 =	sne.s32 s0, $0x0;
	s0 =	rddreg [dreg:$0x3]  }
0x2fa: {  	s0 =	sadd.s32 @!p0 $0x100000, s0  }
0x2fb: {  	[sflag:s0] =	ssyncadd.tile.s32 @!p0 $0x1;
	_ =	shalt  }
.Lfunc_end2:
_tile_overlayer_lowered:
.L_overlay_start_2:
0x2fc: {  	(tag) =	ssettag $0x2  }
0x2fd: {  	s0 =	rddreg [dreg:$0x0];
	s2 =	stileid.u32  }
0x2fe: {  	s1 =	rddreg [dreg:$0x1];
	p0 =	sne.s32 s2, $0x0  }
0x2ff: {  	s3 =	rddreg [dreg:$0x2];
	[bflag:$0x3] =	sbarrier.arrive $0xFFFF;
	s2 =	simm.s32 @!p0 $0x1C0A  }
0x300: {  	[timem:s3], [sflag:s2] =	dma.local @!p0 [hbm:s0], s1  }
0x301: {  	s0 =	simm.s32 @!p0 $0xA  }
0x302: {  	_ =	swait.ge @!p0 [sflag:s0], s1  }
0x303: {  	s1 =	ssub.s32 @!p0 $0x0, s1;
	[sflag:s0] =	ssyncset.done @!p0 $0x0  }
0x304: {  	[sflag:s0] =	ssyncadd.s32 @!p0 s1  }
0x305: {  	[bflag:$0x3] =	sbarrier.arrive $0xFFFF  }
0x306: {  	_ =	shalt  }

</sc_bundles>
